<compile_context>
chip_gen: v7x
topology: tpu7x:2x2x1
jax: 0.10.2.dev20260603
libtpu: 0.0.44.dev20260713+nightly
codegen_flags: <defaults>
</compile_context>

<pallas_src>
import functools

import jax
import jax.numpy as jnp
from jax import lax
from jax.experimental import pallas as pl
from jax.experimental.pallas import tpu as pltpu
from jax.experimental.pallas import tpu_sc as plsc

E = 8
H = 128
N = 131072
NW = 32
C = N // NW
B = 1024
G = 176
NPAD = G * B
ROWS = C // 128
LGRP = ROWS + E
LW = 128 * LGRP

_mesh = plsc.VectorSubcoreMesh(core_axis_name="c", subcore_axis_name="s")
_params = pltpu.CompilerParams(needs_layout_passes=False)


def _wid():
    return lax.axis_index("s") * 2 + lax.axis_index("c")


def _expert_id(px, py, pz):
    c0 = ((px + 1.0) >= 1.0).astype(jnp.int32)
    c1 = ((py + 1.0) >= 1.0).astype(jnp.int32)
    c2 = ((pz + 1.0) >= 1.0).astype(jnp.int32)
    return c2 + 2 * c1 + 4 * c0


@functools.partial(
    pl.kernel,
    out_type=(
        jax.ShapeDtypeStruct((NW, E * 16), jnp.int32),
        jax.ShapeDtypeStruct((NW, 16), jnp.int32),
        jax.ShapeDtypeStruct((NW, C), jnp.int32),
    ),
    mesh=_mesh,
    compiler_params=_params,
    scratch_types=(
        pltpu.VMEM((3 * C,), jnp.float32),
        pltpu.VMEM((C,), jnp.int32),
        pltpu.VMEM((E * 16,), jnp.int32),
        pltpu.VMEM((16,), jnp.int32),
    ),
)
def _sc_route(xflat_hbm, counts_hbm, cnts_hbm, ev_hbm, xv, evv, cntv, csv):
    w = _wid()
    pltpu.sync_copy(xflat_hbm.at[pl.ds(w * 3 * C, 3 * C)], xv)
    l16 = jnp.arange(16, dtype=jnp.int32)
    zero = jnp.zeros((16,), jnp.int32)

    def chunk(i, accs):
        idx3 = (i * 16 + l16) * 3
        px = plsc.load_gather(xv, [idx3])
        py = plsc.load_gather(xv, [idx3 + 1])
        pz = plsc.load_gather(xv, [idx3 + 2])
        ev = _expert_id(px, py, pz)
        evv[pl.ds(i * 16, 16)] = ev
        return tuple(accs[e] + (ev == e).astype(jnp.int32) for e in range(E))

    accs = lax.fori_loop(0, C // 16, chunk, (zero,) * E)
    cs = zero
    for e in range(E):
        cntv[pl.ds(e * 16, 16)] = accs[e]
        cs = cs + jnp.where(l16 == e, jnp.sum(accs[e]), 0)
    csv[...] = cs
    pltpu.sync_copy(evv, ev_hbm.at[w])
    pltpu.sync_copy(cntv, counts_hbm.at[w])
    pltpu.sync_copy(csv, cnts_hbm.at[w])


@functools.partial(
    pl.kernel,
    out_type=(
        jax.ShapeDtypeStruct((4, NPAD), jnp.float32),
        jax.ShapeDtypeStruct((N // 128, 128), jnp.int32),
        jax.ShapeDtypeStruct((G,), jnp.int32),
    ),
    mesh=_mesh,
    compiler_params=_params,
    scratch_types=(
        pltpu.VMEM((3 * C,), jnp.float32),
        pltpu.VMEM((C,), jnp.int32),
        pltpu.VMEM((NW, E * 16), jnp.int32),
        pltpu.VMEM((NW, 16), jnp.int32),
        pltpu.VMEM((E, 16), jnp.int32),
        pltpu.VMEM((16,), jnp.int32),
        pltpu.VMEM((16,), jnp.int32),
        pltpu.VMEM((G,), jnp.int32),
        pltpu.VMEM((ROWS, 128), jnp.int32),
        pltpu.VMEM((4, LW), jnp.float32),
        pltpu.SemaphoreType.DMA,
    ),
)
def _sc_scatter(xflat_hbm, ev_hbm, counts_hbm, cnts_hbm, xs_hbm, d_hbm, b2e_hbm,
                xv, evv, cmv, csv, base2, loffv, goffv, b2ev, dref, xloc, sem):
    w = _wid()
    pltpu.sync_copy(xflat_hbm.at[pl.ds(w * 3 * C, 3 * C)], xv)
    pltpu.sync_copy(ev_hbm.at[w], evv)
    pltpu.sync_copy(counts_hbm, cmv)
    pltpu.sync_copy(cnts_hbm, csv)
    l16 = jnp.arange(16, dtype=jnp.int32)
    zero = jnp.zeros((16,), jnp.int32)
    ones = jnp.ones((16,), jnp.int32)
    onesf = jnp.ones((16,), jnp.float32)
    planes = [jnp.full((16,), c, jnp.int32) for c in range(4)]

    def waccum(wp, st):
        ecv, gprev = st
        row = csv[wp]
        r128 = ((row + 127) // 128) * 128
        return ecv + r128, gprev + jnp.where(wp < w, r128, 0)

    ecv, gprev = lax.fori_loop(0, NW, waccum, (zero, zero))
    ec_s = [jnp.sum(jnp.where(l16 == e, ecv, 0)) for e in range(E)]
    s_s = []
    run = jnp.int32(0)
    for e in range(E):
        s_s.append(run)
        run = run + ((ec_s[e] + (B - 1)) // B) * B
    sv = zero
    for e in range(E):
        sv = sv + jnp.where(l16 == e, s_s[e], 0)
    goffv[...] = sv + gprev
    own = csv[w]
    ownr = ((own + 127) // 128) * 128
    lpre = plsc.cumsum(ownr) - ownr
    loffv[...] = lpre
    for e in range(E):
        lane_cnt = cmv[w, pl.ds(e * 16, 16)]
        base2[e, :] = plsc.cumsum(lane_cnt) - lane_cnt

    @pl.when(w == 0)
    def _():
        end_s = []
        for e in range(E):
            end_s.append(s_s[e] + ((ec_s[e] + (B - 1)) // B) * B)
        for i in range(G // 16):
            gv = (i * 16 + l16) * B
            cntv = jnp.zeros((16,), jnp.int32)
            for e in range(E):
                cntv = cntv + (gv >= end_s[e]).astype(jnp.int32)
            b2ev[pl.ds(i * 16, 16)] = jnp.minimum(cntv, E - 1)
        pltpu.sync_copy(b2ev, b2e_hbm)

    def row_fn(r, _):
        for j in range(8):
            off = r * 128 + j * 16
            ev = evv[pl.ds(off, 16)]
            rank = plsc.load_gather(base2, [ev, l16])
            plsc.addupdate_scatter(base2, [ev, l16], ones)
            dloc = plsc.load_gather(loffv, [ev]) + rank
            dglob = plsc.load_gather(goffv, [ev]) + rank
            dref[r, pl.ds(j * 16, 16)] = dglob
            for c in range(3):
                v = plsc.load_gather(xv, [(off + l16) * 3 + c])
                plsc.store_scatter(xloc, [planes[c], dloc], v)
            plsc.store_scatter(xloc, [planes[3], dloc], onesf)
        return 0

    lax.fori_loop(0, ROWS, row_fn, 0)
    pltpu.sync_copy(dref, d_hbm.at[pl.ds(w * ROWS, ROWS), :])

    loc_s = [jnp.sum(jnp.where(l16 == e, lpre, 0)) for e in range(E)]
    go_s = [jnp.sum(jnp.where(l16 == e, sv + gprev, 0)) for e in range(E)]
    km_s = [jnp.sum(jnp.where(l16 == e, (own + 127) // 128, 0)) for e in range(E)]

    def fire(k, _):
        for e in range(E):
            @pl.when(k < km_s[e])
            def _():
                for c in range(4):
                    pltpu.async_copy(
                        xloc.at[c, pl.ds(pl.multiple_of(loc_s[e] + k * 128, 128), 128)],
                        xs_hbm.at[c, pl.ds(pl.multiple_of(go_s[e] + k * 128, 128), 128)],
                        sem,
                    )
        return 0

    def drain(k, _):
        for e in range(E):
            @pl.when(k < km_s[e])
            def _():
                for c in range(4):
                    pltpu.make_async_copy(
                        xloc.at[c, pl.ds(pl.multiple_of(loc_s[e] + k * 128, 128), 128)],
                        xs_hbm.at[c, pl.ds(pl.multiple_of(go_s[e] + k * 128, 128), 128)],
                        sem,
                    ).wait()
        return 0

    lax.fori_loop(0, ROWS, fire, 0)
    lax.fori_loop(0, ROWS, drain, 0)


@functools.partial(
    pl.kernel,
    out_type=jax.ShapeDtypeStruct((N // 128, 128), jnp.float32),
    mesh=_mesh,
    compiler_params=_params,
    scratch_types=(
        pltpu.VMEM((ROWS, 128), jnp.int32),
        pltpu.VMEM((ROWS, 128), jnp.float32),
        pltpu.SemaphoreType.DMA,
    ),
)
def _sc_gather_back(d_hbm, ys_hbm, y_hbm, dv, yv, sem):
    w = _wid()
    pltpu.sync_copy(d_hbm.at[pl.ds(w * ROWS, ROWS), :], dv)

    def fire(r, _):
        pltpu.async_copy(ys_hbm.at[dv.at[r]], yv.at[r], sem)
        return 0

    def drain(r, _):
        pltpu.make_async_copy(ys_hbm.at[dv.at[r]], yv.at[r], sem).wait()
        return 0

    lax.fori_loop(0, ROWS, fire, 0)
    lax.fori_loop(0, ROWS, drain, 0)
    pltpu.sync_copy(yv, y_hbm.at[pl.ds(w * ROWS, ROWS), :])


def _mlp_block(b2e_ref, x_ref, W1_ref, W2_ref, b2_ref, W3_ref, b3_ref, o_ref):
    xp = x_ref[...]
    h1 = jax.nn.relu(
        jnp.dot(W1_ref[0], xp, preferred_element_type=jnp.float32)
    )
    h2 = jax.nn.relu(
        jnp.dot(W2_ref[0], h1, preferred_element_type=jnp.float32) + b2_ref[0]
    )
    yt = jnp.dot(W3_ref[0], h2, preferred_element_type=jnp.float32) + b3_ref[0]
    o_ref[...] = yt


def kernel(x, W1, b1, W2, b2, W3, b3):
    xflat = x.reshape(-1)
    counts, cnts, ev = _sc_route(xflat)
    xs, d, b2e = _sc_scatter(xflat, ev, counts, cnts)
    W1p = jnp.concatenate([W1, b1[:, None, :]], axis=1)
    W1T = W1p.transpose(0, 2, 1)
    W2T = W2.transpose(0, 2, 1)
    b2c = b2[:, :, None]
    W3T = W3.transpose(0, 2, 1)
    b3r = b3.reshape(E, 1, 1)

    grid_spec = pltpu.PrefetchScalarGridSpec(
        num_scalar_prefetch=1,
        grid=(G,),
        in_specs=[
            pl.BlockSpec((4, B), lambda g, b2e_ref: (0, g)),
            pl.BlockSpec((1, H, 4), lambda g, b2e_ref: (b2e_ref[g], 0, 0)),
            pl.BlockSpec((1, H, H), lambda g, b2e_ref: (b2e_ref[g], 0, 0)),
            pl.BlockSpec((1, H, 1), lambda g, b2e_ref: (b2e_ref[g], 0, 0)),
            pl.BlockSpec((1, 1, H), lambda g, b2e_ref: (b2e_ref[g], 0, 0)),
            pl.BlockSpec((1, 1, 1), lambda g, b2e_ref: (b2e_ref[g], 0, 0)),
        ],
        out_specs=pl.BlockSpec((1, B), lambda g, b2e_ref: (0, g)),
    )
    ys = pl.pallas_call(
        _mlp_block,
        grid_spec=grid_spec,
        out_shape=jax.ShapeDtypeStruct((1, NPAD), jnp.float32),
    )(b2e, xs, W1T, W2T, b2c, W3T, b3r)

    y = _sc_gather_back(d, ys.reshape(-1))
    return y.reshape(N, 1)

# --- scband reference (transcript-rebuilt; emitter-appended) ---
"""Pipeline reference for scband-ensemble-srn-19782619365570 (READ-ONLY COPY).

The authoritative reference and input builder live on the scoring server;
editing this copy changes nothing except your own understanding.
"""

import jax, jax.numpy as jnp
import numpy as np

E = 8
H = 128
N = 131072
GRID = (2, 2, 2)


def setup_inputs(seed: int = 0) -> dict:
    key = jax.random.key(seed)
    ks = jax.random.split(key, 7)
    x = jax.random.uniform(ks[0], (N, 3), minval=-1.0, maxval=1.0, dtype=jnp.float32)
    W1 = jax.random.normal(ks[1], (E, 3, H), dtype=jnp.float32) * (1.0 / np.sqrt(3.0))
    b1 = jax.random.normal(ks[2], (E, H), dtype=jnp.float32) * 0.01
    W2 = jax.random.normal(ks[3], (E, H, H), dtype=jnp.float32) * (1.0 / np.sqrt(H))
    b2 = jax.random.normal(ks[4], (E, H), dtype=jnp.float32) * 0.01
    W3 = jax.random.normal(ks[5], (E, H, 1), dtype=jnp.float32) * (1.0 / np.sqrt(H))
    b3 = jax.random.normal(ks[6], (E, 1), dtype=jnp.float32) * 0.01
    return {"x": x, "W1": W1, "b1": b1, "W2": W2, "b2": b2, "W3": W3, "b3": b3}


def _route(x):
    # indices = (x + 1) / 2 * model_grid_shape, truncate to int, flip last dim
    grid_f = jnp.array(GRID, dtype=jnp.float32)
    idx = ((x + 1.0) / 2.0 * grid_f).astype(jnp.int32)
    idx = jnp.clip(idx, 0, jnp.array(GRID, dtype=jnp.int32) - 1)
    idx = idx[:, ::-1]
    model_id = idx[:, 0] + idx[:, 1] * GRID[0] + idx[:, 2] * (GRID[0] * GRID[1])
    return model_id


def reference(x, W1, b1, W2, b2, W3, b3):
    model_id = _route(x)
    y = jnp.zeros((x.shape[0], 1), dtype=x.dtype)
    for i in range(E):
        h = jax.nn.relu(x @ W1[i] + b1[i])
        h = jax.nn.relu(h @ W2[i] + b2[i])
        out_i = h @ W3[i] + b3[i]
        y = jnp.where((model_id == i)[:, None], out_i, y)
    return y

if __name__ == "__main__":
    import jax
    _d = setup_inputs()
    print(jax.jit(kernel)(*tuple(_d.values())))

</pallas_src>

<mosaic_0001>
#map = affine_map<(d0, d1) -> (0)>
#map1 = affine_map<(d0, d1) -> (0, 0)>
module attributes {stable_mosaic.version = 14 : i64} {
  func.func @_sc_scatter(%arg0: i32, %arg1: i32, %arg2: memref<393216xf32, #tpu.memory_space<hbm>>, %arg3: memref<32x4096xi32, #tpu.memory_space<hbm>>, %arg4: memref<32x128xi32, #tpu.memory_space<hbm>>, %arg5: memref<32x16xi32, #tpu.memory_space<hbm>>, %arg6: memref<4x180224xf32, #tpu.memory_space<hbm>>, %arg7: memref<1024x128xi32, #tpu.memory_space<hbm>>, %arg8: memref<176xi32, #tpu.memory_space<hbm>>, %arg9: memref<12288xf32, #tpu.memory_space<vmem>>, %arg10: memref<4096xi32, #tpu.memory_space<vmem>>, %arg11: memref<32x128xi32, #tpu.memory_space<vmem>>, %arg12: memref<32x16xi32, #tpu.memory_space<vmem>>, %arg13: memref<8x16xi32, #tpu.memory_space<vmem>>, %arg14: memref<16xi32, #tpu.memory_space<vmem>>, %arg15: memref<16xi32, #tpu.memory_space<vmem>>, %arg16: memref<176xi32, #tpu.memory_space<vmem>>, %arg17: memref<32x128xi32, #tpu.memory_space<vmem>>, %arg18: memref<4x5120xf32, #tpu.memory_space<vmem>>, %arg19: memref<!tpu.dma_semaphore, #tpu.memory_space<semaphore_mem>>) attributes {dimension_semantics = [#tpu.dimension_semantics<core_parallel>, #tpu.dimension_semantics<subcore_parallel>], iteration_bounds = array<i64: 2, 16>, scalar_prefetch = 0 : i64, scratch_operands = 11 : i64, tpu.core_type = #tpu.core_type<sc_vector_subcore>, window_params = [{transform_indices = #map}, {transform_indices = #map1}, {transform_indices = #map1}, {transform_indices = #map1}, {transform_indices = #map1}, {transform_indices = #map1}, {transform_indices = #map}]} {
    %mul3A = arith.constant 2 : i32
    %mul3A_0 = arith.muli %arg1, %mul3A : i32
    %add3A = arith.addi %mul3A_0, %arg0 : i32
    %mul3A_1 = arith.constant 3 : i32
    %mul3A_2 = arith.muli %add3A, %mul3A_1 : i32
    %mul3A_3 = arith.constant 4096 : i32
    %mul3A_4 = arith.muli %mul3A_2, %mul3A_3 : i32
    "tpu.region"() ({
      %run_scoped3A = tpu.sem_alloc : memref<!tpu.dma_semaphore, #tpu.memory_space<semaphore_mem>>
      %dma_start3A = tpu.memref_slice %arg2[%mul3A_4] : memref<393216xf32, #tpu.memory_space<hbm>> -> memref<12288xf32, #tpu.memory_space<hbm>>
      %dma_start3A_1072 = tpu.memref_slice %arg2[%mul3A_4] : memref<393216xf32, #tpu.memory_space<hbm>> -> memref<12288xf32, #tpu.memory_space<hbm>>
      tpu.enqueue_dma source(%dma_start3A_1072 : memref<12288xf32, #tpu.memory_space<hbm>>) target(%arg9 : memref<12288xf32, #tpu.memory_space<vmem>>) target_semaphore(%run_scoped3A : memref<!tpu.dma_semaphore, #tpu.memory_space<semaphore_mem>>)
      %dma_wait3A = tpu.memref_slice %arg2[%mul3A_4] : memref<393216xf32, #tpu.memory_space<hbm>> -> memref<12288xf32, #tpu.memory_space<hbm>>
      %dma_wait3A_1073 = tpu.memref_slice %arg2[%mul3A_4] : memref<393216xf32, #tpu.memory_space<hbm>> -> memref<12288xf32, #tpu.memory_space<hbm>>
      tpu.wait_dma2 semaphore(%run_scoped3A : memref<!tpu.dma_semaphore, #tpu.memory_space<semaphore_mem>>) src(%dma_wait3A_1073 : memref<12288xf32, #tpu.memory_space<hbm>>) dst(%arg9 : memref<12288xf32, #tpu.memory_space<vmem>>)
      tpu.yield
    }) : () -> ()
    "tpu.region"() ({
      %run_scoped3A = tpu.sem_alloc : memref<!tpu.dma_semaphore, #tpu.memory_space<semaphore_mem>>
      %dma_start3A = arith.constant 0 : i32
      %dma_start3A_1072 = tpu.memref_slice %arg3[%add3A, %dma_start3A] : memref<32x4096xi32, #tpu.memory_space<hbm>> -> memref<1x4096xi32, #tpu.memory_space<hbm>>
      %dma_start3A_1073 = tpu.memref_squeeze %dma_start3A_1072 : memref<1x4096xi32, #tpu.memory_space<hbm>> -> memref<4096xi32, #tpu.memory_space<hbm>>
      %dma_start3A_1074 = arith.constant 0 : i32
      %dma_start3A_1075 = tpu.memref_slice %arg3[%add3A, %dma_start3A_1074] : memref<32x4096xi32, #tpu.memory_space<hbm>> -> memref<1x4096xi32, #tpu.memory_space<hbm>>
      %dma_start3A_1076 = tpu.memref_squeeze %dma_start3A_1075 : memref<1x4096xi32, #tpu.memory_space<hbm>> -> memref<4096xi32, #tpu.memory_space<hbm>>
      tpu.enqueue_dma source(%dma_start3A_1076 : memref<4096xi32, #tpu.memory_space<hbm>>) target(%arg10 : memref<4096xi32, #tpu.memory_space<vmem>>) target_semaphore(%run_scoped3A : memref<!tpu.dma_semaphore, #tpu.memory_space<semaphore_mem>>)
      %dma_wait3A = arith.constant 0 : i32
      %dma_wait3A_1077 = tpu.memref_slice %arg3[%add3A, %dma_wait3A] : memref<32x4096xi32, #tpu.memory_space<hbm>> -> memref<1x4096xi32, #tpu.memory_space<hbm>>
      %dma_wait3A_1078 = tpu.memref_squeeze %dma_wait3A_1077 : memref<1x4096xi32, #tpu.memory_space<hbm>> -> memref<4096xi32, #tpu.memory_space<hbm>>
      %dma_wait3A_1079 = arith.constant 0 : i32
      %dma_wait3A_1080 = tpu.memref_slice %arg3[%add3A, %dma_wait3A_1079] : memref<32x4096xi32, #tpu.memory_space<hbm>> -> memref<1x4096xi32, #tpu.memory_space<hbm>>
      %dma_wait3A_1081 = tpu.memref_squeeze %dma_wait3A_1080 : memref<1x4096xi32, #tpu.memory_space<hbm>> -> memref<4096xi32, #tpu.memory_space<hbm>>
      tpu.wait_dma2 semaphore(%run_scoped3A : memref<!tpu.dma_semaphore, #tpu.memory_space<semaphore_mem>>) src(%dma_wait3A_1081 : memref<4096xi32, #tpu.memory_space<hbm>>) dst(%arg10 : memref<4096xi32, #tpu.memory_space<vmem>>)
      tpu.yield
    }) : () -> ()
    "tpu.region"() ({
      %run_scoped3A = tpu.sem_alloc : memref<!tpu.dma_semaphore, #tpu.memory_space<semaphore_mem>>
      tpu.enqueue_dma source(%arg4 : memref<32x128xi32, #tpu.memory_space<hbm>>) target(%arg11 : memref<32x128xi32, #tpu.memory_space<vmem>>) target_semaphore(%run_scoped3A : memref<!tpu.dma_semaphore, #tpu.memory_space<semaphore_mem>>)
      tpu.wait_dma2 semaphore(%run_scoped3A : memref<!tpu.dma_semaphore, #tpu.memory_space<semaphore_mem>>) src(%arg4 : memref<32x128xi32, #tpu.memory_space<hbm>>) dst(%arg11 : memref<32x128xi32, #tpu.memory_space<vmem>>)
      tpu.yield
    }) : () -> ()
    "tpu.region"() ({
      %run_scoped3A = tpu.sem_alloc : memref<!tpu.dma_semaphore, #tpu.memory_space<semaphore_mem>>
      tpu.enqueue_dma source(%arg5 : memref<32x16xi32, #tpu.memory_space<hbm>>) target(%arg12 : memref<32x16xi32, #tpu.memory_space<vmem>>) target_semaphore(%run_scoped3A : memref<!tpu.dma_semaphore, #tpu.memory_space<semaphore_mem>>)
      tpu.wait_dma2 semaphore(%run_scoped3A : memref<!tpu.dma_semaphore, #tpu.memory_space<semaphore_mem>>) src(%arg5 : memref<32x16xi32, #tpu.memory_space<hbm>>) dst(%arg12 : memref<32x16xi32, #tpu.memory_space<vmem>>)
      tpu.yield
    }) : () -> ()
    %iota3A = tpu.iota {dimensions = array<i32: 0>} : vector<16xi32>
    %broadcast_in_dim3A = arith.constant 0 : i32
    %broadcast_in_dim3A_5 = vector.broadcast %broadcast_in_dim3A : i32 to vector<16xi32>
    %broadcast_in_dim3A_6 = arith.constant 1 : i32
    %broadcast_in_dim3A_7 = vector.broadcast %broadcast_in_dim3A_6 : i32 to vector<16xi32>
    %broadcast_in_dim3A_8 = arith.constant 1.000000e+00 : f32
    %broadcast_in_dim3A_9 = vector.broadcast %broadcast_in_dim3A_8 : f32 to vector<16xf32>
    %broadcast_in_dim3A_10 = arith.constant 0 : i32
    %broadcast_in_dim3A_11 = vector.broadcast %broadcast_in_dim3A_10 : i32 to vector<16xi32>
    %broadcast_in_dim3A_12 = arith.constant 1 : i32
    %broadcast_in_dim3A_13 = vector.broadcast %broadcast_in_dim3A_12 : i32 to vector<16xi32>
    %broadcast_in_dim3A_14 = arith.constant 2 : i32
    %broadcast_in_dim3A_15 = vector.broadcast %broadcast_in_dim3A_14 : i32 to vector<16xi32>
    %broadcast_in_dim3A_16 = arith.constant 3 : i32
    %broadcast_in_dim3A_17 = vector.broadcast %broadcast_in_dim3A_16 : i32 to vector<16xi32>
    %scan3A = arith.constant 0 : i32
    %scan3A_18 = arith.constant 32 : i32
    %scan3A_19 = arith.addi %scan3A, %scan3A_18 : i32
    %scan3A_20 = arith.constant 1 : i32
    %scan3A_21:2 = scf.for %scan3A_1072 = %scan3A to %scan3A_19 step %scan3A_20 iter_args(%scan3A_1073 = %broadcast_in_dim3A_5, %scan3A_1074 = %broadcast_in_dim3A_5) -> (vector<16xi32>, vector<16xi32>)  : i32 {
      %get3A_1075 = arith.index_cast %scan3A_1072 : i32 to index
      %get3A_1076 = arith.constant 0 : index
      %get3A_1077 = tpu.vector_load %arg12[%get3A_1075, %get3A_1076] {strides = array<i32>} : memref<32x16xi32, #tpu.memory_space<vmem>>, vector<16xi32>,
      %add3A_1078 = arith.constant 127 : i32
      %add3A_1079 = vector.broadcast %add3A_1078 : i32 to vector<16xi32>
      %add3A_1080 = arith.addi %get3A_1077, %add3A_1079 : vector<16xi32>
      %jit3A_1081 = arith.constant 128 : i32
      %div3A_1082 = vector.broadcast %jit3A_1081 : i32 to vector<16xi32>
      %div3A_1083 = arith.divsi %add3A_1080, %div3A_1082 : vector<16xi32>
      %sign3A_1084 = arith.constant 0 : i32
      %sign3A_1085 = vector.broadcast %sign3A_1084 : i32 to vector<16xi32>
      %sign3A_1086 = arith.cmpi sgt, %add3A_1080, %sign3A_1085 : vector<16xi32>
      %sign3A_1087 = arith.extui %sign3A_1086 : vector<16xi1> to vector<16xi32>
      %sign3A_1088 = arith.constant 0 : i32
      %sign3A_1089 = vector.broadcast %sign3A_1088 : i32 to vector<16xi32>
      %sign3A_1090 = arith.cmpi slt, %add3A_1080, %sign3A_1089 : vector<16xi32>
      %sign3A_1091 = arith.extui %sign3A_1090 : vector<16xi1> to vector<16xi32>
      %sign3A_1092 = arith.subi %sign3A_1087, %sign3A_1091 : vector<16xi32>
      %sign3A_1093 = arith.constant 0 : i32
      %sign3A_1094 = arith.cmpi sgt, %jit3A_1081, %sign3A_1093 : i32
      %sign3A_1095 = arith.extui %sign3A_1094 : i1 to i32
      %sign3A_1096 = arith.constant 0 : i32
      %sign3A_1097 = arith.cmpi slt, %jit3A_1081, %sign3A_1096 : i32
      %sign3A_1098 = arith.extui %sign3A_1097 : i1 to i32
      %sign3A_1099 = arith.subi %sign3A_1095, %sign3A_1098 : i32
      %ne3A_1100 = vector.broadcast %sign3A_1099 : i32 to vector<16xi32>
      %ne3A_1101 = arith.cmpi ne, %sign3A_1092, %ne3A_1100 : vector<16xi32>
      %rem3A_1102 = vector.broadcast %jit3A_1081 : i32 to vector<16xi32>
      %rem3A_1103 = arith.remsi %add3A_1080, %rem3A_1102 : vector<16xi32>
      %ne3A_1104 = arith.constant 0 : i32
      %ne3A_1105 = vector.broadcast %ne3A_1104 : i32 to vector<16xi32>
      %ne3A_1106 = arith.cmpi ne, %rem3A_1103, %ne3A_1105 : vector<16xi32>
      %and3A_1107 = arith.andi %ne3A_1101, %ne3A_1106 : vector<16xi1>
      %sub3A_1108 = arith.constant 1 : i32
      %sub3A_1109 = vector.broadcast %sub3A_1108 : i32 to vector<16xi32>
      %sub3A_1110 = arith.subi %div3A_1083, %sub3A_1109 : vector<16xi32>
      %select_n3A_1111 = arith.select %and3A_1107, %sub3A_1110, %div3A_1083 : vector<16xi1>, vector<16xi32>
      %mul3A_1112 = arith.constant 128 : i32
      %mul3A_1113 = vector.broadcast %mul3A_1112 : i32 to vector<16xi32>
      %mul3A_1114 = arith.muli %select_n3A_1111, %mul3A_1113 : vector<16xi32>
      %add3A_1115 = arith.addi %scan3A_1073, %mul3A_1114 : vector<16xi32>
      %lt3A = arith.cmpi slt, %scan3A_1072, %add3A : i32
      %jit3A_1116 = arith.constant 0 : i32
      %broadcast_in_dim3A_1117 = vector.broadcast %jit3A_1116 : i32 to vector<16xi32>
      %select_n3A_1118 = arith.select %lt3A, %mul3A_1114, %broadcast_in_dim3A_1117 : vector<16xi32>
      %add3A_1119 = arith.addi %scan3A_1074, %select_n3A_1118 : vector<16xi32>
      scf.yield %add3A_1115, %add3A_1119 : vector<16xi32>, vector<16xi32>
    }
    %scan3A_22 = arith.constant 32 : i32
    %eq3A = arith.constant 0 : i32
    %eq3A_23 = vector.broadcast %eq3A : i32 to vector<16xi32>
    %eq3A_24 = arith.cmpi eq, %iota3A, %eq3A_23 : vector<16xi32>
    %jit3A = arith.constant 0 : i32
    %broadcast_in_dim3A_25 = vector.broadcast %jit3A : i32 to vector<16xi32>
    %select_n3A = arith.select %eq3A_24, %scan3A_21#0, %broadcast_in_dim3A_25 : vector<16xi1>, vector<16xi32>
    %reduce_sum3A = arith.constant true
    %reduce_sum3A_26 = vector.broadcast %reduce_sum3A : i1 to vector<16xi1>
    %reduce_sum3A_27 = tpu.scan <sum>, %select_n3A masked %reduce_sum3A_26 : vector<16xi32>, vector<16xi1> -> vector<16xi32>
    %reduce_sum3A_28 = vector.extract %reduce_sum3A_27[15] : i32 from vector<16xi32>
    %eq3A_29 = arith.constant 1 : i32
    %eq3A_30 = vector.broadcast %eq3A_29 : i32 to vector<16xi32>
    %eq3A_31 = arith.cmpi eq, %iota3A, %eq3A_30 : vector<16xi32>
    %jit3A_32 = arith.constant 0 : i32
    %broadcast_in_dim3A_33 = vector.broadcast %jit3A_32 : i32 to vector<16xi32>
    %select_n3A_34 = arith.select %eq3A_31, %scan3A_21#0, %broadcast_in_dim3A_33 : vector<16xi1>, vector<16xi32>
    %reduce_sum3A_35 = arith.constant true
    %reduce_sum3A_36 = vector.broadcast %reduce_sum3A_35 : i1 to vector<16xi1>
    %reduce_sum3A_37 = tpu.scan <sum>, %select_n3A_34 masked %reduce_sum3A_36 : vector<16xi32>, vector<16xi1> -> vector<16xi32>
    %reduce_sum3A_38 = vector.extract %reduce_sum3A_37[15] : i32 from vector<16xi32>
    %eq3A_39 = arith.constant 2 : i32
    %eq3A_40 = vector.broadcast %eq3A_39 : i32 to vector<16xi32>
    %eq3A_41 = arith.cmpi eq, %iota3A, %eq3A_40 : vector<16xi32>
    %jit3A_42 = arith.constant 0 : i32
    %broadcast_in_dim3A_43 = vector.broadcast %jit3A_42 : i32 to vector<16xi32>
    %select_n3A_44 = arith.select %eq3A_41, %scan3A_21#0, %broadcast_in_dim3A_43 : vector<16xi1>, vector<16xi32>
    %reduce_sum3A_45 = arith.constant true
    %reduce_sum3A_46 = vector.broadcast %reduce_sum3A_45 : i1 to vector<16xi1>
    %reduce_sum3A_47 = tpu.scan <sum>, %select_n3A_44 masked %reduce_sum3A_46 : vector<16xi32>, vector<16xi1> -> vector<16xi32>
    %reduce_sum3A_48 = vector.extract %reduce_sum3A_47[15] : i32 from vector<16xi32>
    %eq3A_49 = arith.constant 3 : i32
    %eq3A_50 = vector.broadcast %eq3A_49 : i32 to vector<16xi32>
    %eq3A_51 = arith.cmpi eq, %iota3A, %eq3A_50 : vector<16xi32>
    %jit3A_52 = arith.constant 0 : i32
    %broadcast_in_dim3A_53 = vector.broadcast %jit3A_52 : i32 to vector<16xi32>
    %select_n3A_54 = arith.select %eq3A_51, %scan3A_21#0, %broadcast_in_dim3A_53 : vector<16xi1>, vector<16xi32>
    %reduce_sum3A_55 = arith.constant true
    %reduce_sum3A_56 = vector.broadcast %reduce_sum3A_55 : i1 to vector<16xi1>
    %reduce_sum3A_57 = tpu.scan <sum>, %select_n3A_54 masked %reduce_sum3A_56 : vector<16xi32>, vector<16xi1> -> vector<16xi32>
    %reduce_sum3A_58 = vector.extract %reduce_sum3A_57[15] : i32 from vector<16xi32>
    %eq3A_59 = arith.constant 4 : i32
    %eq3A_60 = vector.broadcast %eq3A_59 : i32 to vector<16xi32>
    %eq3A_61 = arith.cmpi eq, %iota3A, %eq3A_60 : vector<16xi32>
    %jit3A_62 = arith.constant 0 : i32
    %broadcast_in_dim3A_63 = vector.broadcast %jit3A_62 : i32 to vector<16xi32>
    %select_n3A_64 = arith.select %eq3A_61, %scan3A_21#0, %broadcast_in_dim3A_63 : vector<16xi1>, vector<16xi32>
    %reduce_sum3A_65 = arith.constant true
    %reduce_sum3A_66 = vector.broadcast %reduce_sum3A_65 : i1 to vector<16xi1>
    %reduce_sum3A_67 = tpu.scan <sum>, %select_n3A_64 masked %reduce_sum3A_66 : vector<16xi32>, vector<16xi1> -> vector<16xi32>
    %reduce_sum3A_68 = vector.extract %reduce_sum3A_67[15] : i32 from vector<16xi32>
    %eq3A_69 = arith.constant 5 : i32
    %eq3A_70 = vector.broadcast %eq3A_69 : i32 to vector<16xi32>
    %eq3A_71 = arith.cmpi eq, %iota3A, %eq3A_70 : vector<16xi32>
    %jit3A_72 = arith.constant 0 : i32
    %broadcast_in_dim3A_73 = vector.broadcast %jit3A_72 : i32 to vector<16xi32>
    %select_n3A_74 = arith.select %eq3A_71, %scan3A_21#0, %broadcast_in_dim3A_73 : vector<16xi1>, vector<16xi32>
    %reduce_sum3A_75 = arith.constant true
    %reduce_sum3A_76 = vector.broadcast %reduce_sum3A_75 : i1 to vector<16xi1>
    %reduce_sum3A_77 = tpu.scan <sum>, %select_n3A_74 masked %reduce_sum3A_76 : vector<16xi32>, vector<16xi1> -> vector<16xi32>
    %reduce_sum3A_78 = vector.extract %reduce_sum3A_77[15] : i32 from vector<16xi32>
    %eq3A_79 = arith.constant 6 : i32
    %eq3A_80 = vector.broadcast %eq3A_79 : i32 to vector<16xi32>
    %eq3A_81 = arith.cmpi eq, %iota3A, %eq3A_80 : vector<16xi32>
    %jit3A_82 = arith.constant 0 : i32
    %broadcast_in_dim3A_83 = vector.broadcast %jit3A_82 : i32 to vector<16xi32>
    %select_n3A_84 = arith.select %eq3A_81, %scan3A_21#0, %broadcast_in_dim3A_83 : vector<16xi1>, vector<16xi32>
    %reduce_sum3A_85 = arith.constant true
    %reduce_sum3A_86 = vector.broadcast %reduce_sum3A_85 : i1 to vector<16xi1>
    %reduce_sum3A_87 = tpu.scan <sum>, %select_n3A_84 masked %reduce_sum3A_86 : vector<16xi32>, vector<16xi1> -> vector<16xi32>
    %reduce_sum3A_88 = vector.extract %reduce_sum3A_87[15] : i32 from vector<16xi32>
    %eq3A_89 = arith.constant 7 : i32
    %eq3A_90 = vector.broadcast %eq3A_89 : i32 to vector<16xi32>
    %eq3A_91 = arith.cmpi eq, %iota3A, %eq3A_90 : vector<16xi32>
    %jit3A_92 = arith.constant 0 : i32
    %broadcast_in_dim3A_93 = vector.broadcast %jit3A_92 : i32 to vector<16xi32>
    %select_n3A_94 = arith.select %eq3A_91, %scan3A_21#0, %broadcast_in_dim3A_93 : vector<16xi1>, vector<16xi32>
    %reduce_sum3A_95 = arith.constant true
    %reduce_sum3A_96 = vector.broadcast %reduce_sum3A_95 : i1 to vector<16xi1>
    %reduce_sum3A_97 = tpu.scan <sum>, %select_n3A_94 masked %reduce_sum3A_96 : vector<16xi32>, vector<16xi1> -> vector<16xi32>
    %reduce_sum3A_98 = vector.extract %reduce_sum3A_97[15] : i32 from vector<16xi32>
    %add3A_99 = arith.constant 1023 : i32
    %add3A_100 = arith.addi %reduce_sum3A_28, %add3A_99 : i32
    %jit3A_101 = arith.constant 1024 : i32
    %div3A = arith.divsi %add3A_100, %jit3A_101 : i32
    %sign3A = arith.constant 0 : i32
    %sign3A_102 = arith.cmpi sgt, %add3A_100, %sign3A : i32
    %sign3A_103 = arith.extui %sign3A_102 : i1 to i32
    %sign3A_104 = arith.constant 0 : i32
    %sign3A_105 = arith.cmpi slt, %add3A_100, %sign3A_104 : i32
    %sign3A_106 = arith.extui %sign3A_105 : i1 to i32
    %sign3A_107 = arith.subi %sign3A_103, %sign3A_106 : i32
    %sign3A_108 = arith.constant 0 : i32
    %sign3A_109 = arith.cmpi sgt, %jit3A_101, %sign3A_108 : i32
    %sign3A_110 = arith.extui %sign3A_109 : i1 to i32
    %sign3A_111 = arith.constant 0 : i32
    %sign3A_112 = arith.cmpi slt, %jit3A_101, %sign3A_111 : i32
    %sign3A_113 = arith.extui %sign3A_112 : i1 to i32
    %sign3A_114 = arith.subi %sign3A_110, %sign3A_113 : i32
    %ne3A = arith.cmpi ne, %sign3A_107, %sign3A_114 : i32
    %rem3A = arith.remsi %add3A_100, %jit3A_101 : i32
    %ne3A_115 = arith.constant 0 : i32
    %ne3A_116 = arith.cmpi ne, %rem3A, %ne3A_115 : i32
    %and3A = arith.andi %ne3A, %ne3A_116 : i1
    %sub3A = arith.constant 1 : i32
    %sub3A_117 = arith.subi %div3A, %sub3A : i32
    %select_n3A_118 = arith.select %and3A, %sub3A_117, %div3A : i32
    %mul3A_119 = arith.constant 1024 : i32
    %mul3A_120 = arith.muli %select_n3A_118, %mul3A_119 : i32
    %add3A_121 = arith.constant 0 : i32
    %add3A_122 = arith.addi %add3A_121, %mul3A_120 : i32
    %add3A_123 = arith.constant 1023 : i32
    %add3A_124 = arith.addi %reduce_sum3A_38, %add3A_123 : i32
    %jit3A_125 = arith.constant 1024 : i32
    %div3A_126 = arith.divsi %add3A_124, %jit3A_125 : i32
    %sign3A_127 = arith.constant 0 : i32
    %sign3A_128 = arith.cmpi sgt, %add3A_124, %sign3A_127 : i32
    %sign3A_129 = arith.extui %sign3A_128 : i1 to i32
    %sign3A_130 = arith.constant 0 : i32
    %sign3A_131 = arith.cmpi slt, %add3A_124, %sign3A_130 : i32
    %sign3A_132 = arith.extui %sign3A_131 : i1 to i32
    %sign3A_133 = arith.subi %sign3A_129, %sign3A_132 : i32
    %sign3A_134 = arith.constant 0 : i32
    %sign3A_135 = arith.cmpi sgt, %jit3A_125, %sign3A_134 : i32
    %sign3A_136 = arith.extui %sign3A_135 : i1 to i32
    %sign3A_137 = arith.constant 0 : i32
    %sign3A_138 = arith.cmpi slt, %jit3A_125, %sign3A_137 : i32
    %sign3A_139 = arith.extui %sign3A_138 : i1 to i32
    %sign3A_140 = arith.subi %sign3A_136, %sign3A_139 : i32
    %ne3A_141 = arith.cmpi ne, %sign3A_133, %sign3A_140 : i32
    %rem3A_142 = arith.remsi %add3A_124, %jit3A_125 : i32
    %ne3A_143 = arith.constant 0 : i32
    %ne3A_144 = arith.cmpi ne, %rem3A_142, %ne3A_143 : i32
    %and3A_145 = arith.andi %ne3A_141, %ne3A_144 : i1
    %sub3A_146 = arith.constant 1 : i32
    %sub3A_147 = arith.subi %div3A_126, %sub3A_146 : i32
    %select_n3A_148 = arith.select %and3A_145, %sub3A_147, %div3A_126 : i32
    %mul3A_149 = arith.constant 1024 : i32
    %mul3A_150 = arith.muli %select_n3A_148, %mul3A_149 : i32
    %add3A_151 = arith.addi %add3A_122, %mul3A_150 : i32
    %add3A_152 = arith.constant 1023 : i32
    %add3A_153 = arith.addi %reduce_sum3A_48, %add3A_152 : i32
    %jit3A_154 = arith.constant 1024 : i32
    %div3A_155 = arith.divsi %add3A_153, %jit3A_154 : i32
    %sign3A_156 = arith.constant 0 : i32
    %sign3A_157 = arith.cmpi sgt, %add3A_153, %sign3A_156 : i32
    %sign3A_158 = arith.extui %sign3A_157 : i1 to i32
    %sign3A_159 = arith.constant 0 : i32
    %sign3A_160 = arith.cmpi slt, %add3A_153, %sign3A_159 : i32
    %sign3A_161 = arith.extui %sign3A_160 : i1 to i32
    %sign3A_162 = arith.subi %sign3A_158, %sign3A_161 : i32
    %sign3A_163 = arith.constant 0 : i32
    %sign3A_164 = arith.cmpi sgt, %jit3A_154, %sign3A_163 : i32
    %sign3A_165 = arith.extui %sign3A_164 : i1 to i32
    %sign3A_166 = arith.constant 0 : i32
    %sign3A_167 = arith.cmpi slt, %jit3A_154, %sign3A_166 : i32
    %sign3A_168 = arith.extui %sign3A_167 : i1 to i32
    %sign3A_169 = arith.subi %sign3A_165, %sign3A_168 : i32
    %ne3A_170 = arith.cmpi ne, %sign3A_162, %sign3A_169 : i32
    %rem3A_171 = arith.remsi %add3A_153, %jit3A_154 : i32
    %ne3A_172 = arith.constant 0 : i32
    %ne3A_173 = arith.cmpi ne, %rem3A_171, %ne3A_172 : i32
    %and3A_174 = arith.andi %ne3A_170, %ne3A_173 : i1
    %sub3A_175 = arith.constant 1 : i32
    %sub3A_176 = arith.subi %div3A_155, %sub3A_175 : i32
    %select_n3A_177 = arith.select %and3A_174, %sub3A_176, %div3A_155 : i32
    %mul3A_178 = arith.constant 1024 : i32
    %mul3A_179 = arith.muli %select_n3A_177, %mul3A_178 : i32
    %add3A_180 = arith.addi %add3A_151, %mul3A_179 : i32
    %add3A_181 = arith.constant 1023 : i32
    %add3A_182 = arith.addi %reduce_sum3A_58, %add3A_181 : i32
    %jit3A_183 = arith.constant 1024 : i32
    %div3A_184 = arith.divsi %add3A_182, %jit3A_183 : i32
    %sign3A_185 = arith.constant 0 : i32
    %sign3A_186 = arith.cmpi sgt, %add3A_182, %sign3A_185 : i32
    %sign3A_187 = arith.extui %sign3A_186 : i1 to i32
    %sign3A_188 = arith.constant 0 : i32
    %sign3A_189 = arith.cmpi slt, %add3A_182, %sign3A_188 : i32
    %sign3A_190 = arith.extui %sign3A_189 : i1 to i32
    %sign3A_191 = arith.subi %sign3A_187, %sign3A_190 : i32
    %sign3A_192 = arith.constant 0 : i32
    %sign3A_193 = arith.cmpi sgt, %jit3A_183, %sign3A_192 : i32
    %sign3A_194 = arith.extui %sign3A_193 : i1 to i32
    %sign3A_195 = arith.constant 0 : i32
    %sign3A_196 = arith.cmpi slt, %jit3A_183, %sign3A_195 : i32
    %sign3A_197 = arith.extui %sign3A_196 : i1 to i32
    %sign3A_198 = arith.subi %sign3A_194, %sign3A_197 : i32
    %ne3A_199 = arith.cmpi ne, %sign3A_191, %sign3A_198 : i32
    %rem3A_200 = arith.remsi %add3A_182, %jit3A_183 : i32
    %ne3A_201 = arith.constant 0 : i32
    %ne3A_202 = arith.cmpi ne, %rem3A_200, %ne3A_201 : i32
    %and3A_203 = arith.andi %ne3A_199, %ne3A_202 : i1
    %sub3A_204 = arith.constant 1 : i32
    %sub3A_205 = arith.subi %div3A_184, %sub3A_204 : i32
    %select_n3A_206 = arith.select %and3A_203, %sub3A_205, %div3A_184 : i32
    %mul3A_207 = arith.constant 1024 : i32
    %mul3A_208 = arith.muli %select_n3A_206, %mul3A_207 : i32
    %add3A_209 = arith.addi %add3A_180, %mul3A_208 : i32
    %add3A_210 = arith.constant 1023 : i32
    %add3A_211 = arith.addi %reduce_sum3A_68, %add3A_210 : i32
    %jit3A_212 = arith.constant 1024 : i32
    %div3A_213 = arith.divsi %add3A_211, %jit3A_212 : i32
    %sign3A_214 = arith.constant 0 : i32
    %sign3A_215 = arith.cmpi sgt, %add3A_211, %sign3A_214 : i32
    %sign3A_216 = arith.extui %sign3A_215 : i1 to i32
    %sign3A_217 = arith.constant 0 : i32
    %sign3A_218 = arith.cmpi slt, %add3A_211, %sign3A_217 : i32
    %sign3A_219 = arith.extui %sign3A_218 : i1 to i32
    %sign3A_220 = arith.subi %sign3A_216, %sign3A_219 : i32
    %sign3A_221 = arith.constant 0 : i32
    %sign3A_222 = arith.cmpi sgt, %jit3A_212, %sign3A_221 : i32
    %sign3A_223 = arith.extui %sign3A_222 : i1 to i32
    %sign3A_224 = arith.constant 0 : i32
    %sign3A_225 = arith.cmpi slt, %jit3A_212, %sign3A_224 : i32
    %sign3A_226 = arith.extui %sign3A_225 : i1 to i32
    %sign3A_227 = arith.subi %sign3A_223, %sign3A_226 : i32
    %ne3A_228 = arith.cmpi ne, %sign3A_220, %sign3A_227 : i32
    %rem3A_229 = arith.remsi %add3A_211, %jit3A_212 : i32
    %ne3A_230 = arith.constant 0 : i32
    %ne3A_231 = arith.cmpi ne, %rem3A_229, %ne3A_230 : i32
    %and3A_232 = arith.andi %ne3A_228, %ne3A_231 : i1
    %sub3A_233 = arith.constant 1 : i32
    %sub3A_234 = arith.subi %div3A_213, %sub3A_233 : i32
    %select_n3A_235 = arith.select %and3A_232, %sub3A_234, %div3A_213 : i32
    %mul3A_236 = arith.constant 1024 : i32
    %mul3A_237 = arith.muli %select_n3A_235, %mul3A_236 : i32
    %add3A_238 = arith.addi %add3A_209, %mul3A_237 : i32
    %add3A_239 = arith.constant 1023 : i32
    %add3A_240 = arith.addi %reduce_sum3A_78, %add3A_239 : i32
    %jit3A_241 = arith.constant 1024 : i32
    %div3A_242 = arith.divsi %add3A_240, %jit3A_241 : i32
    %sign3A_243 = arith.constant 0 : i32
    %sign3A_244 = arith.cmpi sgt, %add3A_240, %sign3A_243 : i32
    %sign3A_245 = arith.extui %sign3A_244 : i1 to i32
    %sign3A_246 = arith.constant 0 : i32
    %sign3A_247 = arith.cmpi slt, %add3A_240, %sign3A_246 : i32
    %sign3A_248 = arith.extui %sign3A_247 : i1 to i32
    %sign3A_249 = arith.subi %sign3A_245, %sign3A_248 : i32
    %sign3A_250 = arith.constant 0 : i32
    %sign3A_251 = arith.cmpi sgt, %jit3A_241, %sign3A_250 : i32
    %sign3A_252 = arith.extui %sign3A_251 : i1 to i32
    %sign3A_253 = arith.constant 0 : i32
    %sign3A_254 = arith.cmpi slt, %jit3A_241, %sign3A_253 : i32
    %sign3A_255 = arith.extui %sign3A_254 : i1 to i32
    %sign3A_256 = arith.subi %sign3A_252, %sign3A_255 : i32
    %ne3A_257 = arith.cmpi ne, %sign3A_249, %sign3A_256 : i32
    %rem3A_258 = arith.remsi %add3A_240, %jit3A_241 : i32
    %ne3A_259 = arith.constant 0 : i32
    %ne3A_260 = arith.cmpi ne, %rem3A_258, %ne3A_259 : i32
    %and3A_261 = arith.andi %ne3A_257, %ne3A_260 : i1
    %sub3A_262 = arith.constant 1 : i32
    %sub3A_263 = arith.subi %div3A_242, %sub3A_262 : i32
    %select_n3A_264 = arith.select %and3A_261, %sub3A_263, %div3A_242 : i32
    %mul3A_265 = arith.constant 1024 : i32
    %mul3A_266 = arith.muli %select_n3A_264, %mul3A_265 : i32
    %add3A_267 = arith.addi %add3A_238, %mul3A_266 : i32
    %add3A_268 = arith.constant 1023 : i32
    %add3A_269 = arith.addi %reduce_sum3A_88, %add3A_268 : i32
    %jit3A_270 = arith.constant 1024 : i32
    %div3A_271 = arith.divsi %add3A_269, %jit3A_270 : i32
    %sign3A_272 = arith.constant 0 : i32
    %sign3A_273 = arith.cmpi sgt, %add3A_269, %sign3A_272 : i32
    %sign3A_274 = arith.extui %sign3A_273 : i1 to i32
    %sign3A_275 = arith.constant 0 : i32
    %sign3A_276 = arith.cmpi slt, %add3A_269, %sign3A_275 : i32
    %sign3A_277 = arith.extui %sign3A_276 : i1 to i32
    %sign3A_278 = arith.subi %sign3A_274, %sign3A_277 : i32
    %sign3A_279 = arith.constant 0 : i32
    %sign3A_280 = arith.cmpi sgt, %jit3A_270, %sign3A_279 : i32
    %sign3A_281 = arith.extui %sign3A_280 : i1 to i32
    %sign3A_282 = arith.constant 0 : i32
    %sign3A_283 = arith.cmpi slt, %jit3A_270, %sign3A_282 : i32
    %sign3A_284 = arith.extui %sign3A_283 : i1 to i32
    %sign3A_285 = arith.subi %sign3A_281, %sign3A_284 : i32
    %ne3A_286 = arith.cmpi ne, %sign3A_278, %sign3A_285 : i32
    %rem3A_287 = arith.remsi %add3A_269, %jit3A_270 : i32
    %ne3A_288 = arith.constant 0 : i32
    %ne3A_289 = arith.cmpi ne, %rem3A_287, %ne3A_288 : i32
    %and3A_290 = arith.andi %ne3A_286, %ne3A_289 : i1
    %sub3A_291 = arith.constant 1 : i32
    %sub3A_292 = arith.subi %div3A_271, %sub3A_291 : i32
    %select_n3A_293 = arith.select %and3A_290, %sub3A_292, %div3A_271 : i32
    %mul3A_294 = arith.constant 1024 : i32
    %mul3A_295 = arith.muli %select_n3A_293, %mul3A_294 : i32
    %add3A_296 = arith.addi %add3A_267, %mul3A_295 : i32
    %add3A_297 = arith.constant 1023 : i32
    %add3A_298 = arith.addi %reduce_sum3A_98, %add3A_297 : i32
    %jit3A_299 = arith.constant 1024 : i32
    %div3A_300 = arith.divsi %add3A_298, %jit3A_299 : i32
    %sign3A_301 = arith.constant 0 : i32
    %sign3A_302 = arith.cmpi sgt, %add3A_298, %sign3A_301 : i32
    %sign3A_303 = arith.extui %sign3A_302 : i1 to i32
    %sign3A_304 = arith.constant 0 : i32
    %sign3A_305 = arith.cmpi slt, %add3A_298, %sign3A_304 : i32
    %sign3A_306 = arith.extui %sign3A_305 : i1 to i32
    %sign3A_307 = arith.subi %sign3A_303, %sign3A_306 : i32
    %sign3A_308 = arith.constant 0 : i32
    %sign3A_309 = arith.cmpi sgt, %jit3A_299, %sign3A_308 : i32
    %sign3A_310 = arith.extui %sign3A_309 : i1 to i32
    %sign3A_311 = arith.constant 0 : i32
    %sign3A_312 = arith.cmpi slt, %jit3A_299, %sign3A_311 : i32
    %sign3A_313 = arith.extui %sign3A_312 : i1 to i32
    %sign3A_314 = arith.subi %sign3A_310, %sign3A_313 : i32
    %ne3A_315 = arith.cmpi ne, %sign3A_307, %sign3A_314 : i32
    %rem3A_316 = arith.remsi %add3A_298, %jit3A_299 : i32
    %ne3A_317 = arith.constant 0 : i32
    %ne3A_318 = arith.cmpi ne, %rem3A_316, %ne3A_317 : i32
    %and3A_319 = arith.andi %ne3A_315, %ne3A_318 : i1
    %sub3A_320 = arith.constant 1 : i32
    %sub3A_321 = arith.subi %div3A_300, %sub3A_320 : i32
    %select_n3A_322 = arith.select %and3A_319, %sub3A_321, %div3A_300 : i32
    %mul3A_323 = arith.constant 1024 : i32
    %mul3A_324 = arith.muli %select_n3A_322, %mul3A_323 : i32
    %add3A_325 = arith.addi %add3A_296, %mul3A_324 : i32
    %eq3A_326 = arith.constant 0 : i32
    %eq3A_327 = vector.broadcast %eq3A_326 : i32 to vector<16xi32>
    %eq3A_328 = arith.cmpi eq, %iota3A, %eq3A_327 : vector<16xi32>
    %jit3A_329 = arith.constant 0 : i32
    %jit3A_330 = arith.constant 0 : i32
    %broadcast_in_dim3A_331 = vector.broadcast %jit3A_329 : i32 to vector<16xi32>
    %broadcast_in_dim3A_332 = vector.broadcast %jit3A_330 : i32 to vector<16xi32>
    %select_n3A_333 = arith.select %eq3A_328, %broadcast_in_dim3A_331, %broadcast_in_dim3A_332 : vector<16xi1>, vector<16xi32>
    %add3A_334 = arith.addi %broadcast_in_dim3A_5, %select_n3A_333 : vector<16xi32>
    %eq3A_335 = arith.constant 1 : i32
    %eq3A_336 = vector.broadcast %eq3A_335 : i32 to vector<16xi32>
    %eq3A_337 = arith.cmpi eq, %iota3A, %eq3A_336 : vector<16xi32>
    %jit3A_338 = arith.constant 0 : i32
    %broadcast_in_dim3A_339 = vector.broadcast %add3A_122 : i32 to vector<16xi32>
    %broadcast_in_dim3A_340 = vector.broadcast %jit3A_338 : i32 to vector<16xi32>
    %select_n3A_341 = arith.select %eq3A_337, %broadcast_in_dim3A_339, %broadcast_in_dim3A_340 : vector<16xi1>, vector<16xi32>
    %add3A_342 = arith.addi %add3A_334, %select_n3A_341 : vector<16xi32>
    %eq3A_343 = arith.constant 2 : i32
    %eq3A_344 = vector.broadcast %eq3A_343 : i32 to vector<16xi32>
    %eq3A_345 = arith.cmpi eq, %iota3A, %eq3A_344 : vector<16xi32>
    %jit3A_346 = arith.constant 0 : i32
    %broadcast_in_dim3A_347 = vector.broadcast %add3A_151 : i32 to vector<16xi32>
    %broadcast_in_dim3A_348 = vector.broadcast %jit3A_346 : i32 to vector<16xi32>
    %select_n3A_349 = arith.select %eq3A_345, %broadcast_in_dim3A_347, %broadcast_in_dim3A_348 : vector<16xi1>, vector<16xi32>
    %add3A_350 = arith.addi %add3A_342, %select_n3A_349 : vector<16xi32>
    %eq3A_351 = arith.constant 3 : i32
    %eq3A_352 = vector.broadcast %eq3A_351 : i32 to vector<16xi32>
    %eq3A_353 = arith.cmpi eq, %iota3A, %eq3A_352 : vector<16xi32>
    %jit3A_354 = arith.constant 0 : i32
    %broadcast_in_dim3A_355 = vector.broadcast %add3A_180 : i32 to vector<16xi32>
    %broadcast_in_dim3A_356 = vector.broadcast %jit3A_354 : i32 to vector<16xi32>
    %select_n3A_357 = arith.select %eq3A_353, %broadcast_in_dim3A_355, %broadcast_in_dim3A_356 : vector<16xi1>, vector<16xi32>
    %add3A_358 = arith.addi %add3A_350, %select_n3A_357 : vector<16xi32>
    %eq3A_359 = arith.constant 4 : i32
    %eq3A_360 = vector.broadcast %eq3A_359 : i32 to vector<16xi32>
    %eq3A_361 = arith.cmpi eq, %iota3A, %eq3A_360 : vector<16xi32>
    %jit3A_362 = arith.constant 0 : i32
    %broadcast_in_dim3A_363 = vector.broadcast %add3A_209 : i32 to vector<16xi32>
    %broadcast_in_dim3A_364 = vector.broadcast %jit3A_362 : i32 to vector<16xi32>
    %select_n3A_365 = arith.select %eq3A_361, %broadcast_in_dim3A_363, %broadcast_in_dim3A_364 : vector<16xi1>, vector<16xi32>
    %add3A_366 = arith.addi %add3A_358, %select_n3A_365 : vector<16xi32>
    %eq3A_367 = arith.constant 5 : i32
    %eq3A_368 = vector.broadcast %eq3A_367 : i32 to vector<16xi32>
    %eq3A_369 = arith.cmpi eq, %iota3A, %eq3A_368 : vector<16xi32>
    %jit3A_370 = arith.constant 0 : i32
    %broadcast_in_dim3A_371 = vector.broadcast %add3A_238 : i32 to vector<16xi32>
    %broadcast_in_dim3A_372 = vector.broadcast %jit3A_370 : i32 to vector<16xi32>
    %select_n3A_373 = arith.select %eq3A_369, %broadcast_in_dim3A_371, %broadcast_in_dim3A_372 : vector<16xi1>, vector<16xi32>
    %add3A_374 = arith.addi %add3A_366, %select_n3A_373 : vector<16xi32>
    %eq3A_375 = arith.constant 6 : i32
    %eq3A_376 = vector.broadcast %eq3A_375 : i32 to vector<16xi32>
    %eq3A_377 = arith.cmpi eq, %iota3A, %eq3A_376 : vector<16xi32>
    %jit3A_378 = arith.constant 0 : i32
    %broadcast_in_dim3A_379 = vector.broadcast %add3A_267 : i32 to vector<16xi32>
    %broadcast_in_dim3A_380 = vector.broadcast %jit3A_378 : i32 to vector<16xi32>
    %select_n3A_381 = arith.select %eq3A_377, %broadcast_in_dim3A_379, %broadcast_in_dim3A_380 : vector<16xi1>, vector<16xi32>
    %add3A_382 = arith.addi %add3A_374, %select_n3A_381 : vector<16xi32>
    %eq3A_383 = arith.constant 7 : i32
    %eq3A_384 = vector.broadcast %eq3A_383 : i32 to vector<16xi32>
    %eq3A_385 = arith.cmpi eq, %iota3A, %eq3A_384 : vector<16xi32>
    %jit3A_386 = arith.constant 0 : i32
    %broadcast_in_dim3A_387 = vector.broadcast %add3A_296 : i32 to vector<16xi32>
    %broadcast_in_dim3A_388 = vector.broadcast %jit3A_386 : i32 to vector<16xi32>
    %select_n3A_389 = arith.select %eq3A_385, %broadcast_in_dim3A_387, %broadcast_in_dim3A_388 : vector<16xi1>, vector<16xi32>
    %add3A_390 = arith.addi %add3A_382, %select_n3A_389 : vector<16xi32>
    %add3A_391 = arith.addi %add3A_390, %scan3A_21#1 : vector<16xi32>
    %swap3A = arith.constant 0 : index
    %swap3A_392 = tpu.vector_load %arg15[%swap3A] {strides = array<i32>} : memref<16xi32, #tpu.memory_space<vmem>>, vector<16xi32>,
    tpu.vector_store %arg15[%swap3A], %add3A_391 {strides = array<i32>} : memref<16xi32, #tpu.memory_space<vmem>>, vector<16xi32>,
    %get3A = arith.index_cast %add3A : i32 to index
    %get3A_393 = arith.constant 0 : index
    %get3A_394 = tpu.vector_load %arg12[%get3A, %get3A_393] {strides = array<i32>} : memref<32x16xi32, #tpu.memory_space<vmem>>, vector<16xi32>,
    %add3A_395 = arith.constant 127 : i32
    %add3A_396 = vector.broadcast %add3A_395 : i32 to vector<16xi32>
    %add3A_397 = arith.addi %get3A_394, %add3A_396 : vector<16xi32>
    %jit3A_398 = arith.constant 128 : i32
    %div3A_399 = vector.broadcast %jit3A_398 : i32 to vector<16xi32>
    %div3A_400 = arith.divsi %add3A_397, %div3A_399 : vector<16xi32>
    %sign3A_401 = arith.constant 0 : i32
    %sign3A_402 = vector.broadcast %sign3A_401 : i32 to vector<16xi32>
    %sign3A_403 = arith.cmpi sgt, %add3A_397, %sign3A_402 : vector<16xi32>
    %sign3A_404 = arith.extui %sign3A_403 : vector<16xi1> to vector<16xi32>
    %sign3A_405 = arith.constant 0 : i32
    %sign3A_406 = vector.broadcast %sign3A_405 : i32 to vector<16xi32>
    %sign3A_407 = arith.cmpi slt, %add3A_397, %sign3A_406 : vector<16xi32>
    %sign3A_408 = arith.extui %sign3A_407 : vector<16xi1> to vector<16xi32>
    %sign3A_409 = arith.subi %sign3A_404, %sign3A_408 : vector<16xi32>
    %sign3A_410 = arith.constant 0 : i32
    %sign3A_411 = arith.cmpi sgt, %jit3A_398, %sign3A_410 : i32
    %sign3A_412 = arith.extui %sign3A_411 : i1 to i32
    %sign3A_413 = arith.constant 0 : i32
    %sign3A_414 = arith.cmpi slt, %jit3A_398, %sign3A_413 : i32
    %sign3A_415 = arith.extui %sign3A_414 : i1 to i32
    %sign3A_416 = arith.subi %sign3A_412, %sign3A_415 : i32
    %ne3A_417 = vector.broadcast %sign3A_416 : i32 to vector<16xi32>
    %ne3A_418 = arith.cmpi ne, %sign3A_409, %ne3A_417 : vector<16xi32>
    %rem3A_419 = vector.broadcast %jit3A_398 : i32 to vector<16xi32>
    %rem3A_420 = arith.remsi %add3A_397, %rem3A_419 : vector<16xi32>
    %ne3A_421 = arith.constant 0 : i32
    %ne3A_422 = vector.broadcast %ne3A_421 : i32 to vector<16xi32>
    %ne3A_423 = arith.cmpi ne, %rem3A_420, %ne3A_422 : vector<16xi32>
    %and3A_424 = arith.andi %ne3A_418, %ne3A_423 : vector<16xi1>
    %sub3A_425 = arith.constant 1 : i32
    %sub3A_426 = vector.broadcast %sub3A_425 : i32 to vector<16xi32>
    %sub3A_427 = arith.subi %div3A_400, %sub3A_426 : vector<16xi32>
    %select_n3A_428 = arith.select %and3A_424, %sub3A_427, %div3A_400 : vector<16xi1>, vector<16xi32>
    %mul3A_429 = arith.constant 128 : i32
    %mul3A_430 = vector.broadcast %mul3A_429 : i32 to vector<16xi32>
    %mul3A_431 = arith.muli %select_n3A_428, %mul3A_430 : vector<16xi32>
    %broadcast_in_dim3A_432 = arith.constant true
    %broadcast_in_dim3A_433 = vector.broadcast %broadcast_in_dim3A_432 : i1 to vector<16xi1>
    %masked_cumsum3A = tpu.scan <sum>, %mul3A_431 masked %broadcast_in_dim3A_433 : vector<16xi32>, vector<16xi1> -> vector<16xi32>
    %sub3A_434 = arith.subi %masked_cumsum3A, %mul3A_431 : vector<16xi32>
    %swap3A_435 = arith.constant 0 : index
    %swap3A_436 = tpu.vector_load %arg14[%swap3A_435] {strides = array<i32>} : memref<16xi32, #tpu.memory_space<vmem>>, vector<16xi32>,
    tpu.vector_store %arg14[%swap3A_435], %sub3A_434 {strides = array<i32>} : memref<16xi32, #tpu.memory_space<vmem>>, vector<16xi32>,
    %get3A_437 = arith.index_cast %add3A : i32 to index
    %get3A_438 = arith.constant 0 : index
    %get3A_439 = tpu.vector_load %arg11[%get3A_437, %get3A_438] {strides = array<i32>} : memref<32x128xi32, #tpu.memory_space<vmem>>, vector<16xi32>,
    %broadcast_in_dim3A_440 = arith.constant true
    %broadcast_in_dim3A_441 = vector.broadcast %broadcast_in_dim3A_440 : i1 to vector<16xi1>
    %masked_cumsum3A_442 = tpu.scan <sum>, %get3A_439 masked %broadcast_in_dim3A_441 : vector<16xi32>, vector<16xi1> -> vector<16xi32>
    %sub3A_443 = arith.subi %masked_cumsum3A_442, %get3A_439 : vector<16xi32>
    %swap3A_444 = arith.constant 0 : i32
    %swap3A_445 = arith.index_cast %swap3A_444 : i32 to index
    %swap3A_446 = arith.constant 0 : index
    %swap3A_447 = tpu.vector_load %arg13[%swap3A_445, %swap3A_446] {strides = array<i32>} : memref<8x16xi32, #tpu.memory_space<vmem>>, vector<16xi32>,
    tpu.vector_store %arg13[%swap3A_445, %swap3A_446], %sub3A_443 {strides = array<i32>} : memref<8x16xi32, #tpu.memory_space<vmem>>, vector<16xi32>,
    %get3A_448 = arith.index_cast %add3A : i32 to index
    %get3A_449 = arith.constant 16 : index
    %get3A_450 = tpu.vector_load %arg11[%get3A_448, %get3A_449] {strides = array<i32>} : memref<32x128xi32, #tpu.memory_space<vmem>>, vector<16xi32>,
    %broadcast_in_dim3A_451 = arith.constant true
    %broadcast_in_dim3A_452 = vector.broadcast %broadcast_in_dim3A_451 : i1 to vector<16xi1>
    %masked_cumsum3A_453 = tpu.scan <sum>, %get3A_450 masked %broadcast_in_dim3A_452 : vector<16xi32>, vector<16xi1> -> vector<16xi32>
    %sub3A_454 = arith.subi %masked_cumsum3A_453, %get3A_450 : vector<16xi32>
    %swap3A_455 = arith.constant 1 : i32
    %swap3A_456 = arith.index_cast %swap3A_455 : i32 to index
    %swap3A_457 = arith.constant 0 : index
    %swap3A_458 = tpu.vector_load %arg13[%swap3A_456, %swap3A_457] {strides = array<i32>} : memref<8x16xi32, #tpu.memory_space<vmem>>, vector<16xi32>,
    tpu.vector_store %arg13[%swap3A_456, %swap3A_457], %sub3A_454 {strides = array<i32>} : memref<8x16xi32, #tpu.memory_space<vmem>>, vector<16xi32>,
    %get3A_459 = arith.index_cast %add3A : i32 to index
    %get3A_460 = arith.constant 32 : index
    %get3A_461 = tpu.vector_load %arg11[%get3A_459, %get3A_460] {strides = array<i32>} : memref<32x128xi32, #tpu.memory_space<vmem>>, vector<16xi32>,
    %broadcast_in_dim3A_462 = arith.constant true
    %broadcast_in_dim3A_463 = vector.broadcast %broadcast_in_dim3A_462 : i1 to vector<16xi1>
    %masked_cumsum3A_464 = tpu.scan <sum>, %get3A_461 masked %broadcast_in_dim3A_463 : vector<16xi32>, vector<16xi1> -> vector<16xi32>
    %sub3A_465 = arith.subi %masked_cumsum3A_464, %get3A_461 : vector<16xi32>
    %swap3A_466 = arith.constant 2 : i32
    %swap3A_467 = arith.index_cast %swap3A_466 : i32 to index
    %swap3A_468 = arith.constant 0 : index
    %swap3A_469 = tpu.vector_load %arg13[%swap3A_467, %swap3A_468] {strides = array<i32>} : memref<8x16xi32, #tpu.memory_space<vmem>>, vector<16xi32>,
    tpu.vector_store %arg13[%swap3A_467, %swap3A_468], %sub3A_465 {strides = array<i32>} : memref<8x16xi32, #tpu.memory_space<vmem>>, vector<16xi32>,
    %get3A_470 = arith.index_cast %add3A : i32 to index
    %get3A_471 = arith.constant 48 : index
    %get3A_472 = tpu.vector_load %arg11[%get3A_470, %get3A_471] {strides = array<i32>} : memref<32x128xi32, #tpu.memory_space<vmem>>, vector<16xi32>,
    %broadcast_in_dim3A_473 = arith.constant true
    %broadcast_in_dim3A_474 = vector.broadcast %broadcast_in_dim3A_473 : i1 to vector<16xi1>
    %masked_cumsum3A_475 = tpu.scan <sum>, %get3A_472 masked %broadcast_in_dim3A_474 : vector<16xi32>, vector<16xi1> -> vector<16xi32>
    %sub3A_476 = arith.subi %masked_cumsum3A_475, %get3A_472 : vector<16xi32>
    %swap3A_477 = arith.constant 3 : i32
    %swap3A_478 = arith.index_cast %swap3A_477 : i32 to index
    %swap3A_479 = arith.constant 0 : index
    %swap3A_480 = tpu.vector_load %arg13[%swap3A_478, %swap3A_479] {strides = array<i32>} : memref<8x16xi32, #tpu.memory_space<vmem>>, vector<16xi32>,
    tpu.vector_store %arg13[%swap3A_478, %swap3A_479], %sub3A_476 {strides = array<i32>} : memref<8x16xi32, #tpu.memory_space<vmem>>, vector<16xi32>,
    %get3A_481 = arith.index_cast %add3A : i32 to index
    %get3A_482 = arith.constant 64 : index
    %get3A_483 = tpu.vector_load %arg11[%get3A_481, %get3A_482] {strides = array<i32>} : memref<32x128xi32, #tpu.memory_space<vmem>>, vector<16xi32>,
    %broadcast_in_dim3A_484 = arith.constant true
    %broadcast_in_dim3A_485 = vector.broadcast %broadcast_in_dim3A_484 : i1 to vector<16xi1>
    %masked_cumsum3A_486 = tpu.scan <sum>, %get3A_483 masked %broadcast_in_dim3A_485 : vector<16xi32>, vector<16xi1> -> vector<16xi32>
    %sub3A_487 = arith.subi %masked_cumsum3A_486, %get3A_483 : vector<16xi32>
    %swap3A_488 = arith.constant 4 : i32
    %swap3A_489 = arith.index_cast %swap3A_488 : i32 to index
    %swap3A_490 = arith.constant 0 : index
    %swap3A_491 = tpu.vector_load %arg13[%swap3A_489, %swap3A_490] {strides = array<i32>} : memref<8x16xi32, #tpu.memory_space<vmem>>, vector<16xi32>,
    tpu.vector_store %arg13[%swap3A_489, %swap3A_490], %sub3A_487 {strides = array<i32>} : memref<8x16xi32, #tpu.memory_space<vmem>>, vector<16xi32>,
    %get3A_492 = arith.index_cast %add3A : i32 to index
    %get3A_493 = arith.constant 80 : index
    %get3A_494 = tpu.vector_load %arg11[%get3A_492, %get3A_493] {strides = array<i32>} : memref<32x128xi32, #tpu.memory_space<vmem>>, vector<16xi32>,
    %broadcast_in_dim3A_495 = arith.constant true
    %broadcast_in_dim3A_496 = vector.broadcast %broadcast_in_dim3A_495 : i1 to vector<16xi1>
    %masked_cumsum3A_497 = tpu.scan <sum>, %get3A_494 masked %broadcast_in_dim3A_496 : vector<16xi32>, vector<16xi1> -> vector<16xi32>
    %sub3A_498 = arith.subi %masked_cumsum3A_497, %get3A_494 : vector<16xi32>
    %swap3A_499 = arith.constant 5 : i32
    %swap3A_500 = arith.index_cast %swap3A_499 : i32 to index
    %swap3A_501 = arith.constant 0 : index
    %swap3A_502 = tpu.vector_load %arg13[%swap3A_500, %swap3A_501] {strides = array<i32>} : memref<8x16xi32, #tpu.memory_space<vmem>>, vector<16xi32>,
    tpu.vector_store %arg13[%swap3A_500, %swap3A_501], %sub3A_498 {strides = array<i32>} : memref<8x16xi32, #tpu.memory_space<vmem>>, vector<16xi32>,
    %get3A_503 = arith.index_cast %add3A : i32 to index
    %get3A_504 = arith.constant 96 : index
    %get3A_505 = tpu.vector_load %arg11[%get3A_503, %get3A_504] {strides = array<i32>} : memref<32x128xi32, #tpu.memory_space<vmem>>, vector<16xi32>,
    %broadcast_in_dim3A_506 = arith.constant true
    %broadcast_in_dim3A_507 = vector.broadcast %broadcast_in_dim3A_506 : i1 to vector<16xi1>
    %masked_cumsum3A_508 = tpu.scan <sum>, %get3A_505 masked %broadcast_in_dim3A_507 : vector<16xi32>, vector<16xi1> -> vector<16xi32>
    %sub3A_509 = arith.subi %masked_cumsum3A_508, %get3A_505 : vector<16xi32>
    %swap3A_510 = arith.constant 6 : i32
    %swap3A_511 = arith.index_cast %swap3A_510 : i32 to index
    %swap3A_512 = arith.constant 0 : index
    %swap3A_513 = tpu.vector_load %arg13[%swap3A_511, %swap3A_512] {strides = array<i32>} : memref<8x16xi32, #tpu.memory_space<vmem>>, vector<16xi32>,
    tpu.vector_store %arg13[%swap3A_511, %swap3A_512], %sub3A_509 {strides = array<i32>} : memref<8x16xi32, #tpu.memory_space<vmem>>, vector<16xi32>,
    %get3A_514 = arith.index_cast %add3A : i32 to index
    %get3A_515 = arith.constant 112 : index
    %get3A_516 = tpu.vector_load %arg11[%get3A_514, %get3A_515] {strides = array<i32>} : memref<32x128xi32, #tpu.memory_space<vmem>>, vector<16xi32>,
    %broadcast_in_dim3A_517 = arith.constant true
    %broadcast_in_dim3A_518 = vector.broadcast %broadcast_in_dim3A_517 : i1 to vector<16xi1>
    %masked_cumsum3A_519 = tpu.scan <sum>, %get3A_516 masked %broadcast_in_dim3A_518 : vector<16xi32>, vector<16xi1> -> vector<16xi32>
    %sub3A_520 = arith.subi %masked_cumsum3A_519, %get3A_516 : vector<16xi32>
    %swap3A_521 = arith.constant 7 : i32
    %swap3A_522 = arith.index_cast %swap3A_521 : i32 to index
    %swap3A_523 = arith.constant 0 : index
    %swap3A_524 = tpu.vector_load %arg13[%swap3A_522, %swap3A_523] {strides = array<i32>} : memref<8x16xi32, #tpu.memory_space<vmem>>, vector<16xi32>,
    tpu.vector_store %arg13[%swap3A_522, %swap3A_523], %sub3A_520 {strides = array<i32>} : memref<8x16xi32, #tpu.memory_space<vmem>>, vector<16xi32>,
    %eq3A_525 = arith.constant 0 : i32
    %eq3A_526 = arith.cmpi eq, %add3A, %eq3A_525 : i32
    %convert_element_type3A = arith.extui %eq3A_526 : i1 to i32
    %cond3A = arith.constant 0 : i32
    %cond3A_527 = arith.constant 0 : i32
    %cond3A_528 = arith.cmpi ne, %convert_element_type3A, %cond3A_527 : i32
    scf.if %cond3A_528 {
      %add3A_1072 = arith.constant 1023 : i32
      %add3A_1073 = arith.addi %reduce_sum3A_28, %add3A_1072 : i32
      %jit3A_1074 = arith.constant 1024 : i32
      %div3A_1075 = arith.divsi %add3A_1073, %jit3A_1074 : i32
      %sign3A_1076 = arith.constant 0 : i32
      %sign3A_1077 = arith.cmpi sgt, %add3A_1073, %sign3A_1076 : i32
      %sign3A_1078 = arith.extui %sign3A_1077 : i1 to i32
      %sign3A_1079 = arith.constant 0 : i32
      %sign3A_1080 = arith.cmpi slt, %add3A_1073, %sign3A_1079 : i32
      %sign3A_1081 = arith.extui %sign3A_1080 : i1 to i32
      %sign3A_1082 = arith.subi %sign3A_1078, %sign3A_1081 : i32
      %sign3A_1083 = arith.constant 0 : i32
      %sign3A_1084 = arith.cmpi sgt, %jit3A_1074, %sign3A_1083 : i32
      %sign3A_1085 = arith.extui %sign3A_1084 : i1 to i32
      %sign3A_1086 = arith.constant 0 : i32
      %sign3A_1087 = arith.cmpi slt, %jit3A_1074, %sign3A_1086 : i32
      %sign3A_1088 = arith.extui %sign3A_1087 : i1 to i32
      %sign3A_1089 = arith.subi %sign3A_1085, %sign3A_1088 : i32
      %ne3A_1090 = arith.cmpi ne, %sign3A_1082, %sign3A_1089 : i32
      %rem3A_1091 = arith.remsi %add3A_1073, %jit3A_1074 : i32
      %ne3A_1092 = arith.constant 0 : i32
      %ne3A_1093 = arith.cmpi ne, %rem3A_1091, %ne3A_1092 : i32
      %and3A_1094 = arith.andi %ne3A_1090, %ne3A_1093 : i1
      %sub3A_1095 = arith.constant 1 : i32
      %sub3A_1096 = arith.subi %div3A_1075, %sub3A_1095 : i32
      %select_n3A_1097 = arith.select %and3A_1094, %sub3A_1096, %div3A_1075 : i32
      %mul3A_1098 = arith.constant 1024 : i32
      %mul3A_1099 = arith.muli %select_n3A_1097, %mul3A_1098 : i32
      %add3A_1100 = arith.addi %cond3A, %mul3A_1099 : i32
      %add3A_1101 = arith.constant 1023 : i32
      %add3A_1102 = arith.addi %reduce_sum3A_38, %add3A_1101 : i32
      %jit3A_1103 = arith.constant 1024 : i32
      %div3A_1104 = arith.divsi %add3A_1102, %jit3A_1103 : i32
      %sign3A_1105 = arith.constant 0 : i32
      %sign3A_1106 = arith.cmpi sgt, %add3A_1102, %sign3A_1105 : i32
      %sign3A_1107 = arith.extui %sign3A_1106 : i1 to i32
      %sign3A_1108 = arith.constant 0 : i32
      %sign3A_1109 = arith.cmpi slt, %add3A_1102, %sign3A_1108 : i32
      %sign3A_1110 = arith.extui %sign3A_1109 : i1 to i32
      %sign3A_1111 = arith.subi %sign3A_1107, %sign3A_1110 : i32
      %sign3A_1112 = arith.constant 0 : i32
      %sign3A_1113 = arith.cmpi sgt, %jit3A_1103, %sign3A_1112 : i32
      %sign3A_1114 = arith.extui %sign3A_1113 : i1 to i32
      %sign3A_1115 = arith.constant 0 : i32
      %sign3A_1116 = arith.cmpi slt, %jit3A_1103, %sign3A_1115 : i32
      %sign3A_1117 = arith.extui %sign3A_1116 : i1 to i32
      %sign3A_1118 = arith.subi %sign3A_1114, %sign3A_1117 : i32
      %ne3A_1119 = arith.cmpi ne, %sign3A_1111, %sign3A_1118 : i32
      %rem3A_1120 = arith.remsi %add3A_1102, %jit3A_1103 : i32
      %ne3A_1121 = arith.constant 0 : i32
      %ne3A_1122 = arith.cmpi ne, %rem3A_1120, %ne3A_1121 : i32
      %and3A_1123 = arith.andi %ne3A_1119, %ne3A_1122 : i1
      %sub3A_1124 = arith.constant 1 : i32
      %sub3A_1125 = arith.subi %div3A_1104, %sub3A_1124 : i32
      %select_n3A_1126 = arith.select %and3A_1123, %sub3A_1125, %div3A_1104 : i32
      %mul3A_1127 = arith.constant 1024 : i32
      %mul3A_1128 = arith.muli %select_n3A_1126, %mul3A_1127 : i32
      %add3A_1129 = arith.addi %add3A_122, %mul3A_1128 : i32
      %add3A_1130 = arith.constant 1023 : i32
      %add3A_1131 = arith.addi %reduce_sum3A_48, %add3A_1130 : i32
      %jit3A_1132 = arith.constant 1024 : i32
      %div3A_1133 = arith.divsi %add3A_1131, %jit3A_1132 : i32
      %sign3A_1134 = arith.constant 0 : i32
      %sign3A_1135 = arith.cmpi sgt, %add3A_1131, %sign3A_1134 : i32
      %sign3A_1136 = arith.extui %sign3A_1135 : i1 to i32
      %sign3A_1137 = arith.constant 0 : i32
      %sign3A_1138 = arith.cmpi slt, %add3A_1131, %sign3A_1137 : i32
      %sign3A_1139 = arith.extui %sign3A_1138 : i1 to i32
      %sign3A_1140 = arith.subi %sign3A_1136, %sign3A_1139 : i32
      %sign3A_1141 = arith.constant 0 : i32
      %sign3A_1142 = arith.cmpi sgt, %jit3A_1132, %sign3A_1141 : i32
      %sign3A_1143 = arith.extui %sign3A_1142 : i1 to i32
      %sign3A_1144 = arith.constant 0 : i32
      %sign3A_1145 = arith.cmpi slt, %jit3A_1132, %sign3A_1144 : i32
      %sign3A_1146 = arith.extui %sign3A_1145 : i1 to i32
      %sign3A_1147 = arith.subi %sign3A_1143, %sign3A_1146 : i32
      %ne3A_1148 = arith.cmpi ne, %sign3A_1140, %sign3A_1147 : i32
      %rem3A_1149 = arith.remsi %add3A_1131, %jit3A_1132 : i32
      %ne3A_1150 = arith.constant 0 : i32
      %ne3A_1151 = arith.cmpi ne, %rem3A_1149, %ne3A_1150 : i32
      %and3A_1152 = arith.andi %ne3A_1148, %ne3A_1151 : i1
      %sub3A_1153 = arith.constant 1 : i32
      %sub3A_1154 = arith.subi %div3A_1133, %sub3A_1153 : i32
      %select_n3A_1155 = arith.select %and3A_1152, %sub3A_1154, %div3A_1133 : i32
      %mul3A_1156 = arith.constant 1024 : i32
      %mul3A_1157 = arith.muli %select_n3A_1155, %mul3A_1156 : i32
      %add3A_1158 = arith.addi %add3A_151, %mul3A_1157 : i32
      %add3A_1159 = arith.constant 1023 : i32
      %add3A_1160 = arith.addi %reduce_sum3A_58, %add3A_1159 : i32
      %jit3A_1161 = arith.constant 1024 : i32
      %div3A_1162 = arith.divsi %add3A_1160, %jit3A_1161 : i32
      %sign3A_1163 = arith.constant 0 : i32
      %sign3A_1164 = arith.cmpi sgt, %add3A_1160, %sign3A_1163 : i32
      %sign3A_1165 = arith.extui %sign3A_1164 : i1 to i32
      %sign3A_1166 = arith.constant 0 : i32
      %sign3A_1167 = arith.cmpi slt, %add3A_1160, %sign3A_1166 : i32
      %sign3A_1168 = arith.extui %sign3A_1167 : i1 to i32
      %sign3A_1169 = arith.subi %sign3A_1165, %sign3A_1168 : i32
      %sign3A_1170 = arith.constant 0 : i32
      %sign3A_1171 = arith.cmpi sgt, %jit3A_1161, %sign3A_1170 : i32
      %sign3A_1172 = arith.extui %sign3A_1171 : i1 to i32
      %sign3A_1173 = arith.constant 0 : i32
      %sign3A_1174 = arith.cmpi slt, %jit3A_1161, %sign3A_1173 : i32
      %sign3A_1175 = arith.extui %sign3A_1174 : i1 to i32
      %sign3A_1176 = arith.subi %sign3A_1172, %sign3A_1175 : i32
      %ne3A_1177 = arith.cmpi ne, %sign3A_1169, %sign3A_1176 : i32
      %rem3A_1178 = arith.remsi %add3A_1160, %jit3A_1161 : i32
      %ne3A_1179 = arith.constant 0 : i32
      %ne3A_1180 = arith.cmpi ne, %rem3A_1178, %ne3A_1179 : i32
      %and3A_1181 = arith.andi %ne3A_1177, %ne3A_1180 : i1
      %sub3A_1182 = arith.constant 1 : i32
      %sub3A_1183 = arith.subi %div3A_1162, %sub3A_1182 : i32
      %select_n3A_1184 = arith.select %and3A_1181, %sub3A_1183, %div3A_1162 : i32
      %mul3A_1185 = arith.constant 1024 : i32
      %mul3A_1186 = arith.muli %select_n3A_1184, %mul3A_1185 : i32
      %add3A_1187 = arith.addi %add3A_180, %mul3A_1186 : i32
      %add3A_1188 = arith.constant 1023 : i32
      %add3A_1189 = arith.addi %reduce_sum3A_68, %add3A_1188 : i32
      %jit3A_1190 = arith.constant 1024 : i32
      %div3A_1191 = arith.divsi %add3A_1189, %jit3A_1190 : i32
      %sign3A_1192 = arith.constant 0 : i32
      %sign3A_1193 = arith.cmpi sgt, %add3A_1189, %sign3A_1192 : i32
      %sign3A_1194 = arith.extui %sign3A_1193 : i1 to i32
      %sign3A_1195 = arith.constant 0 : i32
      %sign3A_1196 = arith.cmpi slt, %add3A_1189, %sign3A_1195 : i32
      %sign3A_1197 = arith.extui %sign3A_1196 : i1 to i32
      %sign3A_1198 = arith.subi %sign3A_1194, %sign3A_1197 : i32
      %sign3A_1199 = arith.constant 0 : i32
      %sign3A_1200 = arith.cmpi sgt, %jit3A_1190, %sign3A_1199 : i32
      %sign3A_1201 = arith.extui %sign3A_1200 : i1 to i32
      %sign3A_1202 = arith.constant 0 : i32
      %sign3A_1203 = arith.cmpi slt, %jit3A_1190, %sign3A_1202 : i32
      %sign3A_1204 = arith.extui %sign3A_1203 : i1 to i32
      %sign3A_1205 = arith.subi %sign3A_1201, %sign3A_1204 : i32
      %ne3A_1206 = arith.cmpi ne, %sign3A_1198, %sign3A_1205 : i32
      %rem3A_1207 = arith.remsi %add3A_1189, %jit3A_1190 : i32
      %ne3A_1208 = arith.constant 0 : i32
      %ne3A_1209 = arith.cmpi ne, %rem3A_1207, %ne3A_1208 : i32
      %and3A_1210 = arith.andi %ne3A_1206, %ne3A_1209 : i1
      %sub3A_1211 = arith.constant 1 : i32
      %sub3A_1212 = arith.subi %div3A_1191, %sub3A_1211 : i32
      %select_n3A_1213 = arith.select %and3A_1210, %sub3A_1212, %div3A_1191 : i32
      %mul3A_1214 = arith.constant 1024 : i32
      %mul3A_1215 = arith.muli %select_n3A_1213, %mul3A_1214 : i32
      %add3A_1216 = arith.addi %add3A_209, %mul3A_1215 : i32
      %add3A_1217 = arith.constant 1023 : i32
      %add3A_1218 = arith.addi %reduce_sum3A_78, %add3A_1217 : i32
      %jit3A_1219 = arith.constant 1024 : i32
      %div3A_1220 = arith.divsi %add3A_1218, %jit3A_1219 : i32
      %sign3A_1221 = arith.constant 0 : i32
      %sign3A_1222 = arith.cmpi sgt, %add3A_1218, %sign3A_1221 : i32
      %sign3A_1223 = arith.extui %sign3A_1222 : i1 to i32
      %sign3A_1224 = arith.constant 0 : i32
      %sign3A_1225 = arith.cmpi slt, %add3A_1218, %sign3A_1224 : i32
      %sign3A_1226 = arith.extui %sign3A_1225 : i1 to i32
      %sign3A_1227 = arith.subi %sign3A_1223, %sign3A_1226 : i32
      %sign3A_1228 = arith.constant 0 : i32
      %sign3A_1229 = arith.cmpi sgt, %jit3A_1219, %sign3A_1228 : i32
      %sign3A_1230 = arith.extui %sign3A_1229 : i1 to i32
      %sign3A_1231 = arith.constant 0 : i32
      %sign3A_1232 = arith.cmpi slt, %jit3A_1219, %sign3A_1231 : i32
      %sign3A_1233 = arith.extui %sign3A_1232 : i1 to i32
      %sign3A_1234 = arith.subi %sign3A_1230, %sign3A_1233 : i32
      %ne3A_1235 = arith.cmpi ne, %sign3A_1227, %sign3A_1234 : i32
      %rem3A_1236 = arith.remsi %add3A_1218, %jit3A_1219 : i32
      %ne3A_1237 = arith.constant 0 : i32
      %ne3A_1238 = arith.cmpi ne, %rem3A_1236, %ne3A_1237 : i32
      %and3A_1239 = arith.andi %ne3A_1235, %ne3A_1238 : i1
      %sub3A_1240 = arith.constant 1 : i32
      %sub3A_1241 = arith.subi %div3A_1220, %sub3A_1240 : i32
      %select_n3A_1242 = arith.select %and3A_1239, %sub3A_1241, %div3A_1220 : i32
      %mul3A_1243 = arith.constant 1024 : i32
      %mul3A_1244 = arith.muli %select_n3A_1242, %mul3A_1243 : i32
      %add3A_1245 = arith.addi %add3A_238, %mul3A_1244 : i32
      %add3A_1246 = arith.constant 1023 : i32
      %add3A_1247 = arith.addi %reduce_sum3A_88, %add3A_1246 : i32
      %jit3A_1248 = arith.constant 1024 : i32
      %div3A_1249 = arith.divsi %add3A_1247, %jit3A_1248 : i32
      %sign3A_1250 = arith.constant 0 : i32
      %sign3A_1251 = arith.cmpi sgt, %add3A_1247, %sign3A_1250 : i32
      %sign3A_1252 = arith.extui %sign3A_1251 : i1 to i32
      %sign3A_1253 = arith.constant 0 : i32
      %sign3A_1254 = arith.cmpi slt, %add3A_1247, %sign3A_1253 : i32
      %sign3A_1255 = arith.extui %sign3A_1254 : i1 to i32
      %sign3A_1256 = arith.subi %sign3A_1252, %sign3A_1255 : i32
      %sign3A_1257 = arith.constant 0 : i32
      %sign3A_1258 = arith.cmpi sgt, %jit3A_1248, %sign3A_1257 : i32
      %sign3A_1259 = arith.extui %sign3A_1258 : i1 to i32
      %sign3A_1260 = arith.constant 0 : i32
      %sign3A_1261 = arith.cmpi slt, %jit3A_1248, %sign3A_1260 : i32
      %sign3A_1262 = arith.extui %sign3A_1261 : i1 to i32
      %sign3A_1263 = arith.subi %sign3A_1259, %sign3A_1262 : i32
      %ne3A_1264 = arith.cmpi ne, %sign3A_1256, %sign3A_1263 : i32
      %rem3A_1265 = arith.remsi %add3A_1247, %jit3A_1248 : i32
      %ne3A_1266 = arith.constant 0 : i32
      %ne3A_1267 = arith.cmpi ne, %rem3A_1265, %ne3A_1266 : i32
      %and3A_1268 = arith.andi %ne3A_1264, %ne3A_1267 : i1
      %sub3A_1269 = arith.constant 1 : i32
      %sub3A_1270 = arith.subi %div3A_1249, %sub3A_1269 : i32
      %select_n3A_1271 = arith.select %and3A_1268, %sub3A_1270, %div3A_1249 : i32
      %mul3A_1272 = arith.constant 1024 : i32
      %mul3A_1273 = arith.muli %select_n3A_1271, %mul3A_1272 : i32
      %add3A_1274 = arith.addi %add3A_267, %mul3A_1273 : i32
      %add3A_1275 = arith.constant 1023 : i32
      %add3A_1276 = arith.addi %reduce_sum3A_98, %add3A_1275 : i32
      %jit3A_1277 = arith.constant 1024 : i32
      %div3A_1278 = arith.divsi %add3A_1276, %jit3A_1277 : i32
      %sign3A_1279 = arith.constant 0 : i32
      %sign3A_1280 = arith.cmpi sgt, %add3A_1276, %sign3A_1279 : i32
      %sign3A_1281 = arith.extui %sign3A_1280 : i1 to i32
      %sign3A_1282 = arith.constant 0 : i32
      %sign3A_1283 = arith.cmpi slt, %add3A_1276, %sign3A_1282 : i32
      %sign3A_1284 = arith.extui %sign3A_1283 : i1 to i32
      %sign3A_1285 = arith.subi %sign3A_1281, %sign3A_1284 : i32
      %sign3A_1286 = arith.constant 0 : i32
      %sign3A_1287 = arith.cmpi sgt, %jit3A_1277, %sign3A_1286 : i32
      %sign3A_1288 = arith.extui %sign3A_1287 : i1 to i32
      %sign3A_1289 = arith.constant 0 : i32
      %sign3A_1290 = arith.cmpi slt, %jit3A_1277, %sign3A_1289 : i32
      %sign3A_1291 = arith.extui %sign3A_1290 : i1 to i32
      %sign3A_1292 = arith.subi %sign3A_1288, %sign3A_1291 : i32
      %ne3A_1293 = arith.cmpi ne, %sign3A_1285, %sign3A_1292 : i32
      %rem3A_1294 = arith.remsi %add3A_1276, %jit3A_1277 : i32
      %ne3A_1295 = arith.constant 0 : i32
      %ne3A_1296 = arith.cmpi ne, %rem3A_1294, %ne3A_1295 : i32
      %and3A_1297 = arith.andi %ne3A_1293, %ne3A_1296 : i1
      %sub3A_1298 = arith.constant 1 : i32
      %sub3A_1299 = arith.subi %div3A_1278, %sub3A_1298 : i32
      %select_n3A_1300 = arith.select %and3A_1297, %sub3A_1299, %div3A_1278 : i32
      %mul3A_1301 = arith.constant 1024 : i32
      %mul3A_1302 = arith.muli %select_n3A_1300, %mul3A_1301 : i32
      %add3A_1303 = arith.addi %add3A_296, %mul3A_1302 : i32
      %add3A_1304 = arith.constant 0 : i32
      %add3A_1305 = vector.broadcast %add3A_1304 : i32 to vector<16xi32>
      %add3A_1306 = arith.addi %add3A_1305, %iota3A : vector<16xi32>
      %mul3A_1307 = arith.constant 1024 : i32
      %mul3A_1308 = vector.broadcast %mul3A_1307 : i32 to vector<16xi32>
      %mul3A_1309 = arith.muli %add3A_1306, %mul3A_1308 : vector<16xi32>
      %broadcast_in_dim3A_1310 = arith.constant 0 : i32
      %broadcast_in_dim3A_1311 = vector.broadcast %broadcast_in_dim3A_1310 : i32 to vector<16xi32>
      %ge3A = vector.broadcast %add3A_1100 : i32 to vector<16xi32>
      %ge3A_1312 = arith.cmpi sge, %mul3A_1309, %ge3A : vector<16xi32>
      %convert_element_type3A_1313 = arith.extui %ge3A_1312 : vector<16xi1> to vector<16xi32>
      %add3A_1314 = arith.addi %broadcast_in_dim3A_1311, %convert_element_type3A_1313 : vector<16xi32>
      %ge3A_1315 = vector.broadcast %add3A_1129 : i32 to vector<16xi32>
      %ge3A_1316 = arith.cmpi sge, %mul3A_1309, %ge3A_1315 : vector<16xi32>
      %convert_element_type3A_1317 = arith.extui %ge3A_1316 : vector<16xi1> to vector<16xi32>
      %add3A_1318 = arith.addi %add3A_1314, %convert_element_type3A_1317 : vector<16xi32>
      %ge3A_1319 = vector.broadcast %add3A_1158 : i32 to vector<16xi32>
      %ge3A_1320 = arith.cmpi sge, %mul3A_1309, %ge3A_1319 : vector<16xi32>
      %convert_element_type3A_1321 = arith.extui %ge3A_1320 : vector<16xi1> to vector<16xi32>
      %add3A_1322 = arith.addi %add3A_1318, %convert_element_type3A_1321 : vector<16xi32>
      %ge3A_1323 = vector.broadcast %add3A_1187 : i32 to vector<16xi32>
      %ge3A_1324 = arith.cmpi sge, %mul3A_1309, %ge3A_1323 : vector<16xi32>
      %convert_element_type3A_1325 = arith.extui %ge3A_1324 : vector<16xi1> to vector<16xi32>
      %add3A_1326 = arith.addi %add3A_1322, %convert_element_type3A_1325 : vector<16xi32>
      %ge3A_1327 = vector.broadcast %add3A_1216 : i32 to vector<16xi32>
      %ge3A_1328 = arith.cmpi sge, %mul3A_1309, %ge3A_1327 : vector<16xi32>
      %convert_element_type3A_1329 = arith.extui %ge3A_1328 : vector<16xi1> to vector<16xi32>
      %add3A_1330 = arith.addi %add3A_1326, %convert_element_type3A_1329 : vector<16xi32>
      %ge3A_1331 = vector.broadcast %add3A_1245 : i32 to vector<16xi32>
      %ge3A_1332 = arith.cmpi sge, %mul3A_1309, %ge3A_1331 : vector<16xi32>
      %convert_element_type3A_1333 = arith.extui %ge3A_1332 : vector<16xi1> to vector<16xi32>
      %add3A_1334 = arith.addi %add3A_1330, %convert_element_type3A_1333 : vector<16xi32>
      %ge3A_1335 = vector.broadcast %add3A_1274 : i32 to vector<16xi32>
      %ge3A_1336 = arith.cmpi sge, %mul3A_1309, %ge3A_1335 : vector<16xi32>
      %convert_element_type3A_1337 = arith.extui %ge3A_1336 : vector<16xi1> to vector<16xi32>
      %add3A_1338 = arith.addi %add3A_1334, %convert_element_type3A_1337 : vector<16xi32>
      %ge3A_1339 = vector.broadcast %add3A_1303 : i32 to vector<16xi32>
      %ge3A_1340 = arith.cmpi sge, %mul3A_1309, %ge3A_1339 : vector<16xi32>
      %convert_element_type3A_1341 = arith.extui %ge3A_1340 : vector<16xi1> to vector<16xi32>
      %add3A_1342 = arith.addi %add3A_1338, %convert_element_type3A_1341 : vector<16xi32>
      %min3A = arith.constant 7 : i32
      %min3A_1343 = vector.broadcast %min3A : i32 to vector<16xi32>
      %min3A_1344 = arith.minsi %add3A_1342, %min3A_1343 : vector<16xi32>
      %swap3A_1345 = arith.constant 0 : index
      %swap3A_1346 = tpu.vector_load %arg16[%swap3A_1345] {strides = array<i32>} : memref<176xi32, #tpu.memory_space<vmem>>, vector<16xi32>,
      tpu.vector_store %arg16[%swap3A_1345], %min3A_1344 {strides = array<i32>} : memref<176xi32, #tpu.memory_space<vmem>>, vector<16xi32>,
      %add3A_1347 = arith.constant 16 : i32
      %add3A_1348 = vector.broadcast %add3A_1347 : i32 to vector<16xi32>
      %add3A_1349 = arith.addi %add3A_1348, %iota3A : vector<16xi32>
      %mul3A_1350 = arith.constant 1024 : i32
      %mul3A_1351 = vector.broadcast %mul3A_1350 : i32 to vector<16xi32>
      %mul3A_1352 = arith.muli %add3A_1349, %mul3A_1351 : vector<16xi32>
      %broadcast_in_dim3A_1353 = arith.constant 0 : i32
      %broadcast_in_dim3A_1354 = vector.broadcast %broadcast_in_dim3A_1353 : i32 to vector<16xi32>
      %ge3A_1355 = vector.broadcast %add3A_1100 : i32 to vector<16xi32>
      %ge3A_1356 = arith.cmpi sge, %mul3A_1352, %ge3A_1355 : vector<16xi32>
      %convert_element_type3A_1357 = arith.extui %ge3A_1356 : vector<16xi1> to vector<16xi32>
      %add3A_1358 = arith.addi %broadcast_in_dim3A_1354, %convert_element_type3A_1357 : vector<16xi32>
      %ge3A_1359 = vector.broadcast %add3A_1129 : i32 to vector<16xi32>
      %ge3A_1360 = arith.cmpi sge, %mul3A_1352, %ge3A_1359 : vector<16xi32>
      %convert_element_type3A_1361 = arith.extui %ge3A_1360 : vector<16xi1> to vector<16xi32>
      %add3A_1362 = arith.addi %add3A_1358, %convert_element_type3A_1361 : vector<16xi32>
      %ge3A_1363 = vector.broadcast %add3A_1158 : i32 to vector<16xi32>
      %ge3A_1364 = arith.cmpi sge, %mul3A_1352, %ge3A_1363 : vector<16xi32>
      %convert_element_type3A_1365 = arith.extui %ge3A_1364 : vector<16xi1> to vector<16xi32>
      %add3A_1366 = arith.addi %add3A_1362, %convert_element_type3A_1365 : vector<16xi32>
      %ge3A_1367 = vector.broadcast %add3A_1187 : i32 to vector<16xi32>
      %ge3A_1368 = arith.cmpi sge, %mul3A_1352, %ge3A_1367 : vector<16xi32>
      %convert_element_type3A_1369 = arith.extui %ge3A_1368 : vector<16xi1> to vector<16xi32>
      %add3A_1370 = arith.addi %add3A_1366, %convert_element_type3A_1369 : vector<16xi32>
      %ge3A_1371 = vector.broadcast %add3A_1216 : i32 to vector<16xi32>
      %ge3A_1372 = arith.cmpi sge, %mul3A_1352, %ge3A_1371 : vector<16xi32>
      %convert_element_type3A_1373 = arith.extui %ge3A_1372 : vector<16xi1> to vector<16xi32>
      %add3A_1374 = arith.addi %add3A_1370, %convert_element_type3A_1373 : vector<16xi32>
      %ge3A_1375 = vector.broadcast %add3A_1245 : i32 to vector<16xi32>
      %ge3A_1376 = arith.cmpi sge, %mul3A_1352, %ge3A_1375 : vector<16xi32>
      %convert_element_type3A_1377 = arith.extui %ge3A_1376 : vector<16xi1> to vector<16xi32>
      %add3A_1378 = arith.addi %add3A_1374, %convert_element_type3A_1377 : vector<16xi32>
      %ge3A_1379 = vector.broadcast %add3A_1274 : i32 to vector<16xi32>
      %ge3A_1380 = arith.cmpi sge, %mul3A_1352, %ge3A_1379 : vector<16xi32>
      %convert_element_type3A_1381 = arith.extui %ge3A_1380 : vector<16xi1> to vector<16xi32>
      %add3A_1382 = arith.addi %add3A_1378, %convert_element_type3A_1381 : vector<16xi32>
      %ge3A_1383 = vector.broadcast %add3A_1303 : i32 to vector<16xi32>
      %ge3A_1384 = arith.cmpi sge, %mul3A_1352, %ge3A_1383 : vector<16xi32>
      %convert_element_type3A_1385 = arith.extui %ge3A_1384 : vector<16xi1> to vector<16xi32>
      %add3A_1386 = arith.addi %add3A_1382, %convert_element_type3A_1385 : vector<16xi32>
      %min3A_1387 = arith.constant 7 : i32
      %min3A_1388 = vector.broadcast %min3A_1387 : i32 to vector<16xi32>
      %min3A_1389 = arith.minsi %add3A_1386, %min3A_1388 : vector<16xi32>
      %swap3A_1390 = arith.constant 16 : index
      %swap3A_1391 = tpu.vector_load %arg16[%swap3A_1390] {strides = array<i32>} : memref<176xi32, #tpu.memory_space<vmem>>, vector<16xi32>,
      tpu.vector_store %arg16[%swap3A_1390], %min3A_1389 {strides = array<i32>} : memref<176xi32, #tpu.memory_space<vmem>>, vector<16xi32>,
      %add3A_1392 = arith.constant 32 : i32
      %add3A_1393 = vector.broadcast %add3A_1392 : i32 to vector<16xi32>
      %add3A_1394 = arith.addi %add3A_1393, %iota3A : vector<16xi32>
      %mul3A_1395 = arith.constant 1024 : i32
      %mul3A_1396 = vector.broadcast %mul3A_1395 : i32 to vector<16xi32>
      %mul3A_1397 = arith.muli %add3A_1394, %mul3A_1396 : vector<16xi32>
      %broadcast_in_dim3A_1398 = arith.constant 0 : i32
      %broadcast_in_dim3A_1399 = vector.broadcast %broadcast_in_dim3A_1398 : i32 to vector<16xi32>
      %ge3A_1400 = vector.broadcast %add3A_1100 : i32 to vector<16xi32>
      %ge3A_1401 = arith.cmpi sge, %mul3A_1397, %ge3A_1400 : vector<16xi32>
      %convert_element_type3A_1402 = arith.extui %ge3A_1401 : vector<16xi1> to vector<16xi32>
      %add3A_1403 = arith.addi %broadcast_in_dim3A_1399, %convert_element_type3A_1402 : vector<16xi32>
      %ge3A_1404 = vector.broadcast %add3A_1129 : i32 to vector<16xi32>
      %ge3A_1405 = arith.cmpi sge, %mul3A_1397, %ge3A_1404 : vector<16xi32>
      %convert_element_type3A_1406 = arith.extui %ge3A_1405 : vector<16xi1> to vector<16xi32>
      %add3A_1407 = arith.addi %add3A_1403, %convert_element_type3A_1406 : vector<16xi32>
      %ge3A_1408 = vector.broadcast %add3A_1158 : i32 to vector<16xi32>
      %ge3A_1409 = arith.cmpi sge, %mul3A_1397, %ge3A_1408 : vector<16xi32>
      %convert_element_type3A_1410 = arith.extui %ge3A_1409 : vector<16xi1> to vector<16xi32>
      %add3A_1411 = arith.addi %add3A_1407, %convert_element_type3A_1410 : vector<16xi32>
      %ge3A_1412 = vector.broadcast %add3A_1187 : i32 to vector<16xi32>
      %ge3A_1413 = arith.cmpi sge, %mul3A_1397, %ge3A_1412 : vector<16xi32>
      %convert_element_type3A_1414 = arith.extui %ge3A_1413 : vector<16xi1> to vector<16xi32>
      %add3A_1415 = arith.addi %add3A_1411, %convert_element_type3A_1414 : vector<16xi32>
      %ge3A_1416 = vector.broadcast %add3A_1216 : i32 to vector<16xi32>
      %ge3A_1417 = arith.cmpi sge, %mul3A_1397, %ge3A_1416 : vector<16xi32>
      %convert_element_type3A_1418 = arith.extui %ge3A_1417 : vector<16xi1> to vector<16xi32>
      %add3A_1419 = arith.addi %add3A_1415, %convert_element_type3A_1418 : vector<16xi32>
      %ge3A_1420 = vector.broadcast %add3A_1245 : i32 to vector<16xi32>
      %ge3A_1421 = arith.cmpi sge, %mul3A_1397, %ge3A_1420 : vector<16xi32>
      %convert_element_type3A_1422 = arith.extui %ge3A_1421 : vector<16xi1> to vector<16xi32>
      %add3A_1423 = arith.addi %add3A_1419, %convert_element_type3A_1422 : vector<16xi32>
      %ge3A_1424 = vector.broadcast %add3A_1274 : i32 to vector<16xi32>
      %ge3A_1425 = arith.cmpi sge, %mul3A_1397, %ge3A_1424 : vector<16xi32>
      %convert_element_type3A_1426 = arith.extui %ge3A_1425 : vector<16xi1> to vector<16xi32>
      %add3A_1427 = arith.addi %add3A_1423, %convert_element_type3A_1426 : vector<16xi32>
      %ge3A_1428 = vector.broadcast %add3A_1303 : i32 to vector<16xi32>
      %ge3A_1429 = arith.cmpi sge, %mul3A_1397, %ge3A_1428 : vector<16xi32>
      %convert_element_type3A_1430 = arith.extui %ge3A_1429 : vector<16xi1> to vector<16xi32>
      %add3A_1431 = arith.addi %add3A_1427, %convert_element_type3A_1430 : vector<16xi32>
      %min3A_1432 = arith.constant 7 : i32
      %min3A_1433 = vector.broadcast %min3A_1432 : i32 to vector<16xi32>
      %min3A_1434 = arith.minsi %add3A_1431, %min3A_1433 : vector<16xi32>
      %swap3A_1435 = arith.constant 32 : index
      %swap3A_1436 = tpu.vector_load %arg16[%swap3A_1435] {strides = array<i32>} : memref<176xi32, #tpu.memory_space<vmem>>, vector<16xi32>,
      tpu.vector_store %arg16[%swap3A_1435], %min3A_1434 {strides = array<i32>} : memref<176xi32, #tpu.memory_space<vmem>>, vector<16xi32>,
      %add3A_1437 = arith.constant 48 : i32
      %add3A_1438 = vector.broadcast %add3A_1437 : i32 to vector<16xi32>
      %add3A_1439 = arith.addi %add3A_1438, %iota3A : vector<16xi32>
      %mul3A_1440 = arith.constant 1024 : i32
      %mul3A_1441 = vector.broadcast %mul3A_1440 : i32 to vector<16xi32>
      %mul3A_1442 = arith.muli %add3A_1439, %mul3A_1441 : vector<16xi32>
      %broadcast_in_dim3A_1443 = arith.constant 0 : i32
      %broadcast_in_dim3A_1444 = vector.broadcast %broadcast_in_dim3A_1443 : i32 to vector<16xi32>
      %ge3A_1445 = vector.broadcast %add3A_1100 : i32 to vector<16xi32>
      %ge3A_1446 = arith.cmpi sge, %mul3A_1442, %ge3A_1445 : vector<16xi32>
      %convert_element_type3A_1447 = arith.extui %ge3A_1446 : vector<16xi1> to vector<16xi32>
      %add3A_1448 = arith.addi %broadcast_in_dim3A_1444, %convert_element_type3A_1447 : vector<16xi32>
      %ge3A_1449 = vector.broadcast %add3A_1129 : i32 to vector<16xi32>
      %ge3A_1450 = arith.cmpi sge, %mul3A_1442, %ge3A_1449 : vector<16xi32>
      %convert_element_type3A_1451 = arith.extui %ge3A_1450 : vector<16xi1> to vector<16xi32>
      %add3A_1452 = arith.addi %add3A_1448, %convert_element_type3A_1451 : vector<16xi32>
      %ge3A_1453 = vector.broadcast %add3A_1158 : i32 to vector<16xi32>
      %ge3A_1454 = arith.cmpi sge, %mul3A_1442, %ge3A_1453 : vector<16xi32>
      %convert_element_type3A_1455 = arith.extui %ge3A_1454 : vector<16xi1> to vector<16xi32>
      %add3A_1456 = arith.addi %add3A_1452, %convert_element_type3A_1455 : vector<16xi32>
      %ge3A_1457 = vector.broadcast %add3A_1187 : i32 to vector<16xi32>
      %ge3A_1458 = arith.cmpi sge, %mul3A_1442, %ge3A_1457 : vector<16xi32>
      %convert_element_type3A_1459 = arith.extui %ge3A_1458 : vector<16xi1> to vector<16xi32>
      %add3A_1460 = arith.addi %add3A_1456, %convert_element_type3A_1459 : vector<16xi32>
      %ge3A_1461 = vector.broadcast %add3A_1216 : i32 to vector<16xi32>
      %ge3A_1462 = arith.cmpi sge, %mul3A_1442, %ge3A_1461 : vector<16xi32>
      %convert_element_type3A_1463 = arith.extui %ge3A_1462 : vector<16xi1> to vector<16xi32>
      %add3A_1464 = arith.addi %add3A_1460, %convert_element_type3A_1463 : vector<16xi32>
      %ge3A_1465 = vector.broadcast %add3A_1245 : i32 to vector<16xi32>
      %ge3A_1466 = arith.cmpi sge, %mul3A_1442, %ge3A_1465 : vector<16xi32>
      %convert_element_type3A_1467 = arith.extui %ge3A_1466 : vector<16xi1> to vector<16xi32>
      %add3A_1468 = arith.addi %add3A_1464, %convert_element_type3A_1467 : vector<16xi32>
      %ge3A_1469 = vector.broadcast %add3A_1274 : i32 to vector<16xi32>
      %ge3A_1470 = arith.cmpi sge, %mul3A_1442, %ge3A_1469 : vector<16xi32>
      %convert_element_type3A_1471 = arith.extui %ge3A_1470 : vector<16xi1> to vector<16xi32>
      %add3A_1472 = arith.addi %add3A_1468, %convert_element_type3A_1471 : vector<16xi32>
      %ge3A_1473 = vector.broadcast %add3A_1303 : i32 to vector<16xi32>
      %ge3A_1474 = arith.cmpi sge, %mul3A_1442, %ge3A_1473 : vector<16xi32>
      %convert_element_type3A_1475 = arith.extui %ge3A_1474 : vector<16xi1> to vector<16xi32>
      %add3A_1476 = arith.addi %add3A_1472, %convert_element_type3A_1475 : vector<16xi32>
      %min3A_1477 = arith.constant 7 : i32
      %min3A_1478 = vector.broadcast %min3A_1477 : i32 to vector<16xi32>
      %min3A_1479 = arith.minsi %add3A_1476, %min3A_1478 : vector<16xi32>
      %swap3A_1480 = arith.constant 48 : index
      %swap3A_1481 = tpu.vector_load %arg16[%swap3A_1480] {strides = array<i32>} : memref<176xi32, #tpu.memory_space<vmem>>, vector<16xi32>,
      tpu.vector_store %arg16[%swap3A_1480], %min3A_1479 {strides = array<i32>} : memref<176xi32, #tpu.memory_space<vmem>>, vector<16xi32>,
      %add3A_1482 = arith.constant 64 : i32
      %add3A_1483 = vector.broadcast %add3A_1482 : i32 to vector<16xi32>
      %add3A_1484 = arith.addi %add3A_1483, %iota3A : vector<16xi32>
      %mul3A_1485 = arith.constant 1024 : i32
      %mul3A_1486 = vector.broadcast %mul3A_1485 : i32 to vector<16xi32>
      %mul3A_1487 = arith.muli %add3A_1484, %mul3A_1486 : vector<16xi32>
      %broadcast_in_dim3A_1488 = arith.constant 0 : i32
      %broadcast_in_dim3A_1489 = vector.broadcast %broadcast_in_dim3A_1488 : i32 to vector<16xi32>
      %ge3A_1490 = vector.broadcast %add3A_1100 : i32 to vector<16xi32>
      %ge3A_1491 = arith.cmpi sge, %mul3A_1487, %ge3A_1490 : vector<16xi32>
      %convert_element_type3A_1492 = arith.extui %ge3A_1491 : vector<16xi1> to vector<16xi32>
      %add3A_1493 = arith.addi %broadcast_in_dim3A_1489, %convert_element_type3A_1492 : vector<16xi32>
      %ge3A_1494 = vector.broadcast %add3A_1129 : i32 to vector<16xi32>
      %ge3A_1495 = arith.cmpi sge, %mul3A_1487, %ge3A_1494 : vector<16xi32>
      %convert_element_type3A_1496 = arith.extui %ge3A_1495 : vector<16xi1> to vector<16xi32>
      %add3A_1497 = arith.addi %add3A_1493, %convert_element_type3A_1496 : vector<16xi32>
      %ge3A_1498 = vector.broadcast %add3A_1158 : i32 to vector<16xi32>
      %ge3A_1499 = arith.cmpi sge, %mul3A_1487, %ge3A_1498 : vector<16xi32>
      %convert_element_type3A_1500 = arith.extui %ge3A_1499 : vector<16xi1> to vector<16xi32>
      %add3A_1501 = arith.addi %add3A_1497, %convert_element_type3A_1500 : vector<16xi32>
      %ge3A_1502 = vector.broadcast %add3A_1187 : i32 to vector<16xi32>
      %ge3A_1503 = arith.cmpi sge, %mul3A_1487, %ge3A_1502 : vector<16xi32>
      %convert_element_type3A_1504 = arith.extui %ge3A_1503 : vector<16xi1> to vector<16xi32>
      %add3A_1505 = arith.addi %add3A_1501, %convert_element_type3A_1504 : vector<16xi32>
      %ge3A_1506 = vector.broadcast %add3A_1216 : i32 to vector<16xi32>
      %ge3A_1507 = arith.cmpi sge, %mul3A_1487, %ge3A_1506 : vector<16xi32>
      %convert_element_type3A_1508 = arith.extui %ge3A_1507 : vector<16xi1> to vector<16xi32>
      %add3A_1509 = arith.addi %add3A_1505, %convert_element_type3A_1508 : vector<16xi32>
      %ge3A_1510 = vector.broadcast %add3A_1245 : i32 to vector<16xi32>
      %ge3A_1511 = arith.cmpi sge, %mul3A_1487, %ge3A_1510 : vector<16xi32>
      %convert_element_type3A_1512 = arith.extui %ge3A_1511 : vector<16xi1> to vector<16xi32>
      %add3A_1513 = arith.addi %add3A_1509, %convert_element_type3A_1512 : vector<16xi32>
      %ge3A_1514 = vector.broadcast %add3A_1274 : i32 to vector<16xi32>
      %ge3A_1515 = arith.cmpi sge, %mul3A_1487, %ge3A_1514 : vector<16xi32>
      %convert_element_type3A_1516 = arith.extui %ge3A_1515 : vector<16xi1> to vector<16xi32>
      %add3A_1517 = arith.addi %add3A_1513, %convert_element_type3A_1516 : vector<16xi32>
      %ge3A_1518 = vector.broadcast %add3A_1303 : i32 to vector<16xi32>
      %ge3A_1519 = arith.cmpi sge, %mul3A_1487, %ge3A_1518 : vector<16xi32>
      %convert_element_type3A_1520 = arith.extui %ge3A_1519 : vector<16xi1> to vector<16xi32>
      %add3A_1521 = arith.addi %add3A_1517, %convert_element_type3A_1520 : vector<16xi32>
      %min3A_1522 = arith.constant 7 : i32
      %min3A_1523 = vector.broadcast %min3A_1522 : i32 to vector<16xi32>
      %min3A_1524 = arith.minsi %add3A_1521, %min3A_1523 : vector<16xi32>
      %swap3A_1525 = arith.constant 64 : index
      %swap3A_1526 = tpu.vector_load %arg16[%swap3A_1525] {strides = array<i32>} : memref<176xi32, #tpu.memory_space<vmem>>, vector<16xi32>,
      tpu.vector_store %arg16[%swap3A_1525], %min3A_1524 {strides = array<i32>} : memref<176xi32, #tpu.memory_space<vmem>>, vector<16xi32>,
      %add3A_1527 = arith.constant 80 : i32
      %add3A_1528 = vector.broadcast %add3A_1527 : i32 to vector<16xi32>
      %add3A_1529 = arith.addi %add3A_1528, %iota3A : vector<16xi32>
      %mul3A_1530 = arith.constant 1024 : i32
      %mul3A_1531 = vector.broadcast %mul3A_1530 : i32 to vector<16xi32>
      %mul3A_1532 = arith.muli %add3A_1529, %mul3A_1531 : vector<16xi32>
      %broadcast_in_dim3A_1533 = arith.constant 0 : i32
      %broadcast_in_dim3A_1534 = vector.broadcast %broadcast_in_dim3A_1533 : i32 to vector<16xi32>
      %ge3A_1535 = vector.broadcast %add3A_1100 : i32 to vector<16xi32>
      %ge3A_1536 = arith.cmpi sge, %mul3A_1532, %ge3A_1535 : vector<16xi32>
      %convert_element_type3A_1537 = arith.extui %ge3A_1536 : vector<16xi1> to vector<16xi32>
      %add3A_1538 = arith.addi %broadcast_in_dim3A_1534, %convert_element_type3A_1537 : vector<16xi32>
      %ge3A_1539 = vector.broadcast %add3A_1129 : i32 to vector<16xi32>
      %ge3A_1540 = arith.cmpi sge, %mul3A_1532, %ge3A_1539 : vector<16xi32>
      %convert_element_type3A_1541 = arith.extui %ge3A_1540 : vector<16xi1> to vector<16xi32>
      %add3A_1542 = arith.addi %add3A_1538, %convert_element_type3A_1541 : vector<16xi32>
      %ge3A_1543 = vector.broadcast %add3A_1158 : i32 to vector<16xi32>
      %ge3A_1544 = arith.cmpi sge, %mul3A_1532, %ge3A_1543 : vector<16xi32>
      %convert_element_type3A_1545 = arith.extui %ge3A_1544 : vector<16xi1> to vector<16xi32>
      %add3A_1546 = arith.addi %add3A_1542, %convert_element_type3A_1545 : vector<16xi32>
      %ge3A_1547 = vector.broadcast %add3A_1187 : i32 to vector<16xi32>
      %ge3A_1548 = arith.cmpi sge, %mul3A_1532, %ge3A_1547 : vector<16xi32>
      %convert_element_type3A_1549 = arith.extui %ge3A_1548 : vector<16xi1> to vector<16xi32>
      %add3A_1550 = arith.addi %add3A_1546, %convert_element_type3A_1549 : vector<16xi32>
      %ge3A_1551 = vector.broadcast %add3A_1216 : i32 to vector<16xi32>
      %ge3A_1552 = arith.cmpi sge, %mul3A_1532, %ge3A_1551 : vector<16xi32>
      %convert_element_type3A_1553 = arith.extui %ge3A_1552 : vector<16xi1> to vector<16xi32>
      %add3A_1554 = arith.addi %add3A_1550, %convert_element_type3A_1553 : vector<16xi32>
      %ge3A_1555 = vector.broadcast %add3A_1245 : i32 to vector<16xi32>
      %ge3A_1556 = arith.cmpi sge, %mul3A_1532, %ge3A_1555 : vector<16xi32>
      %convert_element_type3A_1557 = arith.extui %ge3A_1556 : vector<16xi1> to vector<16xi32>
      %add3A_1558 = arith.addi %add3A_1554, %convert_element_type3A_1557 : vector<16xi32>
      %ge3A_1559 = vector.broadcast %add3A_1274 : i32 to vector<16xi32>
      %ge3A_1560 = arith.cmpi sge, %mul3A_1532, %ge3A_1559 : vector<16xi32>
      %convert_element_type3A_1561 = arith.extui %ge3A_1560 : vector<16xi1> to vector<16xi32>
      %add3A_1562 = arith.addi %add3A_1558, %convert_element_type3A_1561 : vector<16xi32>
      %ge3A_1563 = vector.broadcast %add3A_1303 : i32 to vector<16xi32>
      %ge3A_1564 = arith.cmpi sge, %mul3A_1532, %ge3A_1563 : vector<16xi32>
      %convert_element_type3A_1565 = arith.extui %ge3A_1564 : vector<16xi1> to vector<16xi32>
      %add3A_1566 = arith.addi %add3A_1562, %convert_element_type3A_1565 : vector<16xi32>
      %min3A_1567 = arith.constant 7 : i32
      %min3A_1568 = vector.broadcast %min3A_1567 : i32 to vector<16xi32>
      %min3A_1569 = arith.minsi %add3A_1566, %min3A_1568 : vector<16xi32>
      %swap3A_1570 = arith.constant 80 : index
      %swap3A_1571 = tpu.vector_load %arg16[%swap3A_1570] {strides = array<i32>} : memref<176xi32, #tpu.memory_space<vmem>>, vector<16xi32>,
      tpu.vector_store %arg16[%swap3A_1570], %min3A_1569 {strides = array<i32>} : memref<176xi32, #tpu.memory_space<vmem>>, vector<16xi32>,
      %add3A_1572 = arith.constant 96 : i32
      %add3A_1573 = vector.broadcast %add3A_1572 : i32 to vector<16xi32>
      %add3A_1574 = arith.addi %add3A_1573, %iota3A : vector<16xi32>
      %mul3A_1575 = arith.constant 1024 : i32
      %mul3A_1576 = vector.broadcast %mul3A_1575 : i32 to vector<16xi32>
      %mul3A_1577 = arith.muli %add3A_1574, %mul3A_1576 : vector<16xi32>
      %broadcast_in_dim3A_1578 = arith.constant 0 : i32
      %broadcast_in_dim3A_1579 = vector.broadcast %broadcast_in_dim3A_1578 : i32 to vector<16xi32>
      %ge3A_1580 = vector.broadcast %add3A_1100 : i32 to vector<16xi32>
      %ge3A_1581 = arith.cmpi sge, %mul3A_1577, %ge3A_1580 : vector<16xi32>
      %convert_element_type3A_1582 = arith.extui %ge3A_1581 : vector<16xi1> to vector<16xi32>
      %add3A_1583 = arith.addi %broadcast_in_dim3A_1579, %convert_element_type3A_1582 : vector<16xi32>
      %ge3A_1584 = vector.broadcast %add3A_1129 : i32 to vector<16xi32>
      %ge3A_1585 = arith.cmpi sge, %mul3A_1577, %ge3A_1584 : vector<16xi32>
      %convert_element_type3A_1586 = arith.extui %ge3A_1585 : vector<16xi1> to vector<16xi32>
      %add3A_1587 = arith.addi %add3A_1583, %convert_element_type3A_1586 : vector<16xi32>
      %ge3A_1588 = vector.broadcast %add3A_1158 : i32 to vector<16xi32>
      %ge3A_1589 = arith.cmpi sge, %mul3A_1577, %ge3A_1588 : vector<16xi32>
      %convert_element_type3A_1590 = arith.extui %ge3A_1589 : vector<16xi1> to vector<16xi32>
      %add3A_1591 = arith.addi %add3A_1587, %convert_element_type3A_1590 : vector<16xi32>
      %ge3A_1592 = vector.broadcast %add3A_1187 : i32 to vector<16xi32>
      %ge3A_1593 = arith.cmpi sge, %mul3A_1577, %ge3A_1592 : vector<16xi32>
      %convert_element_type3A_1594 = arith.extui %ge3A_1593 : vector<16xi1> to vector<16xi32>
      %add3A_1595 = arith.addi %add3A_1591, %convert_element_type3A_1594 : vector<16xi32>
      %ge3A_1596 = vector.broadcast %add3A_1216 : i32 to vector<16xi32>
      %ge3A_1597 = arith.cmpi sge, %mul3A_1577, %ge3A_1596 : vector<16xi32>
      %convert_element_type3A_1598 = arith.extui %ge3A_1597 : vector<16xi1> to vector<16xi32>
      %add3A_1599 = arith.addi %add3A_1595, %convert_element_type3A_1598 : vector<16xi32>
      %ge3A_1600 = vector.broadcast %add3A_1245 : i32 to vector<16xi32>
      %ge3A_1601 = arith.cmpi sge, %mul3A_1577, %ge3A_1600 : vector<16xi32>
      %convert_element_type3A_1602 = arith.extui %ge3A_1601 : vector<16xi1> to vector<16xi32>
      %add3A_1603 = arith.addi %add3A_1599, %convert_element_type3A_1602 : vector<16xi32>
      %ge3A_1604 = vector.broadcast %add3A_1274 : i32 to vector<16xi32>
      %ge3A_1605 = arith.cmpi sge, %mul3A_1577, %ge3A_1604 : vector<16xi32>
      %convert_element_type3A_1606 = arith.extui %ge3A_1605 : vector<16xi1> to vector<16xi32>
      %add3A_1607 = arith.addi %add3A_1603, %convert_element_type3A_1606 : vector<16xi32>
      %ge3A_1608 = vector.broadcast %add3A_1303 : i32 to vector<16xi32>
      %ge3A_1609 = arith.cmpi sge, %mul3A_1577, %ge3A_1608 : vector<16xi32>
      %convert_element_type3A_1610 = arith.extui %ge3A_1609 : vector<16xi1> to vector<16xi32>
      %add3A_1611 = arith.addi %add3A_1607, %convert_element_type3A_1610 : vector<16xi32>
      %min3A_1612 = arith.constant 7 : i32
      %min3A_1613 = vector.broadcast %min3A_1612 : i32 to vector<16xi32>
      %min3A_1614 = arith.minsi %add3A_1611, %min3A_1613 : vector<16xi32>
      %swap3A_1615 = arith.constant 96 : index
      %swap3A_1616 = tpu.vector_load %arg16[%swap3A_1615] {strides = array<i32>} : memref<176xi32, #tpu.memory_space<vmem>>, vector<16xi32>,
      tpu.vector_store %arg16[%swap3A_1615], %min3A_1614 {strides = array<i32>} : memref<176xi32, #tpu.memory_space<vmem>>, vector<16xi32>,
      %add3A_1617 = arith.constant 112 : i32
      %add3A_1618 = vector.broadcast %add3A_1617 : i32 to vector<16xi32>
      %add3A_1619 = arith.addi %add3A_1618, %iota3A : vector<16xi32>
      %mul3A_1620 = arith.constant 1024 : i32
      %mul3A_1621 = vector.broadcast %mul3A_1620 : i32 to vector<16xi32>
      %mul3A_1622 = arith.muli %add3A_1619, %mul3A_1621 : vector<16xi32>
      %broadcast_in_dim3A_1623 = arith.constant 0 : i32
      %broadcast_in_dim3A_1624 = vector.broadcast %broadcast_in_dim3A_1623 : i32 to vector<16xi32>
      %ge3A_1625 = vector.broadcast %add3A_1100 : i32 to vector<16xi32>
      %ge3A_1626 = arith.cmpi sge, %mul3A_1622, %ge3A_1625 : vector<16xi32>
      %convert_element_type3A_1627 = arith.extui %ge3A_1626 : vector<16xi1> to vector<16xi32>
      %add3A_1628 = arith.addi %broadcast_in_dim3A_1624, %convert_element_type3A_1627 : vector<16xi32>
      %ge3A_1629 = vector.broadcast %add3A_1129 : i32 to vector<16xi32>
      %ge3A_1630 = arith.cmpi sge, %mul3A_1622, %ge3A_1629 : vector<16xi32>
      %convert_element_type3A_1631 = arith.extui %ge3A_1630 : vector<16xi1> to vector<16xi32>
      %add3A_1632 = arith.addi %add3A_1628, %convert_element_type3A_1631 : vector<16xi32>
      %ge3A_1633 = vector.broadcast %add3A_1158 : i32 to vector<16xi32>
      %ge3A_1634 = arith.cmpi sge, %mul3A_1622, %ge3A_1633 : vector<16xi32>
      %convert_element_type3A_1635 = arith.extui %ge3A_1634 : vector<16xi1> to vector<16xi32>
      %add3A_1636 = arith.addi %add3A_1632, %convert_element_type3A_1635 : vector<16xi32>
      %ge3A_1637 = vector.broadcast %add3A_1187 : i32 to vector<16xi32>
      %ge3A_1638 = arith.cmpi sge, %mul3A_1622, %ge3A_1637 : vector<16xi32>
      %convert_element_type3A_1639 = arith.extui %ge3A_1638 : vector<16xi1> to vector<16xi32>
      %add3A_1640 = arith.addi %add3A_1636, %convert_element_type3A_1639 : vector<16xi32>
      %ge3A_1641 = vector.broadcast %add3A_1216 : i32 to vector<16xi32>
      %ge3A_1642 = arith.cmpi sge, %mul3A_1622, %ge3A_1641 : vector<16xi32>
      %convert_element_type3A_1643 = arith.extui %ge3A_1642 : vector<16xi1> to vector<16xi32>
      %add3A_1644 = arith.addi %add3A_1640, %convert_element_type3A_1643 : vector<16xi32>
      %ge3A_1645 = vector.broadcast %add3A_1245 : i32 to vector<16xi32>
      %ge3A_1646 = arith.cmpi sge, %mul3A_1622, %ge3A_1645 : vector<16xi32>
      %convert_element_type3A_1647 = arith.extui %ge3A_1646 : vector<16xi1> to vector<16xi32>
      %add3A_1648 = arith.addi %add3A_1644, %convert_element_type3A_1647 : vector<16xi32>
      %ge3A_1649 = vector.broadcast %add3A_1274 : i32 to vector<16xi32>
      %ge3A_1650 = arith.cmpi sge, %mul3A_1622, %ge3A_1649 : vector<16xi32>
      %convert_element_type3A_1651 = arith.extui %ge3A_1650 : vector<16xi1> to vector<16xi32>
      %add3A_1652 = arith.addi %add3A_1648, %convert_element_type3A_1651 : vector<16xi32>
      %ge3A_1653 = vector.broadcast %add3A_1303 : i32 to vector<16xi32>
      %ge3A_1654 = arith.cmpi sge, %mul3A_1622, %ge3A_1653 : vector<16xi32>
      %convert_element_type3A_1655 = arith.extui %ge3A_1654 : vector<16xi1> to vector<16xi32>
      %add3A_1656 = arith.addi %add3A_1652, %convert_element_type3A_1655 : vector<16xi32>
      %min3A_1657 = arith.constant 7 : i32
      %min3A_1658 = vector.broadcast %min3A_1657 : i32 to vector<16xi32>
      %min3A_1659 = arith.minsi %add3A_1656, %min3A_1658 : vector<16xi32>
      %swap3A_1660 = arith.constant 112 : index
      %swap3A_1661 = tpu.vector_load %arg16[%swap3A_1660] {strides = array<i32>} : memref<176xi32, #tpu.memory_space<vmem>>, vector<16xi32>,
      tpu.vector_store %arg16[%swap3A_1660], %min3A_1659 {strides = array<i32>} : memref<176xi32, #tpu.memory_space<vmem>>, vector<16xi32>,
      %add3A_1662 = arith.constant 128 : i32
      %add3A_1663 = vector.broadcast %add3A_1662 : i32 to vector<16xi32>
      %add3A_1664 = arith.addi %add3A_1663, %iota3A : vector<16xi32>
      %mul3A_1665 = arith.constant 1024 : i32
      %mul3A_1666 = vector.broadcast %mul3A_1665 : i32 to vector<16xi32>
      %mul3A_1667 = arith.muli %add3A_1664, %mul3A_1666 : vector<16xi32>
      %broadcast_in_dim3A_1668 = arith.constant 0 : i32
      %broadcast_in_dim3A_1669 = vector.broadcast %broadcast_in_dim3A_1668 : i32 to vector<16xi32>
      %ge3A_1670 = vector.broadcast %add3A_1100 : i32 to vector<16xi32>
      %ge3A_1671 = arith.cmpi sge, %mul3A_1667, %ge3A_1670 : vector<16xi32>
      %convert_element_type3A_1672 = arith.extui %ge3A_1671 : vector<16xi1> to vector<16xi32>
      %add3A_1673 = arith.addi %broadcast_in_dim3A_1669, %convert_element_type3A_1672 : vector<16xi32>
      %ge3A_1674 = vector.broadcast %add3A_1129 : i32 to vector<16xi32>
      %ge3A_1675 = arith.cmpi sge, %mul3A_1667, %ge3A_1674 : vector<16xi32>
      %convert_element_type3A_1676 = arith.extui %ge3A_1675 : vector<16xi1> to vector<16xi32>
      %add3A_1677 = arith.addi %add3A_1673, %convert_element_type3A_1676 : vector<16xi32>
      %ge3A_1678 = vector.broadcast %add3A_1158 : i32 to vector<16xi32>
      %ge3A_1679 = arith.cmpi sge, %mul3A_1667, %ge3A_1678 : vector<16xi32>
      %convert_element_type3A_1680 = arith.extui %ge3A_1679 : vector<16xi1> to vector<16xi32>
      %add3A_1681 = arith.addi %add3A_1677, %convert_element_type3A_1680 : vector<16xi32>
      %ge3A_1682 = vector.broadcast %add3A_1187 : i32 to vector<16xi32>
      %ge3A_1683 = arith.cmpi sge, %mul3A_1667, %ge3A_1682 : vector<16xi32>
      %convert_element_type3A_1684 = arith.extui %ge3A_1683 : vector<16xi1> to vector<16xi32>
      %add3A_1685 = arith.addi %add3A_1681, %convert_element_type3A_1684 : vector<16xi32>
      %ge3A_1686 = vector.broadcast %add3A_1216 : i32 to vector<16xi32>
      %ge3A_1687 = arith.cmpi sge, %mul3A_1667, %ge3A_1686 : vector<16xi32>
      %convert_element_type3A_1688 = arith.extui %ge3A_1687 : vector<16xi1> to vector<16xi32>
      %add3A_1689 = arith.addi %add3A_1685, %convert_element_type3A_1688 : vector<16xi32>
      %ge3A_1690 = vector.broadcast %add3A_1245 : i32 to vector<16xi32>
      %ge3A_1691 = arith.cmpi sge, %mul3A_1667, %ge3A_1690 : vector<16xi32>
      %convert_element_type3A_1692 = arith.extui %ge3A_1691 : vector<16xi1> to vector<16xi32>
      %add3A_1693 = arith.addi %add3A_1689, %convert_element_type3A_1692 : vector<16xi32>
      %ge3A_1694 = vector.broadcast %add3A_1274 : i32 to vector<16xi32>
      %ge3A_1695 = arith.cmpi sge, %mul3A_1667, %ge3A_1694 : vector<16xi32>
      %convert_element_type3A_1696 = arith.extui %ge3A_1695 : vector<16xi1> to vector<16xi32>
      %add3A_1697 = arith.addi %add3A_1693, %convert_element_type3A_1696 : vector<16xi32>
      %ge3A_1698 = vector.broadcast %add3A_1303 : i32 to vector<16xi32>
      %ge3A_1699 = arith.cmpi sge, %mul3A_1667, %ge3A_1698 : vector<16xi32>
      %convert_element_type3A_1700 = arith.extui %ge3A_1699 : vector<16xi1> to vector<16xi32>
      %add3A_1701 = arith.addi %add3A_1697, %convert_element_type3A_1700 : vector<16xi32>
      %min3A_1702 = arith.constant 7 : i32
      %min3A_1703 = vector.broadcast %min3A_1702 : i32 to vector<16xi32>
      %min3A_1704 = arith.minsi %add3A_1701, %min3A_1703 : vector<16xi32>
      %swap3A_1705 = arith.constant 128 : index
      %swap3A_1706 = tpu.vector_load %arg16[%swap3A_1705] {strides = array<i32>} : memref<176xi32, #tpu.memory_space<vmem>>, vector<16xi32>,
      tpu.vector_store %arg16[%swap3A_1705], %min3A_1704 {strides = array<i32>} : memref<176xi32, #tpu.memory_space<vmem>>, vector<16xi32>,
      %add3A_1707 = arith.constant 144 : i32
      %add3A_1708 = vector.broadcast %add3A_1707 : i32 to vector<16xi32>
      %add3A_1709 = arith.addi %add3A_1708, %iota3A : vector<16xi32>
      %mul3A_1710 = arith.constant 1024 : i32
      %mul3A_1711 = vector.broadcast %mul3A_1710 : i32 to vector<16xi32>
      %mul3A_1712 = arith.muli %add3A_1709, %mul3A_1711 : vector<16xi32>
      %broadcast_in_dim3A_1713 = arith.constant 0 : i32
      %broadcast_in_dim3A_1714 = vector.broadcast %broadcast_in_dim3A_1713 : i32 to vector<16xi32>
      %ge3A_1715 = vector.broadcast %add3A_1100 : i32 to vector<16xi32>
      %ge3A_1716 = arith.cmpi sge, %mul3A_1712, %ge3A_1715 : vector<16xi32>
      %convert_element_type3A_1717 = arith.extui %ge3A_1716 : vector<16xi1> to vector<16xi32>
      %add3A_1718 = arith.addi %broadcast_in_dim3A_1714, %convert_element_type3A_1717 : vector<16xi32>
      %ge3A_1719 = vector.broadcast %add3A_1129 : i32 to vector<16xi32>
      %ge3A_1720 = arith.cmpi sge, %mul3A_1712, %ge3A_1719 : vector<16xi32>
      %convert_element_type3A_1721 = arith.extui %ge3A_1720 : vector<16xi1> to vector<16xi32>
      %add3A_1722 = arith.addi %add3A_1718, %convert_element_type3A_1721 : vector<16xi32>
      %ge3A_1723 = vector.broadcast %add3A_1158 : i32 to vector<16xi32>
      %ge3A_1724 = arith.cmpi sge, %mul3A_1712, %ge3A_1723 : vector<16xi32>
      %convert_element_type3A_1725 = arith.extui %ge3A_1724 : vector<16xi1> to vector<16xi32>
      %add3A_1726 = arith.addi %add3A_1722, %convert_element_type3A_1725 : vector<16xi32>
      %ge3A_1727 = vector.broadcast %add3A_1187 : i32 to vector<16xi32>
      %ge3A_1728 = arith.cmpi sge, %mul3A_1712, %ge3A_1727 : vector<16xi32>
      %convert_element_type3A_1729 = arith.extui %ge3A_1728 : vector<16xi1> to vector<16xi32>
      %add3A_1730 = arith.addi %add3A_1726, %convert_element_type3A_1729 : vector<16xi32>
      %ge3A_1731 = vector.broadcast %add3A_1216 : i32 to vector<16xi32>
      %ge3A_1732 = arith.cmpi sge, %mul3A_1712, %ge3A_1731 : vector<16xi32>
      %convert_element_type3A_1733 = arith.extui %ge3A_1732 : vector<16xi1> to vector<16xi32>
      %add3A_1734 = arith.addi %add3A_1730, %convert_element_type3A_1733 : vector<16xi32>
      %ge3A_1735 = vector.broadcast %add3A_1245 : i32 to vector<16xi32>
      %ge3A_1736 = arith.cmpi sge, %mul3A_1712, %ge3A_1735 : vector<16xi32>
      %convert_element_type3A_1737 = arith.extui %ge3A_1736 : vector<16xi1> to vector<16xi32>
      %add3A_1738 = arith.addi %add3A_1734, %convert_element_type3A_1737 : vector<16xi32>
      %ge3A_1739 = vector.broadcast %add3A_1274 : i32 to vector<16xi32>
      %ge3A_1740 = arith.cmpi sge, %mul3A_1712, %ge3A_1739 : vector<16xi32>
      %convert_element_type3A_1741 = arith.extui %ge3A_1740 : vector<16xi1> to vector<16xi32>
      %add3A_1742 = arith.addi %add3A_1738, %convert_element_type3A_1741 : vector<16xi32>
      %ge3A_1743 = vector.broadcast %add3A_1303 : i32 to vector<16xi32>
      %ge3A_1744 = arith.cmpi sge, %mul3A_1712, %ge3A_1743 : vector<16xi32>
      %convert_element_type3A_1745 = arith.extui %ge3A_1744 : vector<16xi1> to vector<16xi32>
      %add3A_1746 = arith.addi %add3A_1742, %convert_element_type3A_1745 : vector<16xi32>
      %min3A_1747 = arith.constant 7 : i32
      %min3A_1748 = vector.broadcast %min3A_1747 : i32 to vector<16xi32>
      %min3A_1749 = arith.minsi %add3A_1746, %min3A_1748 : vector<16xi32>
      %swap3A_1750 = arith.constant 144 : index
      %swap3A_1751 = tpu.vector_load %arg16[%swap3A_1750] {strides = array<i32>} : memref<176xi32, #tpu.memory_space<vmem>>, vector<16xi32>,
      tpu.vector_store %arg16[%swap3A_1750], %min3A_1749 {strides = array<i32>} : memref<176xi32, #tpu.memory_space<vmem>>, vector<16xi32>,
      %add3A_1752 = arith.constant 160 : i32
      %add3A_1753 = vector.broadcast %add3A_1752 : i32 to vector<16xi32>
      %add3A_1754 = arith.addi %add3A_1753, %iota3A : vector<16xi32>
      %mul3A_1755 = arith.constant 1024 : i32
      %mul3A_1756 = vector.broadcast %mul3A_1755 : i32 to vector<16xi32>
      %mul3A_1757 = arith.muli %add3A_1754, %mul3A_1756 : vector<16xi32>
      %broadcast_in_dim3A_1758 = arith.constant 0 : i32
      %broadcast_in_dim3A_1759 = vector.broadcast %broadcast_in_dim3A_1758 : i32 to vector<16xi32>
      %ge3A_1760 = vector.broadcast %add3A_1100 : i32 to vector<16xi32>
      %ge3A_1761 = arith.cmpi sge, %mul3A_1757, %ge3A_1760 : vector<16xi32>
      %convert_element_type3A_1762 = arith.extui %ge3A_1761 : vector<16xi1> to vector<16xi32>
      %add3A_1763 = arith.addi %broadcast_in_dim3A_1759, %convert_element_type3A_1762 : vector<16xi32>
      %ge3A_1764 = vector.broadcast %add3A_1129 : i32 to vector<16xi32>
      %ge3A_1765 = arith.cmpi sge, %mul3A_1757, %ge3A_1764 : vector<16xi32>
      %convert_element_type3A_1766 = arith.extui %ge3A_1765 : vector<16xi1> to vector<16xi32>
      %add3A_1767 = arith.addi %add3A_1763, %convert_element_type3A_1766 : vector<16xi32>
      %ge3A_1768 = vector.broadcast %add3A_1158 : i32 to vector<16xi32>
      %ge3A_1769 = arith.cmpi sge, %mul3A_1757, %ge3A_1768 : vector<16xi32>
      %convert_element_type3A_1770 = arith.extui %ge3A_1769 : vector<16xi1> to vector<16xi32>
      %add3A_1771 = arith.addi %add3A_1767, %convert_element_type3A_1770 : vector<16xi32>
      %ge3A_1772 = vector.broadcast %add3A_1187 : i32 to vector<16xi32>
      %ge3A_1773 = arith.cmpi sge, %mul3A_1757, %ge3A_1772 : vector<16xi32>
      %convert_element_type3A_1774 = arith.extui %ge3A_1773 : vector<16xi1> to vector<16xi32>
      %add3A_1775 = arith.addi %add3A_1771, %convert_element_type3A_1774 : vector<16xi32>
      %ge3A_1776 = vector.broadcast %add3A_1216 : i32 to vector<16xi32>
      %ge3A_1777 = arith.cmpi sge, %mul3A_1757, %ge3A_1776 : vector<16xi32>
      %convert_element_type3A_1778 = arith.extui %ge3A_1777 : vector<16xi1> to vector<16xi32>
      %add3A_1779 = arith.addi %add3A_1775, %convert_element_type3A_1778 : vector<16xi32>
      %ge3A_1780 = vector.broadcast %add3A_1245 : i32 to vector<16xi32>
      %ge3A_1781 = arith.cmpi sge, %mul3A_1757, %ge3A_1780 : vector<16xi32>
      %convert_element_type3A_1782 = arith.extui %ge3A_1781 : vector<16xi1> to vector<16xi32>
      %add3A_1783 = arith.addi %add3A_1779, %convert_element_type3A_1782 : vector<16xi32>
      %ge3A_1784 = vector.broadcast %add3A_1274 : i32 to vector<16xi32>
      %ge3A_1785 = arith.cmpi sge, %mul3A_1757, %ge3A_1784 : vector<16xi32>
      %convert_element_type3A_1786 = arith.extui %ge3A_1785 : vector<16xi1> to vector<16xi32>
      %add3A_1787 = arith.addi %add3A_1783, %convert_element_type3A_1786 : vector<16xi32>
      %ge3A_1788 = vector.broadcast %add3A_1303 : i32 to vector<16xi32>
      %ge3A_1789 = arith.cmpi sge, %mul3A_1757, %ge3A_1788 : vector<16xi32>
      %convert_element_type3A_1790 = arith.extui %ge3A_1789 : vector<16xi1> to vector<16xi32>
      %add3A_1791 = arith.addi %add3A_1787, %convert_element_type3A_1790 : vector<16xi32>
      %min3A_1792 = arith.constant 7 : i32
      %min3A_1793 = vector.broadcast %min3A_1792 : i32 to vector<16xi32>
      %min3A_1794 = arith.minsi %add3A_1791, %min3A_1793 : vector<16xi32>
      %swap3A_1795 = arith.constant 160 : index
      %swap3A_1796 = tpu.vector_load %arg16[%swap3A_1795] {strides = array<i32>} : memref<176xi32, #tpu.memory_space<vmem>>, vector<16xi32>,
      tpu.vector_store %arg16[%swap3A_1795], %min3A_1794 {strides = array<i32>} : memref<176xi32, #tpu.memory_space<vmem>>, vector<16xi32>,
      "tpu.region"() ({
        %run_scoped3A = tpu.sem_alloc : memref<!tpu.dma_semaphore, #tpu.memory_space<semaphore_mem>>
        tpu.enqueue_dma source(%arg16 : memref<176xi32, #tpu.memory_space<vmem>>) target(%arg8 : memref<176xi32, #tpu.memory_space<hbm>>) target_semaphore(%run_scoped3A : memref<!tpu.dma_semaphore, #tpu.memory_space<semaphore_mem>>)
        tpu.wait_dma2 semaphore(%run_scoped3A : memref<!tpu.dma_semaphore, #tpu.memory_space<semaphore_mem>>) src(%arg16 : memref<176xi32, #tpu.memory_space<vmem>>) dst(%arg8 : memref<176xi32, #tpu.memory_space<hbm>>)
        tpu.yield
      }) : () -> ()
    } else {
    }
    %scan3A_529 = arith.constant 0 : i32
    %scan3A_530 = arith.constant 0 : i32
    %scan3A_531 = arith.constant 32 : i32
    %scan3A_532 = arith.addi %scan3A_530, %scan3A_531 : i32
    %scan3A_533 = arith.constant 1 : i32
    %scan3A_534 = scf.for %scan3A_1072 = %scan3A_530 to %scan3A_532 step %scan3A_533 iter_args(%scan3A_1073 = %scan3A_529) -> (i32)  : i32 {
      %mul3A_1074 = arith.constant 128 : i32
      %mul3A_1075 = arith.muli %scan3A_1072, %mul3A_1074 : i32
      %add3A_1076 = arith.constant 0 : i32
      %add3A_1077 = arith.addi %mul3A_1075, %add3A_1076 : i32
      %get3A_1078 = arith.index_cast %add3A_1077 : i32 to index
      %get3A_1079 = tpu.vector_load %arg10[%get3A_1078] {strides = array<i32>} : memref<4096xi32, #tpu.memory_space<vmem>>, vector<16xi32>,
      %gather3A = tpu.vector_load_idx %arg13[%get3A_1079, %iota3A] : memref<8x16xi32, #tpu.memory_space<vmem>>[vector<16xi32>, vector<16xi32>], vector<16xi32>,
      tpu.vector_store_idx %arg13[%get3A_1079, %iota3A], %broadcast_in_dim3A_7 {add = true} : memref<8x16xi32, #tpu.memory_space<vmem>>[vector<16xi32>, vector<16xi32>], vector<16xi32>,
      %gather3A_1080 = tpu.vector_load_idx %arg14[%get3A_1079] : memref<16xi32, #tpu.memory_space<vmem>>[vector<16xi32>], vector<16xi32>,
      %add3A_1081 = arith.addi %gather3A_1080, %gather3A : vector<16xi32>
      %gather3A_1082 = tpu.vector_load_idx %arg15[%get3A_1079] : memref<16xi32, #tpu.memory_space<vmem>>[vector<16xi32>], vector<16xi32>,
      %add3A_1083 = arith.addi %gather3A_1082, %gather3A : vector<16xi32>
      %swap3A_1084 = arith.index_cast %scan3A_1072 : i32 to index
      %swap3A_1085 = arith.constant 0 : index
      %swap3A_1086 = tpu.vector_load %arg17[%swap3A_1084, %swap3A_1085] {strides = array<i32>} : memref<32x128xi32, #tpu.memory_space<vmem>>, vector<16xi32>,
      tpu.vector_store %arg17[%swap3A_1084, %swap3A_1085], %add3A_1083 {strides = array<i32>} : memref<32x128xi32, #tpu.memory_space<vmem>>, vector<16xi32>,
      %add3A_1087 = vector.broadcast %add3A_1077 : i32 to vector<16xi32>
      %add3A_1088 = arith.addi %add3A_1087, %iota3A : vector<16xi32>
      %mul3A_1089 = arith.constant 3 : i32
      %mul3A_1090 = vector.broadcast %mul3A_1089 : i32 to vector<16xi32>
      %mul3A_1091 = arith.muli %add3A_1088, %mul3A_1090 : vector<16xi32>
      %add3A_1092 = arith.constant 0 : i32
      %add3A_1093 = vector.broadcast %add3A_1092 : i32 to vector<16xi32>
      %add3A_1094 = arith.addi %mul3A_1091, %add3A_1093 : vector<16xi32>
      %gather3A_1095 = tpu.vector_load_idx %arg9[%add3A_1094] : memref<12288xf32, #tpu.memory_space<vmem>>[vector<16xi32>], vector<16xf32>,
      tpu.vector_store_idx %arg18[%broadcast_in_dim3A_11, %add3A_1081], %gather3A_1095 : memref<4x5120xf32, #tpu.memory_space<vmem>>[vector<16xi32>, vector<16xi32>], vector<16xf32>,
      %add3A_1096 = vector.broadcast %add3A_1077 : i32 to vector<16xi32>
      %add3A_1097 = arith.addi %add3A_1096, %iota3A : vector<16xi32>
      %mul3A_1098 = arith.constant 3 : i32
      %mul3A_1099 = vector.broadcast %mul3A_1098 : i32 to vector<16xi32>
      %mul3A_1100 = arith.muli %add3A_1097, %mul3A_1099 : vector<16xi32>
      %add3A_1101 = arith.constant 1 : i32
      %add3A_1102 = vector.broadcast %add3A_1101 : i32 to vector<16xi32>
      %add3A_1103 = arith.addi %mul3A_1100, %add3A_1102 : vector<16xi32>
      %gather3A_1104 = tpu.vector_load_idx %arg9[%add3A_1103] : memref<12288xf32, #tpu.memory_space<vmem>>[vector<16xi32>], vector<16xf32>,
      tpu.vector_store_idx %arg18[%broadcast_in_dim3A_13, %add3A_1081], %gather3A_1104 : memref<4x5120xf32, #tpu.memory_space<vmem>>[vector<16xi32>, vector<16xi32>], vector<16xf32>,
      %add3A_1105 = vector.broadcast %add3A_1077 : i32 to vector<16xi32>
      %add3A_1106 = arith.addi %add3A_1105, %iota3A : vector<16xi32>
      %mul3A_1107 = arith.constant 3 : i32
      %mul3A_1108 = vector.broadcast %mul3A_1107 : i32 to vector<16xi32>
      %mul3A_1109 = arith.muli %add3A_1106, %mul3A_1108 : vector<16xi32>
      %add3A_1110 = arith.constant 2 : i32
      %add3A_1111 = vector.broadcast %add3A_1110 : i32 to vector<16xi32>
      %add3A_1112 = arith.addi %mul3A_1109, %add3A_1111 : vector<16xi32>
      %gather3A_1113 = tpu.vector_load_idx %arg9[%add3A_1112] : memref<12288xf32, #tpu.memory_space<vmem>>[vector<16xi32>], vector<16xf32>,
      tpu.vector_store_idx %arg18[%broadcast_in_dim3A_15, %add3A_1081], %gather3A_1113 : memref<4x5120xf32, #tpu.memory_space<vmem>>[vector<16xi32>, vector<16xi32>], vector<16xf32>,
      tpu.vector_store_idx %arg18[%broadcast_in_dim3A_17, %add3A_1081], %broadcast_in_dim3A_9 : memref<4x5120xf32, #tpu.memory_space<vmem>>[vector<16xi32>, vector<16xi32>], vector<16xf32>,
      %mul3A_1114 = arith.constant 128 : i32
      %mul3A_1115 = arith.muli %scan3A_1072, %mul3A_1114 : i32
      %add3A_1116 = arith.constant 16 : i32
      %add3A_1117 = arith.addi %mul3A_1115, %add3A_1116 : i32
      %get3A_1118 = arith.index_cast %add3A_1117 : i32 to index
      %get3A_1119 = tpu.vector_load %arg10[%get3A_1118] {strides = array<i32>} : memref<4096xi32, #tpu.memory_space<vmem>>, vector<16xi32>,
      %gather3A_1120 = tpu.vector_load_idx %arg13[%get3A_1119, %iota3A] : memref<8x16xi32, #tpu.memory_space<vmem>>[vector<16xi32>, vector<16xi32>], vector<16xi32>,
      tpu.vector_store_idx %arg13[%get3A_1119, %iota3A], %broadcast_in_dim3A_7 {add = true} : memref<8x16xi32, #tpu.memory_space<vmem>>[vector<16xi32>, vector<16xi32>], vector<16xi32>,
      %gather3A_1121 = tpu.vector_load_idx %arg14[%get3A_1119] : memref<16xi32, #tpu.memory_space<vmem>>[vector<16xi32>], vector<16xi32>,
      %add3A_1122 = arith.addi %gather3A_1121, %gather3A_1120 : vector<16xi32>
      %gather3A_1123 = tpu.vector_load_idx %arg15[%get3A_1119] : memref<16xi32, #tpu.memory_space<vmem>>[vector<16xi32>], vector<16xi32>,
      %add3A_1124 = arith.addi %gather3A_1123, %gather3A_1120 : vector<16xi32>
      %swap3A_1125 = arith.index_cast %scan3A_1072 : i32 to index
      %swap3A_1126 = arith.constant 16 : index
      %swap3A_1127 = tpu.vector_load %arg17[%swap3A_1125, %swap3A_1126] {strides = array<i32>} : memref<32x128xi32, #tpu.memory_space<vmem>>, vector<16xi32>,
      tpu.vector_store %arg17[%swap3A_1125, %swap3A_1126], %add3A_1124 {strides = array<i32>} : memref<32x128xi32, #tpu.memory_space<vmem>>, vector<16xi32>,
      %add3A_1128 = vector.broadcast %add3A_1117 : i32 to vector<16xi32>
      %add3A_1129 = arith.addi %add3A_1128, %iota3A : vector<16xi32>
      %mul3A_1130 = arith.constant 3 : i32
      %mul3A_1131 = vector.broadcast %mul3A_1130 : i32 to vector<16xi32>
      %mul3A_1132 = arith.muli %add3A_1129, %mul3A_1131 : vector<16xi32>
      %add3A_1133 = arith.constant 0 : i32
      %add3A_1134 = vector.broadcast %add3A_1133 : i32 to vector<16xi32>
      %add3A_1135 = arith.addi %mul3A_1132, %add3A_1134 : vector<16xi32>
      %gather3A_1136 = tpu.vector_load_idx %arg9[%add3A_1135] : memref<12288xf32, #tpu.memory_space<vmem>>[vector<16xi32>], vector<16xf32>,
      tpu.vector_store_idx %arg18[%broadcast_in_dim3A_11, %add3A_1122], %gather3A_1136 : memref<4x5120xf32, #tpu.memory_space<vmem>>[vector<16xi32>, vector<16xi32>], vector<16xf32>,
      %add3A_1137 = vector.broadcast %add3A_1117 : i32 to vector<16xi32>
      %add3A_1138 = arith.addi %add3A_1137, %iota3A : vector<16xi32>
      %mul3A_1139 = arith.constant 3 : i32
      %mul3A_1140 = vector.broadcast %mul3A_1139 : i32 to vector<16xi32>
      %mul3A_1141 = arith.muli %add3A_1138, %mul3A_1140 : vector<16xi32>
      %add3A_1142 = arith.constant 1 : i32
      %add3A_1143 = vector.broadcast %add3A_1142 : i32 to vector<16xi32>
      %add3A_1144 = arith.addi %mul3A_1141, %add3A_1143 : vector<16xi32>
      %gather3A_1145 = tpu.vector_load_idx %arg9[%add3A_1144] : memref<12288xf32, #tpu.memory_space<vmem>>[vector<16xi32>], vector<16xf32>,
      tpu.vector_store_idx %arg18[%broadcast_in_dim3A_13, %add3A_1122], %gather3A_1145 : memref<4x5120xf32, #tpu.memory_space<vmem>>[vector<16xi32>, vector<16xi32>], vector<16xf32>,
      %add3A_1146 = vector.broadcast %add3A_1117 : i32 to vector<16xi32>
      %add3A_1147 = arith.addi %add3A_1146, %iota3A : vector<16xi32>
      %mul3A_1148 = arith.constant 3 : i32
      %mul3A_1149 = vector.broadcast %mul3A_1148 : i32 to vector<16xi32>
      %mul3A_1150 = arith.muli %add3A_1147, %mul3A_1149 : vector<16xi32>
      %add3A_1151 = arith.constant 2 : i32
      %add3A_1152 = vector.broadcast %add3A_1151 : i32 to vector<16xi32>
      %add3A_1153 = arith.addi %mul3A_1150, %add3A_1152 : vector<16xi32>
      %gather3A_1154 = tpu.vector_load_idx %arg9[%add3A_1153] : memref<12288xf32, #tpu.memory_space<vmem>>[vector<16xi32>], vector<16xf32>,
      tpu.vector_store_idx %arg18[%broadcast_in_dim3A_15, %add3A_1122], %gather3A_1154 : memref<4x5120xf32, #tpu.memory_space<vmem>>[vector<16xi32>, vector<16xi32>], vector<16xf32>,
      tpu.vector_store_idx %arg18[%broadcast_in_dim3A_17, %add3A_1122], %broadcast_in_dim3A_9 : memref<4x5120xf32, #tpu.memory_space<vmem>>[vector<16xi32>, vector<16xi32>], vector<16xf32>,
      %mul3A_1155 = arith.constant 128 : i32
      %mul3A_1156 = arith.muli %scan3A_1072, %mul3A_1155 : i32
      %add3A_1157 = arith.constant 32 : i32
      %add3A_1158 = arith.addi %mul3A_1156, %add3A_1157 : i32
      %get3A_1159 = arith.index_cast %add3A_1158 : i32 to index
      %get3A_1160 = tpu.vector_load %arg10[%get3A_1159] {strides = array<i32>} : memref<4096xi32, #tpu.memory_space<vmem>>, vector<16xi32>,
      %gather3A_1161 = tpu.vector_load_idx %arg13[%get3A_1160, %iota3A] : memref<8x16xi32, #tpu.memory_space<vmem>>[vector<16xi32>, vector<16xi32>], vector<16xi32>,
      tpu.vector_store_idx %arg13[%get3A_1160, %iota3A], %broadcast_in_dim3A_7 {add = true} : memref<8x16xi32, #tpu.memory_space<vmem>>[vector<16xi32>, vector<16xi32>], vector<16xi32>,
      %gather3A_1162 = tpu.vector_load_idx %arg14[%get3A_1160] : memref<16xi32, #tpu.memory_space<vmem>>[vector<16xi32>], vector<16xi32>,
      %add3A_1163 = arith.addi %gather3A_1162, %gather3A_1161 : vector<16xi32>
      %gather3A_1164 = tpu.vector_load_idx %arg15[%get3A_1160] : memref<16xi32, #tpu.memory_space<vmem>>[vector<16xi32>], vector<16xi32>,
      %add3A_1165 = arith.addi %gather3A_1164, %gather3A_1161 : vector<16xi32>
      %swap3A_1166 = arith.index_cast %scan3A_1072 : i32 to index
      %swap3A_1167 = arith.constant 32 : index
      %swap3A_1168 = tpu.vector_load %arg17[%swap3A_1166, %swap3A_1167] {strides = array<i32>} : memref<32x128xi32, #tpu.memory_space<vmem>>, vector<16xi32>,
      tpu.vector_store %arg17[%swap3A_1166, %swap3A_1167], %add3A_1165 {strides = array<i32>} : memref<32x128xi32, #tpu.memory_space<vmem>>, vector<16xi32>,
      %add3A_1169 = vector.broadcast %add3A_1158 : i32 to vector<16xi32>
      %add3A_1170 = arith.addi %add3A_1169, %iota3A : vector<16xi32>
      %mul3A_1171 = arith.constant 3 : i32
      %mul3A_1172 = vector.broadcast %mul3A_1171 : i32 to vector<16xi32>
      %mul3A_1173 = arith.muli %add3A_1170, %mul3A_1172 : vector<16xi32>
      %add3A_1174 = arith.constant 0 : i32
      %add3A_1175 = vector.broadcast %add3A_1174 : i32 to vector<16xi32>
      %add3A_1176 = arith.addi %mul3A_1173, %add3A_1175 : vector<16xi32>
      %gather3A_1177 = tpu.vector_load_idx %arg9[%add3A_1176] : memref<12288xf32, #tpu.memory_space<vmem>>[vector<16xi32>], vector<16xf32>,
      tpu.vector_store_idx %arg18[%broadcast_in_dim3A_11, %add3A_1163], %gather3A_1177 : memref<4x5120xf32, #tpu.memory_space<vmem>>[vector<16xi32>, vector<16xi32>], vector<16xf32>,
      %add3A_1178 = vector.broadcast %add3A_1158 : i32 to vector<16xi32>
      %add3A_1179 = arith.addi %add3A_1178, %iota3A : vector<16xi32>
      %mul3A_1180 = arith.constant 3 : i32
      %mul3A_1181 = vector.broadcast %mul3A_1180 : i32 to vector<16xi32>
      %mul3A_1182 = arith.muli %add3A_1179, %mul3A_1181 : vector<16xi32>
      %add3A_1183 = arith.constant 1 : i32
      %add3A_1184 = vector.broadcast %add3A_1183 : i32 to vector<16xi32>
      %add3A_1185 = arith.addi %mul3A_1182, %add3A_1184 : vector<16xi32>
      %gather3A_1186 = tpu.vector_load_idx %arg9[%add3A_1185] : memref<12288xf32, #tpu.memory_space<vmem>>[vector<16xi32>], vector<16xf32>,
      tpu.vector_store_idx %arg18[%broadcast_in_dim3A_13, %add3A_1163], %gather3A_1186 : memref<4x5120xf32, #tpu.memory_space<vmem>>[vector<16xi32>, vector<16xi32>], vector<16xf32>,
      %add3A_1187 = vector.broadcast %add3A_1158 : i32 to vector<16xi32>
      %add3A_1188 = arith.addi %add3A_1187, %iota3A : vector<16xi32>
      %mul3A_1189 = arith.constant 3 : i32
      %mul3A_1190 = vector.broadcast %mul3A_1189 : i32 to vector<16xi32>
      %mul3A_1191 = arith.muli %add3A_1188, %mul3A_1190 : vector<16xi32>
      %add3A_1192 = arith.constant 2 : i32
      %add3A_1193 = vector.broadcast %add3A_1192 : i32 to vector<16xi32>
      %add3A_1194 = arith.addi %mul3A_1191, %add3A_1193 : vector<16xi32>
      %gather3A_1195 = tpu.vector_load_idx %arg9[%add3A_1194] : memref<12288xf32, #tpu.memory_space<vmem>>[vector<16xi32>], vector<16xf32>,
      tpu.vector_store_idx %arg18[%broadcast_in_dim3A_15, %add3A_1163], %gather3A_1195 : memref<4x5120xf32, #tpu.memory_space<vmem>>[vector<16xi32>, vector<16xi32>], vector<16xf32>,
      tpu.vector_store_idx %arg18[%broadcast_in_dim3A_17, %add3A_1163], %broadcast_in_dim3A_9 : memref<4x5120xf32, #tpu.memory_space<vmem>>[vector<16xi32>, vector<16xi32>], vector<16xf32>,
      %mul3A_1196 = arith.constant 128 : i32
      %mul3A_1197 = arith.muli %scan3A_1072, %mul3A_1196 : i32
      %add3A_1198 = arith.constant 48 : i32
      %add3A_1199 = arith.addi %mul3A_1197, %add3A_1198 : i32
      %get3A_1200 = arith.index_cast %add3A_1199 : i32 to index
      %get3A_1201 = tpu.vector_load %arg10[%get3A_1200] {strides = array<i32>} : memref<4096xi32, #tpu.memory_space<vmem>>, vector<16xi32>,
      %gather3A_1202 = tpu.vector_load_idx %arg13[%get3A_1201, %iota3A] : memref<8x16xi32, #tpu.memory_space<vmem>>[vector<16xi32>, vector<16xi32>], vector<16xi32>,
      tpu.vector_store_idx %arg13[%get3A_1201, %iota3A], %broadcast_in_dim3A_7 {add = true} : memref<8x16xi32, #tpu.memory_space<vmem>>[vector<16xi32>, vector<16xi32>], vector<16xi32>,
      %gather3A_1203 = tpu.vector_load_idx %arg14[%get3A_1201] : memref<16xi32, #tpu.memory_space<vmem>>[vector<16xi32>], vector<16xi32>,
      %add3A_1204 = arith.addi %gather3A_1203, %gather3A_1202 : vector<16xi32>
      %gather3A_1205 = tpu.vector_load_idx %arg15[%get3A_1201] : memref<16xi32, #tpu.memory_space<vmem>>[vector<16xi32>], vector<16xi32>,
      %add3A_1206 = arith.addi %gather3A_1205, %gather3A_1202 : vector<16xi32>
      %swap3A_1207 = arith.index_cast %scan3A_1072 : i32 to index
      %swap3A_1208 = arith.constant 48 : index
      %swap3A_1209 = tpu.vector_load %arg17[%swap3A_1207, %swap3A_1208] {strides = array<i32>} : memref<32x128xi32, #tpu.memory_space<vmem>>, vector<16xi32>,
      tpu.vector_store %arg17[%swap3A_1207, %swap3A_1208], %add3A_1206 {strides = array<i32>} : memref<32x128xi32, #tpu.memory_space<vmem>>, vector<16xi32>,
      %add3A_1210 = vector.broadcast %add3A_1199 : i32 to vector<16xi32>
      %add3A_1211 = arith.addi %add3A_1210, %iota3A : vector<16xi32>
      %mul3A_1212 = arith.constant 3 : i32
      %mul3A_1213 = vector.broadcast %mul3A_1212 : i32 to vector<16xi32>
      %mul3A_1214 = arith.muli %add3A_1211, %mul3A_1213 : vector<16xi32>
      %add3A_1215 = arith.constant 0 : i32
      %add3A_1216 = vector.broadcast %add3A_1215 : i32 to vector<16xi32>
      %add3A_1217 = arith.addi %mul3A_1214, %add3A_1216 : vector<16xi32>
      %gather3A_1218 = tpu.vector_load_idx %arg9[%add3A_1217] : memref<12288xf32, #tpu.memory_space<vmem>>[vector<16xi32>], vector<16xf32>,
      tpu.vector_store_idx %arg18[%broadcast_in_dim3A_11, %add3A_1204], %gather3A_1218 : memref<4x5120xf32, #tpu.memory_space<vmem>>[vector<16xi32>, vector<16xi32>], vector<16xf32>,
      %add3A_1219 = vector.broadcast %add3A_1199 : i32 to vector<16xi32>
      %add3A_1220 = arith.addi %add3A_1219, %iota3A : vector<16xi32>
      %mul3A_1221 = arith.constant 3 : i32
      %mul3A_1222 = vector.broadcast %mul3A_1221 : i32 to vector<16xi32>
      %mul3A_1223 = arith.muli %add3A_1220, %mul3A_1222 : vector<16xi32>
      %add3A_1224 = arith.constant 1 : i32
      %add3A_1225 = vector.broadcast %add3A_1224 : i32 to vector<16xi32>
      %add3A_1226 = arith.addi %mul3A_1223, %add3A_1225 : vector<16xi32>
      %gather3A_1227 = tpu.vector_load_idx %arg9[%add3A_1226] : memref<12288xf32, #tpu.memory_space<vmem>>[vector<16xi32>], vector<16xf32>,
      tpu.vector_store_idx %arg18[%broadcast_in_dim3A_13, %add3A_1204], %gather3A_1227 : memref<4x5120xf32, #tpu.memory_space<vmem>>[vector<16xi32>, vector<16xi32>], vector<16xf32>,
      %add3A_1228 = vector.broadcast %add3A_1199 : i32 to vector<16xi32>
      %add3A_1229 = arith.addi %add3A_1228, %iota3A : vector<16xi32>
      %mul3A_1230 = arith.constant 3 : i32
      %mul3A_1231 = vector.broadcast %mul3A_1230 : i32 to vector<16xi32>
      %mul3A_1232 = arith.muli %add3A_1229, %mul3A_1231 : vector<16xi32>
      %add3A_1233 = arith.constant 2 : i32
      %add3A_1234 = vector.broadcast %add3A_1233 : i32 to vector<16xi32>
      %add3A_1235 = arith.addi %mul3A_1232, %add3A_1234 : vector<16xi32>
      %gather3A_1236 = tpu.vector_load_idx %arg9[%add3A_1235] : memref<12288xf32, #tpu.memory_space<vmem>>[vector<16xi32>], vector<16xf32>,
      tpu.vector_store_idx %arg18[%broadcast_in_dim3A_15, %add3A_1204], %gather3A_1236 : memref<4x5120xf32, #tpu.memory_space<vmem>>[vector<16xi32>, vector<16xi32>], vector<16xf32>,
      tpu.vector_store_idx %arg18[%broadcast_in_dim3A_17, %add3A_1204], %broadcast_in_dim3A_9 : memref<4x5120xf32, #tpu.memory_space<vmem>>[vector<16xi32>, vector<16xi32>], vector<16xf32>,
      %mul3A_1237 = arith.constant 128 : i32
      %mul3A_1238 = arith.muli %scan3A_1072, %mul3A_1237 : i32
      %add3A_1239 = arith.constant 64 : i32
      %add3A_1240 = arith.addi %mul3A_1238, %add3A_1239 : i32
      %get3A_1241 = arith.index_cast %add3A_1240 : i32 to index
      %get3A_1242 = tpu.vector_load %arg10[%get3A_1241] {strides = array<i32>} : memref<4096xi32, #tpu.memory_space<vmem>>, vector<16xi32>,
      %gather3A_1243 = tpu.vector_load_idx %arg13[%get3A_1242, %iota3A] : memref<8x16xi32, #tpu.memory_space<vmem>>[vector<16xi32>, vector<16xi32>], vector<16xi32>,
      tpu.vector_store_idx %arg13[%get3A_1242, %iota3A], %broadcast_in_dim3A_7 {add = true} : memref<8x16xi32, #tpu.memory_space<vmem>>[vector<16xi32>, vector<16xi32>], vector<16xi32>,
      %gather3A_1244 = tpu.vector_load_idx %arg14[%get3A_1242] : memref<16xi32, #tpu.memory_space<vmem>>[vector<16xi32>], vector<16xi32>,
      %add3A_1245 = arith.addi %gather3A_1244, %gather3A_1243 : vector<16xi32>
      %gather3A_1246 = tpu.vector_load_idx %arg15[%get3A_1242] : memref<16xi32, #tpu.memory_space<vmem>>[vector<16xi32>], vector<16xi32>,
      %add3A_1247 = arith.addi %gather3A_1246, %gather3A_1243 : vector<16xi32>
      %swap3A_1248 = arith.index_cast %scan3A_1072 : i32 to index
      %swap3A_1249 = arith.constant 64 : index
      %swap3A_1250 = tpu.vector_load %arg17[%swap3A_1248, %swap3A_1249] {strides = array<i32>} : memref<32x128xi32, #tpu.memory_space<vmem>>, vector<16xi32>,
      tpu.vector_store %arg17[%swap3A_1248, %swap3A_1249], %add3A_1247 {strides = array<i32>} : memref<32x128xi32, #tpu.memory_space<vmem>>, vector<16xi32>,
      %add3A_1251 = vector.broadcast %add3A_1240 : i32 to vector<16xi32>
      %add3A_1252 = arith.addi %add3A_1251, %iota3A : vector<16xi32>
      %mul3A_1253 = arith.constant 3 : i32
      %mul3A_1254 = vector.broadcast %mul3A_1253 : i32 to vector<16xi32>
      %mul3A_1255 = arith.muli %add3A_1252, %mul3A_1254 : vector<16xi32>
      %add3A_1256 = arith.constant 0 : i32
      %add3A_1257 = vector.broadcast %add3A_1256 : i32 to vector<16xi32>
      %add3A_1258 = arith.addi %mul3A_1255, %add3A_1257 : vector<16xi32>
      %gather3A_1259 = tpu.vector_load_idx %arg9[%add3A_1258] : memref<12288xf32, #tpu.memory_space<vmem>>[vector<16xi32>], vector<16xf32>,
      tpu.vector_store_idx %arg18[%broadcast_in_dim3A_11, %add3A_1245], %gather3A_1259 : memref<4x5120xf32, #tpu.memory_space<vmem>>[vector<16xi32>, vector<16xi32>], vector<16xf32>,
      %add3A_1260 = vector.broadcast %add3A_1240 : i32 to vector<16xi32>
      %add3A_1261 = arith.addi %add3A_1260, %iota3A : vector<16xi32>
      %mul3A_1262 = arith.constant 3 : i32
      %mul3A_1263 = vector.broadcast %mul3A_1262 : i32 to vector<16xi32>
      %mul3A_1264 = arith.muli %add3A_1261, %mul3A_1263 : vector<16xi32>
      %add3A_1265 = arith.constant 1 : i32
      %add3A_1266 = vector.broadcast %add3A_1265 : i32 to vector<16xi32>
      %add3A_1267 = arith.addi %mul3A_1264, %add3A_1266 : vector<16xi32>
      %gather3A_1268 = tpu.vector_load_idx %arg9[%add3A_1267] : memref<12288xf32, #tpu.memory_space<vmem>>[vector<16xi32>], vector<16xf32>,
      tpu.vector_store_idx %arg18[%broadcast_in_dim3A_13, %add3A_1245], %gather3A_1268 : memref<4x5120xf32, #tpu.memory_space<vmem>>[vector<16xi32>, vector<16xi32>], vector<16xf32>,
      %add3A_1269 = vector.broadcast %add3A_1240 : i32 to vector<16xi32>
      %add3A_1270 = arith.addi %add3A_1269, %iota3A : vector<16xi32>
      %mul3A_1271 = arith.constant 3 : i32
      %mul3A_1272 = vector.broadcast %mul3A_1271 : i32 to vector<16xi32>
      %mul3A_1273 = arith.muli %add3A_1270, %mul3A_1272 : vector<16xi32>
      %add3A_1274 = arith.constant 2 : i32
      %add3A_1275 = vector.broadcast %add3A_1274 : i32 to vector<16xi32>
      %add3A_1276 = arith.addi %mul3A_1273, %add3A_1275 : vector<16xi32>
      %gather3A_1277 = tpu.vector_load_idx %arg9[%add3A_1276] : memref<12288xf32, #tpu.memory_space<vmem>>[vector<16xi32>], vector<16xf32>,
      tpu.vector_store_idx %arg18[%broadcast_in_dim3A_15, %add3A_1245], %gather3A_1277 : memref<4x5120xf32, #tpu.memory_space<vmem>>[vector<16xi32>, vector<16xi32>], vector<16xf32>,
      tpu.vector_store_idx %arg18[%broadcast_in_dim3A_17, %add3A_1245], %broadcast_in_dim3A_9 : memref<4x5120xf32, #tpu.memory_space<vmem>>[vector<16xi32>, vector<16xi32>], vector<16xf32>,
      %mul3A_1278 = arith.constant 128 : i32
      %mul3A_1279 = arith.muli %scan3A_1072, %mul3A_1278 : i32
      %add3A_1280 = arith.constant 80 : i32
      %add3A_1281 = arith.addi %mul3A_1279, %add3A_1280 : i32
      %get3A_1282 = arith.index_cast %add3A_1281 : i32 to index
      %get3A_1283 = tpu.vector_load %arg10[%get3A_1282] {strides = array<i32>} : memref<4096xi32, #tpu.memory_space<vmem>>, vector<16xi32>,
      %gather3A_1284 = tpu.vector_load_idx %arg13[%get3A_1283, %iota3A] : memref<8x16xi32, #tpu.memory_space<vmem>>[vector<16xi32>, vector<16xi32>], vector<16xi32>,
      tpu.vector_store_idx %arg13[%get3A_1283, %iota3A], %broadcast_in_dim3A_7 {add = true} : memref<8x16xi32, #tpu.memory_space<vmem>>[vector<16xi32>, vector<16xi32>], vector<16xi32>,
      %gather3A_1285 = tpu.vector_load_idx %arg14[%get3A_1283] : memref<16xi32, #tpu.memory_space<vmem>>[vector<16xi32>], vector<16xi32>,
      %add3A_1286 = arith.addi %gather3A_1285, %gather3A_1284 : vector<16xi32>
      %gather3A_1287 = tpu.vector_load_idx %arg15[%get3A_1283] : memref<16xi32, #tpu.memory_space<vmem>>[vector<16xi32>], vector<16xi32>,
      %add3A_1288 = arith.addi %gather3A_1287, %gather3A_1284 : vector<16xi32>
      %swap3A_1289 = arith.index_cast %scan3A_1072 : i32 to index
      %swap3A_1290 = arith.constant 80 : index
      %swap3A_1291 = tpu.vector_load %arg17[%swap3A_1289, %swap3A_1290] {strides = array<i32>} : memref<32x128xi32, #tpu.memory_space<vmem>>, vector<16xi32>,
      tpu.vector_store %arg17[%swap3A_1289, %swap3A_1290], %add3A_1288 {strides = array<i32>} : memref<32x128xi32, #tpu.memory_space<vmem>>, vector<16xi32>,
      %add3A_1292 = vector.broadcast %add3A_1281 : i32 to vector<16xi32>
      %add3A_1293 = arith.addi %add3A_1292, %iota3A : vector<16xi32>
      %mul3A_1294 = arith.constant 3 : i32
      %mul3A_1295 = vector.broadcast %mul3A_1294 : i32 to vector<16xi32>
      %mul3A_1296 = arith.muli %add3A_1293, %mul3A_1295 : vector<16xi32>
      %add3A_1297 = arith.constant 0 : i32
      %add3A_1298 = vector.broadcast %add3A_1297 : i32 to vector<16xi32>
      %add3A_1299 = arith.addi %mul3A_1296, %add3A_1298 : vector<16xi32>
      %gather3A_1300 = tpu.vector_load_idx %arg9[%add3A_1299] : memref<12288xf32, #tpu.memory_space<vmem>>[vector<16xi32>], vector<16xf32>,
      tpu.vector_store_idx %arg18[%broadcast_in_dim3A_11, %add3A_1286], %gather3A_1300 : memref<4x5120xf32, #tpu.memory_space<vmem>>[vector<16xi32>, vector<16xi32>], vector<16xf32>,
      %add3A_1301 = vector.broadcast %add3A_1281 : i32 to vector<16xi32>
      %add3A_1302 = arith.addi %add3A_1301, %iota3A : vector<16xi32>
      %mul3A_1303 = arith.constant 3 : i32
      %mul3A_1304 = vector.broadcast %mul3A_1303 : i32 to vector<16xi32>
      %mul3A_1305 = arith.muli %add3A_1302, %mul3A_1304 : vector<16xi32>
      %add3A_1306 = arith.constant 1 : i32
      %add3A_1307 = vector.broadcast %add3A_1306 : i32 to vector<16xi32>
      %add3A_1308 = arith.addi %mul3A_1305, %add3A_1307 : vector<16xi32>
      %gather3A_1309 = tpu.vector_load_idx %arg9[%add3A_1308] : memref<12288xf32, #tpu.memory_space<vmem>>[vector<16xi32>], vector<16xf32>,
      tpu.vector_store_idx %arg18[%broadcast_in_dim3A_13, %add3A_1286], %gather3A_1309 : memref<4x5120xf32, #tpu.memory_space<vmem>>[vector<16xi32>, vector<16xi32>], vector<16xf32>,
      %add3A_1310 = vector.broadcast %add3A_1281 : i32 to vector<16xi32>
      %add3A_1311 = arith.addi %add3A_1310, %iota3A : vector<16xi32>
      %mul3A_1312 = arith.constant 3 : i32
      %mul3A_1313 = vector.broadcast %mul3A_1312 : i32 to vector<16xi32>
      %mul3A_1314 = arith.muli %add3A_1311, %mul3A_1313 : vector<16xi32>
      %add3A_1315 = arith.constant 2 : i32
      %add3A_1316 = vector.broadcast %add3A_1315 : i32 to vector<16xi32>
      %add3A_1317 = arith.addi %mul3A_1314, %add3A_1316 : vector<16xi32>
      %gather3A_1318 = tpu.vector_load_idx %arg9[%add3A_1317] : memref<12288xf32, #tpu.memory_space<vmem>>[vector<16xi32>], vector<16xf32>,
      tpu.vector_store_idx %arg18[%broadcast_in_dim3A_15, %add3A_1286], %gather3A_1318 : memref<4x5120xf32, #tpu.memory_space<vmem>>[vector<16xi32>, vector<16xi32>], vector<16xf32>,
      tpu.vector_store_idx %arg18[%broadcast_in_dim3A_17, %add3A_1286], %broadcast_in_dim3A_9 : memref<4x5120xf32, #tpu.memory_space<vmem>>[vector<16xi32>, vector<16xi32>], vector<16xf32>,
      %mul3A_1319 = arith.constant 128 : i32
      %mul3A_1320 = arith.muli %scan3A_1072, %mul3A_1319 : i32
      %add3A_1321 = arith.constant 96 : i32
      %add3A_1322 = arith.addi %mul3A_1320, %add3A_1321 : i32
      %get3A_1323 = arith.index_cast %add3A_1322 : i32 to index
      %get3A_1324 = tpu.vector_load %arg10[%get3A_1323] {strides = array<i32>} : memref<4096xi32, #tpu.memory_space<vmem>>, vector<16xi32>,
      %gather3A_1325 = tpu.vector_load_idx %arg13[%get3A_1324, %iota3A] : memref<8x16xi32, #tpu.memory_space<vmem>>[vector<16xi32>, vector<16xi32>], vector<16xi32>,
      tpu.vector_store_idx %arg13[%get3A_1324, %iota3A], %broadcast_in_dim3A_7 {add = true} : memref<8x16xi32, #tpu.memory_space<vmem>>[vector<16xi32>, vector<16xi32>], vector<16xi32>,
      %gather3A_1326 = tpu.vector_load_idx %arg14[%get3A_1324] : memref<16xi32, #tpu.memory_space<vmem>>[vector<16xi32>], vector<16xi32>,
      %add3A_1327 = arith.addi %gather3A_1326, %gather3A_1325 : vector<16xi32>
      %gather3A_1328 = tpu.vector_load_idx %arg15[%get3A_1324] : memref<16xi32, #tpu.memory_space<vmem>>[vector<16xi32>], vector<16xi32>,
      %add3A_1329 = arith.addi %gather3A_1328, %gather3A_1325 : vector<16xi32>
      %swap3A_1330 = arith.index_cast %scan3A_1072 : i32 to index
      %swap3A_1331 = arith.constant 96 : index
      %swap3A_1332 = tpu.vector_load %arg17[%swap3A_1330, %swap3A_1331] {strides = array<i32>} : memref<32x128xi32, #tpu.memory_space<vmem>>, vector<16xi32>,
      tpu.vector_store %arg17[%swap3A_1330, %swap3A_1331], %add3A_1329 {strides = array<i32>} : memref<32x128xi32, #tpu.memory_space<vmem>>, vector<16xi32>,
      %add3A_1333 = vector.broadcast %add3A_1322 : i32 to vector<16xi32>
      %add3A_1334 = arith.addi %add3A_1333, %iota3A : vector<16xi32>
      %mul3A_1335 = arith.constant 3 : i32
      %mul3A_1336 = vector.broadcast %mul3A_1335 : i32 to vector<16xi32>
      %mul3A_1337 = arith.muli %add3A_1334, %mul3A_1336 : vector<16xi32>
      %add3A_1338 = arith.constant 0 : i32
      %add3A_1339 = vector.broadcast %add3A_1338 : i32 to vector<16xi32>
      %add3A_1340 = arith.addi %mul3A_1337, %add3A_1339 : vector<16xi32>
      %gather3A_1341 = tpu.vector_load_idx %arg9[%add3A_1340] : memref<12288xf32, #tpu.memory_space<vmem>>[vector<16xi32>], vector<16xf32>,
      tpu.vector_store_idx %arg18[%broadcast_in_dim3A_11, %add3A_1327], %gather3A_1341 : memref<4x5120xf32, #tpu.memory_space<vmem>>[vector<16xi32>, vector<16xi32>], vector<16xf32>,
      %add3A_1342 = vector.broadcast %add3A_1322 : i32 to vector<16xi32>
      %add3A_1343 = arith.addi %add3A_1342, %iota3A : vector<16xi32>
      %mul3A_1344 = arith.constant 3 : i32
      %mul3A_1345 = vector.broadcast %mul3A_1344 : i32 to vector<16xi32>
      %mul3A_1346 = arith.muli %add3A_1343, %mul3A_1345 : vector<16xi32>
      %add3A_1347 = arith.constant 1 : i32
      %add3A_1348 = vector.broadcast %add3A_1347 : i32 to vector<16xi32>
      %add3A_1349 = arith.addi %mul3A_1346, %add3A_1348 : vector<16xi32>
      %gather3A_1350 = tpu.vector_load_idx %arg9[%add3A_1349] : memref<12288xf32, #tpu.memory_space<vmem>>[vector<16xi32>], vector<16xf32>,
      tpu.vector_store_idx %arg18[%broadcast_in_dim3A_13, %add3A_1327], %gather3A_1350 : memref<4x5120xf32, #tpu.memory_space<vmem>>[vector<16xi32>, vector<16xi32>], vector<16xf32>,
      %add3A_1351 = vector.broadcast %add3A_1322 : i32 to vector<16xi32>
      %add3A_1352 = arith.addi %add3A_1351, %iota3A : vector<16xi32>
      %mul3A_1353 = arith.constant 3 : i32
      %mul3A_1354 = vector.broadcast %mul3A_1353 : i32 to vector<16xi32>
      %mul3A_1355 = arith.muli %add3A_1352, %mul3A_1354 : vector<16xi32>
      %add3A_1356 = arith.constant 2 : i32
      %add3A_1357 = vector.broadcast %add3A_1356 : i32 to vector<16xi32>
      %add3A_1358 = arith.addi %mul3A_1355, %add3A_1357 : vector<16xi32>
      %gather3A_1359 = tpu.vector_load_idx %arg9[%add3A_1358] : memref<12288xf32, #tpu.memory_space<vmem>>[vector<16xi32>], vector<16xf32>,
      tpu.vector_store_idx %arg18[%broadcast_in_dim3A_15, %add3A_1327], %gather3A_1359 : memref<4x5120xf32, #tpu.memory_space<vmem>>[vector<16xi32>, vector<16xi32>], vector<16xf32>,
      tpu.vector_store_idx %arg18[%broadcast_in_dim3A_17, %add3A_1327], %broadcast_in_dim3A_9 : memref<4x5120xf32, #tpu.memory_space<vmem>>[vector<16xi32>, vector<16xi32>], vector<16xf32>,
      %mul3A_1360 = arith.constant 128 : i32
      %mul3A_1361 = arith.muli %scan3A_1072, %mul3A_1360 : i32
      %add3A_1362 = arith.constant 112 : i32
      %add3A_1363 = arith.addi %mul3A_1361, %add3A_1362 : i32
      %get3A_1364 = arith.index_cast %add3A_1363 : i32 to index
      %get3A_1365 = tpu.vector_load %arg10[%get3A_1364] {strides = array<i32>} : memref<4096xi32, #tpu.memory_space<vmem>>, vector<16xi32>,
      %gather3A_1366 = tpu.vector_load_idx %arg13[%get3A_1365, %iota3A] : memref<8x16xi32, #tpu.memory_space<vmem>>[vector<16xi32>, vector<16xi32>], vector<16xi32>,
      tpu.vector_store_idx %arg13[%get3A_1365, %iota3A], %broadcast_in_dim3A_7 {add = true} : memref<8x16xi32, #tpu.memory_space<vmem>>[vector<16xi32>, vector<16xi32>], vector<16xi32>,
      %gather3A_1367 = tpu.vector_load_idx %arg14[%get3A_1365] : memref<16xi32, #tpu.memory_space<vmem>>[vector<16xi32>], vector<16xi32>,
      %add3A_1368 = arith.addi %gather3A_1367, %gather3A_1366 : vector<16xi32>
      %gather3A_1369 = tpu.vector_load_idx %arg15[%get3A_1365] : memref<16xi32, #tpu.memory_space<vmem>>[vector<16xi32>], vector<16xi32>,
      %add3A_1370 = arith.addi %gather3A_1369, %gather3A_1366 : vector<16xi32>
      %swap3A_1371 = arith.index_cast %scan3A_1072 : i32 to index
      %swap3A_1372 = arith.constant 112 : index
      %swap3A_1373 = tpu.vector_load %arg17[%swap3A_1371, %swap3A_1372] {strides = array<i32>} : memref<32x128xi32, #tpu.memory_space<vmem>>, vector<16xi32>,
      tpu.vector_store %arg17[%swap3A_1371, %swap3A_1372], %add3A_1370 {strides = array<i32>} : memref<32x128xi32, #tpu.memory_space<vmem>>, vector<16xi32>,
      %add3A_1374 = vector.broadcast %add3A_1363 : i32 to vector<16xi32>
      %add3A_1375 = arith.addi %add3A_1374, %iota3A : vector<16xi32>
      %mul3A_1376 = arith.constant 3 : i32
      %mul3A_1377 = vector.broadcast %mul3A_1376 : i32 to vector<16xi32>
      %mul3A_1378 = arith.muli %add3A_1375, %mul3A_1377 : vector<16xi32>
      %add3A_1379 = arith.constant 0 : i32
      %add3A_1380 = vector.broadcast %add3A_1379 : i32 to vector<16xi32>
      %add3A_1381 = arith.addi %mul3A_1378, %add3A_1380 : vector<16xi32>
      %gather3A_1382 = tpu.vector_load_idx %arg9[%add3A_1381] : memref<12288xf32, #tpu.memory_space<vmem>>[vector<16xi32>], vector<16xf32>,
      tpu.vector_store_idx %arg18[%broadcast_in_dim3A_11, %add3A_1368], %gather3A_1382 : memref<4x5120xf32, #tpu.memory_space<vmem>>[vector<16xi32>, vector<16xi32>], vector<16xf32>,
      %add3A_1383 = vector.broadcast %add3A_1363 : i32 to vector<16xi32>
      %add3A_1384 = arith.addi %add3A_1383, %iota3A : vector<16xi32>
      %mul3A_1385 = arith.constant 3 : i32
      %mul3A_1386 = vector.broadcast %mul3A_1385 : i32 to vector<16xi32>
      %mul3A_1387 = arith.muli %add3A_1384, %mul3A_1386 : vector<16xi32>
      %add3A_1388 = arith.constant 1 : i32
      %add3A_1389 = vector.broadcast %add3A_1388 : i32 to vector<16xi32>
      %add3A_1390 = arith.addi %mul3A_1387, %add3A_1389 : vector<16xi32>
      %gather3A_1391 = tpu.vector_load_idx %arg9[%add3A_1390] : memref<12288xf32, #tpu.memory_space<vmem>>[vector<16xi32>], vector<16xf32>,
      tpu.vector_store_idx %arg18[%broadcast_in_dim3A_13, %add3A_1368], %gather3A_1391 : memref<4x5120xf32, #tpu.memory_space<vmem>>[vector<16xi32>, vector<16xi32>], vector<16xf32>,
      %add3A_1392 = vector.broadcast %add3A_1363 : i32 to vector<16xi32>
      %add3A_1393 = arith.addi %add3A_1392, %iota3A : vector<16xi32>
      %mul3A_1394 = arith.constant 3 : i32
      %mul3A_1395 = vector.broadcast %mul3A_1394 : i32 to vector<16xi32>
      %mul3A_1396 = arith.muli %add3A_1393, %mul3A_1395 : vector<16xi32>
      %add3A_1397 = arith.constant 2 : i32
      %add3A_1398 = vector.broadcast %add3A_1397 : i32 to vector<16xi32>
      %add3A_1399 = arith.addi %mul3A_1396, %add3A_1398 : vector<16xi32>
      %gather3A_1400 = tpu.vector_load_idx %arg9[%add3A_1399] : memref<12288xf32, #tpu.memory_space<vmem>>[vector<16xi32>], vector<16xf32>,
      tpu.vector_store_idx %arg18[%broadcast_in_dim3A_15, %add3A_1368], %gather3A_1400 : memref<4x5120xf32, #tpu.memory_space<vmem>>[vector<16xi32>, vector<16xi32>], vector<16xf32>,
      tpu.vector_store_idx %arg18[%broadcast_in_dim3A_17, %add3A_1368], %broadcast_in_dim3A_9 : memref<4x5120xf32, #tpu.memory_space<vmem>>[vector<16xi32>, vector<16xi32>], vector<16xf32>,
      %scan3A_1401 = arith.constant 0 : i32
      scf.yield %scan3A_1401 : i32
    }
    %scan3A_535 = arith.constant 32 : i32
    %mul3A_536 = arith.constant 32 : i32
    %mul3A_537 = arith.muli %add3A, %mul3A_536 : i32
    "tpu.region"() ({
      %run_scoped3A = tpu.sem_alloc : memref<!tpu.dma_semaphore, #tpu.memory_space<semaphore_mem>>
      %dma_start3A = arith.constant 0 : i32
      %dma_start3A_1072 = tpu.memref_slice %arg7[%mul3A_537, %dma_start3A] : memref<1024x128xi32, #tpu.memory_space<hbm>> -> memref<32x128xi32, #tpu.memory_space<hbm>>
      %dma_start3A_1073 = arith.constant 0 : i32
      %dma_start3A_1074 = tpu.memref_slice %arg7[%mul3A_537, %dma_start3A_1073] : memref<1024x128xi32, #tpu.memory_space<hbm>> -> memref<32x128xi32, #tpu.memory_space<hbm>>
      tpu.enqueue_dma source(%arg17 : memref<32x128xi32, #tpu.memory_space<vmem>>) target(%dma_start3A_1074 : memref<32x128xi32, #tpu.memory_space<hbm>>) target_semaphore(%run_scoped3A : memref<!tpu.dma_semaphore, #tpu.memory_space<semaphore_mem>>)
      %dma_wait3A = arith.constant 0 : i32
      %dma_wait3A_1075 = tpu.memref_slice %arg7[%mul3A_537, %dma_wait3A] : memref<1024x128xi32, #tpu.memory_space<hbm>> -> memref<32x128xi32, #tpu.memory_space<hbm>>
      %dma_wait3A_1076 = arith.constant 0 : i32
      %dma_wait3A_1077 = tpu.memref_slice %arg7[%mul3A_537, %dma_wait3A_1076] : memref<1024x128xi32, #tpu.memory_space<hbm>> -> memref<32x128xi32, #tpu.memory_space<hbm>>
      tpu.wait_dma2 semaphore(%run_scoped3A : memref<!tpu.dma_semaphore, #tpu.memory_space<semaphore_mem>>) src(%arg17 : memref<32x128xi32, #tpu.memory_space<vmem>>) dst(%dma_wait3A_1077 : memref<32x128xi32, #tpu.memory_space<hbm>>)
      tpu.yield
    }) : () -> ()
    %eq3A_538 = arith.constant 0 : i32
    %eq3A_539 = vector.broadcast %eq3A_538 : i32 to vector<16xi32>
    %eq3A_540 = arith.cmpi eq, %iota3A, %eq3A_539 : vector<16xi32>
    %jit3A_541 = arith.constant 0 : i32
    %broadcast_in_dim3A_542 = vector.broadcast %jit3A_541 : i32 to vector<16xi32>
    %select_n3A_543 = arith.select %eq3A_540, %sub3A_434, %broadcast_in_dim3A_542 : vector<16xi1>, vector<16xi32>
    %reduce_sum3A_544 = arith.constant true
    %reduce_sum3A_545 = vector.broadcast %reduce_sum3A_544 : i1 to vector<16xi1>
    %reduce_sum3A_546 = tpu.scan <sum>, %select_n3A_543 masked %reduce_sum3A_545 : vector<16xi32>, vector<16xi1> -> vector<16xi32>
    %reduce_sum3A_547 = vector.extract %reduce_sum3A_546[15] : i32 from vector<16xi32>
    %eq3A_548 = arith.constant 1 : i32
    %eq3A_549 = vector.broadcast %eq3A_548 : i32 to vector<16xi32>
    %eq3A_550 = arith.cmpi eq, %iota3A, %eq3A_549 : vector<16xi32>
    %jit3A_551 = arith.constant 0 : i32
    %broadcast_in_dim3A_552 = vector.broadcast %jit3A_551 : i32 to vector<16xi32>
    %select_n3A_553 = arith.select %eq3A_550, %sub3A_434, %broadcast_in_dim3A_552 : vector<16xi1>, vector<16xi32>
    %reduce_sum3A_554 = arith.constant true
    %reduce_sum3A_555 = vector.broadcast %reduce_sum3A_554 : i1 to vector<16xi1>
    %reduce_sum3A_556 = tpu.scan <sum>, %select_n3A_553 masked %reduce_sum3A_555 : vector<16xi32>, vector<16xi1> -> vector<16xi32>
    %reduce_sum3A_557 = vector.extract %reduce_sum3A_556[15] : i32 from vector<16xi32>
    %eq3A_558 = arith.constant 2 : i32
    %eq3A_559 = vector.broadcast %eq3A_558 : i32 to vector<16xi32>
    %eq3A_560 = arith.cmpi eq, %iota3A, %eq3A_559 : vector<16xi32>
    %jit3A_561 = arith.constant 0 : i32
    %broadcast_in_dim3A_562 = vector.broadcast %jit3A_561 : i32 to vector<16xi32>
    %select_n3A_563 = arith.select %eq3A_560, %sub3A_434, %broadcast_in_dim3A_562 : vector<16xi1>, vector<16xi32>
    %reduce_sum3A_564 = arith.constant true
    %reduce_sum3A_565 = vector.broadcast %reduce_sum3A_564 : i1 to vector<16xi1>
    %reduce_sum3A_566 = tpu.scan <sum>, %select_n3A_563 masked %reduce_sum3A_565 : vector<16xi32>, vector<16xi1> -> vector<16xi32>
    %reduce_sum3A_567 = vector.extract %reduce_sum3A_566[15] : i32 from vector<16xi32>
    %eq3A_568 = arith.constant 3 : i32
    %eq3A_569 = vector.broadcast %eq3A_568 : i32 to vector<16xi32>
    %eq3A_570 = arith.cmpi eq, %iota3A, %eq3A_569 : vector<16xi32>
    %jit3A_571 = arith.constant 0 : i32
    %broadcast_in_dim3A_572 = vector.broadcast %jit3A_571 : i32 to vector<16xi32>
    %select_n3A_573 = arith.select %eq3A_570, %sub3A_434, %broadcast_in_dim3A_572 : vector<16xi1>, vector<16xi32>
    %reduce_sum3A_574 = arith.constant true
    %reduce_sum3A_575 = vector.broadcast %reduce_sum3A_574 : i1 to vector<16xi1>
    %reduce_sum3A_576 = tpu.scan <sum>, %select_n3A_573 masked %reduce_sum3A_575 : vector<16xi32>, vector<16xi1> -> vector<16xi32>
    %reduce_sum3A_577 = vector.extract %reduce_sum3A_576[15] : i32 from vector<16xi32>
    %eq3A_578 = arith.constant 4 : i32
    %eq3A_579 = vector.broadcast %eq3A_578 : i32 to vector<16xi32>
    %eq3A_580 = arith.cmpi eq, %iota3A, %eq3A_579 : vector<16xi32>
    %jit3A_581 = arith.constant 0 : i32
    %broadcast_in_dim3A_582 = vector.broadcast %jit3A_581 : i32 to vector<16xi32>
    %select_n3A_583 = arith.select %eq3A_580, %sub3A_434, %broadcast_in_dim3A_582 : vector<16xi1>, vector<16xi32>
    %reduce_sum3A_584 = arith.constant true
    %reduce_sum3A_585 = vector.broadcast %reduce_sum3A_584 : i1 to vector<16xi1>
    %reduce_sum3A_586 = tpu.scan <sum>, %select_n3A_583 masked %reduce_sum3A_585 : vector<16xi32>, vector<16xi1> -> vector<16xi32>
    %reduce_sum3A_587 = vector.extract %reduce_sum3A_586[15] : i32 from vector<16xi32>
    %eq3A_588 = arith.constant 5 : i32
    %eq3A_589 = vector.broadcast %eq3A_588 : i32 to vector<16xi32>
    %eq3A_590 = arith.cmpi eq, %iota3A, %eq3A_589 : vector<16xi32>
    %jit3A_591 = arith.constant 0 : i32
    %broadcast_in_dim3A_592 = vector.broadcast %jit3A_591 : i32 to vector<16xi32>
    %select_n3A_593 = arith.select %eq3A_590, %sub3A_434, %broadcast_in_dim3A_592 : vector<16xi1>, vector<16xi32>
    %reduce_sum3A_594 = arith.constant true
    %reduce_sum3A_595 = vector.broadcast %reduce_sum3A_594 : i1 to vector<16xi1>
    %reduce_sum3A_596 = tpu.scan <sum>, %select_n3A_593 masked %reduce_sum3A_595 : vector<16xi32>, vector<16xi1> -> vector<16xi32>
    %reduce_sum3A_597 = vector.extract %reduce_sum3A_596[15] : i32 from vector<16xi32>
    %eq3A_598 = arith.constant 6 : i32
    %eq3A_599 = vector.broadcast %eq3A_598 : i32 to vector<16xi32>
    %eq3A_600 = arith.cmpi eq, %iota3A, %eq3A_599 : vector<16xi32>
    %jit3A_601 = arith.constant 0 : i32
    %broadcast_in_dim3A_602 = vector.broadcast %jit3A_601 : i32 to vector<16xi32>
    %select_n3A_603 = arith.select %eq3A_600, %sub3A_434, %broadcast_in_dim3A_602 : vector<16xi1>, vector<16xi32>
    %reduce_sum3A_604 = arith.constant true
    %reduce_sum3A_605 = vector.broadcast %reduce_sum3A_604 : i1 to vector<16xi1>
    %reduce_sum3A_606 = tpu.scan <sum>, %select_n3A_603 masked %reduce_sum3A_605 : vector<16xi32>, vector<16xi1> -> vector<16xi32>
    %reduce_sum3A_607 = vector.extract %reduce_sum3A_606[15] : i32 from vector<16xi32>
    %eq3A_608 = arith.constant 7 : i32
    %eq3A_609 = vector.broadcast %eq3A_608 : i32 to vector<16xi32>
    %eq3A_610 = arith.cmpi eq, %iota3A, %eq3A_609 : vector<16xi32>
    %jit3A_611 = arith.constant 0 : i32
    %broadcast_in_dim3A_612 = vector.broadcast %jit3A_611 : i32 to vector<16xi32>
    %select_n3A_613 = arith.select %eq3A_610, %sub3A_434, %broadcast_in_dim3A_612 : vector<16xi1>, vector<16xi32>
    %reduce_sum3A_614 = arith.constant true
    %reduce_sum3A_615 = vector.broadcast %reduce_sum3A_614 : i1 to vector<16xi1>
    %reduce_sum3A_616 = tpu.scan <sum>, %select_n3A_613 masked %reduce_sum3A_615 : vector<16xi32>, vector<16xi1> -> vector<16xi32>
    %reduce_sum3A_617 = vector.extract %reduce_sum3A_616[15] : i32 from vector<16xi32>
    %eq3A_618 = arith.constant 0 : i32
    %eq3A_619 = vector.broadcast %eq3A_618 : i32 to vector<16xi32>
    %eq3A_620 = arith.cmpi eq, %iota3A, %eq3A_619 : vector<16xi32>
    %add3A_621 = arith.addi %add3A_390, %scan3A_21#1 : vector<16xi32>
    %jit3A_622 = arith.constant 0 : i32
    %broadcast_in_dim3A_623 = vector.broadcast %jit3A_622 : i32 to vector<16xi32>
    %select_n3A_624 = arith.select %eq3A_620, %add3A_621, %broadcast_in_dim3A_623 : vector<16xi1>, vector<16xi32>
    %reduce_sum3A_625 = arith.constant true
    %reduce_sum3A_626 = vector.broadcast %reduce_sum3A_625 : i1 to vector<16xi1>
    %reduce_sum3A_627 = tpu.scan <sum>, %select_n3A_624 masked %reduce_sum3A_626 : vector<16xi32>, vector<16xi1> -> vector<16xi32>
    %reduce_sum3A_628 = vector.extract %reduce_sum3A_627[15] : i32 from vector<16xi32>
    %eq3A_629 = arith.constant 1 : i32
    %eq3A_630 = vector.broadcast %eq3A_629 : i32 to vector<16xi32>
    %eq3A_631 = arith.cmpi eq, %iota3A, %eq3A_630 : vector<16xi32>
    %add3A_632 = arith.addi %add3A_390, %scan3A_21#1 : vector<16xi32>
    %jit3A_633 = arith.constant 0 : i32
    %broadcast_in_dim3A_634 = vector.broadcast %jit3A_633 : i32 to vector<16xi32>
    %select_n3A_635 = arith.select %eq3A_631, %add3A_632, %broadcast_in_dim3A_634 : vector<16xi1>, vector<16xi32>
    %reduce_sum3A_636 = arith.constant true
    %reduce_sum3A_637 = vector.broadcast %reduce_sum3A_636 : i1 to vector<16xi1>
    %reduce_sum3A_638 = tpu.scan <sum>, %select_n3A_635 masked %reduce_sum3A_637 : vector<16xi32>, vector<16xi1> -> vector<16xi32>
    %reduce_sum3A_639 = vector.extract %reduce_sum3A_638[15] : i32 from vector<16xi32>
    %eq3A_640 = arith.constant 2 : i32
    %eq3A_641 = vector.broadcast %eq3A_640 : i32 to vector<16xi32>
    %eq3A_642 = arith.cmpi eq, %iota3A, %eq3A_641 : vector<16xi32>
    %add3A_643 = arith.addi %add3A_390, %scan3A_21#1 : vector<16xi32>
    %jit3A_644 = arith.constant 0 : i32
    %broadcast_in_dim3A_645 = vector.broadcast %jit3A_644 : i32 to vector<16xi32>
    %select_n3A_646 = arith.select %eq3A_642, %add3A_643, %broadcast_in_dim3A_645 : vector<16xi1>, vector<16xi32>
    %reduce_sum3A_647 = arith.constant true
    %reduce_sum3A_648 = vector.broadcast %reduce_sum3A_647 : i1 to vector<16xi1>
    %reduce_sum3A_649 = tpu.scan <sum>, %select_n3A_646 masked %reduce_sum3A_648 : vector<16xi32>, vector<16xi1> -> vector<16xi32>
    %reduce_sum3A_650 = vector.extract %reduce_sum3A_649[15] : i32 from vector<16xi32>
    %eq3A_651 = arith.constant 3 : i32
    %eq3A_652 = vector.broadcast %eq3A_651 : i32 to vector<16xi32>
    %eq3A_653 = arith.cmpi eq, %iota3A, %eq3A_652 : vector<16xi32>
    %add3A_654 = arith.addi %add3A_390, %scan3A_21#1 : vector<16xi32>
    %jit3A_655 = arith.constant 0 : i32
    %broadcast_in_dim3A_656 = vector.broadcast %jit3A_655 : i32 to vector<16xi32>
    %select_n3A_657 = arith.select %eq3A_653, %add3A_654, %broadcast_in_dim3A_656 : vector<16xi1>, vector<16xi32>
    %reduce_sum3A_658 = arith.constant true
    %reduce_sum3A_659 = vector.broadcast %reduce_sum3A_658 : i1 to vector<16xi1>
    %reduce_sum3A_660 = tpu.scan <sum>, %select_n3A_657 masked %reduce_sum3A_659 : vector<16xi32>, vector<16xi1> -> vector<16xi32>
    %reduce_sum3A_661 = vector.extract %reduce_sum3A_660[15] : i32 from vector<16xi32>
    %eq3A_662 = arith.constant 4 : i32
    %eq3A_663 = vector.broadcast %eq3A_662 : i32 to vector<16xi32>
    %eq3A_664 = arith.cmpi eq, %iota3A, %eq3A_663 : vector<16xi32>
    %add3A_665 = arith.addi %add3A_390, %scan3A_21#1 : vector<16xi32>
    %jit3A_666 = arith.constant 0 : i32
    %broadcast_in_dim3A_667 = vector.broadcast %jit3A_666 : i32 to vector<16xi32>
    %select_n3A_668 = arith.select %eq3A_664, %add3A_665, %broadcast_in_dim3A_667 : vector<16xi1>, vector<16xi32>
    %reduce_sum3A_669 = arith.constant true
    %reduce_sum3A_670 = vector.broadcast %reduce_sum3A_669 : i1 to vector<16xi1>
    %reduce_sum3A_671 = tpu.scan <sum>, %select_n3A_668 masked %reduce_sum3A_670 : vector<16xi32>, vector<16xi1> -> vector<16xi32>
    %reduce_sum3A_672 = vector.extract %reduce_sum3A_671[15] : i32 from vector<16xi32>
    %eq3A_673 = arith.constant 5 : i32
    %eq3A_674 = vector.broadcast %eq3A_673 : i32 to vector<16xi32>
    %eq3A_675 = arith.cmpi eq, %iota3A, %eq3A_674 : vector<16xi32>
    %add3A_676 = arith.addi %add3A_390, %scan3A_21#1 : vector<16xi32>
    %jit3A_677 = arith.constant 0 : i32
    %broadcast_in_dim3A_678 = vector.broadcast %jit3A_677 : i32 to vector<16xi32>
    %select_n3A_679 = arith.select %eq3A_675, %add3A_676, %broadcast_in_dim3A_678 : vector<16xi1>, vector<16xi32>
    %reduce_sum3A_680 = arith.constant true
    %reduce_sum3A_681 = vector.broadcast %reduce_sum3A_680 : i1 to vector<16xi1>
    %reduce_sum3A_682 = tpu.scan <sum>, %select_n3A_679 masked %reduce_sum3A_681 : vector<16xi32>, vector<16xi1> -> vector<16xi32>
    %reduce_sum3A_683 = vector.extract %reduce_sum3A_682[15] : i32 from vector<16xi32>
    %eq3A_684 = arith.constant 6 : i32
    %eq3A_685 = vector.broadcast %eq3A_684 : i32 to vector<16xi32>
    %eq3A_686 = arith.cmpi eq, %iota3A, %eq3A_685 : vector<16xi32>
    %add3A_687 = arith.addi %add3A_390, %scan3A_21#1 : vector<16xi32>
    %jit3A_688 = arith.constant 0 : i32
    %broadcast_in_dim3A_689 = vector.broadcast %jit3A_688 : i32 to vector<16xi32>
    %select_n3A_690 = arith.select %eq3A_686, %add3A_687, %broadcast_in_dim3A_689 : vector<16xi1>, vector<16xi32>
    %reduce_sum3A_691 = arith.constant true
    %reduce_sum3A_692 = vector.broadcast %reduce_sum3A_691 : i1 to vector<16xi1>
    %reduce_sum3A_693 = tpu.scan <sum>, %select_n3A_690 masked %reduce_sum3A_692 : vector<16xi32>, vector<16xi1> -> vector<16xi32>
    %reduce_sum3A_694 = vector.extract %reduce_sum3A_693[15] : i32 from vector<16xi32>
    %eq3A_695 = arith.constant 7 : i32
    %eq3A_696 = vector.broadcast %eq3A_695 : i32 to vector<16xi32>
    %eq3A_697 = arith.cmpi eq, %iota3A, %eq3A_696 : vector<16xi32>
    %add3A_698 = arith.addi %add3A_390, %scan3A_21#1 : vector<16xi32>
    %jit3A_699 = arith.constant 0 : i32
    %broadcast_in_dim3A_700 = vector.broadcast %jit3A_699 : i32 to vector<16xi32>
    %select_n3A_701 = arith.select %eq3A_697, %add3A_698, %broadcast_in_dim3A_700 : vector<16xi1>, vector<16xi32>
    %reduce_sum3A_702 = arith.constant true
    %reduce_sum3A_703 = vector.broadcast %reduce_sum3A_702 : i1 to vector<16xi1>
    %reduce_sum3A_704 = tpu.scan <sum>, %select_n3A_701 masked %reduce_sum3A_703 : vector<16xi32>, vector<16xi1> -> vector<16xi32>
    %reduce_sum3A_705 = vector.extract %reduce_sum3A_704[15] : i32 from vector<16xi32>
    %eq3A_706 = arith.constant 0 : i32
    %eq3A_707 = vector.broadcast %eq3A_706 : i32 to vector<16xi32>
    %eq3A_708 = arith.cmpi eq, %iota3A, %eq3A_707 : vector<16xi32>
    %add3A_709 = arith.constant 127 : i32
    %add3A_710 = vector.broadcast %add3A_709 : i32 to vector<16xi32>
    %add3A_711 = arith.addi %get3A_394, %add3A_710 : vector<16xi32>
    %jit3A_712 = arith.constant 128 : i32
    %div3A_713 = vector.broadcast %jit3A_712 : i32 to vector<16xi32>
    %div3A_714 = arith.divsi %add3A_711, %div3A_713 : vector<16xi32>
    %sign3A_715 = arith.constant 0 : i32
    %sign3A_716 = vector.broadcast %sign3A_715 : i32 to vector<16xi32>
    %sign3A_717 = arith.cmpi sgt, %add3A_711, %sign3A_716 : vector<16xi32>
    %sign3A_718 = arith.extui %sign3A_717 : vector<16xi1> to vector<16xi32>
    %sign3A_719 = arith.constant 0 : i32
    %sign3A_720 = vector.broadcast %sign3A_719 : i32 to vector<16xi32>
    %sign3A_721 = arith.cmpi slt, %add3A_711, %sign3A_720 : vector<16xi32>
    %sign3A_722 = arith.extui %sign3A_721 : vector<16xi1> to vector<16xi32>
    %sign3A_723 = arith.subi %sign3A_718, %sign3A_722 : vector<16xi32>
    %sign3A_724 = arith.constant 0 : i32
    %sign3A_725 = arith.cmpi sgt, %jit3A_712, %sign3A_724 : i32
    %sign3A_726 = arith.extui %sign3A_725 : i1 to i32
    %sign3A_727 = arith.constant 0 : i32
    %sign3A_728 = arith.cmpi slt, %jit3A_712, %sign3A_727 : i32
    %sign3A_729 = arith.extui %sign3A_728 : i1 to i32
    %sign3A_730 = arith.subi %sign3A_726, %sign3A_729 : i32
    %ne3A_731 = vector.broadcast %sign3A_730 : i32 to vector<16xi32>
    %ne3A_732 = arith.cmpi ne, %sign3A_723, %ne3A_731 : vector<16xi32>
    %rem3A_733 = vector.broadcast %jit3A_712 : i32 to vector<16xi32>
    %rem3A_734 = arith.remsi %add3A_711, %rem3A_733 : vector<16xi32>
    %ne3A_735 = arith.constant 0 : i32
    %ne3A_736 = vector.broadcast %ne3A_735 : i32 to vector<16xi32>
    %ne3A_737 = arith.cmpi ne, %rem3A_734, %ne3A_736 : vector<16xi32>
    %and3A_738 = arith.andi %ne3A_732, %ne3A_737 : vector<16xi1>
    %sub3A_739 = arith.constant 1 : i32
    %sub3A_740 = vector.broadcast %sub3A_739 : i32 to vector<16xi32>
    %sub3A_741 = arith.subi %div3A_714, %sub3A_740 : vector<16xi32>
    %select_n3A_742 = arith.select %and3A_738, %sub3A_741, %div3A_714 : vector<16xi1>, vector<16xi32>
    %jit3A_743 = arith.constant 0 : i32
    %broadcast_in_dim3A_744 = vector.broadcast %jit3A_743 : i32 to vector<16xi32>
    %select_n3A_745 = arith.select %eq3A_708, %select_n3A_742, %broadcast_in_dim3A_744 : vector<16xi1>, vector<16xi32>
    %reduce_sum3A_746 = arith.constant true
    %reduce_sum3A_747 = vector.broadcast %reduce_sum3A_746 : i1 to vector<16xi1>
    %reduce_sum3A_748 = tpu.scan <sum>, %select_n3A_745 masked %reduce_sum3A_747 : vector<16xi32>, vector<16xi1> -> vector<16xi32>
    %reduce_sum3A_749 = vector.extract %reduce_sum3A_748[15] : i32 from vector<16xi32>
    %eq3A_750 = arith.constant 1 : i32
    %eq3A_751 = vector.broadcast %eq3A_750 : i32 to vector<16xi32>
    %eq3A_752 = arith.cmpi eq, %iota3A, %eq3A_751 : vector<16xi32>
    %add3A_753 = arith.constant 127 : i32
    %add3A_754 = vector.broadcast %add3A_753 : i32 to vector<16xi32>
    %add3A_755 = arith.addi %get3A_394, %add3A_754 : vector<16xi32>
    %jit3A_756 = arith.constant 128 : i32
    %div3A_757 = vector.broadcast %jit3A_756 : i32 to vector<16xi32>
    %div3A_758 = arith.divsi %add3A_755, %div3A_757 : vector<16xi32>
    %sign3A_759 = arith.constant 0 : i32
    %sign3A_760 = vector.broadcast %sign3A_759 : i32 to vector<16xi32>
    %sign3A_761 = arith.cmpi sgt, %add3A_755, %sign3A_760 : vector<16xi32>
    %sign3A_762 = arith.extui %sign3A_761 : vector<16xi1> to vector<16xi32>
    %sign3A_763 = arith.constant 0 : i32
    %sign3A_764 = vector.broadcast %sign3A_763 : i32 to vector<16xi32>
    %sign3A_765 = arith.cmpi slt, %add3A_755, %sign3A_764 : vector<16xi32>
    %sign3A_766 = arith.extui %sign3A_765 : vector<16xi1> to vector<16xi32>
    %sign3A_767 = arith.subi %sign3A_762, %sign3A_766 : vector<16xi32>
    %sign3A_768 = arith.constant 0 : i32
    %sign3A_769 = arith.cmpi sgt, %jit3A_756, %sign3A_768 : i32
    %sign3A_770 = arith.extui %sign3A_769 : i1 to i32
    %sign3A_771 = arith.constant 0 : i32
    %sign3A_772 = arith.cmpi slt, %jit3A_756, %sign3A_771 : i32
    %sign3A_773 = arith.extui %sign3A_772 : i1 to i32
    %sign3A_774 = arith.subi %sign3A_770, %sign3A_773 : i32
    %ne3A_775 = vector.broadcast %sign3A_774 : i32 to vector<16xi32>
    %ne3A_776 = arith.cmpi ne, %sign3A_767, %ne3A_775 : vector<16xi32>
    %rem3A_777 = vector.broadcast %jit3A_756 : i32 to vector<16xi32>
    %rem3A_778 = arith.remsi %add3A_755, %rem3A_777 : vector<16xi32>
    %ne3A_779 = arith.constant 0 : i32
    %ne3A_780 = vector.broadcast %ne3A_779 : i32 to vector<16xi32>
    %ne3A_781 = arith.cmpi ne, %rem3A_778, %ne3A_780 : vector<16xi32>
    %and3A_782 = arith.andi %ne3A_776, %ne3A_781 : vector<16xi1>
    %sub3A_783 = arith.constant 1 : i32
    %sub3A_784 = vector.broadcast %sub3A_783 : i32 to vector<16xi32>
    %sub3A_785 = arith.subi %div3A_758, %sub3A_784 : vector<16xi32>
    %select_n3A_786 = arith.select %and3A_782, %sub3A_785, %div3A_758 : vector<16xi1>, vector<16xi32>
    %jit3A_787 = arith.constant 0 : i32
    %broadcast_in_dim3A_788 = vector.broadcast %jit3A_787 : i32 to vector<16xi32>
    %select_n3A_789 = arith.select %eq3A_752, %select_n3A_786, %broadcast_in_dim3A_788 : vector<16xi1>, vector<16xi32>
    %reduce_sum3A_790 = arith.constant true
    %reduce_sum3A_791 = vector.broadcast %reduce_sum3A_790 : i1 to vector<16xi1>
    %reduce_sum3A_792 = tpu.scan <sum>, %select_n3A_789 masked %reduce_sum3A_791 : vector<16xi32>, vector<16xi1> -> vector<16xi32>
    %reduce_sum3A_793 = vector.extract %reduce_sum3A_792[15] : i32 from vector<16xi32>
    %eq3A_794 = arith.constant 2 : i32
    %eq3A_795 = vector.broadcast %eq3A_794 : i32 to vector<16xi32>
    %eq3A_796 = arith.cmpi eq, %iota3A, %eq3A_795 : vector<16xi32>
    %add3A_797 = arith.constant 127 : i32
    %add3A_798 = vector.broadcast %add3A_797 : i32 to vector<16xi32>
    %add3A_799 = arith.addi %get3A_394, %add3A_798 : vector<16xi32>
    %jit3A_800 = arith.constant 128 : i32
    %div3A_801 = vector.broadcast %jit3A_800 : i32 to vector<16xi32>
    %div3A_802 = arith.divsi %add3A_799, %div3A_801 : vector<16xi32>
    %sign3A_803 = arith.constant 0 : i32
    %sign3A_804 = vector.broadcast %sign3A_803 : i32 to vector<16xi32>
    %sign3A_805 = arith.cmpi sgt, %add3A_799, %sign3A_804 : vector<16xi32>
    %sign3A_806 = arith.extui %sign3A_805 : vector<16xi1> to vector<16xi32>
    %sign3A_807 = arith.constant 0 : i32
    %sign3A_808 = vector.broadcast %sign3A_807 : i32 to vector<16xi32>
    %sign3A_809 = arith.cmpi slt, %add3A_799, %sign3A_808 : vector<16xi32>
    %sign3A_810 = arith.extui %sign3A_809 : vector<16xi1> to vector<16xi32>
    %sign3A_811 = arith.subi %sign3A_806, %sign3A_810 : vector<16xi32>
    %sign3A_812 = arith.constant 0 : i32
    %sign3A_813 = arith.cmpi sgt, %jit3A_800, %sign3A_812 : i32
    %sign3A_814 = arith.extui %sign3A_813 : i1 to i32
    %sign3A_815 = arith.constant 0 : i32
    %sign3A_816 = arith.cmpi slt, %jit3A_800, %sign3A_815 : i32
    %sign3A_817 = arith.extui %sign3A_816 : i1 to i32
    %sign3A_818 = arith.subi %sign3A_814, %sign3A_817 : i32
    %ne3A_819 = vector.broadcast %sign3A_818 : i32 to vector<16xi32>
    %ne3A_820 = arith.cmpi ne, %sign3A_811, %ne3A_819 : vector<16xi32>
    %rem3A_821 = vector.broadcast %jit3A_800 : i32 to vector<16xi32>
    %rem3A_822 = arith.remsi %add3A_799, %rem3A_821 : vector<16xi32>
    %ne3A_823 = arith.constant 0 : i32
    %ne3A_824 = vector.broadcast %ne3A_823 : i32 to vector<16xi32>
    %ne3A_825 = arith.cmpi ne, %rem3A_822, %ne3A_824 : vector<16xi32>
    %and3A_826 = arith.andi %ne3A_820, %ne3A_825 : vector<16xi1>
    %sub3A_827 = arith.constant 1 : i32
    %sub3A_828 = vector.broadcast %sub3A_827 : i32 to vector<16xi32>
    %sub3A_829 = arith.subi %div3A_802, %sub3A_828 : vector<16xi32>
    %select_n3A_830 = arith.select %and3A_826, %sub3A_829, %div3A_802 : vector<16xi1>, vector<16xi32>
    %jit3A_831 = arith.constant 0 : i32
    %broadcast_in_dim3A_832 = vector.broadcast %jit3A_831 : i32 to vector<16xi32>
    %select_n3A_833 = arith.select %eq3A_796, %select_n3A_830, %broadcast_in_dim3A_832 : vector<16xi1>, vector<16xi32>
    %reduce_sum3A_834 = arith.constant true
    %reduce_sum3A_835 = vector.broadcast %reduce_sum3A_834 : i1 to vector<16xi1>
    %reduce_sum3A_836 = tpu.scan <sum>, %select_n3A_833 masked %reduce_sum3A_835 : vector<16xi32>, vector<16xi1> -> vector<16xi32>
    %reduce_sum3A_837 = vector.extract %reduce_sum3A_836[15] : i32 from vector<16xi32>
    %eq3A_838 = arith.constant 3 : i32
    %eq3A_839 = vector.broadcast %eq3A_838 : i32 to vector<16xi32>
    %eq3A_840 = arith.cmpi eq, %iota3A, %eq3A_839 : vector<16xi32>
    %add3A_841 = arith.constant 127 : i32
    %add3A_842 = vector.broadcast %add3A_841 : i32 to vector<16xi32>
    %add3A_843 = arith.addi %get3A_394, %add3A_842 : vector<16xi32>
    %jit3A_844 = arith.constant 128 : i32
    %div3A_845 = vector.broadcast %jit3A_844 : i32 to vector<16xi32>
    %div3A_846 = arith.divsi %add3A_843, %div3A_845 : vector<16xi32>
    %sign3A_847 = arith.constant 0 : i32
    %sign3A_848 = vector.broadcast %sign3A_847 : i32 to vector<16xi32>
    %sign3A_849 = arith.cmpi sgt, %add3A_843, %sign3A_848 : vector<16xi32>
    %sign3A_850 = arith.extui %sign3A_849 : vector<16xi1> to vector<16xi32>
    %sign3A_851 = arith.constant 0 : i32
    %sign3A_852 = vector.broadcast %sign3A_851 : i32 to vector<16xi32>
    %sign3A_853 = arith.cmpi slt, %add3A_843, %sign3A_852 : vector<16xi32>
    %sign3A_854 = arith.extui %sign3A_853 : vector<16xi1> to vector<16xi32>
    %sign3A_855 = arith.subi %sign3A_850, %sign3A_854 : vector<16xi32>
    %sign3A_856 = arith.constant 0 : i32
    %sign3A_857 = arith.cmpi sgt, %jit3A_844, %sign3A_856 : i32
    %sign3A_858 = arith.extui %sign3A_857 : i1 to i32
    %sign3A_859 = arith.constant 0 : i32
    %sign3A_860 = arith.cmpi slt, %jit3A_844, %sign3A_859 : i32
    %sign3A_861 = arith.extui %sign3A_860 : i1 to i32
    %sign3A_862 = arith.subi %sign3A_858, %sign3A_861 : i32
    %ne3A_863 = vector.broadcast %sign3A_862 : i32 to vector<16xi32>
    %ne3A_864 = arith.cmpi ne, %sign3A_855, %ne3A_863 : vector<16xi32>
    %rem3A_865 = vector.broadcast %jit3A_844 : i32 to vector<16xi32>
    %rem3A_866 = arith.remsi %add3A_843, %rem3A_865 : vector<16xi32>
    %ne3A_867 = arith.constant 0 : i32
    %ne3A_868 = vector.broadcast %ne3A_867 : i32 to vector<16xi32>
    %ne3A_869 = arith.cmpi ne, %rem3A_866, %ne3A_868 : vector<16xi32>
    %and3A_870 = arith.andi %ne3A_864, %ne3A_869 : vector<16xi1>
    %sub3A_871 = arith.constant 1 : i32
    %sub3A_872 = vector.broadcast %sub3A_871 : i32 to vector<16xi32>
    %sub3A_873 = arith.subi %div3A_846, %sub3A_872 : vector<16xi32>
    %select_n3A_874 = arith.select %and3A_870, %sub3A_873, %div3A_846 : vector<16xi1>, vector<16xi32>
    %jit3A_875 = arith.constant 0 : i32
    %broadcast_in_dim3A_876 = vector.broadcast %jit3A_875 : i32 to vector<16xi32>
    %select_n3A_877 = arith.select %eq3A_840, %select_n3A_874, %broadcast_in_dim3A_876 : vector<16xi1>, vector<16xi32>
    %reduce_sum3A_878 = arith.constant true
    %reduce_sum3A_879 = vector.broadcast %reduce_sum3A_878 : i1 to vector<16xi1>
    %reduce_sum3A_880 = tpu.scan <sum>, %select_n3A_877 masked %reduce_sum3A_879 : vector<16xi32>, vector<16xi1> -> vector<16xi32>
    %reduce_sum3A_881 = vector.extract %reduce_sum3A_880[15] : i32 from vector<16xi32>
    %eq3A_882 = arith.constant 4 : i32
    %eq3A_883 = vector.broadcast %eq3A_882 : i32 to vector<16xi32>
    %eq3A_884 = arith.cmpi eq, %iota3A, %eq3A_883 : vector<16xi32>
    %add3A_885 = arith.constant 127 : i32
    %add3A_886 = vector.broadcast %add3A_885 : i32 to vector<16xi32>
    %add3A_887 = arith.addi %get3A_394, %add3A_886 : vector<16xi32>
    %jit3A_888 = arith.constant 128 : i32
    %div3A_889 = vector.broadcast %jit3A_888 : i32 to vector<16xi32>
    %div3A_890 = arith.divsi %add3A_887, %div3A_889 : vector<16xi32>
    %sign3A_891 = arith.constant 0 : i32
    %sign3A_892 = vector.broadcast %sign3A_891 : i32 to vector<16xi32>
    %sign3A_893 = arith.cmpi sgt, %add3A_887, %sign3A_892 : vector<16xi32>
    %sign3A_894 = arith.extui %sign3A_893 : vector<16xi1> to vector<16xi32>
    %sign3A_895 = arith.constant 0 : i32
    %sign3A_896 = vector.broadcast %sign3A_895 : i32 to vector<16xi32>
    %sign3A_897 = arith.cmpi slt, %add3A_887, %sign3A_896 : vector<16xi32>
    %sign3A_898 = arith.extui %sign3A_897 : vector<16xi1> to vector<16xi32>
    %sign3A_899 = arith.subi %sign3A_894, %sign3A_898 : vector<16xi32>
    %sign3A_900 = arith.constant 0 : i32
    %sign3A_901 = arith.cmpi sgt, %jit3A_888, %sign3A_900 : i32
    %sign3A_902 = arith.extui %sign3A_901 : i1 to i32
    %sign3A_903 = arith.constant 0 : i32
    %sign3A_904 = arith.cmpi slt, %jit3A_888, %sign3A_903 : i32
    %sign3A_905 = arith.extui %sign3A_904 : i1 to i32
    %sign3A_906 = arith.subi %sign3A_902, %sign3A_905 : i32
    %ne3A_907 = vector.broadcast %sign3A_906 : i32 to vector<16xi32>
    %ne3A_908 = arith.cmpi ne, %sign3A_899, %ne3A_907 : vector<16xi32>
    %rem3A_909 = vector.broadcast %jit3A_888 : i32 to vector<16xi32>
    %rem3A_910 = arith.remsi %add3A_887, %rem3A_909 : vector<16xi32>
    %ne3A_911 = arith.constant 0 : i32
    %ne3A_912 = vector.broadcast %ne3A_911 : i32 to vector<16xi32>
    %ne3A_913 = arith.cmpi ne, %rem3A_910, %ne3A_912 : vector<16xi32>
    %and3A_914 = arith.andi %ne3A_908, %ne3A_913 : vector<16xi1>
    %sub3A_915 = arith.constant 1 : i32
    %sub3A_916 = vector.broadcast %sub3A_915 : i32 to vector<16xi32>
    %sub3A_917 = arith.subi %div3A_890, %sub3A_916 : vector<16xi32>
    %select_n3A_918 = arith.select %and3A_914, %sub3A_917, %div3A_890 : vector<16xi1>, vector<16xi32>
    %jit3A_919 = arith.constant 0 : i32
    %broadcast_in_dim3A_920 = vector.broadcast %jit3A_919 : i32 to vector<16xi32>
    %select_n3A_921 = arith.select %eq3A_884, %select_n3A_918, %broadcast_in_dim3A_920 : vector<16xi1>, vector<16xi32>
    %reduce_sum3A_922 = arith.constant true
    %reduce_sum3A_923 = vector.broadcast %reduce_sum3A_922 : i1 to vector<16xi1>
    %reduce_sum3A_924 = tpu.scan <sum>, %select_n3A_921 masked %reduce_sum3A_923 : vector<16xi32>, vector<16xi1> -> vector<16xi32>
    %reduce_sum3A_925 = vector.extract %reduce_sum3A_924[15] : i32 from vector<16xi32>
    %eq3A_926 = arith.constant 5 : i32
    %eq3A_927 = vector.broadcast %eq3A_926 : i32 to vector<16xi32>
    %eq3A_928 = arith.cmpi eq, %iota3A, %eq3A_927 : vector<16xi32>
    %add3A_929 = arith.constant 127 : i32
    %add3A_930 = vector.broadcast %add3A_929 : i32 to vector<16xi32>
    %add3A_931 = arith.addi %get3A_394, %add3A_930 : vector<16xi32>
    %jit3A_932 = arith.constant 128 : i32
    %div3A_933 = vector.broadcast %jit3A_932 : i32 to vector<16xi32>
    %div3A_934 = arith.divsi %add3A_931, %div3A_933 : vector<16xi32>
    %sign3A_935 = arith.constant 0 : i32
    %sign3A_936 = vector.broadcast %sign3A_935 : i32 to vector<16xi32>
    %sign3A_937 = arith.cmpi sgt, %add3A_931, %sign3A_936 : vector<16xi32>
    %sign3A_938 = arith.extui %sign3A_937 : vector<16xi1> to vector<16xi32>
    %sign3A_939 = arith.constant 0 : i32
    %sign3A_940 = vector.broadcast %sign3A_939 : i32 to vector<16xi32>
    %sign3A_941 = arith.cmpi slt, %add3A_931, %sign3A_940 : vector<16xi32>
    %sign3A_942 = arith.extui %sign3A_941 : vector<16xi1> to vector<16xi32>
    %sign3A_943 = arith.subi %sign3A_938, %sign3A_942 : vector<16xi32>
    %sign3A_944 = arith.constant 0 : i32
    %sign3A_945 = arith.cmpi sgt, %jit3A_932, %sign3A_944 : i32
    %sign3A_946 = arith.extui %sign3A_945 : i1 to i32
    %sign3A_947 = arith.constant 0 : i32
    %sign3A_948 = arith.cmpi slt, %jit3A_932, %sign3A_947 : i32
    %sign3A_949 = arith.extui %sign3A_948 : i1 to i32
    %sign3A_950 = arith.subi %sign3A_946, %sign3A_949 : i32
    %ne3A_951 = vector.broadcast %sign3A_950 : i32 to vector<16xi32>
    %ne3A_952 = arith.cmpi ne, %sign3A_943, %ne3A_951 : vector<16xi32>
    %rem3A_953 = vector.broadcast %jit3A_932 : i32 to vector<16xi32>
    %rem3A_954 = arith.remsi %add3A_931, %rem3A_953 : vector<16xi32>
    %ne3A_955 = arith.constant 0 : i32
    %ne3A_956 = vector.broadcast %ne3A_955 : i32 to vector<16xi32>
    %ne3A_957 = arith.cmpi ne, %rem3A_954, %ne3A_956 : vector<16xi32>
    %and3A_958 = arith.andi %ne3A_952, %ne3A_957 : vector<16xi1>
    %sub3A_959 = arith.constant 1 : i32
    %sub3A_960 = vector.broadcast %sub3A_959 : i32 to vector<16xi32>
    %sub3A_961 = arith.subi %div3A_934, %sub3A_960 : vector<16xi32>
    %select_n3A_962 = arith.select %and3A_958, %sub3A_961, %div3A_934 : vector<16xi1>, vector<16xi32>
    %jit3A_963 = arith.constant 0 : i32
    %broadcast_in_dim3A_964 = vector.broadcast %jit3A_963 : i32 to vector<16xi32>
    %select_n3A_965 = arith.select %eq3A_928, %select_n3A_962, %broadcast_in_dim3A_964 : vector<16xi1>, vector<16xi32>
    %reduce_sum3A_966 = arith.constant true
    %reduce_sum3A_967 = vector.broadcast %reduce_sum3A_966 : i1 to vector<16xi1>
    %reduce_sum3A_968 = tpu.scan <sum>, %select_n3A_965 masked %reduce_sum3A_967 : vector<16xi32>, vector<16xi1> -> vector<16xi32>
    %reduce_sum3A_969 = vector.extract %reduce_sum3A_968[15] : i32 from vector<16xi32>
    %eq3A_970 = arith.constant 6 : i32
    %eq3A_971 = vector.broadcast %eq3A_970 : i32 to vector<16xi32>
    %eq3A_972 = arith.cmpi eq, %iota3A, %eq3A_971 : vector<16xi32>
    %add3A_973 = arith.constant 127 : i32
    %add3A_974 = vector.broadcast %add3A_973 : i32 to vector<16xi32>
    %add3A_975 = arith.addi %get3A_394, %add3A_974 : vector<16xi32>
    %jit3A_976 = arith.constant 128 : i32
    %div3A_977 = vector.broadcast %jit3A_976 : i32 to vector<16xi32>
    %div3A_978 = arith.divsi %add3A_975, %div3A_977 : vector<16xi32>
    %sign3A_979 = arith.constant 0 : i32
    %sign3A_980 = vector.broadcast %sign3A_979 : i32 to vector<16xi32>
    %sign3A_981 = arith.cmpi sgt, %add3A_975, %sign3A_980 : vector<16xi32>
    %sign3A_982 = arith.extui %sign3A_981 : vector<16xi1> to vector<16xi32>
    %sign3A_983 = arith.constant 0 : i32
    %sign3A_984 = vector.broadcast %sign3A_983 : i32 to vector<16xi32>
    %sign3A_985 = arith.cmpi slt, %add3A_975, %sign3A_984 : vector<16xi32>
    %sign3A_986 = arith.extui %sign3A_985 : vector<16xi1> to vector<16xi32>
    %sign3A_987 = arith.subi %sign3A_982, %sign3A_986 : vector<16xi32>
    %sign3A_988 = arith.constant 0 : i32
    %sign3A_989 = arith.cmpi sgt, %jit3A_976, %sign3A_988 : i32
    %sign3A_990 = arith.extui %sign3A_989 : i1 to i32
    %sign3A_991 = arith.constant 0 : i32
    %sign3A_992 = arith.cmpi slt, %jit3A_976, %sign3A_991 : i32
    %sign3A_993 = arith.extui %sign3A_992 : i1 to i32
    %sign3A_994 = arith.subi %sign3A_990, %sign3A_993 : i32
    %ne3A_995 = vector.broadcast %sign3A_994 : i32 to vector<16xi32>
    %ne3A_996 = arith.cmpi ne, %sign3A_987, %ne3A_995 : vector<16xi32>
    %rem3A_997 = vector.broadcast %jit3A_976 : i32 to vector<16xi32>
    %rem3A_998 = arith.remsi %add3A_975, %rem3A_997 : vector<16xi32>
    %ne3A_999 = arith.constant 0 : i32
    %ne3A_1000 = vector.broadcast %ne3A_999 : i32 to vector<16xi32>
    %ne3A_1001 = arith.cmpi ne, %rem3A_998, %ne3A_1000 : vector<16xi32>
    %and3A_1002 = arith.andi %ne3A_996, %ne3A_1001 : vector<16xi1>
    %sub3A_1003 = arith.constant 1 : i32
    %sub3A_1004 = vector.broadcast %sub3A_1003 : i32 to vector<16xi32>
    %sub3A_1005 = arith.subi %div3A_978, %sub3A_1004 : vector<16xi32>
    %select_n3A_1006 = arith.select %and3A_1002, %sub3A_1005, %div3A_978 : vector<16xi1>, vector<16xi32>
    %jit3A_1007 = arith.constant 0 : i32
    %broadcast_in_dim3A_1008 = vector.broadcast %jit3A_1007 : i32 to vector<16xi32>
    %select_n3A_1009 = arith.select %eq3A_972, %select_n3A_1006, %broadcast_in_dim3A_1008 : vector<16xi1>, vector<16xi32>
    %reduce_sum3A_1010 = arith.constant true
    %reduce_sum3A_1011 = vector.broadcast %reduce_sum3A_1010 : i1 to vector<16xi1>
    %reduce_sum3A_1012 = tpu.scan <sum>, %select_n3A_1009 masked %reduce_sum3A_1011 : vector<16xi32>, vector<16xi1> -> vector<16xi32>
    %reduce_sum3A_1013 = vector.extract %reduce_sum3A_1012[15] : i32 from vector<16xi32>
    %eq3A_1014 = arith.constant 7 : i32
    %eq3A_1015 = vector.broadcast %eq3A_1014 : i32 to vector<16xi32>
    %eq3A_1016 = arith.cmpi eq, %iota3A, %eq3A_1015 : vector<16xi32>
    %add3A_1017 = arith.constant 127 : i32
    %add3A_1018 = vector.broadcast %add3A_1017 : i32 to vector<16xi32>
    %add3A_1019 = arith.addi %get3A_394, %add3A_1018 : vector<16xi32>
    %jit3A_1020 = arith.constant 128 : i32
    %div3A_1021 = vector.broadcast %jit3A_1020 : i32 to vector<16xi32>
    %div3A_1022 = arith.divsi %add3A_1019, %div3A_1021 : vector<16xi32>
    %sign3A_1023 = arith.constant 0 : i32
    %sign3A_1024 = vector.broadcast %sign3A_1023 : i32 to vector<16xi32>
    %sign3A_1025 = arith.cmpi sgt, %add3A_1019, %sign3A_1024 : vector<16xi32>
    %sign3A_1026 = arith.extui %sign3A_1025 : vector<16xi1> to vector<16xi32>
    %sign3A_1027 = arith.constant 0 : i32
    %sign3A_1028 = vector.broadcast %sign3A_1027 : i32 to vector<16xi32>
    %sign3A_1029 = arith.cmpi slt, %add3A_1019, %sign3A_1028 : vector<16xi32>
    %sign3A_1030 = arith.extui %sign3A_1029 : vector<16xi1> to vector<16xi32>
    %sign3A_1031 = arith.subi %sign3A_1026, %sign3A_1030 : vector<16xi32>
    %sign3A_1032 = arith.constant 0 : i32
    %sign3A_1033 = arith.cmpi sgt, %jit3A_1020, %sign3A_1032 : i32
    %sign3A_1034 = arith.extui %sign3A_1033 : i1 to i32
    %sign3A_1035 = arith.constant 0 : i32
    %sign3A_1036 = arith.cmpi slt, %jit3A_1020, %sign3A_1035 : i32
    %sign3A_1037 = arith.extui %sign3A_1036 : i1 to i32
    %sign3A_1038 = arith.subi %sign3A_1034, %sign3A_1037 : i32
    %ne3A_1039 = vector.broadcast %sign3A_1038 : i32 to vector<16xi32>
    %ne3A_1040 = arith.cmpi ne, %sign3A_1031, %ne3A_1039 : vector<16xi32>
    %rem3A_1041 = vector.broadcast %jit3A_1020 : i32 to vector<16xi32>
    %rem3A_1042 = arith.remsi %add3A_1019, %rem3A_1041 : vector<16xi32>
    %ne3A_1043 = arith.constant 0 : i32
    %ne3A_1044 = vector.broadcast %ne3A_1043 : i32 to vector<16xi32>
    %ne3A_1045 = arith.cmpi ne, %rem3A_1042, %ne3A_1044 : vector<16xi32>
    %and3A_1046 = arith.andi %ne3A_1040, %ne3A_1045 : vector<16xi1>
    %sub3A_1047 = arith.constant 1 : i32
    %sub3A_1048 = vector.broadcast %sub3A_1047 : i32 to vector<16xi32>
    %sub3A_1049 = arith.subi %div3A_1022, %sub3A_1048 : vector<16xi32>
    %select_n3A_1050 = arith.select %and3A_1046, %sub3A_1049, %div3A_1022 : vector<16xi1>, vector<16xi32>
    %jit3A_1051 = arith.constant 0 : i32
    %broadcast_in_dim3A_1052 = vector.broadcast %jit3A_1051 : i32 to vector<16xi32>
    %select_n3A_1053 = arith.select %eq3A_1016, %select_n3A_1050, %broadcast_in_dim3A_1052 : vector<16xi1>, vector<16xi32>
    %reduce_sum3A_1054 = arith.constant true
    %reduce_sum3A_1055 = vector.broadcast %reduce_sum3A_1054 : i1 to vector<16xi1>
    %reduce_sum3A_1056 = tpu.scan <sum>, %select_n3A_1053 masked %reduce_sum3A_1055 : vector<16xi32>, vector<16xi1> -> vector<16xi32>
    %reduce_sum3A_1057 = vector.extract %reduce_sum3A_1056[15] : i32 from vector<16xi32>
    %scan3A_1058 = arith.constant 0 : i32
    %scan3A_1059 = arith.constant 0 : i32
    %scan3A_1060 = arith.constant 32 : i32
    %scan3A_1061 = arith.addi %scan3A_1059, %scan3A_1060 : i32
    %scan3A_1062 = arith.constant 1 : i32
    %scan3A_1063 = scf.for %scan3A_1072 = %scan3A_1059 to %scan3A_1061 step %scan3A_1062 iter_args(%scan3A_1073 = %scan3A_1058) -> (i32)  : i32 {
      %lt3A = arith.cmpi slt, %scan3A_1072, %reduce_sum3A_749 : i32
      %convert_element_type3A_1074 = arith.extui %lt3A : i1 to i32
      %cond3A_1075 = arith.constant 0 : i32
      %cond3A_1076 = arith.cmpi ne, %convert_element_type3A_1074, %cond3A_1075 : i32
      scf.if %cond3A_1076 {
        %mul3A_1106 = arith.constant 128 : i32
        %mul3A_1107 = arith.muli %scan3A_1072, %mul3A_1106 : i32
        %add3A_1108 = arith.addi %reduce_sum3A_547, %mul3A_1107 : i32
        %multiple_of3A = tpu.assume_multiple %add3A_1108, 128 : i32
        %mul3A_1109 = arith.constant 128 : i32
        %mul3A_1110 = arith.muli %scan3A_1072, %mul3A_1109 : i32
        %add3A_1111 = arith.addi %reduce_sum3A_628, %mul3A_1110 : i32
        %multiple_of3A_1112 = tpu.assume_multiple %add3A_1111, 128 : i32
        %dma_start3A = arith.constant 0 : i32
        %dma_start3A_1113 = arith.constant 0 : i32
        %dma_start3A_1114 = tpu.memref_slice %arg18[%dma_start3A, %multiple_of3A] : memref<4x5120xf32, #tpu.memory_space<vmem>> -> memref<1x128xf32, #tpu.memory_space<vmem>>
        %dma_start3A_1115 = tpu.memref_squeeze %dma_start3A_1114 : memref<1x128xf32, #tpu.memory_space<vmem>> -> memref<128xf32, #tpu.memory_space<vmem>>
        %dma_start3A_1116 = tpu.memref_slice %arg6[%dma_start3A_1113, %multiple_of3A_1112] : memref<4x180224xf32, #tpu.memory_space<hbm>> -> memref<1x128xf32, #tpu.memory_space<hbm>>
        %dma_start3A_1117 = tpu.memref_squeeze %dma_start3A_1116 : memref<1x128xf32, #tpu.memory_space<hbm>> -> memref<128xf32, #tpu.memory_space<hbm>>
        %dma_start3A_1118 = tpu.memref_slice %arg6[%dma_start3A_1113, %multiple_of3A_1112] : memref<4x180224xf32, #tpu.memory_space<hbm>> -> memref<1x128xf32, #tpu.memory_space<hbm>>
        %dma_start3A_1119 = tpu.memref_squeeze %dma_start3A_1118 : memref<1x128xf32, #tpu.memory_space<hbm>> -> memref<128xf32, #tpu.memory_space<hbm>>
        %dma_start3A_1120 = tpu.memref_slice %arg18[%dma_start3A, %multiple_of3A] : memref<4x5120xf32, #tpu.memory_space<vmem>> -> memref<1x128xf32, #tpu.memory_space<vmem>>
        %dma_start3A_1121 = tpu.memref_squeeze %dma_start3A_1120 : memref<1x128xf32, #tpu.memory_space<vmem>> -> memref<128xf32, #tpu.memory_space<vmem>>
        tpu.enqueue_dma source(%dma_start3A_1121 : memref<128xf32, #tpu.memory_space<vmem>>) target(%dma_start3A_1119 : memref<128xf32, #tpu.memory_space<hbm>>) target_semaphore(%arg19 : memref<!tpu.dma_semaphore, #tpu.memory_space<semaphore_mem>>)
        %mul3A_1122 = arith.constant 128 : i32
        %mul3A_1123 = arith.muli %scan3A_1072, %mul3A_1122 : i32
        %add3A_1124 = arith.addi %reduce_sum3A_547, %mul3A_1123 : i32
        %multiple_of3A_1125 = tpu.assume_multiple %add3A_1124, 128 : i32
        %mul3A_1126 = arith.constant 128 : i32
        %mul3A_1127 = arith.muli %scan3A_1072, %mul3A_1126 : i32
        %add3A_1128 = arith.addi %reduce_sum3A_628, %mul3A_1127 : i32
        %multiple_of3A_1129 = tpu.assume_multiple %add3A_1128, 128 : i32
        %dma_start3A_1130 = arith.constant 1 : i32
        %dma_start3A_1131 = arith.constant 1 : i32
        %dma_start3A_1132 = tpu.memref_slice %arg18[%dma_start3A_1130, %multiple_of3A_1125] : memref<4x5120xf32, #tpu.memory_space<vmem>> -> memref<1x128xf32, #tpu.memory_space<vmem>>
        %dma_start3A_1133 = tpu.memref_squeeze %dma_start3A_1132 : memref<1x128xf32, #tpu.memory_space<vmem>> -> memref<128xf32, #tpu.memory_space<vmem>>
        %dma_start3A_1134 = tpu.memref_slice %arg6[%dma_start3A_1131, %multiple_of3A_1129] : memref<4x180224xf32, #tpu.memory_space<hbm>> -> memref<1x128xf32, #tpu.memory_space<hbm>>
        %dma_start3A_1135 = tpu.memref_squeeze %dma_start3A_1134 : memref<1x128xf32, #tpu.memory_space<hbm>> -> memref<128xf32, #tpu.memory_space<hbm>>
        %dma_start3A_1136 = tpu.memref_slice %arg6[%dma_start3A_1131, %multiple_of3A_1129] : memref<4x180224xf32, #tpu.memory_space<hbm>> -> memref<1x128xf32, #tpu.memory_space<hbm>>
        %dma_start3A_1137 = tpu.memref_squeeze %dma_start3A_1136 : memref<1x128xf32, #tpu.memory_space<hbm>> -> memref<128xf32, #tpu.memory_space<hbm>>
        %dma_start3A_1138 = tpu.memref_slice %arg18[%dma_start3A_1130, %multiple_of3A_1125] : memref<4x5120xf32, #tpu.memory_space<vmem>> -> memref<1x128xf32, #tpu.memory_space<vmem>>
        %dma_start3A_1139 = tpu.memref_squeeze %dma_start3A_1138 : memref<1x128xf32, #tpu.memory_space<vmem>> -> memref<128xf32, #tpu.memory_space<vmem>>
        tpu.enqueue_dma source(%dma_start3A_1139 : memref<128xf32, #tpu.memory_space<vmem>>) target(%dma_start3A_1137 : memref<128xf32, #tpu.memory_space<hbm>>) target_semaphore(%arg19 : memref<!tpu.dma_semaphore, #tpu.memory_space<semaphore_mem>>)
        %mul3A_1140 = arith.constant 128 : i32
        %mul3A_1141 = arith.muli %scan3A_1072, %mul3A_1140 : i32
        %add3A_1142 = arith.addi %reduce_sum3A_547, %mul3A_1141 : i32
        %multiple_of3A_1143 = tpu.assume_multiple %add3A_1142, 128 : i32
        %mul3A_1144 = arith.constant 128 : i32
        %mul3A_1145 = arith.muli %scan3A_1072, %mul3A_1144 : i32
        %add3A_1146 = arith.addi %reduce_sum3A_628, %mul3A_1145 : i32
        %multiple_of3A_1147 = tpu.assume_multiple %add3A_1146, 128 : i32
        %dma_start3A_1148 = arith.constant 2 : i32
        %dma_start3A_1149 = arith.constant 2 : i32
        %dma_start3A_1150 = tpu.memref_slice %arg18[%dma_start3A_1148, %multiple_of3A_1143] : memref<4x5120xf32, #tpu.memory_space<vmem>> -> memref<1x128xf32, #tpu.memory_space<vmem>>
        %dma_start3A_1151 = tpu.memref_squeeze %dma_start3A_1150 : memref<1x128xf32, #tpu.memory_space<vmem>> -> memref<128xf32, #tpu.memory_space<vmem>>
        %dma_start3A_1152 = tpu.memref_slice %arg6[%dma_start3A_1149, %multiple_of3A_1147] : memref<4x180224xf32, #tpu.memory_space<hbm>> -> memref<1x128xf32, #tpu.memory_space<hbm>>
        %dma_start3A_1153 = tpu.memref_squeeze %dma_start3A_1152 : memref<1x128xf32, #tpu.memory_space<hbm>> -> memref<128xf32, #tpu.memory_space<hbm>>
        %dma_start3A_1154 = tpu.memref_slice %arg6[%dma_start3A_1149, %multiple_of3A_1147] : memref<4x180224xf32, #tpu.memory_space<hbm>> -> memref<1x128xf32, #tpu.memory_space<hbm>>
        %dma_start3A_1155 = tpu.memref_squeeze %dma_start3A_1154 : memref<1x128xf32, #tpu.memory_space<hbm>> -> memref<128xf32, #tpu.memory_space<hbm>>
        %dma_start3A_1156 = tpu.memref_slice %arg18[%dma_start3A_1148, %multiple_of3A_1143] : memref<4x5120xf32, #tpu.memory_space<vmem>> -> memref<1x128xf32, #tpu.memory_space<vmem>>
        %dma_start3A_1157 = tpu.memref_squeeze %dma_start3A_1156 : memref<1x128xf32, #tpu.memory_space<vmem>> -> memref<128xf32, #tpu.memory_space<vmem>>
        tpu.enqueue_dma source(%dma_start3A_1157 : memref<128xf32, #tpu.memory_space<vmem>>) target(%dma_start3A_1155 : memref<128xf32, #tpu.memory_space<hbm>>) target_semaphore(%arg19 : memref<!tpu.dma_semaphore, #tpu.memory_space<semaphore_mem>>)
        %mul3A_1158 = arith.constant 128 : i32
        %mul3A_1159 = arith.muli %scan3A_1072, %mul3A_1158 : i32
        %add3A_1160 = arith.addi %reduce_sum3A_547, %mul3A_1159 : i32
        %multiple_of3A_1161 = tpu.assume_multiple %add3A_1160, 128 : i32
        %mul3A_1162 = arith.constant 128 : i32
        %mul3A_1163 = arith.muli %scan3A_1072, %mul3A_1162 : i32
        %add3A_1164 = arith.addi %reduce_sum3A_628, %mul3A_1163 : i32
        %multiple_of3A_1165 = tpu.assume_multiple %add3A_1164, 128 : i32
        %dma_start3A_1166 = arith.constant 3 : i32
        %dma_start3A_1167 = arith.constant 3 : i32
        %dma_start3A_1168 = tpu.memref_slice %arg18[%dma_start3A_1166, %multiple_of3A_1161] : memref<4x5120xf32, #tpu.memory_space<vmem>> -> memref<1x128xf32, #tpu.memory_space<vmem>>
        %dma_start3A_1169 = tpu.memref_squeeze %dma_start3A_1168 : memref<1x128xf32, #tpu.memory_space<vmem>> -> memref<128xf32, #tpu.memory_space<vmem>>
        %dma_start3A_1170 = tpu.memref_slice %arg6[%dma_start3A_1167, %multiple_of3A_1165] : memref<4x180224xf32, #tpu.memory_space<hbm>> -> memref<1x128xf32, #tpu.memory_space<hbm>>
        %dma_start3A_1171 = tpu.memref_squeeze %dma_start3A_1170 : memref<1x128xf32, #tpu.memory_space<hbm>> -> memref<128xf32, #tpu.memory_space<hbm>>
        %dma_start3A_1172 = tpu.memref_slice %arg6[%dma_start3A_1167, %multiple_of3A_1165] : memref<4x180224xf32, #tpu.memory_space<hbm>> -> memref<1x128xf32, #tpu.memory_space<hbm>>
        %dma_start3A_1173 = tpu.memref_squeeze %dma_start3A_1172 : memref<1x128xf32, #tpu.memory_space<hbm>> -> memref<128xf32, #tpu.memory_space<hbm>>
        %dma_start3A_1174 = tpu.memref_slice %arg18[%dma_start3A_1166, %multiple_of3A_1161] : memref<4x5120xf32, #tpu.memory_space<vmem>> -> memref<1x128xf32, #tpu.memory_space<vmem>>
        %dma_start3A_1175 = tpu.memref_squeeze %dma_start3A_1174 : memref<1x128xf32, #tpu.memory_space<vmem>> -> memref<128xf32, #tpu.memory_space<vmem>>
        tpu.enqueue_dma source(%dma_start3A_1175 : memref<128xf32, #tpu.memory_space<vmem>>) target(%dma_start3A_1173 : memref<128xf32, #tpu.memory_space<hbm>>) target_semaphore(%arg19 : memref<!tpu.dma_semaphore, #tpu.memory_space<semaphore_mem>>)
      } else {
      }
      %lt3A_1077 = arith.cmpi slt, %scan3A_1072, %reduce_sum3A_793 : i32
      %convert_element_type3A_1078 = arith.extui %lt3A_1077 : i1 to i32
      %cond3A_1079 = arith.constant 0 : i32
      %cond3A_1080 = arith.cmpi ne, %convert_element_type3A_1078, %cond3A_1079 : i32
      scf.if %cond3A_1080 {
        %mul3A_1106 = arith.constant 128 : i32
        %mul3A_1107 = arith.muli %scan3A_1072, %mul3A_1106 : i32
        %add3A_1108 = arith.addi %reduce_sum3A_557, %mul3A_1107 : i32
        %multiple_of3A = tpu.assume_multiple %add3A_1108, 128 : i32
        %mul3A_1109 = arith.constant 128 : i32
        %mul3A_1110 = arith.muli %scan3A_1072, %mul3A_1109 : i32
        %add3A_1111 = arith.addi %reduce_sum3A_639, %mul3A_1110 : i32
        %multiple_of3A_1112 = tpu.assume_multiple %add3A_1111, 128 : i32
        %dma_start3A = arith.constant 0 : i32
        %dma_start3A_1113 = arith.constant 0 : i32
        %dma_start3A_1114 = tpu.memref_slice %arg18[%dma_start3A, %multiple_of3A] : memref<4x5120xf32, #tpu.memory_space<vmem>> -> memref<1x128xf32, #tpu.memory_space<vmem>>
        %dma_start3A_1115 = tpu.memref_squeeze %dma_start3A_1114 : memref<1x128xf32, #tpu.memory_space<vmem>> -> memref<128xf32, #tpu.memory_space<vmem>>
        %dma_start3A_1116 = tpu.memref_slice %arg6[%dma_start3A_1113, %multiple_of3A_1112] : memref<4x180224xf32, #tpu.memory_space<hbm>> -> memref<1x128xf32, #tpu.memory_space<hbm>>
        %dma_start3A_1117 = tpu.memref_squeeze %dma_start3A_1116 : memref<1x128xf32, #tpu.memory_space<hbm>> -> memref<128xf32, #tpu.memory_space<hbm>>
        %dma_start3A_1118 = tpu.memref_slice %arg6[%dma_start3A_1113, %multiple_of3A_1112] : memref<4x180224xf32, #tpu.memory_space<hbm>> -> memref<1x128xf32, #tpu.memory_space<hbm>>
        %dma_start3A_1119 = tpu.memref_squeeze %dma_start3A_1118 : memref<1x128xf32, #tpu.memory_space<hbm>> -> memref<128xf32, #tpu.memory_space<hbm>>
        %dma_start3A_1120 = tpu.memref_slice %arg18[%dma_start3A, %multiple_of3A] : memref<4x5120xf32, #tpu.memory_space<vmem>> -> memref<1x128xf32, #tpu.memory_space<vmem>>
        %dma_start3A_1121 = tpu.memref_squeeze %dma_start3A_1120 : memref<1x128xf32, #tpu.memory_space<vmem>> -> memref<128xf32, #tpu.memory_space<vmem>>
        tpu.enqueue_dma source(%dma_start3A_1121 : memref<128xf32, #tpu.memory_space<vmem>>) target(%dma_start3A_1119 : memref<128xf32, #tpu.memory_space<hbm>>) target_semaphore(%arg19 : memref<!tpu.dma_semaphore, #tpu.memory_space<semaphore_mem>>)
        %mul3A_1122 = arith.constant 128 : i32
        %mul3A_1123 = arith.muli %scan3A_1072, %mul3A_1122 : i32
        %add3A_1124 = arith.addi %reduce_sum3A_557, %mul3A_1123 : i32
        %multiple_of3A_1125 = tpu.assume_multiple %add3A_1124, 128 : i32
        %mul3A_1126 = arith.constant 128 : i32
        %mul3A_1127 = arith.muli %scan3A_1072, %mul3A_1126 : i32
        %add3A_1128 = arith.addi %reduce_sum3A_639, %mul3A_1127 : i32
        %multiple_of3A_1129 = tpu.assume_multiple %add3A_1128, 128 : i32
        %dma_start3A_1130 = arith.constant 1 : i32
        %dma_start3A_1131 = arith.constant 1 : i32
        %dma_start3A_1132 = tpu.memref_slice %arg18[%dma_start3A_1130, %multiple_of3A_1125] : memref<4x5120xf32, #tpu.memory_space<vmem>> -> memref<1x128xf32, #tpu.memory_space<vmem>>
        %dma_start3A_1133 = tpu.memref_squeeze %dma_start3A_1132 : memref<1x128xf32, #tpu.memory_space<vmem>> -> memref<128xf32, #tpu.memory_space<vmem>>
        %dma_start3A_1134 = tpu.memref_slice %arg6[%dma_start3A_1131, %multiple_of3A_1129] : memref<4x180224xf32, #tpu.memory_space<hbm>> -> memref<1x128xf32, #tpu.memory_space<hbm>>
        %dma_start3A_1135 = tpu.memref_squeeze %dma_start3A_1134 : memref<1x128xf32, #tpu.memory_space<hbm>> -> memref<128xf32, #tpu.memory_space<hbm>>
        %dma_start3A_1136 = tpu.memref_slice %arg6[%dma_start3A_1131, %multiple_of3A_1129] : memref<4x180224xf32, #tpu.memory_space<hbm>> -> memref<1x128xf32, #tpu.memory_space<hbm>>
        %dma_start3A_1137 = tpu.memref_squeeze %dma_start3A_1136 : memref<1x128xf32, #tpu.memory_space<hbm>> -> memref<128xf32, #tpu.memory_space<hbm>>
        %dma_start3A_1138 = tpu.memref_slice %arg18[%dma_start3A_1130, %multiple_of3A_1125] : memref<4x5120xf32, #tpu.memory_space<vmem>> -> memref<1x128xf32, #tpu.memory_space<vmem>>
        %dma_start3A_1139 = tpu.memref_squeeze %dma_start3A_1138 : memref<1x128xf32, #tpu.memory_space<vmem>> -> memref<128xf32, #tpu.memory_space<vmem>>
        tpu.enqueue_dma source(%dma_start3A_1139 : memref<128xf32, #tpu.memory_space<vmem>>) target(%dma_start3A_1137 : memref<128xf32, #tpu.memory_space<hbm>>) target_semaphore(%arg19 : memref<!tpu.dma_semaphore, #tpu.memory_space<semaphore_mem>>)
        %mul3A_1140 = arith.constant 128 : i32
        %mul3A_1141 = arith.muli %scan3A_1072, %mul3A_1140 : i32
        %add3A_1142 = arith.addi %reduce_sum3A_557, %mul3A_1141 : i32
        %multiple_of3A_1143 = tpu.assume_multiple %add3A_1142, 128 : i32
        %mul3A_1144 = arith.constant 128 : i32
        %mul3A_1145 = arith.muli %scan3A_1072, %mul3A_1144 : i32
        %add3A_1146 = arith.addi %reduce_sum3A_639, %mul3A_1145 : i32
        %multiple_of3A_1147 = tpu.assume_multiple %add3A_1146, 128 : i32
        %dma_start3A_1148 = arith.constant 2 : i32
        %dma_start3A_1149 = arith.constant 2 : i32
        %dma_start3A_1150 = tpu.memref_slice %arg18[%dma_start3A_1148, %multiple_of3A_1143] : memref<4x5120xf32, #tpu.memory_space<vmem>> -> memref<1x128xf32, #tpu.memory_space<vmem>>
        %dma_start3A_1151 = tpu.memref_squeeze %dma_start3A_1150 : memref<1x128xf32, #tpu.memory_space<vmem>> -> memref<128xf32, #tpu.memory_space<vmem>>
        %dma_start3A_1152 = tpu.memref_slice %arg6[%dma_start3A_1149, %multiple_of3A_1147] : memref<4x180224xf32, #tpu.memory_space<hbm>> -> memref<1x128xf32, #tpu.memory_space<hbm>>
        %dma_start3A_1153 = tpu.memref_squeeze %dma_start3A_1152 : memref<1x128xf32, #tpu.memory_space<hbm>> -> memref<128xf32, #tpu.memory_space<hbm>>
        %dma_start3A_1154 = tpu.memref_slice %arg6[%dma_start3A_1149, %multiple_of3A_1147] : memref<4x180224xf32, #tpu.memory_space<hbm>> -> memref<1x128xf32, #tpu.memory_space<hbm>>
        %dma_start3A_1155 = tpu.memref_squeeze %dma_start3A_1154 : memref<1x128xf32, #tpu.memory_space<hbm>> -> memref<128xf32, #tpu.memory_space<hbm>>
        %dma_start3A_1156 = tpu.memref_slice %arg18[%dma_start3A_1148, %multiple_of3A_1143] : memref<4x5120xf32, #tpu.memory_space<vmem>> -> memref<1x128xf32, #tpu.memory_space<vmem>>
        %dma_start3A_1157 = tpu.memref_squeeze %dma_start3A_1156 : memref<1x128xf32, #tpu.memory_space<vmem>> -> memref<128xf32, #tpu.memory_space<vmem>>
        tpu.enqueue_dma source(%dma_start3A_1157 : memref<128xf32, #tpu.memory_space<vmem>>) target(%dma_start3A_1155 : memref<128xf32, #tpu.memory_space<hbm>>) target_semaphore(%arg19 : memref<!tpu.dma_semaphore, #tpu.memory_space<semaphore_mem>>)
        %mul3A_1158 = arith.constant 128 : i32
        %mul3A_1159 = arith.muli %scan3A_1072, %mul3A_1158 : i32
        %add3A_1160 = arith.addi %reduce_sum3A_557, %mul3A_1159 : i32
        %multiple_of3A_1161 = tpu.assume_multiple %add3A_1160, 128 : i32
        %mul3A_1162 = arith.constant 128 : i32
        %mul3A_1163 = arith.muli %scan3A_1072, %mul3A_1162 : i32
        %add3A_1164 = arith.addi %reduce_sum3A_639, %mul3A_1163 : i32
        %multiple_of3A_1165 = tpu.assume_multiple %add3A_1164, 128 : i32
        %dma_start3A_1166 = arith.constant 3 : i32
        %dma_start3A_1167 = arith.constant 3 : i32
        %dma_start3A_1168 = tpu.memref_slice %arg18[%dma_start3A_1166, %multiple_of3A_1161] : memref<4x5120xf32, #tpu.memory_space<vmem>> -> memref<1x128xf32, #tpu.memory_space<vmem>>
        %dma_start3A_1169 = tpu.memref_squeeze %dma_start3A_1168 : memref<1x128xf32, #tpu.memory_space<vmem>> -> memref<128xf32, #tpu.memory_space<vmem>>
        %dma_start3A_1170 = tpu.memref_slice %arg6[%dma_start3A_1167, %multiple_of3A_1165] : memref<4x180224xf32, #tpu.memory_space<hbm>> -> memref<1x128xf32, #tpu.memory_space<hbm>>
        %dma_start3A_1171 = tpu.memref_squeeze %dma_start3A_1170 : memref<1x128xf32, #tpu.memory_space<hbm>> -> memref<128xf32, #tpu.memory_space<hbm>>
        %dma_start3A_1172 = tpu.memref_slice %arg6[%dma_start3A_1167, %multiple_of3A_1165] : memref<4x180224xf32, #tpu.memory_space<hbm>> -> memref<1x128xf32, #tpu.memory_space<hbm>>
        %dma_start3A_1173 = tpu.memref_squeeze %dma_start3A_1172 : memref<1x128xf32, #tpu.memory_space<hbm>> -> memref<128xf32, #tpu.memory_space<hbm>>
        %dma_start3A_1174 = tpu.memref_slice %arg18[%dma_start3A_1166, %multiple_of3A_1161] : memref<4x5120xf32, #tpu.memory_space<vmem>> -> memref<1x128xf32, #tpu.memory_space<vmem>>
        %dma_start3A_1175 = tpu.memref_squeeze %dma_start3A_1174 : memref<1x128xf32, #tpu.memory_space<vmem>> -> memref<128xf32, #tpu.memory_space<vmem>>
        tpu.enqueue_dma source(%dma_start3A_1175 : memref<128xf32, #tpu.memory_space<vmem>>) target(%dma_start3A_1173 : memref<128xf32, #tpu.memory_space<hbm>>) target_semaphore(%arg19 : memref<!tpu.dma_semaphore, #tpu.memory_space<semaphore_mem>>)
      } else {
      }
      %lt3A_1081 = arith.cmpi slt, %scan3A_1072, %reduce_sum3A_837 : i32
      %convert_element_type3A_1082 = arith.extui %lt3A_1081 : i1 to i32
      %cond3A_1083 = arith.constant 0 : i32
      %cond3A_1084 = arith.cmpi ne, %convert_element_type3A_1082, %cond3A_1083 : i32
      scf.if %cond3A_1084 {
        %mul3A_1106 = arith.constant 128 : i32
        %mul3A_1107 = arith.muli %scan3A_1072, %mul3A_1106 : i32
        %add3A_1108 = arith.addi %reduce_sum3A_567, %mul3A_1107 : i32
        %multiple_of3A = tpu.assume_multiple %add3A_1108, 128 : i32
        %mul3A_1109 = arith.constant 128 : i32
        %mul3A_1110 = arith.muli %scan3A_1072, %mul3A_1109 : i32
        %add3A_1111 = arith.addi %reduce_sum3A_650, %mul3A_1110 : i32
        %multiple_of3A_1112 = tpu.assume_multiple %add3A_1111, 128 : i32
        %dma_start3A = arith.constant 0 : i32
        %dma_start3A_1113 = arith.constant 0 : i32
        %dma_start3A_1114 = tpu.memref_slice %arg18[%dma_start3A, %multiple_of3A] : memref<4x5120xf32, #tpu.memory_space<vmem>> -> memref<1x128xf32, #tpu.memory_space<vmem>>
        %dma_start3A_1115 = tpu.memref_squeeze %dma_start3A_1114 : memref<1x128xf32, #tpu.memory_space<vmem>> -> memref<128xf32, #tpu.memory_space<vmem>>
        %dma_start3A_1116 = tpu.memref_slice %arg6[%dma_start3A_1113, %multiple_of3A_1112] : memref<4x180224xf32, #tpu.memory_space<hbm>> -> memref<1x128xf32, #tpu.memory_space<hbm>>
        %dma_start3A_1117 = tpu.memref_squeeze %dma_start3A_1116 : memref<1x128xf32, #tpu.memory_space<hbm>> -> memref<128xf32, #tpu.memory_space<hbm>>
        %dma_start3A_1118 = tpu.memref_slice %arg6[%dma_start3A_1113, %multiple_of3A_1112] : memref<4x180224xf32, #tpu.memory_space<hbm>> -> memref<1x128xf32, #tpu.memory_space<hbm>>
        %dma_start3A_1119 = tpu.memref_squeeze %dma_start3A_1118 : memref<1x128xf32, #tpu.memory_space<hbm>> -> memref<128xf32, #tpu.memory_space<hbm>>
        %dma_start3A_1120 = tpu.memref_slice %arg18[%dma_start3A, %multiple_of3A] : memref<4x5120xf32, #tpu.memory_space<vmem>> -> memref<1x128xf32, #tpu.memory_space<vmem>>
        %dma_start3A_1121 = tpu.memref_squeeze %dma_start3A_1120 : memref<1x128xf32, #tpu.memory_space<vmem>> -> memref<128xf32, #tpu.memory_space<vmem>>
        tpu.enqueue_dma source(%dma_start3A_1121 : memref<128xf32, #tpu.memory_space<vmem>>) target(%dma_start3A_1119 : memref<128xf32, #tpu.memory_space<hbm>>) target_semaphore(%arg19 : memref<!tpu.dma_semaphore, #tpu.memory_space<semaphore_mem>>)
        %mul3A_1122 = arith.constant 128 : i32
        %mul3A_1123 = arith.muli %scan3A_1072, %mul3A_1122 : i32
        %add3A_1124 = arith.addi %reduce_sum3A_567, %mul3A_1123 : i32
        %multiple_of3A_1125 = tpu.assume_multiple %add3A_1124, 128 : i32
        %mul3A_1126 = arith.constant 128 : i32
        %mul3A_1127 = arith.muli %scan3A_1072, %mul3A_1126 : i32
        %add3A_1128 = arith.addi %reduce_sum3A_650, %mul3A_1127 : i32
        %multiple_of3A_1129 = tpu.assume_multiple %add3A_1128, 128 : i32
        %dma_start3A_1130 = arith.constant 1 : i32
        %dma_start3A_1131 = arith.constant 1 : i32
        %dma_start3A_1132 = tpu.memref_slice %arg18[%dma_start3A_1130, %multiple_of3A_1125] : memref<4x5120xf32, #tpu.memory_space<vmem>> -> memref<1x128xf32, #tpu.memory_space<vmem>>
        %dma_start3A_1133 = tpu.memref_squeeze %dma_start3A_1132 : memref<1x128xf32, #tpu.memory_space<vmem>> -> memref<128xf32, #tpu.memory_space<vmem>>
        %dma_start3A_1134 = tpu.memref_slice %arg6[%dma_start3A_1131, %multiple_of3A_1129] : memref<4x180224xf32, #tpu.memory_space<hbm>> -> memref<1x128xf32, #tpu.memory_space<hbm>>
        %dma_start3A_1135 = tpu.memref_squeeze %dma_start3A_1134 : memref<1x128xf32, #tpu.memory_space<hbm>> -> memref<128xf32, #tpu.memory_space<hbm>>
        %dma_start3A_1136 = tpu.memref_slice %arg6[%dma_start3A_1131, %multiple_of3A_1129] : memref<4x180224xf32, #tpu.memory_space<hbm>> -> memref<1x128xf32, #tpu.memory_space<hbm>>
        %dma_start3A_1137 = tpu.memref_squeeze %dma_start3A_1136 : memref<1x128xf32, #tpu.memory_space<hbm>> -> memref<128xf32, #tpu.memory_space<hbm>>
        %dma_start3A_1138 = tpu.memref_slice %arg18[%dma_start3A_1130, %multiple_of3A_1125] : memref<4x5120xf32, #tpu.memory_space<vmem>> -> memref<1x128xf32, #tpu.memory_space<vmem>>
        %dma_start3A_1139 = tpu.memref_squeeze %dma_start3A_1138 : memref<1x128xf32, #tpu.memory_space<vmem>> -> memref<128xf32, #tpu.memory_space<vmem>>
        tpu.enqueue_dma source(%dma_start3A_1139 : memref<128xf32, #tpu.memory_space<vmem>>) target(%dma_start3A_1137 : memref<128xf32, #tpu.memory_space<hbm>>) target_semaphore(%arg19 : memref<!tpu.dma_semaphore, #tpu.memory_space<semaphore_mem>>)
        %mul3A_1140 = arith.constant 128 : i32
        %mul3A_1141 = arith.muli %scan3A_1072, %mul3A_1140 : i32
        %add3A_1142 = arith.addi %reduce_sum3A_567, %mul3A_1141 : i32
        %multiple_of3A_1143 = tpu.assume_multiple %add3A_1142, 128 : i32
        %mul3A_1144 = arith.constant 128 : i32
        %mul3A_1145 = arith.muli %scan3A_1072, %mul3A_1144 : i32
        %add3A_1146 = arith.addi %reduce_sum3A_650, %mul3A_1145 : i32
        %multiple_of3A_1147 = tpu.assume_multiple %add3A_1146, 128 : i32
        %dma_start3A_1148 = arith.constant 2 : i32
        %dma_start3A_1149 = arith.constant 2 : i32
        %dma_start3A_1150 = tpu.memref_slice %arg18[%dma_start3A_1148, %multiple_of3A_1143] : memref<4x5120xf32, #tpu.memory_space<vmem>> -> memref<1x128xf32, #tpu.memory_space<vmem>>
        %dma_start3A_1151 = tpu.memref_squeeze %dma_start3A_1150 : memref<1x128xf32, #tpu.memory_space<vmem>> -> memref<128xf32, #tpu.memory_space<vmem>>
        %dma_start3A_1152 = tpu.memref_slice %arg6[%dma_start3A_1149, %multiple_of3A_1147] : memref<4x180224xf32, #tpu.memory_space<hbm>> -> memref<1x128xf32, #tpu.memory_space<hbm>>
        %dma_start3A_1153 = tpu.memref_squeeze %dma_start3A_1152 : memref<1x128xf32, #tpu.memory_space<hbm>> -> memref<128xf32, #tpu.memory_space<hbm>>
        %dma_start3A_1154 = tpu.memref_slice %arg6[%dma_start3A_1149, %multiple_of3A_1147] : memref<4x180224xf32, #tpu.memory_space<hbm>> -> memref<1x128xf32, #tpu.memory_space<hbm>>
        %dma_start3A_1155 = tpu.memref_squeeze %dma_start3A_1154 : memref<1x128xf32, #tpu.memory_space<hbm>> -> memref<128xf32, #tpu.memory_space<hbm>>
        %dma_start3A_1156 = tpu.memref_slice %arg18[%dma_start3A_1148, %multiple_of3A_1143] : memref<4x5120xf32, #tpu.memory_space<vmem>> -> memref<1x128xf32, #tpu.memory_space<vmem>>
        %dma_start3A_1157 = tpu.memref_squeeze %dma_start3A_1156 : memref<1x128xf32, #tpu.memory_space<vmem>> -> memref<128xf32, #tpu.memory_space<vmem>>
        tpu.enqueue_dma source(%dma_start3A_1157 : memref<128xf32, #tpu.memory_space<vmem>>) target(%dma_start3A_1155 : memref<128xf32, #tpu.memory_space<hbm>>) target_semaphore(%arg19 : memref<!tpu.dma_semaphore, #tpu.memory_space<semaphore_mem>>)
        %mul3A_1158 = arith.constant 128 : i32
        %mul3A_1159 = arith.muli %scan3A_1072, %mul3A_1158 : i32
        %add3A_1160 = arith.addi %reduce_sum3A_567, %mul3A_1159 : i32
        %multiple_of3A_1161 = tpu.assume_multiple %add3A_1160, 128 : i32
        %mul3A_1162 = arith.constant 128 : i32
        %mul3A_1163 = arith.muli %scan3A_1072, %mul3A_1162 : i32
        %add3A_1164 = arith.addi %reduce_sum3A_650, %mul3A_1163 : i32
        %multiple_of3A_1165 = tpu.assume_multiple %add3A_1164, 128 : i32
        %dma_start3A_1166 = arith.constant 3 : i32
        %dma_start3A_1167 = arith.constant 3 : i32
        %dma_start3A_1168 = tpu.memref_slice %arg18[%dma_start3A_1166, %multiple_of3A_1161] : memref<4x5120xf32, #tpu.memory_space<vmem>> -> memref<1x128xf32, #tpu.memory_space<vmem>>
        %dma_start3A_1169 = tpu.memref_squeeze %dma_start3A_1168 : memref<1x128xf32, #tpu.memory_space<vmem>> -> memref<128xf32, #tpu.memory_space<vmem>>
        %dma_start3A_1170 = tpu.memref_slice %arg6[%dma_start3A_1167, %multiple_of3A_1165] : memref<4x180224xf32, #tpu.memory_space<hbm>> -> memref<1x128xf32, #tpu.memory_space<hbm>>
        %dma_start3A_1171 = tpu.memref_squeeze %dma_start3A_1170 : memref<1x128xf32, #tpu.memory_space<hbm>> -> memref<128xf32, #tpu.memory_space<hbm>>
        %dma_start3A_1172 = tpu.memref_slice %arg6[%dma_start3A_1167, %multiple_of3A_1165] : memref<4x180224xf32, #tpu.memory_space<hbm>> -> memref<1x128xf32, #tpu.memory_space<hbm>>
        %dma_start3A_1173 = tpu.memref_squeeze %dma_start3A_1172 : memref<1x128xf32, #tpu.memory_space<hbm>> -> memref<128xf32, #tpu.memory_space<hbm>>
        %dma_start3A_1174 = tpu.memref_slice %arg18[%dma_start3A_1166, %multiple_of3A_1161] : memref<4x5120xf32, #tpu.memory_space<vmem>> -> memref<1x128xf32, #tpu.memory_space<vmem>>
        %dma_start3A_1175 = tpu.memref_squeeze %dma_start3A_1174 : memref<1x128xf32, #tpu.memory_space<vmem>> -> memref<128xf32, #tpu.memory_space<vmem>>
        tpu.enqueue_dma source(%dma_start3A_1175 : memref<128xf32, #tpu.memory_space<vmem>>) target(%dma_start3A_1173 : memref<128xf32, #tpu.memory_space<hbm>>) target_semaphore(%arg19 : memref<!tpu.dma_semaphore, #tpu.memory_space<semaphore_mem>>)
      } else {
      }
      %lt3A_1085 = arith.cmpi slt, %scan3A_1072, %reduce_sum3A_881 : i32
      %convert_element_type3A_1086 = arith.extui %lt3A_1085 : i1 to i32
      %cond3A_1087 = arith.constant 0 : i32
      %cond3A_1088 = arith.cmpi ne, %convert_element_type3A_1086, %cond3A_1087 : i32
      scf.if %cond3A_1088 {
        %mul3A_1106 = arith.constant 128 : i32
        %mul3A_1107 = arith.muli %scan3A_1072, %mul3A_1106 : i32
        %add3A_1108 = arith.addi %reduce_sum3A_577, %mul3A_1107 : i32
        %multiple_of3A = tpu.assume_multiple %add3A_1108, 128 : i32
        %mul3A_1109 = arith.constant 128 : i32
        %mul3A_1110 = arith.muli %scan3A_1072, %mul3A_1109 : i32
        %add3A_1111 = arith.addi %reduce_sum3A_661, %mul3A_1110 : i32
        %multiple_of3A_1112 = tpu.assume_multiple %add3A_1111, 128 : i32
        %dma_start3A = arith.constant 0 : i32
        %dma_start3A_1113 = arith.constant 0 : i32
        %dma_start3A_1114 = tpu.memref_slice %arg18[%dma_start3A, %multiple_of3A] : memref<4x5120xf32, #tpu.memory_space<vmem>> -> memref<1x128xf32, #tpu.memory_space<vmem>>
        %dma_start3A_1115 = tpu.memref_squeeze %dma_start3A_1114 : memref<1x128xf32, #tpu.memory_space<vmem>> -> memref<128xf32, #tpu.memory_space<vmem>>
        %dma_start3A_1116 = tpu.memref_slice %arg6[%dma_start3A_1113, %multiple_of3A_1112] : memref<4x180224xf32, #tpu.memory_space<hbm>> -> memref<1x128xf32, #tpu.memory_space<hbm>>
        %dma_start3A_1117 = tpu.memref_squeeze %dma_start3A_1116 : memref<1x128xf32, #tpu.memory_space<hbm>> -> memref<128xf32, #tpu.memory_space<hbm>>
        %dma_start3A_1118 = tpu.memref_slice %arg6[%dma_start3A_1113, %multiple_of3A_1112] : memref<4x180224xf32, #tpu.memory_space<hbm>> -> memref<1x128xf32, #tpu.memory_space<hbm>>
        %dma_start3A_1119 = tpu.memref_squeeze %dma_start3A_1118 : memref<1x128xf32, #tpu.memory_space<hbm>> -> memref<128xf32, #tpu.memory_space<hbm>>
        %dma_start3A_1120 = tpu.memref_slice %arg18[%dma_start3A, %multiple_of3A] : memref<4x5120xf32, #tpu.memory_space<vmem>> -> memref<1x128xf32, #tpu.memory_space<vmem>>
        %dma_start3A_1121 = tpu.memref_squeeze %dma_start3A_1120 : memref<1x128xf32, #tpu.memory_space<vmem>> -> memref<128xf32, #tpu.memory_space<vmem>>
        tpu.enqueue_dma source(%dma_start3A_1121 : memref<128xf32, #tpu.memory_space<vmem>>) target(%dma_start3A_1119 : memref<128xf32, #tpu.memory_space<hbm>>) target_semaphore(%arg19 : memref<!tpu.dma_semaphore, #tpu.memory_space<semaphore_mem>>)
        %mul3A_1122 = arith.constant 128 : i32
        %mul3A_1123 = arith.muli %scan3A_1072, %mul3A_1122 : i32
        %add3A_1124 = arith.addi %reduce_sum3A_577, %mul3A_1123 : i32
        %multiple_of3A_1125 = tpu.assume_multiple %add3A_1124, 128 : i32
        %mul3A_1126 = arith.constant 128 : i32
        %mul3A_1127 = arith.muli %scan3A_1072, %mul3A_1126 : i32
        %add3A_1128 = arith.addi %reduce_sum3A_661, %mul3A_1127 : i32
        %multiple_of3A_1129 = tpu.assume_multiple %add3A_1128, 128 : i32
        %dma_start3A_1130 = arith.constant 1 : i32
        %dma_start3A_1131 = arith.constant 1 : i32
        %dma_start3A_1132 = tpu.memref_slice %arg18[%dma_start3A_1130, %multiple_of3A_1125] : memref<4x5120xf32, #tpu.memory_space<vmem>> -> memref<1x128xf32, #tpu.memory_space<vmem>>
        %dma_start3A_1133 = tpu.memref_squeeze %dma_start3A_1132 : memref<1x128xf32, #tpu.memory_space<vmem>> -> memref<128xf32, #tpu.memory_space<vmem>>
        %dma_start3A_1134 = tpu.memref_slice %arg6[%dma_start3A_1131, %multiple_of3A_1129] : memref<4x180224xf32, #tpu.memory_space<hbm>> -> memref<1x128xf32, #tpu.memory_space<hbm>>
        %dma_start3A_1135 = tpu.memref_squeeze %dma_start3A_1134 : memref<1x128xf32, #tpu.memory_space<hbm>> -> memref<128xf32, #tpu.memory_space<hbm>>
        %dma_start3A_1136 = tpu.memref_slice %arg6[%dma_start3A_1131, %multiple_of3A_1129] : memref<4x180224xf32, #tpu.memory_space<hbm>> -> memref<1x128xf32, #tpu.memory_space<hbm>>
        %dma_start3A_1137 = tpu.memref_squeeze %dma_start3A_1136 : memref<1x128xf32, #tpu.memory_space<hbm>> -> memref<128xf32, #tpu.memory_space<hbm>>
        %dma_start3A_1138 = tpu.memref_slice %arg18[%dma_start3A_1130, %multiple_of3A_1125] : memref<4x5120xf32, #tpu.memory_space<vmem>> -> memref<1x128xf32, #tpu.memory_space<vmem>>
        %dma_start3A_1139 = tpu.memref_squeeze %dma_start3A_1138 : memref<1x128xf32, #tpu.memory_space<vmem>> -> memref<128xf32, #tpu.memory_space<vmem>>
        tpu.enqueue_dma source(%dma_start3A_1139 : memref<128xf32, #tpu.memory_space<vmem>>) target(%dma_start3A_1137 : memref<128xf32, #tpu.memory_space<hbm>>) target_semaphore(%arg19 : memref<!tpu.dma_semaphore, #tpu.memory_space<semaphore_mem>>)
        %mul3A_1140 = arith.constant 128 : i32
        %mul3A_1141 = arith.muli %scan3A_1072, %mul3A_1140 : i32
        %add3A_1142 = arith.addi %reduce_sum3A_577, %mul3A_1141 : i32
        %multiple_of3A_1143 = tpu.assume_multiple %add3A_1142, 128 : i32
        %mul3A_1144 = arith.constant 128 : i32
        %mul3A_1145 = arith.muli %scan3A_1072, %mul3A_1144 : i32
        %add3A_1146 = arith.addi %reduce_sum3A_661, %mul3A_1145 : i32
        %multiple_of3A_1147 = tpu.assume_multiple %add3A_1146, 128 : i32
        %dma_start3A_1148 = arith.constant 2 : i32
        %dma_start3A_1149 = arith.constant 2 : i32
        %dma_start3A_1150 = tpu.memref_slice %arg18[%dma_start3A_1148, %multiple_of3A_1143] : memref<4x5120xf32, #tpu.memory_space<vmem>> -> memref<1x128xf32, #tpu.memory_space<vmem>>
        %dma_start3A_1151 = tpu.memref_squeeze %dma_start3A_1150 : memref<1x128xf32, #tpu.memory_space<vmem>> -> memref<128xf32, #tpu.memory_space<vmem>>
        %dma_start3A_1152 = tpu.memref_slice %arg6[%dma_start3A_1149, %multiple_of3A_1147] : memref<4x180224xf32, #tpu.memory_space<hbm>> -> memref<1x128xf32, #tpu.memory_space<hbm>>
        %dma_start3A_1153 = tpu.memref_squeeze %dma_start3A_1152 : memref<1x128xf32, #tpu.memory_space<hbm>> -> memref<128xf32, #tpu.memory_space<hbm>>
        %dma_start3A_1154 = tpu.memref_slice %arg6[%dma_start3A_1149, %multiple_of3A_1147] : memref<4x180224xf32, #tpu.memory_space<hbm>> -> memref<1x128xf32, #tpu.memory_space<hbm>>
        %dma_start3A_1155 = tpu.memref_squeeze %dma_start3A_1154 : memref<1x128xf32, #tpu.memory_space<hbm>> -> memref<128xf32, #tpu.memory_space<hbm>>
        %dma_start3A_1156 = tpu.memref_slice %arg18[%dma_start3A_1148, %multiple_of3A_1143] : memref<4x5120xf32, #tpu.memory_space<vmem>> -> memref<1x128xf32, #tpu.memory_space<vmem>>
        %dma_start3A_1157 = tpu.memref_squeeze %dma_start3A_1156 : memref<1x128xf32, #tpu.memory_space<vmem>> -> memref<128xf32, #tpu.memory_space<vmem>>
        tpu.enqueue_dma source(%dma_start3A_1157 : memref<128xf32, #tpu.memory_space<vmem>>) target(%dma_start3A_1155 : memref<128xf32, #tpu.memory_space<hbm>>) target_semaphore(%arg19 : memref<!tpu.dma_semaphore, #tpu.memory_space<semaphore_mem>>)
        %mul3A_1158 = arith.constant 128 : i32
        %mul3A_1159 = arith.muli %scan3A_1072, %mul3A_1158 : i32
        %add3A_1160 = arith.addi %reduce_sum3A_577, %mul3A_1159 : i32
        %multiple_of3A_1161 = tpu.assume_multiple %add3A_1160, 128 : i32
        %mul3A_1162 = arith.constant 128 : i32
        %mul3A_1163 = arith.muli %scan3A_1072, %mul3A_1162 : i32
        %add3A_1164 = arith.addi %reduce_sum3A_661, %mul3A_1163 : i32
        %multiple_of3A_1165 = tpu.assume_multiple %add3A_1164, 128 : i32
        %dma_start3A_1166 = arith.constant 3 : i32
        %dma_start3A_1167 = arith.constant 3 : i32
        %dma_start3A_1168 = tpu.memref_slice %arg18[%dma_start3A_1166, %multiple_of3A_1161] : memref<4x5120xf32, #tpu.memory_space<vmem>> -> memref<1x128xf32, #tpu.memory_space<vmem>>
        %dma_start3A_1169 = tpu.memref_squeeze %dma_start3A_1168 : memref<1x128xf32, #tpu.memory_space<vmem>> -> memref<128xf32, #tpu.memory_space<vmem>>
        %dma_start3A_1170 = tpu.memref_slice %arg6[%dma_start3A_1167, %multiple_of3A_1165] : memref<4x180224xf32, #tpu.memory_space<hbm>> -> memref<1x128xf32, #tpu.memory_space<hbm>>
        %dma_start3A_1171 = tpu.memref_squeeze %dma_start3A_1170 : memref<1x128xf32, #tpu.memory_space<hbm>> -> memref<128xf32, #tpu.memory_space<hbm>>
        %dma_start3A_1172 = tpu.memref_slice %arg6[%dma_start3A_1167, %multiple_of3A_1165] : memref<4x180224xf32, #tpu.memory_space<hbm>> -> memref<1x128xf32, #tpu.memory_space<hbm>>
        %dma_start3A_1173 = tpu.memref_squeeze %dma_start3A_1172 : memref<1x128xf32, #tpu.memory_space<hbm>> -> memref<128xf32, #tpu.memory_space<hbm>>
        %dma_start3A_1174 = tpu.memref_slice %arg18[%dma_start3A_1166, %multiple_of3A_1161] : memref<4x5120xf32, #tpu.memory_space<vmem>> -> memref<1x128xf32, #tpu.memory_space<vmem>>
        %dma_start3A_1175 = tpu.memref_squeeze %dma_start3A_1174 : memref<1x128xf32, #tpu.memory_space<vmem>> -> memref<128xf32, #tpu.memory_space<vmem>>
        tpu.enqueue_dma source(%dma_start3A_1175 : memref<128xf32, #tpu.memory_space<vmem>>) target(%dma_start3A_1173 : memref<128xf32, #tpu.memory_space<hbm>>) target_semaphore(%arg19 : memref<!tpu.dma_semaphore, #tpu.memory_space<semaphore_mem>>)
      } else {
      }
      %lt3A_1089 = arith.cmpi slt, %scan3A_1072, %reduce_sum3A_925 : i32
      %convert_element_type3A_1090 = arith.extui %lt3A_1089 : i1 to i32
      %cond3A_1091 = arith.constant 0 : i32
      %cond3A_1092 = arith.cmpi ne, %convert_element_type3A_1090, %cond3A_1091 : i32
      scf.if %cond3A_1092 {
        %mul3A_1106 = arith.constant 128 : i32
        %mul3A_1107 = arith.muli %scan3A_1072, %mul3A_1106 : i32
        %add3A_1108 = arith.addi %reduce_sum3A_587, %mul3A_1107 : i32
        %multiple_of3A = tpu.assume_multiple %add3A_1108, 128 : i32
        %mul3A_1109 = arith.constant 128 : i32
        %mul3A_1110 = arith.muli %scan3A_1072, %mul3A_1109 : i32
        %add3A_1111 = arith.addi %reduce_sum3A_672, %mul3A_1110 : i32
        %multiple_of3A_1112 = tpu.assume_multiple %add3A_1111, 128 : i32
        %dma_start3A = arith.constant 0 : i32
        %dma_start3A_1113 = arith.constant 0 : i32
        %dma_start3A_1114 = tpu.memref_slice %arg18[%dma_start3A, %multiple_of3A] : memref<4x5120xf32, #tpu.memory_space<vmem>> -> memref<1x128xf32, #tpu.memory_space<vmem>>
        %dma_start3A_1115 = tpu.memref_squeeze %dma_start3A_1114 : memref<1x128xf32, #tpu.memory_space<vmem>> -> memref<128xf32, #tpu.memory_space<vmem>>
        %dma_start3A_1116 = tpu.memref_slice %arg6[%dma_start3A_1113, %multiple_of3A_1112] : memref<4x180224xf32, #tpu.memory_space<hbm>> -> memref<1x128xf32, #tpu.memory_space<hbm>>
        %dma_start3A_1117 = tpu.memref_squeeze %dma_start3A_1116 : memref<1x128xf32, #tpu.memory_space<hbm>> -> memref<128xf32, #tpu.memory_space<hbm>>
        %dma_start3A_1118 = tpu.memref_slice %arg6[%dma_start3A_1113, %multiple_of3A_1112] : memref<4x180224xf32, #tpu.memory_space<hbm>> -> memref<1x128xf32, #tpu.memory_space<hbm>>
        %dma_start3A_1119 = tpu.memref_squeeze %dma_start3A_1118 : memref<1x128xf32, #tpu.memory_space<hbm>> -> memref<128xf32, #tpu.memory_space<hbm>>
        %dma_start3A_1120 = tpu.memref_slice %arg18[%dma_start3A, %multiple_of3A] : memref<4x5120xf32, #tpu.memory_space<vmem>> -> memref<1x128xf32, #tpu.memory_space<vmem>>
        %dma_start3A_1121 = tpu.memref_squeeze %dma_start3A_1120 : memref<1x128xf32, #tpu.memory_space<vmem>> -> memref<128xf32, #tpu.memory_space<vmem>>
        tpu.enqueue_dma source(%dma_start3A_1121 : memref<128xf32, #tpu.memory_space<vmem>>) target(%dma_start3A_1119 : memref<128xf32, #tpu.memory_space<hbm>>) target_semaphore(%arg19 : memref<!tpu.dma_semaphore, #tpu.memory_space<semaphore_mem>>)
        %mul3A_1122 = arith.constant 128 : i32
        %mul3A_1123 = arith.muli %scan3A_1072, %mul3A_1122 : i32
        %add3A_1124 = arith.addi %reduce_sum3A_587, %mul3A_1123 : i32
        %multiple_of3A_1125 = tpu.assume_multiple %add3A_1124, 128 : i32
        %mul3A_1126 = arith.constant 128 : i32
        %mul3A_1127 = arith.muli %scan3A_1072, %mul3A_1126 : i32
        %add3A_1128 = arith.addi %reduce_sum3A_672, %mul3A_1127 : i32
        %multiple_of3A_1129 = tpu.assume_multiple %add3A_1128, 128 : i32
        %dma_start3A_1130 = arith.constant 1 : i32
        %dma_start3A_1131 = arith.constant 1 : i32
        %dma_start3A_1132 = tpu.memref_slice %arg18[%dma_start3A_1130, %multiple_of3A_1125] : memref<4x5120xf32, #tpu.memory_space<vmem>> -> memref<1x128xf32, #tpu.memory_space<vmem>>
        %dma_start3A_1133 = tpu.memref_squeeze %dma_start3A_1132 : memref<1x128xf32, #tpu.memory_space<vmem>> -> memref<128xf32, #tpu.memory_space<vmem>>
        %dma_start3A_1134 = tpu.memref_slice %arg6[%dma_start3A_1131, %multiple_of3A_1129] : memref<4x180224xf32, #tpu.memory_space<hbm>> -> memref<1x128xf32, #tpu.memory_space<hbm>>
        %dma_start3A_1135 = tpu.memref_squeeze %dma_start3A_1134 : memref<1x128xf32, #tpu.memory_space<hbm>> -> memref<128xf32, #tpu.memory_space<hbm>>
        %dma_start3A_1136 = tpu.memref_slice %arg6[%dma_start3A_1131, %multiple_of3A_1129] : memref<4x180224xf32, #tpu.memory_space<hbm>> -> memref<1x128xf32, #tpu.memory_space<hbm>>
        %dma_start3A_1137 = tpu.memref_squeeze %dma_start3A_1136 : memref<1x128xf32, #tpu.memory_space<hbm>> -> memref<128xf32, #tpu.memory_space<hbm>>
        %dma_start3A_1138 = tpu.memref_slice %arg18[%dma_start3A_1130, %multiple_of3A_1125] : memref<4x5120xf32, #tpu.memory_space<vmem>> -> memref<1x128xf32, #tpu.memory_space<vmem>>
        %dma_start3A_1139 = tpu.memref_squeeze %dma_start3A_1138 : memref<1x128xf32, #tpu.memory_space<vmem>> -> memref<128xf32, #tpu.memory_space<vmem>>
        tpu.enqueue_dma source(%dma_start3A_1139 : memref<128xf32, #tpu.memory_space<vmem>>) target(%dma_start3A_1137 : memref<128xf32, #tpu.memory_space<hbm>>) target_semaphore(%arg19 : memref<!tpu.dma_semaphore, #tpu.memory_space<semaphore_mem>>)
        %mul3A_1140 = arith.constant 128 : i32
        %mul3A_1141 = arith.muli %scan3A_1072, %mul3A_1140 : i32
        %add3A_1142 = arith.addi %reduce_sum3A_587, %mul3A_1141 : i32
        %multiple_of3A_1143 = tpu.assume_multiple %add3A_1142, 128 : i32
        %mul3A_1144 = arith.constant 128 : i32
        %mul3A_1145 = arith.muli %scan3A_1072, %mul3A_1144 : i32
        %add3A_1146 = arith.addi %reduce_sum3A_672, %mul3A_1145 : i32
        %multiple_of3A_1147 = tpu.assume_multiple %add3A_1146, 128 : i32
        %dma_start3A_1148 = arith.constant 2 : i32
        %dma_start3A_1149 = arith.constant 2 : i32
        %dma_start3A_1150 = tpu.memref_slice %arg18[%dma_start3A_1148, %multiple_of3A_1143] : memref<4x5120xf32, #tpu.memory_space<vmem>> -> memref<1x128xf32, #tpu.memory_space<vmem>>
        %dma_start3A_1151 = tpu.memref_squeeze %dma_start3A_1150 : memref<1x128xf32, #tpu.memory_space<vmem>> -> memref<128xf32, #tpu.memory_space<vmem>>
        %dma_start3A_1152 = tpu.memref_slice %arg6[%dma_start3A_1149, %multiple_of3A_1147] : memref<4x180224xf32, #tpu.memory_space<hbm>> -> memref<1x128xf32, #tpu.memory_space<hbm>>
        %dma_start3A_1153 = tpu.memref_squeeze %dma_start3A_1152 : memref<1x128xf32, #tpu.memory_space<hbm>> -> memref<128xf32, #tpu.memory_space<hbm>>
        %dma_start3A_1154 = tpu.memref_slice %arg6[%dma_start3A_1149, %multiple_of3A_1147] : memref<4x180224xf32, #tpu.memory_space<hbm>> -> memref<1x128xf32, #tpu.memory_space<hbm>>
        %dma_start3A_1155 = tpu.memref_squeeze %dma_start3A_1154 : memref<1x128xf32, #tpu.memory_space<hbm>> -> memref<128xf32, #tpu.memory_space<hbm>>
        %dma_start3A_1156 = tpu.memref_slice %arg18[%dma_start3A_1148, %multiple_of3A_1143] : memref<4x5120xf32, #tpu.memory_space<vmem>> -> memref<1x128xf32, #tpu.memory_space<vmem>>
        %dma_start3A_1157 = tpu.memref_squeeze %dma_start3A_1156 : memref<1x128xf32, #tpu.memory_space<vmem>> -> memref<128xf32, #tpu.memory_space<vmem>>
        tpu.enqueue_dma source(%dma_start3A_1157 : memref<128xf32, #tpu.memory_space<vmem>>) target(%dma_start3A_1155 : memref<128xf32, #tpu.memory_space<hbm>>) target_semaphore(%arg19 : memref<!tpu.dma_semaphore, #tpu.memory_space<semaphore_mem>>)
        %mul3A_1158 = arith.constant 128 : i32
        %mul3A_1159 = arith.muli %scan3A_1072, %mul3A_1158 : i32
        %add3A_1160 = arith.addi %reduce_sum3A_587, %mul3A_1159 : i32
        %multiple_of3A_1161 = tpu.assume_multiple %add3A_1160, 128 : i32
        %mul3A_1162 = arith.constant 128 : i32
        %mul3A_1163 = arith.muli %scan3A_1072, %mul3A_1162 : i32
        %add3A_1164 = arith.addi %reduce_sum3A_672, %mul3A_1163 : i32
        %multiple_of3A_1165 = tpu.assume_multiple %add3A_1164, 128 : i32
        %dma_start3A_1166 = arith.constant 3 : i32
        %dma_start3A_1167 = arith.constant 3 : i32
        %dma_start3A_1168 = tpu.memref_slice %arg18[%dma_start3A_1166, %multiple_of3A_1161] : memref<4x5120xf32, #tpu.memory_space<vmem>> -> memref<1x128xf32, #tpu.memory_space<vmem>>
        %dma_start3A_1169 = tpu.memref_squeeze %dma_start3A_1168 : memref<1x128xf32, #tpu.memory_space<vmem>> -> memref<128xf32, #tpu.memory_space<vmem>>
        %dma_start3A_1170 = tpu.memref_slice %arg6[%dma_start3A_1167, %multiple_of3A_1165] : memref<4x180224xf32, #tpu.memory_space<hbm>> -> memref<1x128xf32, #tpu.memory_space<hbm>>
        %dma_start3A_1171 = tpu.memref_squeeze %dma_start3A_1170 : memref<1x128xf32, #tpu.memory_space<hbm>> -> memref<128xf32, #tpu.memory_space<hbm>>
        %dma_start3A_1172 = tpu.memref_slice %arg6[%dma_start3A_1167, %multiple_of3A_1165] : memref<4x180224xf32, #tpu.memory_space<hbm>> -> memref<1x128xf32, #tpu.memory_space<hbm>>
        %dma_start3A_1173 = tpu.memref_squeeze %dma_start3A_1172 : memref<1x128xf32, #tpu.memory_space<hbm>> -> memref<128xf32, #tpu.memory_space<hbm>>
        %dma_start3A_1174 = tpu.memref_slice %arg18[%dma_start3A_1166, %multiple_of3A_1161] : memref<4x5120xf32, #tpu.memory_space<vmem>> -> memref<1x128xf32, #tpu.memory_space<vmem>>
        %dma_start3A_1175 = tpu.memref_squeeze %dma_start3A_1174 : memref<1x128xf32, #tpu.memory_space<vmem>> -> memref<128xf32, #tpu.memory_space<vmem>>
        tpu.enqueue_dma source(%dma_start3A_1175 : memref<128xf32, #tpu.memory_space<vmem>>) target(%dma_start3A_1173 : memref<128xf32, #tpu.memory_space<hbm>>) target_semaphore(%arg19 : memref<!tpu.dma_semaphore, #tpu.memory_space<semaphore_mem>>)
      } else {
      }
      %lt3A_1093 = arith.cmpi slt, %scan3A_1072, %reduce_sum3A_969 : i32
      %convert_element_type3A_1094 = arith.extui %lt3A_1093 : i1 to i32
      %cond3A_1095 = arith.constant 0 : i32
      %cond3A_1096 = arith.cmpi ne, %convert_element_type3A_1094, %cond3A_1095 : i32
      scf.if %cond3A_1096 {
        %mul3A_1106 = arith.constant 128 : i32
        %mul3A_1107 = arith.muli %scan3A_1072, %mul3A_1106 : i32
        %add3A_1108 = arith.addi %reduce_sum3A_597, %mul3A_1107 : i32
        %multiple_of3A = tpu.assume_multiple %add3A_1108, 128 : i32
        %mul3A_1109 = arith.constant 128 : i32
        %mul3A_1110 = arith.muli %scan3A_1072, %mul3A_1109 : i32
        %add3A_1111 = arith.addi %reduce_sum3A_683, %mul3A_1110 : i32
        %multiple_of3A_1112 = tpu.assume_multiple %add3A_1111, 128 : i32
        %dma_start3A = arith.constant 0 : i32
        %dma_start3A_1113 = arith.constant 0 : i32
        %dma_start3A_1114 = tpu.memref_slice %arg18[%dma_start3A, %multiple_of3A] : memref<4x5120xf32, #tpu.memory_space<vmem>> -> memref<1x128xf32, #tpu.memory_space<vmem>>
        %dma_start3A_1115 = tpu.memref_squeeze %dma_start3A_1114 : memref<1x128xf32, #tpu.memory_space<vmem>> -> memref<128xf32, #tpu.memory_space<vmem>>
        %dma_start3A_1116 = tpu.memref_slice %arg6[%dma_start3A_1113, %multiple_of3A_1112] : memref<4x180224xf32, #tpu.memory_space<hbm>> -> memref<1x128xf32, #tpu.memory_space<hbm>>
        %dma_start3A_1117 = tpu.memref_squeeze %dma_start3A_1116 : memref<1x128xf32, #tpu.memory_space<hbm>> -> memref<128xf32, #tpu.memory_space<hbm>>
        %dma_start3A_1118 = tpu.memref_slice %arg6[%dma_start3A_1113, %multiple_of3A_1112] : memref<4x180224xf32, #tpu.memory_space<hbm>> -> memref<1x128xf32, #tpu.memory_space<hbm>>
        %dma_start3A_1119 = tpu.memref_squeeze %dma_start3A_1118 : memref<1x128xf32, #tpu.memory_space<hbm>> -> memref<128xf32, #tpu.memory_space<hbm>>
        %dma_start3A_1120 = tpu.memref_slice %arg18[%dma_start3A, %multiple_of3A] : memref<4x5120xf32, #tpu.memory_space<vmem>> -> memref<1x128xf32, #tpu.memory_space<vmem>>
        %dma_start3A_1121 = tpu.memref_squeeze %dma_start3A_1120 : memref<1x128xf32, #tpu.memory_space<vmem>> -> memref<128xf32, #tpu.memory_space<vmem>>
        tpu.enqueue_dma source(%dma_start3A_1121 : memref<128xf32, #tpu.memory_space<vmem>>) target(%dma_start3A_1119 : memref<128xf32, #tpu.memory_space<hbm>>) target_semaphore(%arg19 : memref<!tpu.dma_semaphore, #tpu.memory_space<semaphore_mem>>)
        %mul3A_1122 = arith.constant 128 : i32
        %mul3A_1123 = arith.muli %scan3A_1072, %mul3A_1122 : i32
        %add3A_1124 = arith.addi %reduce_sum3A_597, %mul3A_1123 : i32
        %multiple_of3A_1125 = tpu.assume_multiple %add3A_1124, 128 : i32
        %mul3A_1126 = arith.constant 128 : i32
        %mul3A_1127 = arith.muli %scan3A_1072, %mul3A_1126 : i32
        %add3A_1128 = arith.addi %reduce_sum3A_683, %mul3A_1127 : i32
        %multiple_of3A_1129 = tpu.assume_multiple %add3A_1128, 128 : i32
        %dma_start3A_1130 = arith.constant 1 : i32
        %dma_start3A_1131 = arith.constant 1 : i32
        %dma_start3A_1132 = tpu.memref_slice %arg18[%dma_start3A_1130, %multiple_of3A_1125] : memref<4x5120xf32, #tpu.memory_space<vmem>> -> memref<1x128xf32, #tpu.memory_space<vmem>>
        %dma_start3A_1133 = tpu.memref_squeeze %dma_start3A_1132 : memref<1x128xf32, #tpu.memory_space<vmem>> -> memref<128xf32, #tpu.memory_space<vmem>>
        %dma_start3A_1134 = tpu.memref_slice %arg6[%dma_start3A_1131, %multiple_of3A_1129] : memref<4x180224xf32, #tpu.memory_space<hbm>> -> memref<1x128xf32, #tpu.memory_space<hbm>>
        %dma_start3A_1135 = tpu.memref_squeeze %dma_start3A_1134 : memref<1x128xf32, #tpu.memory_space<hbm>> -> memref<128xf32, #tpu.memory_space<hbm>>
        %dma_start3A_1136 = tpu.memref_slice %arg6[%dma_start3A_1131, %multiple_of3A_1129] : memref<4x180224xf32, #tpu.memory_space<hbm>> -> memref<1x128xf32, #tpu.memory_space<hbm>>
        %dma_start3A_1137 = tpu.memref_squeeze %dma_start3A_1136 : memref<1x128xf32, #tpu.memory_space<hbm>> -> memref<128xf32, #tpu.memory_space<hbm>>
        %dma_start3A_1138 = tpu.memref_slice %arg18[%dma_start3A_1130, %multiple_of3A_1125] : memref<4x5120xf32, #tpu.memory_space<vmem>> -> memref<1x128xf32, #tpu.memory_space<vmem>>
        %dma_start3A_1139 = tpu.memref_squeeze %dma_start3A_1138 : memref<1x128xf32, #tpu.memory_space<vmem>> -> memref<128xf32, #tpu.memory_space<vmem>>
        tpu.enqueue_dma source(%dma_start3A_1139 : memref<128xf32, #tpu.memory_space<vmem>>) target(%dma_start3A_1137 : memref<128xf32, #tpu.memory_space<hbm>>) target_semaphore(%arg19 : memref<!tpu.dma_semaphore, #tpu.memory_space<semaphore_mem>>)
        %mul3A_1140 = arith.constant 128 : i32
        %mul3A_1141 = arith.muli %scan3A_1072, %mul3A_1140 : i32
        %add3A_1142 = arith.addi %reduce_sum3A_597, %mul3A_1141 : i32
        %multiple_of3A_1143 = tpu.assume_multiple %add3A_1142, 128 : i32
        %mul3A_1144 = arith.constant 128 : i32
        %mul3A_1145 = arith.muli %scan3A_1072, %mul3A_1144 : i32
        %add3A_1146 = arith.addi %reduce_sum3A_683, %mul3A_1145 : i32
        %multiple_of3A_1147 = tpu.assume_multiple %add3A_1146, 128 : i32
        %dma_start3A_1148 = arith.constant 2 : i32
        %dma_start3A_1149 = arith.constant 2 : i32
        %dma_start3A_1150 = tpu.memref_slice %arg18[%dma_start3A_1148, %multiple_of3A_1143] : memref<4x5120xf32, #tpu.memory_space<vmem>> -> memref<1x128xf32, #tpu.memory_space<vmem>>
        %dma_start3A_1151 = tpu.memref_squeeze %dma_start3A_1150 : memref<1x128xf32, #tpu.memory_space<vmem>> -> memref<128xf32, #tpu.memory_space<vmem>>
        %dma_start3A_1152 = tpu.memref_slice %arg6[%dma_start3A_1149, %multiple_of3A_1147] : memref<4x180224xf32, #tpu.memory_space<hbm>> -> memref<1x128xf32, #tpu.memory_space<hbm>>
        %dma_start3A_1153 = tpu.memref_squeeze %dma_start3A_1152 : memref<1x128xf32, #tpu.memory_space<hbm>> -> memref<128xf32, #tpu.memory_space<hbm>>
        %dma_start3A_1154 = tpu.memref_slice %arg6[%dma_start3A_1149, %multiple_of3A_1147] : memref<4x180224xf32, #tpu.memory_space<hbm>> -> memref<1x128xf32, #tpu.memory_space<hbm>>
        %dma_start3A_1155 = tpu.memref_squeeze %dma_start3A_1154 : memref<1x128xf32, #tpu.memory_space<hbm>> -> memref<128xf32, #tpu.memory_space<hbm>>
        %dma_start3A_1156 = tpu.memref_slice %arg18[%dma_start3A_1148, %multiple_of3A_1143] : memref<4x5120xf32, #tpu.memory_space<vmem>> -> memref<1x128xf32, #tpu.memory_space<vmem>>
        %dma_start3A_1157 = tpu.memref_squeeze %dma_start3A_1156 : memref<1x128xf32, #tpu.memory_space<vmem>> -> memref<128xf32, #tpu.memory_space<vmem>>
        tpu.enqueue_dma source(%dma_start3A_1157 : memref<128xf32, #tpu.memory_space<vmem>>) target(%dma_start3A_1155 : memref<128xf32, #tpu.memory_space<hbm>>) target_semaphore(%arg19 : memref<!tpu.dma_semaphore, #tpu.memory_space<semaphore_mem>>)
        %mul3A_1158 = arith.constant 128 : i32
        %mul3A_1159 = arith.muli %scan3A_1072, %mul3A_1158 : i32
        %add3A_1160 = arith.addi %reduce_sum3A_597, %mul3A_1159 : i32
        %multiple_of3A_1161 = tpu.assume_multiple %add3A_1160, 128 : i32
        %mul3A_1162 = arith.constant 128 : i32
        %mul3A_1163 = arith.muli %scan3A_1072, %mul3A_1162 : i32
        %add3A_1164 = arith.addi %reduce_sum3A_683, %mul3A_1163 : i32
        %multiple_of3A_1165 = tpu.assume_multiple %add3A_1164, 128 : i32
        %dma_start3A_1166 = arith.constant 3 : i32
        %dma_start3A_1167 = arith.constant 3 : i32
        %dma_start3A_1168 = tpu.memref_slice %arg18[%dma_start3A_1166, %multiple_of3A_1161] : memref<4x5120xf32, #tpu.memory_space<vmem>> -> memref<1x128xf32, #tpu.memory_space<vmem>>
        %dma_start3A_1169 = tpu.memref_squeeze %dma_start3A_1168 : memref<1x128xf32, #tpu.memory_space<vmem>> -> memref<128xf32, #tpu.memory_space<vmem>>
        %dma_start3A_1170 = tpu.memref_slice %arg6[%dma_start3A_1167, %multiple_of3A_1165] : memref<4x180224xf32, #tpu.memory_space<hbm>> -> memref<1x128xf32, #tpu.memory_space<hbm>>
        %dma_start3A_1171 = tpu.memref_squeeze %dma_start3A_1170 : memref<1x128xf32, #tpu.memory_space<hbm>> -> memref<128xf32, #tpu.memory_space<hbm>>
        %dma_start3A_1172 = tpu.memref_slice %arg6[%dma_start3A_1167, %multiple_of3A_1165] : memref<4x180224xf32, #tpu.memory_space<hbm>> -> memref<1x128xf32, #tpu.memory_space<hbm>>
        %dma_start3A_1173 = tpu.memref_squeeze %dma_start3A_1172 : memref<1x128xf32, #tpu.memory_space<hbm>> -> memref<128xf32, #tpu.memory_space<hbm>>
        %dma_start3A_1174 = tpu.memref_slice %arg18[%dma_start3A_1166, %multiple_of3A_1161] : memref<4x5120xf32, #tpu.memory_space<vmem>> -> memref<1x128xf32, #tpu.memory_space<vmem>>
        %dma_start3A_1175 = tpu.memref_squeeze %dma_start3A_1174 : memref<1x128xf32, #tpu.memory_space<vmem>> -> memref<128xf32, #tpu.memory_space<vmem>>
        tpu.enqueue_dma source(%dma_start3A_1175 : memref<128xf32, #tpu.memory_space<vmem>>) target(%dma_start3A_1173 : memref<128xf32, #tpu.memory_space<hbm>>) target_semaphore(%arg19 : memref<!tpu.dma_semaphore, #tpu.memory_space<semaphore_mem>>)
      } else {
      }
      %lt3A_1097 = arith.cmpi slt, %scan3A_1072, %reduce_sum3A_1013 : i32
      %convert_element_type3A_1098 = arith.extui %lt3A_1097 : i1 to i32
      %cond3A_1099 = arith.constant 0 : i32
      %cond3A_1100 = arith.cmpi ne, %convert_element_type3A_1098, %cond3A_1099 : i32
      scf.if %cond3A_1100 {
        %mul3A_1106 = arith.constant 128 : i32
        %mul3A_1107 = arith.muli %scan3A_1072, %mul3A_1106 : i32
        %add3A_1108 = arith.addi %reduce_sum3A_607, %mul3A_1107 : i32
        %multiple_of3A = tpu.assume_multiple %add3A_1108, 128 : i32
        %mul3A_1109 = arith.constant 128 : i32
        %mul3A_1110 = arith.muli %scan3A_1072, %mul3A_1109 : i32
        %add3A_1111 = arith.addi %reduce_sum3A_694, %mul3A_1110 : i32
        %multiple_of3A_1112 = tpu.assume_multiple %add3A_1111, 128 : i32
        %dma_start3A = arith.constant 0 : i32
        %dma_start3A_1113 = arith.constant 0 : i32
        %dma_start3A_1114 = tpu.memref_slice %arg18[%dma_start3A, %multiple_of3A] : memref<4x5120xf32, #tpu.memory_space<vmem>> -> memref<1x128xf32, #tpu.memory_space<vmem>>
        %dma_start3A_1115 = tpu.memref_squeeze %dma_start3A_1114 : memref<1x128xf32, #tpu.memory_space<vmem>> -> memref<128xf32, #tpu.memory_space<vmem>>
        %dma_start3A_1116 = tpu.memref_slice %arg6[%dma_start3A_1113, %multiple_of3A_1112] : memref<4x180224xf32, #tpu.memory_space<hbm>> -> memref<1x128xf32, #tpu.memory_space<hbm>>
        %dma_start3A_1117 = tpu.memref_squeeze %dma_start3A_1116 : memref<1x128xf32, #tpu.memory_space<hbm>> -> memref<128xf32, #tpu.memory_space<hbm>>
        %dma_start3A_1118 = tpu.memref_slice %arg6[%dma_start3A_1113, %multiple_of3A_1112] : memref<4x180224xf32, #tpu.memory_space<hbm>> -> memref<1x128xf32, #tpu.memory_space<hbm>>
        %dma_start3A_1119 = tpu.memref_squeeze %dma_start3A_1118 : memref<1x128xf32, #tpu.memory_space<hbm>> -> memref<128xf32, #tpu.memory_space<hbm>>
        %dma_start3A_1120 = tpu.memref_slice %arg18[%dma_start3A, %multiple_of3A] : memref<4x5120xf32, #tpu.memory_space<vmem>> -> memref<1x128xf32, #tpu.memory_space<vmem>>
        %dma_start3A_1121 = tpu.memref_squeeze %dma_start3A_1120 : memref<1x128xf32, #tpu.memory_space<vmem>> -> memref<128xf32, #tpu.memory_space<vmem>>
        tpu.enqueue_dma source(%dma_start3A_1121 : memref<128xf32, #tpu.memory_space<vmem>>) target(%dma_start3A_1119 : memref<128xf32, #tpu.memory_space<hbm>>) target_semaphore(%arg19 : memref<!tpu.dma_semaphore, #tpu.memory_space<semaphore_mem>>)
        %mul3A_1122 = arith.constant 128 : i32
        %mul3A_1123 = arith.muli %scan3A_1072, %mul3A_1122 : i32
        %add3A_1124 = arith.addi %reduce_sum3A_607, %mul3A_1123 : i32
        %multiple_of3A_1125 = tpu.assume_multiple %add3A_1124, 128 : i32
        %mul3A_1126 = arith.constant 128 : i32
        %mul3A_1127 = arith.muli %scan3A_1072, %mul3A_1126 : i32
        %add3A_1128 = arith.addi %reduce_sum3A_694, %mul3A_1127 : i32
        %multiple_of3A_1129 = tpu.assume_multiple %add3A_1128, 128 : i32
        %dma_start3A_1130 = arith.constant 1 : i32
        %dma_start3A_1131 = arith.constant 1 : i32
        %dma_start3A_1132 = tpu.memref_slice %arg18[%dma_start3A_1130, %multiple_of3A_1125] : memref<4x5120xf32, #tpu.memory_space<vmem>> -> memref<1x128xf32, #tpu.memory_space<vmem>>
        %dma_start3A_1133 = tpu.memref_squeeze %dma_start3A_1132 : memref<1x128xf32, #tpu.memory_space<vmem>> -> memref<128xf32, #tpu.memory_space<vmem>>
        %dma_start3A_1134 = tpu.memref_slice %arg6[%dma_start3A_1131, %multiple_of3A_1129] : memref<4x180224xf32, #tpu.memory_space<hbm>> -> memref<1x128xf32, #tpu.memory_space<hbm>>
        %dma_start3A_1135 = tpu.memref_squeeze %dma_start3A_1134 : memref<1x128xf32, #tpu.memory_space<hbm>> -> memref<128xf32, #tpu.memory_space<hbm>>
        %dma_start3A_1136 = tpu.memref_slice %arg6[%dma_start3A_1131, %multiple_of3A_1129] : memref<4x180224xf32, #tpu.memory_space<hbm>> -> memref<1x128xf32, #tpu.memory_space<hbm>>
        %dma_start3A_1137 = tpu.memref_squeeze %dma_start3A_1136 : memref<1x128xf32, #tpu.memory_space<hbm>> -> memref<128xf32, #tpu.memory_space<hbm>>
        %dma_start3A_1138 = tpu.memref_slice %arg18[%dma_start3A_1130, %multiple_of3A_1125] : memref<4x5120xf32, #tpu.memory_space<vmem>> -> memref<1x128xf32, #tpu.memory_space<vmem>>
        %dma_start3A_1139 = tpu.memref_squeeze %dma_start3A_1138 : memref<1x128xf32, #tpu.memory_space<vmem>> -> memref<128xf32, #tpu.memory_space<vmem>>
        tpu.enqueue_dma source(%dma_start3A_1139 : memref<128xf32, #tpu.memory_space<vmem>>) target(%dma_start3A_1137 : memref<128xf32, #tpu.memory_space<hbm>>) target_semaphore(%arg19 : memref<!tpu.dma_semaphore, #tpu.memory_space<semaphore_mem>>)
        %mul3A_1140 = arith.constant 128 : i32
        %mul3A_1141 = arith.muli %scan3A_1072, %mul3A_1140 : i32
        %add3A_1142 = arith.addi %reduce_sum3A_607, %mul3A_1141 : i32
        %multiple_of3A_1143 = tpu.assume_multiple %add3A_1142, 128 : i32
        %mul3A_1144 = arith.constant 128 : i32
        %mul3A_1145 = arith.muli %scan3A_1072, %mul3A_1144 : i32
        %add3A_1146 = arith.addi %reduce_sum3A_694, %mul3A_1145 : i32
        %multiple_of3A_1147 = tpu.assume_multiple %add3A_1146, 128 : i32
        %dma_start3A_1148 = arith.constant 2 : i32
        %dma_start3A_1149 = arith.constant 2 : i32
        %dma_start3A_1150 = tpu.memref_slice %arg18[%dma_start3A_1148, %multiple_of3A_1143] : memref<4x5120xf32, #tpu.memory_space<vmem>> -> memref<1x128xf32, #tpu.memory_space<vmem>>
        %dma_start3A_1151 = tpu.memref_squeeze %dma_start3A_1150 : memref<1x128xf32, #tpu.memory_space<vmem>> -> memref<128xf32, #tpu.memory_space<vmem>>
        %dma_start3A_1152 = tpu.memref_slice %arg6[%dma_start3A_1149, %multiple_of3A_1147] : memref<4x180224xf32, #tpu.memory_space<hbm>> -> memref<1x128xf32, #tpu.memory_space<hbm>>
        %dma_start3A_1153 = tpu.memref_squeeze %dma_start3A_1152 : memref<1x128xf32, #tpu.memory_space<hbm>> -> memref<128xf32, #tpu.memory_space<hbm>>
        %dma_start3A_1154 = tpu.memref_slice %arg6[%dma_start3A_1149, %multiple_of3A_1147] : memref<4x180224xf32, #tpu.memory_space<hbm>> -> memref<1x128xf32, #tpu.memory_space<hbm>>
        %dma_start3A_1155 = tpu.memref_squeeze %dma_start3A_1154 : memref<1x128xf32, #tpu.memory_space<hbm>> -> memref<128xf32, #tpu.memory_space<hbm>>
        %dma_start3A_1156 = tpu.memref_slice %arg18[%dma_start3A_1148, %multiple_of3A_1143] : memref<4x5120xf32, #tpu.memory_space<vmem>> -> memref<1x128xf32, #tpu.memory_space<vmem>>
        %dma_start3A_1157 = tpu.memref_squeeze %dma_start3A_1156 : memref<1x128xf32, #tpu.memory_space<vmem>> -> memref<128xf32, #tpu.memory_space<vmem>>
        tpu.enqueue_dma source(%dma_start3A_1157 : memref<128xf32, #tpu.memory_space<vmem>>) target(%dma_start3A_1155 : memref<128xf32, #tpu.memory_space<hbm>>) target_semaphore(%arg19 : memref<!tpu.dma_semaphore, #tpu.memory_space<semaphore_mem>>)
        %mul3A_1158 = arith.constant 128 : i32
        %mul3A_1159 = arith.muli %scan3A_1072, %mul3A_1158 : i32
        %add3A_1160 = arith.addi %reduce_sum3A_607, %mul3A_1159 : i32
        %multiple_of3A_1161 = tpu.assume_multiple %add3A_1160, 128 : i32
        %mul3A_1162 = arith.constant 128 : i32
        %mul3A_1163 = arith.muli %scan3A_1072, %mul3A_1162 : i32
        %add3A_1164 = arith.addi %reduce_sum3A_694, %mul3A_1163 : i32
        %multiple_of3A_1165 = tpu.assume_multiple %add3A_1164, 128 : i32
        %dma_start3A_1166 = arith.constant 3 : i32
        %dma_start3A_1167 = arith.constant 3 : i32
        %dma_start3A_1168 = tpu.memref_slice %arg18[%dma_start3A_1166, %multiple_of3A_1161] : memref<4x5120xf32, #tpu.memory_space<vmem>> -> memref<1x128xf32, #tpu.memory_space<vmem>>
        %dma_start3A_1169 = tpu.memref_squeeze %dma_start3A_1168 : memref<1x128xf32, #tpu.memory_space<vmem>> -> memref<128xf32, #tpu.memory_space<vmem>>
        %dma_start3A_1170 = tpu.memref_slice %arg6[%dma_start3A_1167, %multiple_of3A_1165] : memref<4x180224xf32, #tpu.memory_space<hbm>> -> memref<1x128xf32, #tpu.memory_space<hbm>>
        %dma_start3A_1171 = tpu.memref_squeeze %dma_start3A_1170 : memref<1x128xf32, #tpu.memory_space<hbm>> -> memref<128xf32, #tpu.memory_space<hbm>>
        %dma_start3A_1172 = tpu.memref_slice %arg6[%dma_start3A_1167, %multiple_of3A_1165] : memref<4x180224xf32, #tpu.memory_space<hbm>> -> memref<1x128xf32, #tpu.memory_space<hbm>>
        %dma_start3A_1173 = tpu.memref_squeeze %dma_start3A_1172 : memref<1x128xf32, #tpu.memory_space<hbm>> -> memref<128xf32, #tpu.memory_space<hbm>>
        %dma_start3A_1174 = tpu.memref_slice %arg18[%dma_start3A_1166, %multiple_of3A_1161] : memref<4x5120xf32, #tpu.memory_space<vmem>> -> memref<1x128xf32, #tpu.memory_space<vmem>>
        %dma_start3A_1175 = tpu.memref_squeeze %dma_start3A_1174 : memref<1x128xf32, #tpu.memory_space<vmem>> -> memref<128xf32, #tpu.memory_space<vmem>>
        tpu.enqueue_dma source(%dma_start3A_1175 : memref<128xf32, #tpu.memory_space<vmem>>) target(%dma_start3A_1173 : memref<128xf32, #tpu.memory_space<hbm>>) target_semaphore(%arg19 : memref<!tpu.dma_semaphore, #tpu.memory_space<semaphore_mem>>)
      } else {
      }
      %lt3A_1101 = arith.cmpi slt, %scan3A_1072, %reduce_sum3A_1057 : i32
      %convert_element_type3A_1102 = arith.extui %lt3A_1101 : i1 to i32
      %cond3A_1103 = arith.constant 0 : i32
      %cond3A_1104 = arith.cmpi ne, %convert_element_type3A_1102, %cond3A_1103 : i32
      scf.if %cond3A_1104 {
        %mul3A_1106 = arith.constant 128 : i32
        %mul3A_1107 = arith.muli %scan3A_1072, %mul3A_1106 : i32
        %add3A_1108 = arith.addi %reduce_sum3A_617, %mul3A_1107 : i32
        %multiple_of3A = tpu.assume_multiple %add3A_1108, 128 : i32
        %mul3A_1109 = arith.constant 128 : i32
        %mul3A_1110 = arith.muli %scan3A_1072, %mul3A_1109 : i32
        %add3A_1111 = arith.addi %reduce_sum3A_705, %mul3A_1110 : i32
        %multiple_of3A_1112 = tpu.assume_multiple %add3A_1111, 128 : i32
        %dma_start3A = arith.constant 0 : i32
        %dma_start3A_1113 = arith.constant 0 : i32
        %dma_start3A_1114 = tpu.memref_slice %arg18[%dma_start3A, %multiple_of3A] : memref<4x5120xf32, #tpu.memory_space<vmem>> -> memref<1x128xf32, #tpu.memory_space<vmem>>
        %dma_start3A_1115 = tpu.memref_squeeze %dma_start3A_1114 : memref<1x128xf32, #tpu.memory_space<vmem>> -> memref<128xf32, #tpu.memory_space<vmem>>
        %dma_start3A_1116 = tpu.memref_slice %arg6[%dma_start3A_1113, %multiple_of3A_1112] : memref<4x180224xf32, #tpu.memory_space<hbm>> -> memref<1x128xf32, #tpu.memory_space<hbm>>
        %dma_start3A_1117 = tpu.memref_squeeze %dma_start3A_1116 : memref<1x128xf32, #tpu.memory_space<hbm>> -> memref<128xf32, #tpu.memory_space<hbm>>
        %dma_start3A_1118 = tpu.memref_slice %arg6[%dma_start3A_1113, %multiple_of3A_1112] : memref<4x180224xf32, #tpu.memory_space<hbm>> -> memref<1x128xf32, #tpu.memory_space<hbm>>
        %dma_start3A_1119 = tpu.memref_squeeze %dma_start3A_1118 : memref<1x128xf32, #tpu.memory_space<hbm>> -> memref<128xf32, #tpu.memory_space<hbm>>
        %dma_start3A_1120 = tpu.memref_slice %arg18[%dma_start3A, %multiple_of3A] : memref<4x5120xf32, #tpu.memory_space<vmem>> -> memref<1x128xf32, #tpu.memory_space<vmem>>
        %dma_start3A_1121 = tpu.memref_squeeze %dma_start3A_1120 : memref<1x128xf32, #tpu.memory_space<vmem>> -> memref<128xf32, #tpu.memory_space<vmem>>
        tpu.enqueue_dma source(%dma_start3A_1121 : memref<128xf32, #tpu.memory_space<vmem>>) target(%dma_start3A_1119 : memref<128xf32, #tpu.memory_space<hbm>>) target_semaphore(%arg19 : memref<!tpu.dma_semaphore, #tpu.memory_space<semaphore_mem>>)
        %mul3A_1122 = arith.constant 128 : i32
        %mul3A_1123 = arith.muli %scan3A_1072, %mul3A_1122 : i32
        %add3A_1124 = arith.addi %reduce_sum3A_617, %mul3A_1123 : i32
        %multiple_of3A_1125 = tpu.assume_multiple %add3A_1124, 128 : i32
        %mul3A_1126 = arith.constant 128 : i32
        %mul3A_1127 = arith.muli %scan3A_1072, %mul3A_1126 : i32
        %add3A_1128 = arith.addi %reduce_sum3A_705, %mul3A_1127 : i32
        %multiple_of3A_1129 = tpu.assume_multiple %add3A_1128, 128 : i32
        %dma_start3A_1130 = arith.constant 1 : i32
        %dma_start3A_1131 = arith.constant 1 : i32
        %dma_start3A_1132 = tpu.memref_slice %arg18[%dma_start3A_1130, %multiple_of3A_1125] : memref<4x5120xf32, #tpu.memory_space<vmem>> -> memref<1x128xf32, #tpu.memory_space<vmem>>
        %dma_start3A_1133 = tpu.memref_squeeze %dma_start3A_1132 : memref<1x128xf32, #tpu.memory_space<vmem>> -> memref<128xf32, #tpu.memory_space<vmem>>
        %dma_start3A_1134 = tpu.memref_slice %arg6[%dma_start3A_1131, %multiple_of3A_1129] : memref<4x180224xf32, #tpu.memory_space<hbm>> -> memref<1x128xf32, #tpu.memory_space<hbm>>
        %dma_start3A_1135 = tpu.memref_squeeze %dma_start3A_1134 : memref<1x128xf32, #tpu.memory_space<hbm>> -> memref<128xf32, #tpu.memory_space<hbm>>
        %dma_start3A_1136 = tpu.memref_slice %arg6[%dma_start3A_1131, %multiple_of3A_1129] : memref<4x180224xf32, #tpu.memory_space<hbm>> -> memref<1x128xf32, #tpu.memory_space<hbm>>
        %dma_start3A_1137 = tpu.memref_squeeze %dma_start3A_1136 : memref<1x128xf32, #tpu.memory_space<hbm>> -> memref<128xf32, #tpu.memory_space<hbm>>
        %dma_start3A_1138 = tpu.memref_slice %arg18[%dma_start3A_1130, %multiple_of3A_1125] : memref<4x5120xf32, #tpu.memory_space<vmem>> -> memref<1x128xf32, #tpu.memory_space<vmem>>
        %dma_start3A_1139 = tpu.memref_squeeze %dma_start3A_1138 : memref<1x128xf32, #tpu.memory_space<vmem>> -> memref<128xf32, #tpu.memory_space<vmem>>
        tpu.enqueue_dma source(%dma_start3A_1139 : memref<128xf32, #tpu.memory_space<vmem>>) target(%dma_start3A_1137 : memref<128xf32, #tpu.memory_space<hbm>>) target_semaphore(%arg19 : memref<!tpu.dma_semaphore, #tpu.memory_space<semaphore_mem>>)
        %mul3A_1140 = arith.constant 128 : i32
        %mul3A_1141 = arith.muli %scan3A_1072, %mul3A_1140 : i32
        %add3A_1142 = arith.addi %reduce_sum3A_617, %mul3A_1141 : i32
        %multiple_of3A_1143 = tpu.assume_multiple %add3A_1142, 128 : i32
        %mul3A_1144 = arith.constant 128 : i32
        %mul3A_1145 = arith.muli %scan3A_1072, %mul3A_1144 : i32
        %add3A_1146 = arith.addi %reduce_sum3A_705, %mul3A_1145 : i32
        %multiple_of3A_1147 = tpu.assume_multiple %add3A_1146, 128 : i32
        %dma_start3A_1148 = arith.constant 2 : i32
        %dma_start3A_1149 = arith.constant 2 : i32
        %dma_start3A_1150 = tpu.memref_slice %arg18[%dma_start3A_1148, %multiple_of3A_1143] : memref<4x5120xf32, #tpu.memory_space<vmem>> -> memref<1x128xf32, #tpu.memory_space<vmem>>
        %dma_start3A_1151 = tpu.memref_squeeze %dma_start3A_1150 : memref<1x128xf32, #tpu.memory_space<vmem>> -> memref<128xf32, #tpu.memory_space<vmem>>
        %dma_start3A_1152 = tpu.memref_slice %arg6[%dma_start3A_1149, %multiple_of3A_1147] : memref<4x180224xf32, #tpu.memory_space<hbm>> -> memref<1x128xf32, #tpu.memory_space<hbm>>
        %dma_start3A_1153 = tpu.memref_squeeze %dma_start3A_1152 : memref<1x128xf32, #tpu.memory_space<hbm>> -> memref<128xf32, #tpu.memory_space<hbm>>
        %dma_start3A_1154 = tpu.memref_slice %arg6[%dma_start3A_1149, %multiple_of3A_1147] : memref<4x180224xf32, #tpu.memory_space<hbm>> -> memref<1x128xf32, #tpu.memory_space<hbm>>
        %dma_start3A_1155 = tpu.memref_squeeze %dma_start3A_1154 : memref<1x128xf32, #tpu.memory_space<hbm>> -> memref<128xf32, #tpu.memory_space<hbm>>
        %dma_start3A_1156 = tpu.memref_slice %arg18[%dma_start3A_1148, %multiple_of3A_1143] : memref<4x5120xf32, #tpu.memory_space<vmem>> -> memref<1x128xf32, #tpu.memory_space<vmem>>
        %dma_start3A_1157 = tpu.memref_squeeze %dma_start3A_1156 : memref<1x128xf32, #tpu.memory_space<vmem>> -> memref<128xf32, #tpu.memory_space<vmem>>
        tpu.enqueue_dma source(%dma_start3A_1157 : memref<128xf32, #tpu.memory_space<vmem>>) target(%dma_start3A_1155 : memref<128xf32, #tpu.memory_space<hbm>>) target_semaphore(%arg19 : memref<!tpu.dma_semaphore, #tpu.memory_space<semaphore_mem>>)
        %mul3A_1158 = arith.constant 128 : i32
        %mul3A_1159 = arith.muli %scan3A_1072, %mul3A_1158 : i32
        %add3A_1160 = arith.addi %reduce_sum3A_617, %mul3A_1159 : i32
        %multiple_of3A_1161 = tpu.assume_multiple %add3A_1160, 128 : i32
        %mul3A_1162 = arith.constant 128 : i32
        %mul3A_1163 = arith.muli %scan3A_1072, %mul3A_1162 : i32
        %add3A_1164 = arith.addi %reduce_sum3A_705, %mul3A_1163 : i32
        %multiple_of3A_1165 = tpu.assume_multiple %add3A_1164, 128 : i32
        %dma_start3A_1166 = arith.constant 3 : i32
        %dma_start3A_1167 = arith.constant 3 : i32
        %dma_start3A_1168 = tpu.memref_slice %arg18[%dma_start3A_1166, %multiple_of3A_1161] : memref<4x5120xf32, #tpu.memory_space<vmem>> -> memref<1x128xf32, #tpu.memory_space<vmem>>
        %dma_start3A_1169 = tpu.memref_squeeze %dma_start3A_1168 : memref<1x128xf32, #tpu.memory_space<vmem>> -> memref<128xf32, #tpu.memory_space<vmem>>
        %dma_start3A_1170 = tpu.memref_slice %arg6[%dma_start3A_1167, %multiple_of3A_1165] : memref<4x180224xf32, #tpu.memory_space<hbm>> -> memref<1x128xf32, #tpu.memory_space<hbm>>
        %dma_start3A_1171 = tpu.memref_squeeze %dma_start3A_1170 : memref<1x128xf32, #tpu.memory_space<hbm>> -> memref<128xf32, #tpu.memory_space<hbm>>
        %dma_start3A_1172 = tpu.memref_slice %arg6[%dma_start3A_1167, %multiple_of3A_1165] : memref<4x180224xf32, #tpu.memory_space<hbm>> -> memref<1x128xf32, #tpu.memory_space<hbm>>
        %dma_start3A_1173 = tpu.memref_squeeze %dma_start3A_1172 : memref<1x128xf32, #tpu.memory_space<hbm>> -> memref<128xf32, #tpu.memory_space<hbm>>
        %dma_start3A_1174 = tpu.memref_slice %arg18[%dma_start3A_1166, %multiple_of3A_1161] : memref<4x5120xf32, #tpu.memory_space<vmem>> -> memref<1x128xf32, #tpu.memory_space<vmem>>
        %dma_start3A_1175 = tpu.memref_squeeze %dma_start3A_1174 : memref<1x128xf32, #tpu.memory_space<vmem>> -> memref<128xf32, #tpu.memory_space<vmem>>
        tpu.enqueue_dma source(%dma_start3A_1175 : memref<128xf32, #tpu.memory_space<vmem>>) target(%dma_start3A_1173 : memref<128xf32, #tpu.memory_space<hbm>>) target_semaphore(%arg19 : memref<!tpu.dma_semaphore, #tpu.memory_space<semaphore_mem>>)
      } else {
      }
      %scan3A_1105 = arith.constant 0 : i32
      scf.yield %scan3A_1105 : i32
    }
    %scan3A_1064 = arith.constant 32 : i32
    %scan3A_1065 = arith.constant 0 : i32
    %scan3A_1066 = arith.constant 0 : i32
    %scan3A_1067 = arith.constant 32 : i32
    %scan3A_1068 = arith.addi %scan3A_1066, %scan3A_1067 : i32
    %scan3A_1069 = arith.constant 1 : i32
    %scan3A_1070 = scf.for %scan3A_1072 = %scan3A_1066 to %scan3A_1068 step %scan3A_1069 iter_args(%scan3A_1073 = %scan3A_1065) -> (i32)  : i32 {
      %lt3A = arith.cmpi slt, %scan3A_1072, %reduce_sum3A_749 : i32
      %convert_element_type3A_1074 = arith.extui %lt3A : i1 to i32
      %cond3A_1075 = arith.constant 0 : i32
      %cond3A_1076 = arith.cmpi ne, %convert_element_type3A_1074, %cond3A_1075 : i32
      scf.if %cond3A_1076 {
        %mul3A_1106 = arith.constant 128 : i32
        %mul3A_1107 = arith.muli %scan3A_1072, %mul3A_1106 : i32
        %add3A_1108 = arith.addi %reduce_sum3A_547, %mul3A_1107 : i32
        %multiple_of3A = tpu.assume_multiple %add3A_1108, 128 : i32
        %mul3A_1109 = arith.constant 128 : i32
        %mul3A_1110 = arith.muli %scan3A_1072, %mul3A_1109 : i32
        %add3A_1111 = arith.addi %reduce_sum3A_628, %mul3A_1110 : i32
        %multiple_of3A_1112 = tpu.assume_multiple %add3A_1111, 128 : i32
        %dma_wait3A = arith.constant 0 : i32
        %dma_wait3A_1113 = arith.constant 0 : i32
        %dma_wait3A_1114 = tpu.memref_slice %arg18[%dma_wait3A, %multiple_of3A] : memref<4x5120xf32, #tpu.memory_space<vmem>> -> memref<1x128xf32, #tpu.memory_space<vmem>>
        %dma_wait3A_1115 = tpu.memref_squeeze %dma_wait3A_1114 : memref<1x128xf32, #tpu.memory_space<vmem>> -> memref<128xf32, #tpu.memory_space<vmem>>
        %dma_wait3A_1116 = tpu.memref_slice %arg6[%dma_wait3A_1113, %multiple_of3A_1112] : memref<4x180224xf32, #tpu.memory_space<hbm>> -> memref<1x128xf32, #tpu.memory_space<hbm>>
        %dma_wait3A_1117 = tpu.memref_squeeze %dma_wait3A_1116 : memref<1x128xf32, #tpu.memory_space<hbm>> -> memref<128xf32, #tpu.memory_space<hbm>>
        %dma_wait3A_1118 = tpu.memref_slice %arg6[%dma_wait3A_1113, %multiple_of3A_1112] : memref<4x180224xf32, #tpu.memory_space<hbm>> -> memref<1x128xf32, #tpu.memory_space<hbm>>
        %dma_wait3A_1119 = tpu.memref_squeeze %dma_wait3A_1118 : memref<1x128xf32, #tpu.memory_space<hbm>> -> memref<128xf32, #tpu.memory_space<hbm>>
        %dma_wait3A_1120 = tpu.memref_slice %arg18[%dma_wait3A, %multiple_of3A] : memref<4x5120xf32, #tpu.memory_space<vmem>> -> memref<1x128xf32, #tpu.memory_space<vmem>>
        %dma_wait3A_1121 = tpu.memref_squeeze %dma_wait3A_1120 : memref<1x128xf32, #tpu.memory_space<vmem>> -> memref<128xf32, #tpu.memory_space<vmem>>
        tpu.wait_dma2 semaphore(%arg19 : memref<!tpu.dma_semaphore, #tpu.memory_space<semaphore_mem>>) src(%dma_wait3A_1121 : memref<128xf32, #tpu.memory_space<vmem>>) dst(%dma_wait3A_1119 : memref<128xf32, #tpu.memory_space<hbm>>)
        %mul3A_1122 = arith.constant 128 : i32
        %mul3A_1123 = arith.muli %scan3A_1072, %mul3A_1122 : i32
        %add3A_1124 = arith.addi %reduce_sum3A_547, %mul3A_1123 : i32
        %multiple_of3A_1125 = tpu.assume_multiple %add3A_1124, 128 : i32
        %mul3A_1126 = arith.constant 128 : i32
        %mul3A_1127 = arith.muli %scan3A_1072, %mul3A_1126 : i32
        %add3A_1128 = arith.addi %reduce_sum3A_628, %mul3A_1127 : i32
        %multiple_of3A_1129 = tpu.assume_multiple %add3A_1128, 128 : i32
        %dma_wait3A_1130 = arith.constant 1 : i32
        %dma_wait3A_1131 = arith.constant 1 : i32
        %dma_wait3A_1132 = tpu.memref_slice %arg18[%dma_wait3A_1130, %multiple_of3A_1125] : memref<4x5120xf32, #tpu.memory_space<vmem>> -> memref<1x128xf32, #tpu.memory_space<vmem>>
        %dma_wait3A_1133 = tpu.memref_squeeze %dma_wait3A_1132 : memref<1x128xf32, #tpu.memory_space<vmem>> -> memref<128xf32, #tpu.memory_space<vmem>>
        %dma_wait3A_1134 = tpu.memref_slice %arg6[%dma_wait3A_1131, %multiple_of3A_1129] : memref<4x180224xf32, #tpu.memory_space<hbm>> -> memref<1x128xf32, #tpu.memory_space<hbm>>
        %dma_wait3A_1135 = tpu.memref_squeeze %dma_wait3A_1134 : memref<1x128xf32, #tpu.memory_space<hbm>> -> memref<128xf32, #tpu.memory_space<hbm>>
        %dma_wait3A_1136 = tpu.memref_slice %arg6[%dma_wait3A_1131, %multiple_of3A_1129] : memref<4x180224xf32, #tpu.memory_space<hbm>> -> memref<1x128xf32, #tpu.memory_space<hbm>>
        %dma_wait3A_1137 = tpu.memref_squeeze %dma_wait3A_1136 : memref<1x128xf32, #tpu.memory_space<hbm>> -> memref<128xf32, #tpu.memory_space<hbm>>
        %dma_wait3A_1138 = tpu.memref_slice %arg18[%dma_wait3A_1130, %multiple_of3A_1125] : memref<4x5120xf32, #tpu.memory_space<vmem>> -> memref<1x128xf32, #tpu.memory_space<vmem>>
        %dma_wait3A_1139 = tpu.memref_squeeze %dma_wait3A_1138 : memref<1x128xf32, #tpu.memory_space<vmem>> -> memref<128xf32, #tpu.memory_space<vmem>>
        tpu.wait_dma2 semaphore(%arg19 : memref<!tpu.dma_semaphore, #tpu.memory_space<semaphore_mem>>) src(%dma_wait3A_1139 : memref<128xf32, #tpu.memory_space<vmem>>) dst(%dma_wait3A_1137 : memref<128xf32, #tpu.memory_space<hbm>>)
        %mul3A_1140 = arith.constant 128 : i32
        %mul3A_1141 = arith.muli %scan3A_1072, %mul3A_1140 : i32
        %add3A_1142 = arith.addi %reduce_sum3A_547, %mul3A_1141 : i32
        %multiple_of3A_1143 = tpu.assume_multiple %add3A_1142, 128 : i32
        %mul3A_1144 = arith.constant 128 : i32
        %mul3A_1145 = arith.muli %scan3A_1072, %mul3A_1144 : i32
        %add3A_1146 = arith.addi %reduce_sum3A_628, %mul3A_1145 : i32
        %multiple_of3A_1147 = tpu.assume_multiple %add3A_1146, 128 : i32
        %dma_wait3A_1148 = arith.constant 2 : i32
        %dma_wait3A_1149 = arith.constant 2 : i32
        %dma_wait3A_1150 = tpu.memref_slice %arg18[%dma_wait3A_1148, %multiple_of3A_1143] : memref<4x5120xf32, #tpu.memory_space<vmem>> -> memref<1x128xf32, #tpu.memory_space<vmem>>
        %dma_wait3A_1151 = tpu.memref_squeeze %dma_wait3A_1150 : memref<1x128xf32, #tpu.memory_space<vmem>> -> memref<128xf32, #tpu.memory_space<vmem>>
        %dma_wait3A_1152 = tpu.memref_slice %arg6[%dma_wait3A_1149, %multiple_of3A_1147] : memref<4x180224xf32, #tpu.memory_space<hbm>> -> memref<1x128xf32, #tpu.memory_space<hbm>>
        %dma_wait3A_1153 = tpu.memref_squeeze %dma_wait3A_1152 : memref<1x128xf32, #tpu.memory_space<hbm>> -> memref<128xf32, #tpu.memory_space<hbm>>
        %dma_wait3A_1154 = tpu.memref_slice %arg6[%dma_wait3A_1149, %multiple_of3A_1147] : memref<4x180224xf32, #tpu.memory_space<hbm>> -> memref<1x128xf32, #tpu.memory_space<hbm>>
        %dma_wait3A_1155 = tpu.memref_squeeze %dma_wait3A_1154 : memref<1x128xf32, #tpu.memory_space<hbm>> -> memref<128xf32, #tpu.memory_space<hbm>>
        %dma_wait3A_1156 = tpu.memref_slice %arg18[%dma_wait3A_1148, %multiple_of3A_1143] : memref<4x5120xf32, #tpu.memory_space<vmem>> -> memref<1x128xf32, #tpu.memory_space<vmem>>
        %dma_wait3A_1157 = tpu.memref_squeeze %dma_wait3A_1156 : memref<1x128xf32, #tpu.memory_space<vmem>> -> memref<128xf32, #tpu.memory_space<vmem>>
        tpu.wait_dma2 semaphore(%arg19 : memref<!tpu.dma_semaphore, #tpu.memory_space<semaphore_mem>>) src(%dma_wait3A_1157 : memref<128xf32, #tpu.memory_space<vmem>>) dst(%dma_wait3A_1155 : memref<128xf32, #tpu.memory_space<hbm>>)
        %mul3A_1158 = arith.constant 128 : i32
        %mul3A_1159 = arith.muli %scan3A_1072, %mul3A_1158 : i32
        %add3A_1160 = arith.addi %reduce_sum3A_547, %mul3A_1159 : i32
        %multiple_of3A_1161 = tpu.assume_multiple %add3A_1160, 128 : i32
        %mul3A_1162 = arith.constant 128 : i32
        %mul3A_1163 = arith.muli %scan3A_1072, %mul3A_1162 : i32
        %add3A_1164 = arith.addi %reduce_sum3A_628, %mul3A_1163 : i32
        %multiple_of3A_1165 = tpu.assume_multiple %add3A_1164, 128 : i32
        %dma_wait3A_1166 = arith.constant 3 : i32
        %dma_wait3A_1167 = arith.constant 3 : i32
        %dma_wait3A_1168 = tpu.memref_slice %arg18[%dma_wait3A_1166, %multiple_of3A_1161] : memref<4x5120xf32, #tpu.memory_space<vmem>> -> memref<1x128xf32, #tpu.memory_space<vmem>>
        %dma_wait3A_1169 = tpu.memref_squeeze %dma_wait3A_1168 : memref<1x128xf32, #tpu.memory_space<vmem>> -> memref<128xf32, #tpu.memory_space<vmem>>
        %dma_wait3A_1170 = tpu.memref_slice %arg6[%dma_wait3A_1167, %multiple_of3A_1165] : memref<4x180224xf32, #tpu.memory_space<hbm>> -> memref<1x128xf32, #tpu.memory_space<hbm>>
        %dma_wait3A_1171 = tpu.memref_squeeze %dma_wait3A_1170 : memref<1x128xf32, #tpu.memory_space<hbm>> -> memref<128xf32, #tpu.memory_space<hbm>>
        %dma_wait3A_1172 = tpu.memref_slice %arg6[%dma_wait3A_1167, %multiple_of3A_1165] : memref<4x180224xf32, #tpu.memory_space<hbm>> -> memref<1x128xf32, #tpu.memory_space<hbm>>
        %dma_wait3A_1173 = tpu.memref_squeeze %dma_wait3A_1172 : memref<1x128xf32, #tpu.memory_space<hbm>> -> memref<128xf32, #tpu.memory_space<hbm>>
        %dma_wait3A_1174 = tpu.memref_slice %arg18[%dma_wait3A_1166, %multiple_of3A_1161] : memref<4x5120xf32, #tpu.memory_space<vmem>> -> memref<1x128xf32, #tpu.memory_space<vmem>>
        %dma_wait3A_1175 = tpu.memref_squeeze %dma_wait3A_1174 : memref<1x128xf32, #tpu.memory_space<vmem>> -> memref<128xf32, #tpu.memory_space<vmem>>
        tpu.wait_dma2 semaphore(%arg19 : memref<!tpu.dma_semaphore, #tpu.memory_space<semaphore_mem>>) src(%dma_wait3A_1175 : memref<128xf32, #tpu.memory_space<vmem>>) dst(%dma_wait3A_1173 : memref<128xf32, #tpu.memory_space<hbm>>)
      } else {
      }
      %lt3A_1077 = arith.cmpi slt, %scan3A_1072, %reduce_sum3A_793 : i32
      %convert_element_type3A_1078 = arith.extui %lt3A_1077 : i1 to i32
      %cond3A_1079 = arith.constant 0 : i32
      %cond3A_1080 = arith.cmpi ne, %convert_element_type3A_1078, %cond3A_1079 : i32
      scf.if %cond3A_1080 {
        %mul3A_1106 = arith.constant 128 : i32
        %mul3A_1107 = arith.muli %scan3A_1072, %mul3A_1106 : i32
        %add3A_1108 = arith.addi %reduce_sum3A_557, %mul3A_1107 : i32
        %multiple_of3A = tpu.assume_multiple %add3A_1108, 128 : i32
        %mul3A_1109 = arith.constant 128 : i32
        %mul3A_1110 = arith.muli %scan3A_1072, %mul3A_1109 : i32
        %add3A_1111 = arith.addi %reduce_sum3A_639, %mul3A_1110 : i32
        %multiple_of3A_1112 = tpu.assume_multiple %add3A_1111, 128 : i32
        %dma_wait3A = arith.constant 0 : i32
        %dma_wait3A_1113 = arith.constant 0 : i32
        %dma_wait3A_1114 = tpu.memref_slice %arg18[%dma_wait3A, %multiple_of3A] : memref<4x5120xf32, #tpu.memory_space<vmem>> -> memref<1x128xf32, #tpu.memory_space<vmem>>
        %dma_wait3A_1115 = tpu.memref_squeeze %dma_wait3A_1114 : memref<1x128xf32, #tpu.memory_space<vmem>> -> memref<128xf32, #tpu.memory_space<vmem>>
        %dma_wait3A_1116 = tpu.memref_slice %arg6[%dma_wait3A_1113, %multiple_of3A_1112] : memref<4x180224xf32, #tpu.memory_space<hbm>> -> memref<1x128xf32, #tpu.memory_space<hbm>>
        %dma_wait3A_1117 = tpu.memref_squeeze %dma_wait3A_1116 : memref<1x128xf32, #tpu.memory_space<hbm>> -> memref<128xf32, #tpu.memory_space<hbm>>
        %dma_wait3A_1118 = tpu.memref_slice %arg6[%dma_wait3A_1113, %multiple_of3A_1112] : memref<4x180224xf32, #tpu.memory_space<hbm>> -> memref<1x128xf32, #tpu.memory_space<hbm>>
        %dma_wait3A_1119 = tpu.memref_squeeze %dma_wait3A_1118 : memref<1x128xf32, #tpu.memory_space<hbm>> -> memref<128xf32, #tpu.memory_space<hbm>>
        %dma_wait3A_1120 = tpu.memref_slice %arg18[%dma_wait3A, %multiple_of3A] : memref<4x5120xf32, #tpu.memory_space<vmem>> -> memref<1x128xf32, #tpu.memory_space<vmem>>
        %dma_wait3A_1121 = tpu.memref_squeeze %dma_wait3A_1120 : memref<1x128xf32, #tpu.memory_space<vmem>> -> memref<128xf32, #tpu.memory_space<vmem>>
        tpu.wait_dma2 semaphore(%arg19 : memref<!tpu.dma_semaphore, #tpu.memory_space<semaphore_mem>>) src(%dma_wait3A_1121 : memref<128xf32, #tpu.memory_space<vmem>>) dst(%dma_wait3A_1119 : memref<128xf32, #tpu.memory_space<hbm>>)
        %mul3A_1122 = arith.constant 128 : i32
        %mul3A_1123 = arith.muli %scan3A_1072, %mul3A_1122 : i32
        %add3A_1124 = arith.addi %reduce_sum3A_557, %mul3A_1123 : i32
        %multiple_of3A_1125 = tpu.assume_multiple %add3A_1124, 128 : i32
        %mul3A_1126 = arith.constant 128 : i32
        %mul3A_1127 = arith.muli %scan3A_1072, %mul3A_1126 : i32
        %add3A_1128 = arith.addi %reduce_sum3A_639, %mul3A_1127 : i32
        %multiple_of3A_1129 = tpu.assume_multiple %add3A_1128, 128 : i32
        %dma_wait3A_1130 = arith.constant 1 : i32
        %dma_wait3A_1131 = arith.constant 1 : i32
        %dma_wait3A_1132 = tpu.memref_slice %arg18[%dma_wait3A_1130, %multiple_of3A_1125] : memref<4x5120xf32, #tpu.memory_space<vmem>> -> memref<1x128xf32, #tpu.memory_space<vmem>>
        %dma_wait3A_1133 = tpu.memref_squeeze %dma_wait3A_1132 : memref<1x128xf32, #tpu.memory_space<vmem>> -> memref<128xf32, #tpu.memory_space<vmem>>
        %dma_wait3A_1134 = tpu.memref_slice %arg6[%dma_wait3A_1131, %multiple_of3A_1129] : memref<4x180224xf32, #tpu.memory_space<hbm>> -> memref<1x128xf32, #tpu.memory_space<hbm>>
        %dma_wait3A_1135 = tpu.memref_squeeze %dma_wait3A_1134 : memref<1x128xf32, #tpu.memory_space<hbm>> -> memref<128xf32, #tpu.memory_space<hbm>>
        %dma_wait3A_1136 = tpu.memref_slice %arg6[%dma_wait3A_1131, %multiple_of3A_1129] : memref<4x180224xf32, #tpu.memory_space<hbm>> -> memref<1x128xf32, #tpu.memory_space<hbm>>
        %dma_wait3A_1137 = tpu.memref_squeeze %dma_wait3A_1136 : memref<1x128xf32, #tpu.memory_space<hbm>> -> memref<128xf32, #tpu.memory_space<hbm>>
        %dma_wait3A_1138 = tpu.memref_slice %arg18[%dma_wait3A_1130, %multiple_of3A_1125] : memref<4x5120xf32, #tpu.memory_space<vmem>> -> memref<1x128xf32, #tpu.memory_space<vmem>>
        %dma_wait3A_1139 = tpu.memref_squeeze %dma_wait3A_1138 : memref<1x128xf32, #tpu.memory_space<vmem>> -> memref<128xf32, #tpu.memory_space<vmem>>
        tpu.wait_dma2 semaphore(%arg19 : memref<!tpu.dma_semaphore, #tpu.memory_space<semaphore_mem>>) src(%dma_wait3A_1139 : memref<128xf32, #tpu.memory_space<vmem>>) dst(%dma_wait3A_1137 : memref<128xf32, #tpu.memory_space<hbm>>)
        %mul3A_1140 = arith.constant 128 : i32
        %mul3A_1141 = arith.muli %scan3A_1072, %mul3A_1140 : i32
        %add3A_1142 = arith.addi %reduce_sum3A_557, %mul3A_1141 : i32
        %multiple_of3A_1143 = tpu.assume_multiple %add3A_1142, 128 : i32
        %mul3A_1144 = arith.constant 128 : i32
        %mul3A_1145 = arith.muli %scan3A_1072, %mul3A_1144 : i32
        %add3A_1146 = arith.addi %reduce_sum3A_639, %mul3A_1145 : i32
        %multiple_of3A_1147 = tpu.assume_multiple %add3A_1146, 128 : i32
        %dma_wait3A_1148 = arith.constant 2 : i32
        %dma_wait3A_1149 = arith.constant 2 : i32
        %dma_wait3A_1150 = tpu.memref_slice %arg18[%dma_wait3A_1148, %multiple_of3A_1143] : memref<4x5120xf32, #tpu.memory_space<vmem>> -> memref<1x128xf32, #tpu.memory_space<vmem>>
        %dma_wait3A_1151 = tpu.memref_squeeze %dma_wait3A_1150 : memref<1x128xf32, #tpu.memory_space<vmem>> -> memref<128xf32, #tpu.memory_space<vmem>>
        %dma_wait3A_1152 = tpu.memref_slice %arg6[%dma_wait3A_1149, %multiple_of3A_1147] : memref<4x180224xf32, #tpu.memory_space<hbm>> -> memref<1x128xf32, #tpu.memory_space<hbm>>
        %dma_wait3A_1153 = tpu.memref_squeeze %dma_wait3A_1152 : memref<1x128xf32, #tpu.memory_space<hbm>> -> memref<128xf32, #tpu.memory_space<hbm>>
        %dma_wait3A_1154 = tpu.memref_slice %arg6[%dma_wait3A_1149, %multiple_of3A_1147] : memref<4x180224xf32, #tpu.memory_space<hbm>> -> memref<1x128xf32, #tpu.memory_space<hbm>>
        %dma_wait3A_1155 = tpu.memref_squeeze %dma_wait3A_1154 : memref<1x128xf32, #tpu.memory_space<hbm>> -> memref<128xf32, #tpu.memory_space<hbm>>
        %dma_wait3A_1156 = tpu.memref_slice %arg18[%dma_wait3A_1148, %multiple_of3A_1143] : memref<4x5120xf32, #tpu.memory_space<vmem>> -> memref<1x128xf32, #tpu.memory_space<vmem>>
        %dma_wait3A_1157 = tpu.memref_squeeze %dma_wait3A_1156 : memref<1x128xf32, #tpu.memory_space<vmem>> -> memref<128xf32, #tpu.memory_space<vmem>>
        tpu.wait_dma2 semaphore(%arg19 : memref<!tpu.dma_semaphore, #tpu.memory_space<semaphore_mem>>) src(%dma_wait3A_1157 : memref<128xf32, #tpu.memory_space<vmem>>) dst(%dma_wait3A_1155 : memref<128xf32, #tpu.memory_space<hbm>>)
        %mul3A_1158 = arith.constant 128 : i32
        %mul3A_1159 = arith.muli %scan3A_1072, %mul3A_1158 : i32
        %add3A_1160 = arith.addi %reduce_sum3A_557, %mul3A_1159 : i32
        %multiple_of3A_1161 = tpu.assume_multiple %add3A_1160, 128 : i32
        %mul3A_1162 = arith.constant 128 : i32
        %mul3A_1163 = arith.muli %scan3A_1072, %mul3A_1162 : i32
        %add3A_1164 = arith.addi %reduce_sum3A_639, %mul3A_1163 : i32
        %multiple_of3A_1165 = tpu.assume_multiple %add3A_1164, 128 : i32
        %dma_wait3A_1166 = arith.constant 3 : i32
        %dma_wait3A_1167 = arith.constant 3 : i32
        %dma_wait3A_1168 = tpu.memref_slice %arg18[%dma_wait3A_1166, %multiple_of3A_1161] : memref<4x5120xf32, #tpu.memory_space<vmem>> -> memref<1x128xf32, #tpu.memory_space<vmem>>
        %dma_wait3A_1169 = tpu.memref_squeeze %dma_wait3A_1168 : memref<1x128xf32, #tpu.memory_space<vmem>> -> memref<128xf32, #tpu.memory_space<vmem>>
        %dma_wait3A_1170 = tpu.memref_slice %arg6[%dma_wait3A_1167, %multiple_of3A_1165] : memref<4x180224xf32, #tpu.memory_space<hbm>> -> memref<1x128xf32, #tpu.memory_space<hbm>>
        %dma_wait3A_1171 = tpu.memref_squeeze %dma_wait3A_1170 : memref<1x128xf32, #tpu.memory_space<hbm>> -> memref<128xf32, #tpu.memory_space<hbm>>
        %dma_wait3A_1172 = tpu.memref_slice %arg6[%dma_wait3A_1167, %multiple_of3A_1165] : memref<4x180224xf32, #tpu.memory_space<hbm>> -> memref<1x128xf32, #tpu.memory_space<hbm>>
        %dma_wait3A_1173 = tpu.memref_squeeze %dma_wait3A_1172 : memref<1x128xf32, #tpu.memory_space<hbm>> -> memref<128xf32, #tpu.memory_space<hbm>>
        %dma_wait3A_1174 = tpu.memref_slice %arg18[%dma_wait3A_1166, %multiple_of3A_1161] : memref<4x5120xf32, #tpu.memory_space<vmem>> -> memref<1x128xf32, #tpu.memory_space<vmem>>
        %dma_wait3A_1175 = tpu.memref_squeeze %dma_wait3A_1174 : memref<1x128xf32, #tpu.memory_space<vmem>> -> memref<128xf32, #tpu.memory_space<vmem>>
        tpu.wait_dma2 semaphore(%arg19 : memref<!tpu.dma_semaphore, #tpu.memory_space<semaphore_mem>>) src(%dma_wait3A_1175 : memref<128xf32, #tpu.memory_space<vmem>>) dst(%dma_wait3A_1173 : memref<128xf32, #tpu.memory_space<hbm>>)
      } else {
      }
      %lt3A_1081 = arith.cmpi slt, %scan3A_1072, %reduce_sum3A_837 : i32
      %convert_element_type3A_1082 = arith.extui %lt3A_1081 : i1 to i32
      %cond3A_1083 = arith.constant 0 : i32
      %cond3A_1084 = arith.cmpi ne, %convert_element_type3A_1082, %cond3A_1083 : i32
      scf.if %cond3A_1084 {
        %mul3A_1106 = arith.constant 128 : i32
        %mul3A_1107 = arith.muli %scan3A_1072, %mul3A_1106 : i32
        %add3A_1108 = arith.addi %reduce_sum3A_567, %mul3A_1107 : i32
        %multiple_of3A = tpu.assume_multiple %add3A_1108, 128 : i32
        %mul3A_1109 = arith.constant 128 : i32
        %mul3A_1110 = arith.muli %scan3A_1072, %mul3A_1109 : i32
        %add3A_1111 = arith.addi %reduce_sum3A_650, %mul3A_1110 : i32
        %multiple_of3A_1112 = tpu.assume_multiple %add3A_1111, 128 : i32
        %dma_wait3A = arith.constant 0 : i32
        %dma_wait3A_1113 = arith.constant 0 : i32
        %dma_wait3A_1114 = tpu.memref_slice %arg18[%dma_wait3A, %multiple_of3A] : memref<4x5120xf32, #tpu.memory_space<vmem>> -> memref<1x128xf32, #tpu.memory_space<vmem>>
        %dma_wait3A_1115 = tpu.memref_squeeze %dma_wait3A_1114 : memref<1x128xf32, #tpu.memory_space<vmem>> -> memref<128xf32, #tpu.memory_space<vmem>>
        %dma_wait3A_1116 = tpu.memref_slice %arg6[%dma_wait3A_1113, %multiple_of3A_1112] : memref<4x180224xf32, #tpu.memory_space<hbm>> -> memref<1x128xf32, #tpu.memory_space<hbm>>
        %dma_wait3A_1117 = tpu.memref_squeeze %dma_wait3A_1116 : memref<1x128xf32, #tpu.memory_space<hbm>> -> memref<128xf32, #tpu.memory_space<hbm>>
        %dma_wait3A_1118 = tpu.memref_slice %arg6[%dma_wait3A_1113, %multiple_of3A_1112] : memref<4x180224xf32, #tpu.memory_space<hbm>> -> memref<1x128xf32, #tpu.memory_space<hbm>>
        %dma_wait3A_1119 = tpu.memref_squeeze %dma_wait3A_1118 : memref<1x128xf32, #tpu.memory_space<hbm>> -> memref<128xf32, #tpu.memory_space<hbm>>
        %dma_wait3A_1120 = tpu.memref_slice %arg18[%dma_wait3A, %multiple_of3A] : memref<4x5120xf32, #tpu.memory_space<vmem>> -> memref<1x128xf32, #tpu.memory_space<vmem>>
        %dma_wait3A_1121 = tpu.memref_squeeze %dma_wait3A_1120 : memref<1x128xf32, #tpu.memory_space<vmem>> -> memref<128xf32, #tpu.memory_space<vmem>>
        tpu.wait_dma2 semaphore(%arg19 : memref<!tpu.dma_semaphore, #tpu.memory_space<semaphore_mem>>) src(%dma_wait3A_1121 : memref<128xf32, #tpu.memory_space<vmem>>) dst(%dma_wait3A_1119 : memref<128xf32, #tpu.memory_space<hbm>>)
        %mul3A_1122 = arith.constant 128 : i32
        %mul3A_1123 = arith.muli %scan3A_1072, %mul3A_1122 : i32
        %add3A_1124 = arith.addi %reduce_sum3A_567, %mul3A_1123 : i32
        %multiple_of3A_1125 = tpu.assume_multiple %add3A_1124, 128 : i32
        %mul3A_1126 = arith.constant 128 : i32
        %mul3A_1127 = arith.muli %scan3A_1072, %mul3A_1126 : i32
        %add3A_1128 = arith.addi %reduce_sum3A_650, %mul3A_1127 : i32
        %multiple_of3A_1129 = tpu.assume_multiple %add3A_1128, 128 : i32
        %dma_wait3A_1130 = arith.constant 1 : i32
        %dma_wait3A_1131 = arith.constant 1 : i32
        %dma_wait3A_1132 = tpu.memref_slice %arg18[%dma_wait3A_1130, %multiple_of3A_1125] : memref<4x5120xf32, #tpu.memory_space<vmem>> -> memref<1x128xf32, #tpu.memory_space<vmem>>
        %dma_wait3A_1133 = tpu.memref_squeeze %dma_wait3A_1132 : memref<1x128xf32, #tpu.memory_space<vmem>> -> memref<128xf32, #tpu.memory_space<vmem>>
        %dma_wait3A_1134 = tpu.memref_slice %arg6[%dma_wait3A_1131, %multiple_of3A_1129] : memref<4x180224xf32, #tpu.memory_space<hbm>> -> memref<1x128xf32, #tpu.memory_space<hbm>>
        %dma_wait3A_1135 = tpu.memref_squeeze %dma_wait3A_1134 : memref<1x128xf32, #tpu.memory_space<hbm>> -> memref<128xf32, #tpu.memory_space<hbm>>
        %dma_wait3A_1136 = tpu.memref_slice %arg6[%dma_wait3A_1131, %multiple_of3A_1129] : memref<4x180224xf32, #tpu.memory_space<hbm>> -> memref<1x128xf32, #tpu.memory_space<hbm>>
        %dma_wait3A_1137 = tpu.memref_squeeze %dma_wait3A_1136 : memref<1x128xf32, #tpu.memory_space<hbm>> -> memref<128xf32, #tpu.memory_space<hbm>>
        %dma_wait3A_1138 = tpu.memref_slice %arg18[%dma_wait3A_1130, %multiple_of3A_1125] : memref<4x5120xf32, #tpu.memory_space<vmem>> -> memref<1x128xf32, #tpu.memory_space<vmem>>
        %dma_wait3A_1139 = tpu.memref_squeeze %dma_wait3A_1138 : memref<1x128xf32, #tpu.memory_space<vmem>> -> memref<128xf32, #tpu.memory_space<vmem>>
        tpu.wait_dma2 semaphore(%arg19 : memref<!tpu.dma_semaphore, #tpu.memory_space<semaphore_mem>>) src(%dma_wait3A_1139 : memref<128xf32, #tpu.memory_space<vmem>>) dst(%dma_wait3A_1137 : memref<128xf32, #tpu.memory_space<hbm>>)
        %mul3A_1140 = arith.constant 128 : i32
        %mul3A_1141 = arith.muli %scan3A_1072, %mul3A_1140 : i32
        %add3A_1142 = arith.addi %reduce_sum3A_567, %mul3A_1141 : i32
        %multiple_of3A_1143 = tpu.assume_multiple %add3A_1142, 128 : i32
        %mul3A_1144 = arith.constant 128 : i32
        %mul3A_1145 = arith.muli %scan3A_1072, %mul3A_1144 : i32
        %add3A_1146 = arith.addi %reduce_sum3A_650, %mul3A_1145 : i32
        %multiple_of3A_1147 = tpu.assume_multiple %add3A_1146, 128 : i32
        %dma_wait3A_1148 = arith.constant 2 : i32
        %dma_wait3A_1149 = arith.constant 2 : i32
        %dma_wait3A_1150 = tpu.memref_slice %arg18[%dma_wait3A_1148, %multiple_of3A_1143] : memref<4x5120xf32, #tpu.memory_space<vmem>> -> memref<1x128xf32, #tpu.memory_space<vmem>>
        %dma_wait3A_1151 = tpu.memref_squeeze %dma_wait3A_1150 : memref<1x128xf32, #tpu.memory_space<vmem>> -> memref<128xf32, #tpu.memory_space<vmem>>
        %dma_wait3A_1152 = tpu.memref_slice %arg6[%dma_wait3A_1149, %multiple_of3A_1147] : memref<4x180224xf32, #tpu.memory_space<hbm>> -> memref<1x128xf32, #tpu.memory_space<hbm>>
        %dma_wait3A_1153 = tpu.memref_squeeze %dma_wait3A_1152 : memref<1x128xf32, #tpu.memory_space<hbm>> -> memref<128xf32, #tpu.memory_space<hbm>>
        %dma_wait3A_1154 = tpu.memref_slice %arg6[%dma_wait3A_1149, %multiple_of3A_1147] : memref<4x180224xf32, #tpu.memory_space<hbm>> -> memref<1x128xf32, #tpu.memory_space<hbm>>
        %dma_wait3A_1155 = tpu.memref_squeeze %dma_wait3A_1154 : memref<1x128xf32, #tpu.memory_space<hbm>> -> memref<128xf32, #tpu.memory_space<hbm>>
        %dma_wait3A_1156 = tpu.memref_slice %arg18[%dma_wait3A_1148, %multiple_of3A_1143] : memref<4x5120xf32, #tpu.memory_space<vmem>> -> memref<1x128xf32, #tpu.memory_space<vmem>>
        %dma_wait3A_1157 = tpu.memref_squeeze %dma_wait3A_1156 : memref<1x128xf32, #tpu.memory_space<vmem>> -> memref<128xf32, #tpu.memory_space<vmem>>
        tpu.wait_dma2 semaphore(%arg19 : memref<!tpu.dma_semaphore, #tpu.memory_space<semaphore_mem>>) src(%dma_wait3A_1157 : memref<128xf32, #tpu.memory_space<vmem>>) dst(%dma_wait3A_1155 : memref<128xf32, #tpu.memory_space<hbm>>)
        %mul3A_1158 = arith.constant 128 : i32
        %mul3A_1159 = arith.muli %scan3A_1072, %mul3A_1158 : i32
        %add3A_1160 = arith.addi %reduce_sum3A_567, %mul3A_1159 : i32
        %multiple_of3A_1161 = tpu.assume_multiple %add3A_1160, 128 : i32
        %mul3A_1162 = arith.constant 128 : i32
        %mul3A_1163 = arith.muli %scan3A_1072, %mul3A_1162 : i32
        %add3A_1164 = arith.addi %reduce_sum3A_650, %mul3A_1163 : i32
        %multiple_of3A_1165 = tpu.assume_multiple %add3A_1164, 128 : i32
        %dma_wait3A_1166 = arith.constant 3 : i32
        %dma_wait3A_1167 = arith.constant 3 : i32
        %dma_wait3A_1168 = tpu.memref_slice %arg18[%dma_wait3A_1166, %multiple_of3A_1161] : memref<4x5120xf32, #tpu.memory_space<vmem>> -> memref<1x128xf32, #tpu.memory_space<vmem>>
        %dma_wait3A_1169 = tpu.memref_squeeze %dma_wait3A_1168 : memref<1x128xf32, #tpu.memory_space<vmem>> -> memref<128xf32, #tpu.memory_space<vmem>>
        %dma_wait3A_1170 = tpu.memref_slice %arg6[%dma_wait3A_1167, %multiple_of3A_1165] : memref<4x180224xf32, #tpu.memory_space<hbm>> -> memref<1x128xf32, #tpu.memory_space<hbm>>
        %dma_wait3A_1171 = tpu.memref_squeeze %dma_wait3A_1170 : memref<1x128xf32, #tpu.memory_space<hbm>> -> memref<128xf32, #tpu.memory_space<hbm>>
        %dma_wait3A_1172 = tpu.memref_slice %arg6[%dma_wait3A_1167, %multiple_of3A_1165] : memref<4x180224xf32, #tpu.memory_space<hbm>> -> memref<1x128xf32, #tpu.memory_space<hbm>>
        %dma_wait3A_1173 = tpu.memref_squeeze %dma_wait3A_1172 : memref<1x128xf32, #tpu.memory_space<hbm>> -> memref<128xf32, #tpu.memory_space<hbm>>
        %dma_wait3A_1174 = tpu.memref_slice %arg18[%dma_wait3A_1166, %multiple_of3A_1161] : memref<4x5120xf32, #tpu.memory_space<vmem>> -> memref<1x128xf32, #tpu.memory_space<vmem>>
        %dma_wait3A_1175 = tpu.memref_squeeze %dma_wait3A_1174 : memref<1x128xf32, #tpu.memory_space<vmem>> -> memref<128xf32, #tpu.memory_space<vmem>>
        tpu.wait_dma2 semaphore(%arg19 : memref<!tpu.dma_semaphore, #tpu.memory_space<semaphore_mem>>) src(%dma_wait3A_1175 : memref<128xf32, #tpu.memory_space<vmem>>) dst(%dma_wait3A_1173 : memref<128xf32, #tpu.memory_space<hbm>>)
      } else {
      }
      %lt3A_1085 = arith.cmpi slt, %scan3A_1072, %reduce_sum3A_881 : i32
      %convert_element_type3A_1086 = arith.extui %lt3A_1085 : i1 to i32
      %cond3A_1087 = arith.constant 0 : i32
      %cond3A_1088 = arith.cmpi ne, %convert_element_type3A_1086, %cond3A_1087 : i32
      scf.if %cond3A_1088 {
        %mul3A_1106 = arith.constant 128 : i32
        %mul3A_1107 = arith.muli %scan3A_1072, %mul3A_1106 : i32
        %add3A_1108 = arith.addi %reduce_sum3A_577, %mul3A_1107 : i32
        %multiple_of3A = tpu.assume_multiple %add3A_1108, 128 : i32
        %mul3A_1109 = arith.constant 128 : i32
        %mul3A_1110 = arith.muli %scan3A_1072, %mul3A_1109 : i32
        %add3A_1111 = arith.addi %reduce_sum3A_661, %mul3A_1110 : i32
        %multiple_of3A_1112 = tpu.assume_multiple %add3A_1111, 128 : i32
        %dma_wait3A = arith.constant 0 : i32
        %dma_wait3A_1113 = arith.constant 0 : i32
        %dma_wait3A_1114 = tpu.memref_slice %arg18[%dma_wait3A, %multiple_of3A] : memref<4x5120xf32, #tpu.memory_space<vmem>> -> memref<1x128xf32, #tpu.memory_space<vmem>>
        %dma_wait3A_1115 = tpu.memref_squeeze %dma_wait3A_1114 : memref<1x128xf32, #tpu.memory_space<vmem>> -> memref<128xf32, #tpu.memory_space<vmem>>
        %dma_wait3A_1116 = tpu.memref_slice %arg6[%dma_wait3A_1113, %multiple_of3A_1112] : memref<4x180224xf32, #tpu.memory_space<hbm>> -> memref<1x128xf32, #tpu.memory_space<hbm>>
        %dma_wait3A_1117 = tpu.memref_squeeze %dma_wait3A_1116 : memref<1x128xf32, #tpu.memory_space<hbm>> -> memref<128xf32, #tpu.memory_space<hbm>>
        %dma_wait3A_1118 = tpu.memref_slice %arg6[%dma_wait3A_1113, %multiple_of3A_1112] : memref<4x180224xf32, #tpu.memory_space<hbm>> -> memref<1x128xf32, #tpu.memory_space<hbm>>
        %dma_wait3A_1119 = tpu.memref_squeeze %dma_wait3A_1118 : memref<1x128xf32, #tpu.memory_space<hbm>> -> memref<128xf32, #tpu.memory_space<hbm>>
        %dma_wait3A_1120 = tpu.memref_slice %arg18[%dma_wait3A, %multiple_of3A] : memref<4x5120xf32, #tpu.memory_space<vmem>> -> memref<1x128xf32, #tpu.memory_space<vmem>>
        %dma_wait3A_1121 = tpu.memref_squeeze %dma_wait3A_1120 : memref<1x128xf32, #tpu.memory_space<vmem>> -> memref<128xf32, #tpu.memory_space<vmem>>
        tpu.wait_dma2 semaphore(%arg19 : memref<!tpu.dma_semaphore, #tpu.memory_space<semaphore_mem>>) src(%dma_wait3A_1121 : memref<128xf32, #tpu.memory_space<vmem>>) dst(%dma_wait3A_1119 : memref<128xf32, #tpu.memory_space<hbm>>)
        %mul3A_1122 = arith.constant 128 : i32
        %mul3A_1123 = arith.muli %scan3A_1072, %mul3A_1122 : i32
        %add3A_1124 = arith.addi %reduce_sum3A_577, %mul3A_1123 : i32
        %multiple_of3A_1125 = tpu.assume_multiple %add3A_1124, 128 : i32
        %mul3A_1126 = arith.constant 128 : i32
        %mul3A_1127 = arith.muli %scan3A_1072, %mul3A_1126 : i32
        %add3A_1128 = arith.addi %reduce_sum3A_661, %mul3A_1127 : i32
        %multiple_of3A_1129 = tpu.assume_multiple %add3A_1128, 128 : i32
        %dma_wait3A_1130 = arith.constant 1 : i32
        %dma_wait3A_1131 = arith.constant 1 : i32
        %dma_wait3A_1132 = tpu.memref_slice %arg18[%dma_wait3A_1130, %multiple_of3A_1125] : memref<4x5120xf32, #tpu.memory_space<vmem>> -> memref<1x128xf32, #tpu.memory_space<vmem>>
        %dma_wait3A_1133 = tpu.memref_squeeze %dma_wait3A_1132 : memref<1x128xf32, #tpu.memory_space<vmem>> -> memref<128xf32, #tpu.memory_space<vmem>>
        %dma_wait3A_1134 = tpu.memref_slice %arg6[%dma_wait3A_1131, %multiple_of3A_1129] : memref<4x180224xf32, #tpu.memory_space<hbm>> -> memref<1x128xf32, #tpu.memory_space<hbm>>
        %dma_wait3A_1135 = tpu.memref_squeeze %dma_wait3A_1134 : memref<1x128xf32, #tpu.memory_space<hbm>> -> memref<128xf32, #tpu.memory_space<hbm>>
        %dma_wait3A_1136 = tpu.memref_slice %arg6[%dma_wait3A_1131, %multiple_of3A_1129] : memref<4x180224xf32, #tpu.memory_space<hbm>> -> memref<1x128xf32, #tpu.memory_space<hbm>>
        %dma_wait3A_1137 = tpu.memref_squeeze %dma_wait3A_1136 : memref<1x128xf32, #tpu.memory_space<hbm>> -> memref<128xf32, #tpu.memory_space<hbm>>
        %dma_wait3A_1138 = tpu.memref_slice %arg18[%dma_wait3A_1130, %multiple_of3A_1125] : memref<4x5120xf32, #tpu.memory_space<vmem>> -> memref<1x128xf32, #tpu.memory_space<vmem>>
        %dma_wait3A_1139 = tpu.memref_squeeze %dma_wait3A_1138 : memref<1x128xf32, #tpu.memory_space<vmem>> -> memref<128xf32, #tpu.memory_space<vmem>>
        tpu.wait_dma2 semaphore(%arg19 : memref<!tpu.dma_semaphore, #tpu.memory_space<semaphore_mem>>) src(%dma_wait3A_1139 : memref<128xf32, #tpu.memory_space<vmem>>) dst(%dma_wait3A_1137 : memref<128xf32, #tpu.memory_space<hbm>>)
        %mul3A_1140 = arith.constant 128 : i32
        %mul3A_1141 = arith.muli %scan3A_1072, %mul3A_1140 : i32
        %add3A_1142 = arith.addi %reduce_sum3A_577, %mul3A_1141 : i32
        %multiple_of3A_1143 = tpu.assume_multiple %add3A_1142, 128 : i32
        %mul3A_1144 = arith.constant 128 : i32
        %mul3A_1145 = arith.muli %scan3A_1072, %mul3A_1144 : i32
        %add3A_1146 = arith.addi %reduce_sum3A_661, %mul3A_1145 : i32
        %multiple_of3A_1147 = tpu.assume_multiple %add3A_1146, 128 : i32
        %dma_wait3A_1148 = arith.constant 2 : i32
        %dma_wait3A_1149 = arith.constant 2 : i32
        %dma_wait3A_1150 = tpu.memref_slice %arg18[%dma_wait3A_1148, %multiple_of3A_1143] : memref<4x5120xf32, #tpu.memory_space<vmem>> -> memref<1x128xf32, #tpu.memory_space<vmem>>
        %dma_wait3A_1151 = tpu.memref_squeeze %dma_wait3A_1150 : memref<1x128xf32, #tpu.memory_space<vmem>> -> memref<128xf32, #tpu.memory_space<vmem>>
        %dma_wait3A_1152 = tpu.memref_slice %arg6[%dma_wait3A_1149, %multiple_of3A_1147] : memref<4x180224xf32, #tpu.memory_space<hbm>> -> memref<1x128xf32, #tpu.memory_space<hbm>>
        %dma_wait3A_1153 = tpu.memref_squeeze %dma_wait3A_1152 : memref<1x128xf32, #tpu.memory_space<hbm>> -> memref<128xf32, #tpu.memory_space<hbm>>
        %dma_wait3A_1154 = tpu.memref_slice %arg6[%dma_wait3A_1149, %multiple_of3A_1147] : memref<4x180224xf32, #tpu.memory_space<hbm>> -> memref<1x128xf32, #tpu.memory_space<hbm>>
        %dma_wait3A_1155 = tpu.memref_squeeze %dma_wait3A_1154 : memref<1x128xf32, #tpu.memory_space<hbm>> -> memref<128xf32, #tpu.memory_space<hbm>>
        %dma_wait3A_1156 = tpu.memref_slice %arg18[%dma_wait3A_1148, %multiple_of3A_1143] : memref<4x5120xf32, #tpu.memory_space<vmem>> -> memref<1x128xf32, #tpu.memory_space<vmem>>
        %dma_wait3A_1157 = tpu.memref_squeeze %dma_wait3A_1156 : memref<1x128xf32, #tpu.memory_space<vmem>> -> memref<128xf32, #tpu.memory_space<vmem>>
        tpu.wait_dma2 semaphore(%arg19 : memref<!tpu.dma_semaphore, #tpu.memory_space<semaphore_mem>>) src(%dma_wait3A_1157 : memref<128xf32, #tpu.memory_space<vmem>>) dst(%dma_wait3A_1155 : memref<128xf32, #tpu.memory_space<hbm>>)
        %mul3A_1158 = arith.constant 128 : i32
        %mul3A_1159 = arith.muli %scan3A_1072, %mul3A_1158 : i32
        %add3A_1160 = arith.addi %reduce_sum3A_577, %mul3A_1159 : i32
        %multiple_of3A_1161 = tpu.assume_multiple %add3A_1160, 128 : i32
        %mul3A_1162 = arith.constant 128 : i32
        %mul3A_1163 = arith.muli %scan3A_1072, %mul3A_1162 : i32
        %add3A_1164 = arith.addi %reduce_sum3A_661, %mul3A_1163 : i32
        %multiple_of3A_1165 = tpu.assume_multiple %add3A_1164, 128 : i32
        %dma_wait3A_1166 = arith.constant 3 : i32
        %dma_wait3A_1167 = arith.constant 3 : i32
        %dma_wait3A_1168 = tpu.memref_slice %arg18[%dma_wait3A_1166, %multiple_of3A_1161] : memref<4x5120xf32, #tpu.memory_space<vmem>> -> memref<1x128xf32, #tpu.memory_space<vmem>>
        %dma_wait3A_1169 = tpu.memref_squeeze %dma_wait3A_1168 : memref<1x128xf32, #tpu.memory_space<vmem>> -> memref<128xf32, #tpu.memory_space<vmem>>
        %dma_wait3A_1170 = tpu.memref_slice %arg6[%dma_wait3A_1167, %multiple_of3A_1165] : memref<4x180224xf32, #tpu.memory_space<hbm>> -> memref<1x128xf32, #tpu.memory_space<hbm>>
        %dma_wait3A_1171 = tpu.memref_squeeze %dma_wait3A_1170 : memref<1x128xf32, #tpu.memory_space<hbm>> -> memref<128xf32, #tpu.memory_space<hbm>>
        %dma_wait3A_1172 = tpu.memref_slice %arg6[%dma_wait3A_1167, %multiple_of3A_1165] : memref<4x180224xf32, #tpu.memory_space<hbm>> -> memref<1x128xf32, #tpu.memory_space<hbm>>
        %dma_wait3A_1173 = tpu.memref_squeeze %dma_wait3A_1172 : memref<1x128xf32, #tpu.memory_space<hbm>> -> memref<128xf32, #tpu.memory_space<hbm>>
        %dma_wait3A_1174 = tpu.memref_slice %arg18[%dma_wait3A_1166, %multiple_of3A_1161] : memref<4x5120xf32, #tpu.memory_space<vmem>> -> memref<1x128xf32, #tpu.memory_space<vmem>>
        %dma_wait3A_1175 = tpu.memref_squeeze %dma_wait3A_1174 : memref<1x128xf32, #tpu.memory_space<vmem>> -> memref<128xf32, #tpu.memory_space<vmem>>
        tpu.wait_dma2 semaphore(%arg19 : memref<!tpu.dma_semaphore, #tpu.memory_space<semaphore_mem>>) src(%dma_wait3A_1175 : memref<128xf32, #tpu.memory_space<vmem>>) dst(%dma_wait3A_1173 : memref<128xf32, #tpu.memory_space<hbm>>)
      } else {
      }
      %lt3A_1089 = arith.cmpi slt, %scan3A_1072, %reduce_sum3A_925 : i32
      %convert_element_type3A_1090 = arith.extui %lt3A_1089 : i1 to i32
      %cond3A_1091 = arith.constant 0 : i32
      %cond3A_1092 = arith.cmpi ne, %convert_element_type3A_1090, %cond3A_1091 : i32
      scf.if %cond3A_1092 {
        %mul3A_1106 = arith.constant 128 : i32
        %mul3A_1107 = arith.muli %scan3A_1072, %mul3A_1106 : i32
        %add3A_1108 = arith.addi %reduce_sum3A_587, %mul3A_1107 : i32
        %multiple_of3A = tpu.assume_multiple %add3A_1108, 128 : i32
        %mul3A_1109 = arith.constant 128 : i32
        %mul3A_1110 = arith.muli %scan3A_1072, %mul3A_1109 : i32
        %add3A_1111 = arith.addi %reduce_sum3A_672, %mul3A_1110 : i32
        %multiple_of3A_1112 = tpu.assume_multiple %add3A_1111, 128 : i32
        %dma_wait3A = arith.constant 0 : i32
        %dma_wait3A_1113 = arith.constant 0 : i32
        %dma_wait3A_1114 = tpu.memref_slice %arg18[%dma_wait3A, %multiple_of3A] : memref<4x5120xf32, #tpu.memory_space<vmem>> -> memref<1x128xf32, #tpu.memory_space<vmem>>
        %dma_wait3A_1115 = tpu.memref_squeeze %dma_wait3A_1114 : memref<1x128xf32, #tpu.memory_space<vmem>> -> memref<128xf32, #tpu.memory_space<vmem>>
        %dma_wait3A_1116 = tpu.memref_slice %arg6[%dma_wait3A_1113, %multiple_of3A_1112] : memref<4x180224xf32, #tpu.memory_space<hbm>> -> memref<1x128xf32, #tpu.memory_space<hbm>>
        %dma_wait3A_1117 = tpu.memref_squeeze %dma_wait3A_1116 : memref<1x128xf32, #tpu.memory_space<hbm>> -> memref<128xf32, #tpu.memory_space<hbm>>
        %dma_wait3A_1118 = tpu.memref_slice %arg6[%dma_wait3A_1113, %multiple_of3A_1112] : memref<4x180224xf32, #tpu.memory_space<hbm>> -> memref<1x128xf32, #tpu.memory_space<hbm>>
        %dma_wait3A_1119 = tpu.memref_squeeze %dma_wait3A_1118 : memref<1x128xf32, #tpu.memory_space<hbm>> -> memref<128xf32, #tpu.memory_space<hbm>>
        %dma_wait3A_1120 = tpu.memref_slice %arg18[%dma_wait3A, %multiple_of3A] : memref<4x5120xf32, #tpu.memory_space<vmem>> -> memref<1x128xf32, #tpu.memory_space<vmem>>
        %dma_wait3A_1121 = tpu.memref_squeeze %dma_wait3A_1120 : memref<1x128xf32, #tpu.memory_space<vmem>> -> memref<128xf32, #tpu.memory_space<vmem>>
        tpu.wait_dma2 semaphore(%arg19 : memref<!tpu.dma_semaphore, #tpu.memory_space<semaphore_mem>>) src(%dma_wait3A_1121 : memref<128xf32, #tpu.memory_space<vmem>>) dst(%dma_wait3A_1119 : memref<128xf32, #tpu.memory_space<hbm>>)
        %mul3A_1122 = arith.constant 128 : i32
        %mul3A_1123 = arith.muli %scan3A_1072, %mul3A_1122 : i32
        %add3A_1124 = arith.addi %reduce_sum3A_587, %mul3A_1123 : i32
        %multiple_of3A_1125 = tpu.assume_multiple %add3A_1124, 128 : i32
        %mul3A_1126 = arith.constant 128 : i32
        %mul3A_1127 = arith.muli %scan3A_1072, %mul3A_1126 : i32
        %add3A_1128 = arith.addi %reduce_sum3A_672, %mul3A_1127 : i32
        %multiple_of3A_1129 = tpu.assume_multiple %add3A_1128, 128 : i32
        %dma_wait3A_1130 = arith.constant 1 : i32
        %dma_wait3A_1131 = arith.constant 1 : i32
        %dma_wait3A_1132 = tpu.memref_slice %arg18[%dma_wait3A_1130, %multiple_of3A_1125] : memref<4x5120xf32, #tpu.memory_space<vmem>> -> memref<1x128xf32, #tpu.memory_space<vmem>>
        %dma_wait3A_1133 = tpu.memref_squeeze %dma_wait3A_1132 : memref<1x128xf32, #tpu.memory_space<vmem>> -> memref<128xf32, #tpu.memory_space<vmem>>
        %dma_wait3A_1134 = tpu.memref_slice %arg6[%dma_wait3A_1131, %multiple_of3A_1129] : memref<4x180224xf32, #tpu.memory_space<hbm>> -> memref<1x128xf32, #tpu.memory_space<hbm>>
        %dma_wait3A_1135 = tpu.memref_squeeze %dma_wait3A_1134 : memref<1x128xf32, #tpu.memory_space<hbm>> -> memref<128xf32, #tpu.memory_space<hbm>>
        %dma_wait3A_1136 = tpu.memref_slice %arg6[%dma_wait3A_1131, %multiple_of3A_1129] : memref<4x180224xf32, #tpu.memory_space<hbm>> -> memref<1x128xf32, #tpu.memory_space<hbm>>
        %dma_wait3A_1137 = tpu.memref_squeeze %dma_wait3A_1136 : memref<1x128xf32, #tpu.memory_space<hbm>> -> memref<128xf32, #tpu.memory_space<hbm>>
        %dma_wait3A_1138 = tpu.memref_slice %arg18[%dma_wait3A_1130, %multiple_of3A_1125] : memref<4x5120xf32, #tpu.memory_space<vmem>> -> memref<1x128xf32, #tpu.memory_space<vmem>>
        %dma_wait3A_1139 = tpu.memref_squeeze %dma_wait3A_1138 : memref<1x128xf32, #tpu.memory_space<vmem>> -> memref<128xf32, #tpu.memory_space<vmem>>
        tpu.wait_dma2 semaphore(%arg19 : memref<!tpu.dma_semaphore, #tpu.memory_space<semaphore_mem>>) src(%dma_wait3A_1139 : memref<128xf32, #tpu.memory_space<vmem>>) dst(%dma_wait3A_1137 : memref<128xf32, #tpu.memory_space<hbm>>)
        %mul3A_1140 = arith.constant 128 : i32
        %mul3A_1141 = arith.muli %scan3A_1072, %mul3A_1140 : i32
        %add3A_1142 = arith.addi %reduce_sum3A_587, %mul3A_1141 : i32
        %multiple_of3A_1143 = tpu.assume_multiple %add3A_1142, 128 : i32
        %mul3A_1144 = arith.constant 128 : i32
        %mul3A_1145 = arith.muli %scan3A_1072, %mul3A_1144 : i32
        %add3A_1146 = arith.addi %reduce_sum3A_672, %mul3A_1145 : i32
        %multiple_of3A_1147 = tpu.assume_multiple %add3A_1146, 128 : i32
        %dma_wait3A_1148 = arith.constant 2 : i32
        %dma_wait3A_1149 = arith.constant 2 : i32
        %dma_wait3A_1150 = tpu.memref_slice %arg18[%dma_wait3A_1148, %multiple_of3A_1143] : memref<4x5120xf32, #tpu.memory_space<vmem>> -> memref<1x128xf32, #tpu.memory_space<vmem>>
        %dma_wait3A_1151 = tpu.memref_squeeze %dma_wait3A_1150 : memref<1x128xf32, #tpu.memory_space<vmem>> -> memref<128xf32, #tpu.memory_space<vmem>>
        %dma_wait3A_1152 = tpu.memref_slice %arg6[%dma_wait3A_1149, %multiple_of3A_1147] : memref<4x180224xf32, #tpu.memory_space<hbm>> -> memref<1x128xf32, #tpu.memory_space<hbm>>
        %dma_wait3A_1153 = tpu.memref_squeeze %dma_wait3A_1152 : memref<1x128xf32, #tpu.memory_space<hbm>> -> memref<128xf32, #tpu.memory_space<hbm>>
        %dma_wait3A_1154 = tpu.memref_slice %arg6[%dma_wait3A_1149, %multiple_of3A_1147] : memref<4x180224xf32, #tpu.memory_space<hbm>> -> memref<1x128xf32, #tpu.memory_space<hbm>>
        %dma_wait3A_1155 = tpu.memref_squeeze %dma_wait3A_1154 : memref<1x128xf32, #tpu.memory_space<hbm>> -> memref<128xf32, #tpu.memory_space<hbm>>
        %dma_wait3A_1156 = tpu.memref_slice %arg18[%dma_wait3A_1148, %multiple_of3A_1143] : memref<4x5120xf32, #tpu.memory_space<vmem>> -> memref<1x128xf32, #tpu.memory_space<vmem>>
        %dma_wait3A_1157 = tpu.memref_squeeze %dma_wait3A_1156 : memref<1x128xf32, #tpu.memory_space<vmem>> -> memref<128xf32, #tpu.memory_space<vmem>>
        tpu.wait_dma2 semaphore(%arg19 : memref<!tpu.dma_semaphore, #tpu.memory_space<semaphore_mem>>) src(%dma_wait3A_1157 : memref<128xf32, #tpu.memory_space<vmem>>) dst(%dma_wait3A_1155 : memref<128xf32, #tpu.memory_space<hbm>>)
        %mul3A_1158 = arith.constant 128 : i32
        %mul3A_1159 = arith.muli %scan3A_1072, %mul3A_1158 : i32
        %add3A_1160 = arith.addi %reduce_sum3A_587, %mul3A_1159 : i32
        %multiple_of3A_1161 = tpu.assume_multiple %add3A_1160, 128 : i32
        %mul3A_1162 = arith.constant 128 : i32
        %mul3A_1163 = arith.muli %scan3A_1072, %mul3A_1162 : i32
        %add3A_1164 = arith.addi %reduce_sum3A_672, %mul3A_1163 : i32
        %multiple_of3A_1165 = tpu.assume_multiple %add3A_1164, 128 : i32
        %dma_wait3A_1166 = arith.constant 3 : i32
        %dma_wait3A_1167 = arith.constant 3 : i32
        %dma_wait3A_1168 = tpu.memref_slice %arg18[%dma_wait3A_1166, %multiple_of3A_1161] : memref<4x5120xf32, #tpu.memory_space<vmem>> -> memref<1x128xf32, #tpu.memory_space<vmem>>
        %dma_wait3A_1169 = tpu.memref_squeeze %dma_wait3A_1168 : memref<1x128xf32, #tpu.memory_space<vmem>> -> memref<128xf32, #tpu.memory_space<vmem>>
        %dma_wait3A_1170 = tpu.memref_slice %arg6[%dma_wait3A_1167, %multiple_of3A_1165] : memref<4x180224xf32, #tpu.memory_space<hbm>> -> memref<1x128xf32, #tpu.memory_space<hbm>>
        %dma_wait3A_1171 = tpu.memref_squeeze %dma_wait3A_1170 : memref<1x128xf32, #tpu.memory_space<hbm>> -> memref<128xf32, #tpu.memory_space<hbm>>
        %dma_wait3A_1172 = tpu.memref_slice %arg6[%dma_wait3A_1167, %multiple_of3A_1165] : memref<4x180224xf32, #tpu.memory_space<hbm>> -> memref<1x128xf32, #tpu.memory_space<hbm>>
        %dma_wait3A_1173 = tpu.memref_squeeze %dma_wait3A_1172 : memref<1x128xf32, #tpu.memory_space<hbm>> -> memref<128xf32, #tpu.memory_space<hbm>>
        %dma_wait3A_1174 = tpu.memref_slice %arg18[%dma_wait3A_1166, %multiple_of3A_1161] : memref<4x5120xf32, #tpu.memory_space<vmem>> -> memref<1x128xf32, #tpu.memory_space<vmem>>
        %dma_wait3A_1175 = tpu.memref_squeeze %dma_wait3A_1174 : memref<1x128xf32, #tpu.memory_space<vmem>> -> memref<128xf32, #tpu.memory_space<vmem>>
        tpu.wait_dma2 semaphore(%arg19 : memref<!tpu.dma_semaphore, #tpu.memory_space<semaphore_mem>>) src(%dma_wait3A_1175 : memref<128xf32, #tpu.memory_space<vmem>>) dst(%dma_wait3A_1173 : memref<128xf32, #tpu.memory_space<hbm>>)
      } else {
      }
      %lt3A_1093 = arith.cmpi slt, %scan3A_1072, %reduce_sum3A_969 : i32
      %convert_element_type3A_1094 = arith.extui %lt3A_1093 : i1 to i32
      %cond3A_1095 = arith.constant 0 : i32
      %cond3A_1096 = arith.cmpi ne, %convert_element_type3A_1094, %cond3A_1095 : i32
      scf.if %cond3A_1096 {
        %mul3A_1106 = arith.constant 128 : i32
        %mul3A_1107 = arith.muli %scan3A_1072, %mul3A_1106 : i32
        %add3A_1108 = arith.addi %reduce_sum3A_597, %mul3A_1107 : i32
        %multiple_of3A = tpu.assume_multiple %add3A_1108, 128 : i32
        %mul3A_1109 = arith.constant 128 : i32
        %mul3A_1110 = arith.muli %scan3A_1072, %mul3A_1109 : i32
        %add3A_1111 = arith.addi %reduce_sum3A_683, %mul3A_1110 : i32
        %multiple_of3A_1112 = tpu.assume_multiple %add3A_1111, 128 : i32
        %dma_wait3A = arith.constant 0 : i32
        %dma_wait3A_1113 = arith.constant 0 : i32
        %dma_wait3A_1114 = tpu.memref_slice %arg18[%dma_wait3A, %multiple_of3A] : memref<4x5120xf32, #tpu.memory_space<vmem>> -> memref<1x128xf32, #tpu.memory_space<vmem>>
        %dma_wait3A_1115 = tpu.memref_squeeze %dma_wait3A_1114 : memref<1x128xf32, #tpu.memory_space<vmem>> -> memref<128xf32, #tpu.memory_space<vmem>>
        %dma_wait3A_1116 = tpu.memref_slice %arg6[%dma_wait3A_1113, %multiple_of3A_1112] : memref<4x180224xf32, #tpu.memory_space<hbm>> -> memref<1x128xf32, #tpu.memory_space<hbm>>
        %dma_wait3A_1117 = tpu.memref_squeeze %dma_wait3A_1116 : memref<1x128xf32, #tpu.memory_space<hbm>> -> memref<128xf32, #tpu.memory_space<hbm>>
        %dma_wait3A_1118 = tpu.memref_slice %arg6[%dma_wait3A_1113, %multiple_of3A_1112] : memref<4x180224xf32, #tpu.memory_space<hbm>> -> memref<1x128xf32, #tpu.memory_space<hbm>>
        %dma_wait3A_1119 = tpu.memref_squeeze %dma_wait3A_1118 : memref<1x128xf32, #tpu.memory_space<hbm>> -> memref<128xf32, #tpu.memory_space<hbm>>
        %dma_wait3A_1120 = tpu.memref_slice %arg18[%dma_wait3A, %multiple_of3A] : memref<4x5120xf32, #tpu.memory_space<vmem>> -> memref<1x128xf32, #tpu.memory_space<vmem>>
        %dma_wait3A_1121 = tpu.memref_squeeze %dma_wait3A_1120 : memref<1x128xf32, #tpu.memory_space<vmem>> -> memref<128xf32, #tpu.memory_space<vmem>>
        tpu.wait_dma2 semaphore(%arg19 : memref<!tpu.dma_semaphore, #tpu.memory_space<semaphore_mem>>) src(%dma_wait3A_1121 : memref<128xf32, #tpu.memory_space<vmem>>) dst(%dma_wait3A_1119 : memref<128xf32, #tpu.memory_space<hbm>>)
        %mul3A_1122 = arith.constant 128 : i32
        %mul3A_1123 = arith.muli %scan3A_1072, %mul3A_1122 : i32
        %add3A_1124 = arith.addi %reduce_sum3A_597, %mul3A_1123 : i32
        %multiple_of3A_1125 = tpu.assume_multiple %add3A_1124, 128 : i32
        %mul3A_1126 = arith.constant 128 : i32
        %mul3A_1127 = arith.muli %scan3A_1072, %mul3A_1126 : i32
        %add3A_1128 = arith.addi %reduce_sum3A_683, %mul3A_1127 : i32
        %multiple_of3A_1129 = tpu.assume_multiple %add3A_1128, 128 : i32
        %dma_wait3A_1130 = arith.constant 1 : i32
        %dma_wait3A_1131 = arith.constant 1 : i32
        %dma_wait3A_1132 = tpu.memref_slice %arg18[%dma_wait3A_1130, %multiple_of3A_1125] : memref<4x5120xf32, #tpu.memory_space<vmem>> -> memref<1x128xf32, #tpu.memory_space<vmem>>
        %dma_wait3A_1133 = tpu.memref_squeeze %dma_wait3A_1132 : memref<1x128xf32, #tpu.memory_space<vmem>> -> memref<128xf32, #tpu.memory_space<vmem>>
        %dma_wait3A_1134 = tpu.memref_slice %arg6[%dma_wait3A_1131, %multiple_of3A_1129] : memref<4x180224xf32, #tpu.memory_space<hbm>> -> memref<1x128xf32, #tpu.memory_space<hbm>>
        %dma_wait3A_1135 = tpu.memref_squeeze %dma_wait3A_1134 : memref<1x128xf32, #tpu.memory_space<hbm>> -> memref<128xf32, #tpu.memory_space<hbm>>
        %dma_wait3A_1136 = tpu.memref_slice %arg6[%dma_wait3A_1131, %multiple_of3A_1129] : memref<4x180224xf32, #tpu.memory_space<hbm>> -> memref<1x128xf32, #tpu.memory_space<hbm>>
        %dma_wait3A_1137 = tpu.memref_squeeze %dma_wait3A_1136 : memref<1x128xf32, #tpu.memory_space<hbm>> -> memref<128xf32, #tpu.memory_space<hbm>>
        %dma_wait3A_1138 = tpu.memref_slice %arg18[%dma_wait3A_1130, %multiple_of3A_1125] : memref<4x5120xf32, #tpu.memory_space<vmem>> -> memref<1x128xf32, #tpu.memory_space<vmem>>
        %dma_wait3A_1139 = tpu.memref_squeeze %dma_wait3A_1138 : memref<1x128xf32, #tpu.memory_space<vmem>> -> memref<128xf32, #tpu.memory_space<vmem>>
        tpu.wait_dma2 semaphore(%arg19 : memref<!tpu.dma_semaphore, #tpu.memory_space<semaphore_mem>>) src(%dma_wait3A_1139 : memref<128xf32, #tpu.memory_space<vmem>>) dst(%dma_wait3A_1137 : memref<128xf32, #tpu.memory_space<hbm>>)
        %mul3A_1140 = arith.constant 128 : i32
        %mul3A_1141 = arith.muli %scan3A_1072, %mul3A_1140 : i32
        %add3A_1142 = arith.addi %reduce_sum3A_597, %mul3A_1141 : i32
        %multiple_of3A_1143 = tpu.assume_multiple %add3A_1142, 128 : i32
        %mul3A_1144 = arith.constant 128 : i32
        %mul3A_1145 = arith.muli %scan3A_1072, %mul3A_1144 : i32
        %add3A_1146 = arith.addi %reduce_sum3A_683, %mul3A_1145 : i32
        %multiple_of3A_1147 = tpu.assume_multiple %add3A_1146, 128 : i32
        %dma_wait3A_1148 = arith.constant 2 : i32
        %dma_wait3A_1149 = arith.constant 2 : i32
        %dma_wait3A_1150 = tpu.memref_slice %arg18[%dma_wait3A_1148, %multiple_of3A_1143] : memref<4x5120xf32, #tpu.memory_space<vmem>> -> memref<1x128xf32, #tpu.memory_space<vmem>>
        %dma_wait3A_1151 = tpu.memref_squeeze %dma_wait3A_1150 : memref<1x128xf32, #tpu.memory_space<vmem>> -> memref<128xf32, #tpu.memory_space<vmem>>
        %dma_wait3A_1152 = tpu.memref_slice %arg6[%dma_wait3A_1149, %multiple_of3A_1147] : memref<4x180224xf32, #tpu.memory_space<hbm>> -> memref<1x128xf32, #tpu.memory_space<hbm>>
        %dma_wait3A_1153 = tpu.memref_squeeze %dma_wait3A_1152 : memref<1x128xf32, #tpu.memory_space<hbm>> -> memref<128xf32, #tpu.memory_space<hbm>>
        %dma_wait3A_1154 = tpu.memref_slice %arg6[%dma_wait3A_1149, %multiple_of3A_1147] : memref<4x180224xf32, #tpu.memory_space<hbm>> -> memref<1x128xf32, #tpu.memory_space<hbm>>
        %dma_wait3A_1155 = tpu.memref_squeeze %dma_wait3A_1154 : memref<1x128xf32, #tpu.memory_space<hbm>> -> memref<128xf32, #tpu.memory_space<hbm>>
        %dma_wait3A_1156 = tpu.memref_slice %arg18[%dma_wait3A_1148, %multiple_of3A_1143] : memref<4x5120xf32, #tpu.memory_space<vmem>> -> memref<1x128xf32, #tpu.memory_space<vmem>>
        %dma_wait3A_1157 = tpu.memref_squeeze %dma_wait3A_1156 : memref<1x128xf32, #tpu.memory_space<vmem>> -> memref<128xf32, #tpu.memory_space<vmem>>
        tpu.wait_dma2 semaphore(%arg19 : memref<!tpu.dma_semaphore, #tpu.memory_space<semaphore_mem>>) src(%dma_wait3A_1157 : memref<128xf32, #tpu.memory_space<vmem>>) dst(%dma_wait3A_1155 : memref<128xf32, #tpu.memory_space<hbm>>)
        %mul3A_1158 = arith.constant 128 : i32
        %mul3A_1159 = arith.muli %scan3A_1072, %mul3A_1158 : i32
        %add3A_1160 = arith.addi %reduce_sum3A_597, %mul3A_1159 : i32
        %multiple_of3A_1161 = tpu.assume_multiple %add3A_1160, 128 : i32
        %mul3A_1162 = arith.constant 128 : i32
        %mul3A_1163 = arith.muli %scan3A_1072, %mul3A_1162 : i32
        %add3A_1164 = arith.addi %reduce_sum3A_683, %mul3A_1163 : i32
        %multiple_of3A_1165 = tpu.assume_multiple %add3A_1164, 128 : i32
        %dma_wait3A_1166 = arith.constant 3 : i32
        %dma_wait3A_1167 = arith.constant 3 : i32
        %dma_wait3A_1168 = tpu.memref_slice %arg18[%dma_wait3A_1166, %multiple_of3A_1161] : memref<4x5120xf32, #tpu.memory_space<vmem>> -> memref<1x128xf32, #tpu.memory_space<vmem>>
        %dma_wait3A_1169 = tpu.memref_squeeze %dma_wait3A_1168 : memref<1x128xf32, #tpu.memory_space<vmem>> -> memref<128xf32, #tpu.memory_space<vmem>>
        %dma_wait3A_1170 = tpu.memref_slice %arg6[%dma_wait3A_1167, %multiple_of3A_1165] : memref<4x180224xf32, #tpu.memory_space<hbm>> -> memref<1x128xf32, #tpu.memory_space<hbm>>
        %dma_wait3A_1171 = tpu.memref_squeeze %dma_wait3A_1170 : memref<1x128xf32, #tpu.memory_space<hbm>> -> memref<128xf32, #tpu.memory_space<hbm>>
        %dma_wait3A_1172 = tpu.memref_slice %arg6[%dma_wait3A_1167, %multiple_of3A_1165] : memref<4x180224xf32, #tpu.memory_space<hbm>> -> memref<1x128xf32, #tpu.memory_space<hbm>>
        %dma_wait3A_1173 = tpu.memref_squeeze %dma_wait3A_1172 : memref<1x128xf32, #tpu.memory_space<hbm>> -> memref<128xf32, #tpu.memory_space<hbm>>
        %dma_wait3A_1174 = tpu.memref_slice %arg18[%dma_wait3A_1166, %multiple_of3A_1161] : memref<4x5120xf32, #tpu.memory_space<vmem>> -> memref<1x128xf32, #tpu.memory_space<vmem>>
        %dma_wait3A_1175 = tpu.memref_squeeze %dma_wait3A_1174 : memref<1x128xf32, #tpu.memory_space<vmem>> -> memref<128xf32, #tpu.memory_space<vmem>>
        tpu.wait_dma2 semaphore(%arg19 : memref<!tpu.dma_semaphore, #tpu.memory_space<semaphore_mem>>) src(%dma_wait3A_1175 : memref<128xf32, #tpu.memory_space<vmem>>) dst(%dma_wait3A_1173 : memref<128xf32, #tpu.memory_space<hbm>>)
      } else {
      }
      %lt3A_1097 = arith.cmpi slt, %scan3A_1072, %reduce_sum3A_1013 : i32
      %convert_element_type3A_1098 = arith.extui %lt3A_1097 : i1 to i32
      %cond3A_1099 = arith.constant 0 : i32
      %cond3A_1100 = arith.cmpi ne, %convert_element_type3A_1098, %cond3A_1099 : i32
      scf.if %cond3A_1100 {
        %mul3A_1106 = arith.constant 128 : i32
        %mul3A_1107 = arith.muli %scan3A_1072, %mul3A_1106 : i32
        %add3A_1108 = arith.addi %reduce_sum3A_607, %mul3A_1107 : i32
        %multiple_of3A = tpu.assume_multiple %add3A_1108, 128 : i32
        %mul3A_1109 = arith.constant 128 : i32
        %mul3A_1110 = arith.muli %scan3A_1072, %mul3A_1109 : i32
        %add3A_1111 = arith.addi %reduce_sum3A_694, %mul3A_1110 : i32
        %multiple_of3A_1112 = tpu.assume_multiple %add3A_1111, 128 : i32
        %dma_wait3A = arith.constant 0 : i32
        %dma_wait3A_1113 = arith.constant 0 : i32
        %dma_wait3A_1114 = tpu.memref_slice %arg18[%dma_wait3A, %multiple_of3A] : memref<4x5120xf32, #tpu.memory_space<vmem>> -> memref<1x128xf32, #tpu.memory_space<vmem>>
        %dma_wait3A_1115 = tpu.memref_squeeze %dma_wait3A_1114 : memref<1x128xf32, #tpu.memory_space<vmem>> -> memref<128xf32, #tpu.memory_space<vmem>>
        %dma_wait3A_1116 = tpu.memref_slice %arg6[%dma_wait3A_1113, %multiple_of3A_1112] : memref<4x180224xf32, #tpu.memory_space<hbm>> -> memref<1x128xf32, #tpu.memory_space<hbm>>
        %dma_wait3A_1117 = tpu.memref_squeeze %dma_wait3A_1116 : memref<1x128xf32, #tpu.memory_space<hbm>> -> memref<128xf32, #tpu.memory_space<hbm>>
        %dma_wait3A_1118 = tpu.memref_slice %arg6[%dma_wait3A_1113, %multiple_of3A_1112] : memref<4x180224xf32, #tpu.memory_space<hbm>> -> memref<1x128xf32, #tpu.memory_space<hbm>>
        %dma_wait3A_1119 = tpu.memref_squeeze %dma_wait3A_1118 : memref<1x128xf32, #tpu.memory_space<hbm>> -> memref<128xf32, #tpu.memory_space<hbm>>
        %dma_wait3A_1120 = tpu.memref_slice %arg18[%dma_wait3A, %multiple_of3A] : memref<4x5120xf32, #tpu.memory_space<vmem>> -> memref<1x128xf32, #tpu.memory_space<vmem>>
        %dma_wait3A_1121 = tpu.memref_squeeze %dma_wait3A_1120 : memref<1x128xf32, #tpu.memory_space<vmem>> -> memref<128xf32, #tpu.memory_space<vmem>>
        tpu.wait_dma2 semaphore(%arg19 : memref<!tpu.dma_semaphore, #tpu.memory_space<semaphore_mem>>) src(%dma_wait3A_1121 : memref<128xf32, #tpu.memory_space<vmem>>) dst(%dma_wait3A_1119 : memref<128xf32, #tpu.memory_space<hbm>>)
        %mul3A_1122 = arith.constant 128 : i32
        %mul3A_1123 = arith.muli %scan3A_1072, %mul3A_1122 : i32
        %add3A_1124 = arith.addi %reduce_sum3A_607, %mul3A_1123 : i32
        %multiple_of3A_1125 = tpu.assume_multiple %add3A_1124, 128 : i32
        %mul3A_1126 = arith.constant 128 : i32
        %mul3A_1127 = arith.muli %scan3A_1072, %mul3A_1126 : i32
        %add3A_1128 = arith.addi %reduce_sum3A_694, %mul3A_1127 : i32
        %multiple_of3A_1129 = tpu.assume_multiple %add3A_1128, 128 : i32
        %dma_wait3A_1130 = arith.constant 1 : i32
        %dma_wait3A_1131 = arith.constant 1 : i32
        %dma_wait3A_1132 = tpu.memref_slice %arg18[%dma_wait3A_1130, %multiple_of3A_1125] : memref<4x5120xf32, #tpu.memory_space<vmem>> -> memref<1x128xf32, #tpu.memory_space<vmem>>
        %dma_wait3A_1133 = tpu.memref_squeeze %dma_wait3A_1132 : memref<1x128xf32, #tpu.memory_space<vmem>> -> memref<128xf32, #tpu.memory_space<vmem>>
        %dma_wait3A_1134 = tpu.memref_slice %arg6[%dma_wait3A_1131, %multiple_of3A_1129] : memref<4x180224xf32, #tpu.memory_space<hbm>> -> memref<1x128xf32, #tpu.memory_space<hbm>>
        %dma_wait3A_1135 = tpu.memref_squeeze %dma_wait3A_1134 : memref<1x128xf32, #tpu.memory_space<hbm>> -> memref<128xf32, #tpu.memory_space<hbm>>
        %dma_wait3A_1136 = tpu.memref_slice %arg6[%dma_wait3A_1131, %multiple_of3A_1129] : memref<4x180224xf32, #tpu.memory_space<hbm>> -> memref<1x128xf32, #tpu.memory_space<hbm>>
        %dma_wait3A_1137 = tpu.memref_squeeze %dma_wait3A_1136 : memref<1x128xf32, #tpu.memory_space<hbm>> -> memref<128xf32, #tpu.memory_space<hbm>>
        %dma_wait3A_1138 = tpu.memref_slice %arg18[%dma_wait3A_1130, %multiple_of3A_1125] : memref<4x5120xf32, #tpu.memory_space<vmem>> -> memref<1x128xf32, #tpu.memory_space<vmem>>
        %dma_wait3A_1139 = tpu.memref_squeeze %dma_wait3A_1138 : memref<1x128xf32, #tpu.memory_space<vmem>> -> memref<128xf32, #tpu.memory_space<vmem>>
        tpu.wait_dma2 semaphore(%arg19 : memref<!tpu.dma_semaphore, #tpu.memory_space<semaphore_mem>>) src(%dma_wait3A_1139 : memref<128xf32, #tpu.memory_space<vmem>>) dst(%dma_wait3A_1137 : memref<128xf32, #tpu.memory_space<hbm>>)
        %mul3A_1140 = arith.constant 128 : i32
        %mul3A_1141 = arith.muli %scan3A_1072, %mul3A_1140 : i32
        %add3A_1142 = arith.addi %reduce_sum3A_607, %mul3A_1141 : i32
        %multiple_of3A_1143 = tpu.assume_multiple %add3A_1142, 128 : i32
        %mul3A_1144 = arith.constant 128 : i32
        %mul3A_1145 = arith.muli %scan3A_1072, %mul3A_1144 : i32
        %add3A_1146 = arith.addi %reduce_sum3A_694, %mul3A_1145 : i32
        %multiple_of3A_1147 = tpu.assume_multiple %add3A_1146, 128 : i32
        %dma_wait3A_1148 = arith.constant 2 : i32
        %dma_wait3A_1149 = arith.constant 2 : i32
        %dma_wait3A_1150 = tpu.memref_slice %arg18[%dma_wait3A_1148, %multiple_of3A_1143] : memref<4x5120xf32, #tpu.memory_space<vmem>> -> memref<1x128xf32, #tpu.memory_space<vmem>>
        %dma_wait3A_1151 = tpu.memref_squeeze %dma_wait3A_1150 : memref<1x128xf32, #tpu.memory_space<vmem>> -> memref<128xf32, #tpu.memory_space<vmem>>
        %dma_wait3A_1152 = tpu.memref_slice %arg6[%dma_wait3A_1149, %multiple_of3A_1147] : memref<4x180224xf32, #tpu.memory_space<hbm>> -> memref<1x128xf32, #tpu.memory_space<hbm>>
        %dma_wait3A_1153 = tpu.memref_squeeze %dma_wait3A_1152 : memref<1x128xf32, #tpu.memory_space<hbm>> -> memref<128xf32, #tpu.memory_space<hbm>>
        %dma_wait3A_1154 = tpu.memref_slice %arg6[%dma_wait3A_1149, %multiple_of3A_1147] : memref<4x180224xf32, #tpu.memory_space<hbm>> -> memref<1x128xf32, #tpu.memory_space<hbm>>
        %dma_wait3A_1155 = tpu.memref_squeeze %dma_wait3A_1154 : memref<1x128xf32, #tpu.memory_space<hbm>> -> memref<128xf32, #tpu.memory_space<hbm>>
        %dma_wait3A_1156 = tpu.memref_slice %arg18[%dma_wait3A_1148, %multiple_of3A_1143] : memref<4x5120xf32, #tpu.memory_space<vmem>> -> memref<1x128xf32, #tpu.memory_space<vmem>>
        %dma_wait3A_1157 = tpu.memref_squeeze %dma_wait3A_1156 : memref<1x128xf32, #tpu.memory_space<vmem>> -> memref<128xf32, #tpu.memory_space<vmem>>
        tpu.wait_dma2 semaphore(%arg19 : memref<!tpu.dma_semaphore, #tpu.memory_space<semaphore_mem>>) src(%dma_wait3A_1157 : memref<128xf32, #tpu.memory_space<vmem>>) dst(%dma_wait3A_1155 : memref<128xf32, #tpu.memory_space<hbm>>)
        %mul3A_1158 = arith.constant 128 : i32
        %mul3A_1159 = arith.muli %scan3A_1072, %mul3A_1158 : i32
        %add3A_1160 = arith.addi %reduce_sum3A_607, %mul3A_1159 : i32
        %multiple_of3A_1161 = tpu.assume_multiple %add3A_1160, 128 : i32
        %mul3A_1162 = arith.constant 128 : i32
        %mul3A_1163 = arith.muli %scan3A_1072, %mul3A_1162 : i32
        %add3A_1164 = arith.addi %reduce_sum3A_694, %mul3A_1163 : i32
        %multiple_of3A_1165 = tpu.assume_multiple %add3A_1164, 128 : i32
        %dma_wait3A_1166 = arith.constant 3 : i32
        %dma_wait3A_1167 = arith.constant 3 : i32
        %dma_wait3A_1168 = tpu.memref_slice %arg18[%dma_wait3A_1166, %multiple_of3A_1161] : memref<4x5120xf32, #tpu.memory_space<vmem>> -> memref<1x128xf32, #tpu.memory_space<vmem>>
        %dma_wait3A_1169 = tpu.memref_squeeze %dma_wait3A_1168 : memref<1x128xf32, #tpu.memory_space<vmem>> -> memref<128xf32, #tpu.memory_space<vmem>>
        %dma_wait3A_1170 = tpu.memref_slice %arg6[%dma_wait3A_1167, %multiple_of3A_1165] : memref<4x180224xf32, #tpu.memory_space<hbm>> -> memref<1x128xf32, #tpu.memory_space<hbm>>
        %dma_wait3A_1171 = tpu.memref_squeeze %dma_wait3A_1170 : memref<1x128xf32, #tpu.memory_space<hbm>> -> memref<128xf32, #tpu.memory_space<hbm>>
        %dma_wait3A_1172 = tpu.memref_slice %arg6[%dma_wait3A_1167, %multiple_of3A_1165] : memref<4x180224xf32, #tpu.memory_space<hbm>> -> memref<1x128xf32, #tpu.memory_space<hbm>>
        %dma_wait3A_1173 = tpu.memref_squeeze %dma_wait3A_1172 : memref<1x128xf32, #tpu.memory_space<hbm>> -> memref<128xf32, #tpu.memory_space<hbm>>
        %dma_wait3A_1174 = tpu.memref_slice %arg18[%dma_wait3A_1166, %multiple_of3A_1161] : memref<4x5120xf32, #tpu.memory_space<vmem>> -> memref<1x128xf32, #tpu.memory_space<vmem>>
        %dma_wait3A_1175 = tpu.memref_squeeze %dma_wait3A_1174 : memref<1x128xf32, #tpu.memory_space<vmem>> -> memref<128xf32, #tpu.memory_space<vmem>>
        tpu.wait_dma2 semaphore(%arg19 : memref<!tpu.dma_semaphore, #tpu.memory_space<semaphore_mem>>) src(%dma_wait3A_1175 : memref<128xf32, #tpu.memory_space<vmem>>) dst(%dma_wait3A_1173 : memref<128xf32, #tpu.memory_space<hbm>>)
      } else {
      }
      %lt3A_1101 = arith.cmpi slt, %scan3A_1072, %reduce_sum3A_1057 : i32
      %convert_element_type3A_1102 = arith.extui %lt3A_1101 : i1 to i32
      %cond3A_1103 = arith.constant 0 : i32
      %cond3A_1104 = arith.cmpi ne, %convert_element_type3A_1102, %cond3A_1103 : i32
      scf.if %cond3A_1104 {
        %mul3A_1106 = arith.constant 128 : i32
        %mul3A_1107 = arith.muli %scan3A_1072, %mul3A_1106 : i32
        %add3A_1108 = arith.addi %reduce_sum3A_617, %mul3A_1107 : i32
        %multiple_of3A = tpu.assume_multiple %add3A_1108, 128 : i32
        %mul3A_1109 = arith.constant 128 : i32
        %mul3A_1110 = arith.muli %scan3A_1072, %mul3A_1109 : i32
        %add3A_1111 = arith.addi %reduce_sum3A_705, %mul3A_1110 : i32
        %multiple_of3A_1112 = tpu.assume_multiple %add3A_1111, 128 : i32
        %dma_wait3A = arith.constant 0 : i32
        %dma_wait3A_1113 = arith.constant 0 : i32
        %dma_wait3A_1114 = tpu.memref_slice %arg18[%dma_wait3A, %multiple_of3A] : memref<4x5120xf32, #tpu.memory_space<vmem>> -> memref<1x128xf32, #tpu.memory_space<vmem>>
        %dma_wait3A_1115 = tpu.memref_squeeze %dma_wait3A_1114 : memref<1x128xf32, #tpu.memory_space<vmem>> -> memref<128xf32, #tpu.memory_space<vmem>>
        %dma_wait3A_1116 = tpu.memref_slice %arg6[%dma_wait3A_1113, %multiple_of3A_1112] : memref<4x180224xf32, #tpu.memory_space<hbm>> -> memref<1x128xf32, #tpu.memory_space<hbm>>
        %dma_wait3A_1117 = tpu.memref_squeeze %dma_wait3A_1116 : memref<1x128xf32, #tpu.memory_space<hbm>> -> memref<128xf32, #tpu.memory_space<hbm>>
        %dma_wait3A_1118 = tpu.memref_slice %arg6[%dma_wait3A_1113, %multiple_of3A_1112] : memref<4x180224xf32, #tpu.memory_space<hbm>> -> memref<1x128xf32, #tpu.memory_space<hbm>>
        %dma_wait3A_1119 = tpu.memref_squeeze %dma_wait3A_1118 : memref<1x128xf32, #tpu.memory_space<hbm>> -> memref<128xf32, #tpu.memory_space<hbm>>
        %dma_wait3A_1120 = tpu.memref_slice %arg18[%dma_wait3A, %multiple_of3A] : memref<4x5120xf32, #tpu.memory_space<vmem>> -> memref<1x128xf32, #tpu.memory_space<vmem>>
        %dma_wait3A_1121 = tpu.memref_squeeze %dma_wait3A_1120 : memref<1x128xf32, #tpu.memory_space<vmem>> -> memref<128xf32, #tpu.memory_space<vmem>>
        tpu.wait_dma2 semaphore(%arg19 : memref<!tpu.dma_semaphore, #tpu.memory_space<semaphore_mem>>) src(%dma_wait3A_1121 : memref<128xf32, #tpu.memory_space<vmem>>) dst(%dma_wait3A_1119 : memref<128xf32, #tpu.memory_space<hbm>>)
        %mul3A_1122 = arith.constant 128 : i32
        %mul3A_1123 = arith.muli %scan3A_1072, %mul3A_1122 : i32
        %add3A_1124 = arith.addi %reduce_sum3A_617, %mul3A_1123 : i32
        %multiple_of3A_1125 = tpu.assume_multiple %add3A_1124, 128 : i32
        %mul3A_1126 = arith.constant 128 : i32
        %mul3A_1127 = arith.muli %scan3A_1072, %mul3A_1126 : i32
        %add3A_1128 = arith.addi %reduce_sum3A_705, %mul3A_1127 : i32
        %multiple_of3A_1129 = tpu.assume_multiple %add3A_1128, 128 : i32
        %dma_wait3A_1130 = arith.constant 1 : i32
        %dma_wait3A_1131 = arith.constant 1 : i32
        %dma_wait3A_1132 = tpu.memref_slice %arg18[%dma_wait3A_1130, %multiple_of3A_1125] : memref<4x5120xf32, #tpu.memory_space<vmem>> -> memref<1x128xf32, #tpu.memory_space<vmem>>
        %dma_wait3A_1133 = tpu.memref_squeeze %dma_wait3A_1132 : memref<1x128xf32, #tpu.memory_space<vmem>> -> memref<128xf32, #tpu.memory_space<vmem>>
        %dma_wait3A_1134 = tpu.memref_slice %arg6[%dma_wait3A_1131, %multiple_of3A_1129] : memref<4x180224xf32, #tpu.memory_space<hbm>> -> memref<1x128xf32, #tpu.memory_space<hbm>>
        %dma_wait3A_1135 = tpu.memref_squeeze %dma_wait3A_1134 : memref<1x128xf32, #tpu.memory_space<hbm>> -> memref<128xf32, #tpu.memory_space<hbm>>
        %dma_wait3A_1136 = tpu.memref_slice %arg6[%dma_wait3A_1131, %multiple_of3A_1129] : memref<4x180224xf32, #tpu.memory_space<hbm>> -> memref<1x128xf32, #tpu.memory_space<hbm>>
        %dma_wait3A_1137 = tpu.memref_squeeze %dma_wait3A_1136 : memref<1x128xf32, #tpu.memory_space<hbm>> -> memref<128xf32, #tpu.memory_space<hbm>>
        %dma_wait3A_1138 = tpu.memref_slice %arg18[%dma_wait3A_1130, %multiple_of3A_1125] : memref<4x5120xf32, #tpu.memory_space<vmem>> -> memref<1x128xf32, #tpu.memory_space<vmem>>
        %dma_wait3A_1139 = tpu.memref_squeeze %dma_wait3A_1138 : memref<1x128xf32, #tpu.memory_space<vmem>> -> memref<128xf32, #tpu.memory_space<vmem>>
        tpu.wait_dma2 semaphore(%arg19 : memref<!tpu.dma_semaphore, #tpu.memory_space<semaphore_mem>>) src(%dma_wait3A_1139 : memref<128xf32, #tpu.memory_space<vmem>>) dst(%dma_wait3A_1137 : memref<128xf32, #tpu.memory_space<hbm>>)
        %mul3A_1140 = arith.constant 128 : i32
        %mul3A_1141 = arith.muli %scan3A_1072, %mul3A_1140 : i32
        %add3A_1142 = arith.addi %reduce_sum3A_617, %mul3A_1141 : i32
        %multiple_of3A_1143 = tpu.assume_multiple %add3A_1142, 128 : i32
        %mul3A_1144 = arith.constant 128 : i32
        %mul3A_1145 = arith.muli %scan3A_1072, %mul3A_1144 : i32
        %add3A_1146 = arith.addi %reduce_sum3A_705, %mul3A_1145 : i32
        %multiple_of3A_1147 = tpu.assume_multiple %add3A_1146, 128 : i32
        %dma_wait3A_1148 = arith.constant 2 : i32
        %dma_wait3A_1149 = arith.constant 2 : i32
        %dma_wait3A_1150 = tpu.memref_slice %arg18[%dma_wait3A_1148, %multiple_of3A_1143] : memref<4x5120xf32, #tpu.memory_space<vmem>> -> memref<1x128xf32, #tpu.memory_space<vmem>>
        %dma_wait3A_1151 = tpu.memref_squeeze %dma_wait3A_1150 : memref<1x128xf32, #tpu.memory_space<vmem>> -> memref<128xf32, #tpu.memory_space<vmem>>
        %dma_wait3A_1152 = tpu.memref_slice %arg6[%dma_wait3A_1149, %multiple_of3A_1147] : memref<4x180224xf32, #tpu.memory_space<hbm>> -> memref<1x128xf32, #tpu.memory_space<hbm>>
        %dma_wait3A_1153 = tpu.memref_squeeze %dma_wait3A_1152 : memref<1x128xf32, #tpu.memory_space<hbm>> -> memref<128xf32, #tpu.memory_space<hbm>>
        %dma_wait3A_1154 = tpu.memref_slice %arg6[%dma_wait3A_1149, %multiple_of3A_1147] : memref<4x180224xf32, #tpu.memory_space<hbm>> -> memref<1x128xf32, #tpu.memory_space<hbm>>
        %dma_wait3A_1155 = tpu.memref_squeeze %dma_wait3A_1154 : memref<1x128xf32, #tpu.memory_space<hbm>> -> memref<128xf32, #tpu.memory_space<hbm>>
        %dma_wait3A_1156 = tpu.memref_slice %arg18[%dma_wait3A_1148, %multiple_of3A_1143] : memref<4x5120xf32, #tpu.memory_space<vmem>> -> memref<1x128xf32, #tpu.memory_space<vmem>>
        %dma_wait3A_1157 = tpu.memref_squeeze %dma_wait3A_1156 : memref<1x128xf32, #tpu.memory_space<vmem>> -> memref<128xf32, #tpu.memory_space<vmem>>
        tpu.wait_dma2 semaphore(%arg19 : memref<!tpu.dma_semaphore, #tpu.memory_space<semaphore_mem>>) src(%dma_wait3A_1157 : memref<128xf32, #tpu.memory_space<vmem>>) dst(%dma_wait3A_1155 : memref<128xf32, #tpu.memory_space<hbm>>)
        %mul3A_1158 = arith.constant 128 : i32
        %mul3A_1159 = arith.muli %scan3A_1072, %mul3A_1158 : i32
        %add3A_1160 = arith.addi %reduce_sum3A_617, %mul3A_1159 : i32
        %multiple_of3A_1161 = tpu.assume_multiple %add3A_1160, 128 : i32
        %mul3A_1162 = arith.constant 128 : i32
        %mul3A_1163 = arith.muli %scan3A_1072, %mul3A_1162 : i32
        %add3A_1164 = arith.addi %reduce_sum3A_705, %mul3A_1163 : i32
        %multiple_of3A_1165 = tpu.assume_multiple %add3A_1164, 128 : i32
        %dma_wait3A_1166 = arith.constant 3 : i32
        %dma_wait3A_1167 = arith.constant 3 : i32
        %dma_wait3A_1168 = tpu.memref_slice %arg18[%dma_wait3A_1166, %multiple_of3A_1161] : memref<4x5120xf32, #tpu.memory_space<vmem>> -> memref<1x128xf32, #tpu.memory_space<vmem>>
        %dma_wait3A_1169 = tpu.memref_squeeze %dma_wait3A_1168 : memref<1x128xf32, #tpu.memory_space<vmem>> -> memref<128xf32, #tpu.memory_space<vmem>>
        %dma_wait3A_1170 = tpu.memref_slice %arg6[%dma_wait3A_1167, %multiple_of3A_1165] : memref<4x180224xf32, #tpu.memory_space<hbm>> -> memref<1x128xf32, #tpu.memory_space<hbm>>
        %dma_wait3A_1171 = tpu.memref_squeeze %dma_wait3A_1170 : memref<1x128xf32, #tpu.memory_space<hbm>> -> memref<128xf32, #tpu.memory_space<hbm>>
        %dma_wait3A_1172 = tpu.memref_slice %arg6[%dma_wait3A_1167, %multiple_of3A_1165] : memref<4x180224xf32, #tpu.memory_space<hbm>> -> memref<1x128xf32, #tpu.memory_space<hbm>>
        %dma_wait3A_1173 = tpu.memref_squeeze %dma_wait3A_1172 : memref<1x128xf32, #tpu.memory_space<hbm>> -> memref<128xf32, #tpu.memory_space<hbm>>
        %dma_wait3A_1174 = tpu.memref_slice %arg18[%dma_wait3A_1166, %multiple_of3A_1161] : memref<4x5120xf32, #tpu.memory_space<vmem>> -> memref<1x128xf32, #tpu.memory_space<vmem>>
        %dma_wait3A_1175 = tpu.memref_squeeze %dma_wait3A_1174 : memref<1x128xf32, #tpu.memory_space<vmem>> -> memref<128xf32, #tpu.memory_space<vmem>>
        tpu.wait_dma2 semaphore(%arg19 : memref<!tpu.dma_semaphore, #tpu.memory_space<semaphore_mem>>) src(%dma_wait3A_1175 : memref<128xf32, #tpu.memory_space<vmem>>) dst(%dma_wait3A_1173 : memref<128xf32, #tpu.memory_space<hbm>>)
      } else {
      }
      %scan3A_1105 = arith.constant 0 : i32
      scf.yield %scan3A_1105 : i32
    }
    %scan3A_1071 = arith.constant 32 : i32
    return
  }
}

#map = affine_map<(d0, d1) -> (0)>
#map1 = affine_map<(d0, d1) -> (0, 0)>
module attributes {stable_mosaic.version = 14 : i64} {
  func.func @_sc_route(%arg0: i32, %arg1: i32, %arg2: memref<393216xf32, #tpu.memory_space<hbm>>, %arg3: memref<32x128xi32, #tpu.memory_space<hbm>>, %arg4: memref<32x16xi32, #tpu.memory_space<hbm>>, %arg5: memref<32x4096xi32, #tpu.memory_space<hbm>>, %arg6: memref<12288xf32, #tpu.memory_space<vmem>>, %arg7: memref<4096xi32, #tpu.memory_space<vmem>>, %arg8: memref<128xi32, #tpu.memory_space<vmem>>, %arg9: memref<16xi32, #tpu.memory_space<vmem>>) attributes {dimension_semantics = [#tpu.dimension_semantics<core_parallel>, #tpu.dimension_semantics<subcore_parallel>], iteration_bounds = array<i64: 2, 16>, scalar_prefetch = 0 : i64, scratch_operands = 4 : i64, tpu.core_type = #tpu.core_type<sc_vector_subcore>, window_params = [{transform_indices = #map}, {transform_indices = #map1}, {transform_indices = #map1}, {transform_indices = #map1}]} {
    %mul3A = arith.constant 2 : i32
    %mul3A_0 = arith.muli %arg1, %mul3A : i32
    %add3A = arith.addi %mul3A_0, %arg0 : i32
    %mul3A_1 = arith.constant 3 : i32
    %mul3A_2 = arith.muli %add3A, %mul3A_1 : i32
    %mul3A_3 = arith.constant 4096 : i32
    %mul3A_4 = arith.muli %mul3A_2, %mul3A_3 : i32
    "tpu.region"() ({
      %run_scoped3A = tpu.sem_alloc : memref<!tpu.dma_semaphore, #tpu.memory_space<semaphore_mem>>
      %dma_start3A = tpu.memref_slice %arg2[%mul3A_4] : memref<393216xf32, #tpu.memory_space<hbm>> -> memref<12288xf32, #tpu.memory_space<hbm>>
      %dma_start3A_120 = tpu.memref_slice %arg2[%mul3A_4] : memref<393216xf32, #tpu.memory_space<hbm>> -> memref<12288xf32, #tpu.memory_space<hbm>>
      tpu.enqueue_dma source(%dma_start3A_120 : memref<12288xf32, #tpu.memory_space<hbm>>) target(%arg6 : memref<12288xf32, #tpu.memory_space<vmem>>) target_semaphore(%run_scoped3A : memref<!tpu.dma_semaphore, #tpu.memory_space<semaphore_mem>>)
      %dma_wait3A = tpu.memref_slice %arg2[%mul3A_4] : memref<393216xf32, #tpu.memory_space<hbm>> -> memref<12288xf32, #tpu.memory_space<hbm>>
      %dma_wait3A_121 = tpu.memref_slice %arg2[%mul3A_4] : memref<393216xf32, #tpu.memory_space<hbm>> -> memref<12288xf32, #tpu.memory_space<hbm>>
      tpu.wait_dma2 semaphore(%run_scoped3A : memref<!tpu.dma_semaphore, #tpu.memory_space<semaphore_mem>>) src(%dma_wait3A_121 : memref<12288xf32, #tpu.memory_space<hbm>>) dst(%arg6 : memref<12288xf32, #tpu.memory_space<vmem>>)
      tpu.yield
    }) : () -> ()
    %iota3A = tpu.iota {dimensions = array<i32: 0>} : vector<16xi32>
    %broadcast_in_dim3A = arith.constant 0 : i32
    %broadcast_in_dim3A_5 = vector.broadcast %broadcast_in_dim3A : i32 to vector<16xi32>
    %scan3A = arith.constant 0 : i32
    %scan3A_6 = arith.constant 256 : i32
    %scan3A_7 = arith.addi %scan3A, %scan3A_6 : i32
    %scan3A_8 = arith.constant 1 : i32
    %scan3A_9:8 = scf.for %scan3A_120 = %scan3A to %scan3A_7 step %scan3A_8 iter_args(%scan3A_121 = %broadcast_in_dim3A_5, %scan3A_122 = %broadcast_in_dim3A_5, %scan3A_123 = %broadcast_in_dim3A_5, %scan3A_124 = %broadcast_in_dim3A_5, %scan3A_125 = %broadcast_in_dim3A_5, %scan3A_126 = %broadcast_in_dim3A_5, %scan3A_127 = %broadcast_in_dim3A_5, %scan3A_128 = %broadcast_in_dim3A_5) -> (vector<16xi32>, vector<16xi32>, vector<16xi32>, vector<16xi32>, vector<16xi32>, vector<16xi32>, vector<16xi32>, vector<16xi32>)  : i32 {
      %mul3A_129 = arith.constant 16 : i32
      %mul3A_130 = arith.muli %scan3A_120, %mul3A_129 : i32
      %add3A_131 = vector.broadcast %mul3A_130 : i32 to vector<16xi32>
      %add3A_132 = arith.addi %add3A_131, %iota3A : vector<16xi32>
      %mul3A_133 = arith.constant 3 : i32
      %mul3A_134 = vector.broadcast %mul3A_133 : i32 to vector<16xi32>
      %mul3A_135 = arith.muli %add3A_132, %mul3A_134 : vector<16xi32>
      %gather3A = tpu.vector_load_idx %arg6[%mul3A_135] : memref<12288xf32, #tpu.memory_space<vmem>>[vector<16xi32>], vector<16xf32>,
      %add3A_136 = arith.constant 1 : i32
      %add3A_137 = vector.broadcast %add3A_136 : i32 to vector<16xi32>
      %add3A_138 = arith.addi %mul3A_135, %add3A_137 : vector<16xi32>
      %gather3A_139 = tpu.vector_load_idx %arg6[%add3A_138] : memref<12288xf32, #tpu.memory_space<vmem>>[vector<16xi32>], vector<16xf32>,
      %add3A_140 = arith.constant 2 : i32
      %add3A_141 = vector.broadcast %add3A_140 : i32 to vector<16xi32>
      %add3A_142 = arith.addi %mul3A_135, %add3A_141 : vector<16xi32>
      %gather3A_143 = tpu.vector_load_idx %arg6[%add3A_142] : memref<12288xf32, #tpu.memory_space<vmem>>[vector<16xi32>], vector<16xf32>,
      %add3A_144 = arith.constant 1.000000e+00 : f32
      %add3A_145 = vector.broadcast %add3A_144 : f32 to vector<16xf32>
      %add3A_146 = arith.addf %gather3A, %add3A_145 : vector<16xf32>
      %ge3A = arith.constant 1.000000e+00 : f32
      %ge3A_147 = vector.broadcast %ge3A : f32 to vector<16xf32>
      %ge3A_148 = arith.cmpf oge, %add3A_146, %ge3A_147 : vector<16xf32>
      %convert_element_type3A = arith.extui %ge3A_148 : vector<16xi1> to vector<16xi32>
      %add3A_149 = arith.constant 1.000000e+00 : f32
      %add3A_150 = vector.broadcast %add3A_149 : f32 to vector<16xf32>
      %add3A_151 = arith.addf %gather3A_139, %add3A_150 : vector<16xf32>
      %ge3A_152 = arith.constant 1.000000e+00 : f32
      %ge3A_153 = vector.broadcast %ge3A_152 : f32 to vector<16xf32>
      %ge3A_154 = arith.cmpf oge, %add3A_151, %ge3A_153 : vector<16xf32>
      %convert_element_type3A_155 = arith.extui %ge3A_154 : vector<16xi1> to vector<16xi32>
      %add3A_156 = arith.constant 1.000000e+00 : f32
      %add3A_157 = vector.broadcast %add3A_156 : f32 to vector<16xf32>
      %add3A_158 = arith.addf %gather3A_143, %add3A_157 : vector<16xf32>
      %ge3A_159 = arith.constant 1.000000e+00 : f32
      %ge3A_160 = vector.broadcast %ge3A_159 : f32 to vector<16xf32>
      %ge3A_161 = arith.cmpf oge, %add3A_158, %ge3A_160 : vector<16xf32>
      %convert_element_type3A_162 = arith.extui %ge3A_161 : vector<16xi1> to vector<16xi32>
      %mul3A_163 = arith.constant 2 : i32
      %mul3A_164 = vector.broadcast %mul3A_163 : i32 to vector<16xi32>
      %mul3A_165 = arith.muli %mul3A_164, %convert_element_type3A_155 : vector<16xi32>
      %add3A_166 = arith.addi %convert_element_type3A_162, %mul3A_165 : vector<16xi32>
      %mul3A_167 = arith.constant 4 : i32
      %mul3A_168 = vector.broadcast %mul3A_167 : i32 to vector<16xi32>
      %mul3A_169 = arith.muli %mul3A_168, %convert_element_type3A : vector<16xi32>
      %add3A_170 = arith.addi %add3A_166, %mul3A_169 : vector<16xi32>
      %mul3A_171 = arith.constant 16 : i32
      %mul3A_172 = arith.muli %scan3A_120, %mul3A_171 : i32
      %swap3A_173 = arith.index_cast %mul3A_172 : i32 to index
      %swap3A_174 = tpu.vector_load %arg7[%swap3A_173] {strides = array<i32>} : memref<4096xi32, #tpu.memory_space<vmem>>, vector<16xi32>,
      tpu.vector_store %arg7[%swap3A_173], %add3A_170 {strides = array<i32>} : memref<4096xi32, #tpu.memory_space<vmem>>, vector<16xi32>,
      %eq3A_175 = arith.constant 0 : i32
      %eq3A_176 = vector.broadcast %eq3A_175 : i32 to vector<16xi32>
      %eq3A_177 = arith.cmpi eq, %add3A_170, %eq3A_176 : vector<16xi32>
      %convert_element_type3A_178 = arith.extui %eq3A_177 : vector<16xi1> to vector<16xi32>
      %add3A_179 = arith.addi %scan3A_121, %convert_element_type3A_178 : vector<16xi32>
      %eq3A_180 = arith.constant 1 : i32
      %eq3A_181 = vector.broadcast %eq3A_180 : i32 to vector<16xi32>
      %eq3A_182 = arith.cmpi eq, %add3A_170, %eq3A_181 : vector<16xi32>
      %convert_element_type3A_183 = arith.extui %eq3A_182 : vector<16xi1> to vector<16xi32>
      %add3A_184 = arith.addi %scan3A_122, %convert_element_type3A_183 : vector<16xi32>
      %eq3A_185 = arith.constant 2 : i32
      %eq3A_186 = vector.broadcast %eq3A_185 : i32 to vector<16xi32>
      %eq3A_187 = arith.cmpi eq, %add3A_170, %eq3A_186 : vector<16xi32>
      %convert_element_type3A_188 = arith.extui %eq3A_187 : vector<16xi1> to vector<16xi32>
      %add3A_189 = arith.addi %scan3A_123, %convert_element_type3A_188 : vector<16xi32>
      %eq3A_190 = arith.constant 3 : i32
      %eq3A_191 = vector.broadcast %eq3A_190 : i32 to vector<16xi32>
      %eq3A_192 = arith.cmpi eq, %add3A_170, %eq3A_191 : vector<16xi32>
      %convert_element_type3A_193 = arith.extui %eq3A_192 : vector<16xi1> to vector<16xi32>
      %add3A_194 = arith.addi %scan3A_124, %convert_element_type3A_193 : vector<16xi32>
      %eq3A_195 = arith.constant 4 : i32
      %eq3A_196 = vector.broadcast %eq3A_195 : i32 to vector<16xi32>
      %eq3A_197 = arith.cmpi eq, %add3A_170, %eq3A_196 : vector<16xi32>
      %convert_element_type3A_198 = arith.extui %eq3A_197 : vector<16xi1> to vector<16xi32>
      %add3A_199 = arith.addi %scan3A_125, %convert_element_type3A_198 : vector<16xi32>
      %eq3A_200 = arith.constant 5 : i32
      %eq3A_201 = vector.broadcast %eq3A_200 : i32 to vector<16xi32>
      %eq3A_202 = arith.cmpi eq, %add3A_170, %eq3A_201 : vector<16xi32>
      %convert_element_type3A_203 = arith.extui %eq3A_202 : vector<16xi1> to vector<16xi32>
      %add3A_204 = arith.addi %scan3A_126, %convert_element_type3A_203 : vector<16xi32>
      %eq3A_205 = arith.constant 6 : i32
      %eq3A_206 = vector.broadcast %eq3A_205 : i32 to vector<16xi32>
      %eq3A_207 = arith.cmpi eq, %add3A_170, %eq3A_206 : vector<16xi32>
      %convert_element_type3A_208 = arith.extui %eq3A_207 : vector<16xi1> to vector<16xi32>
      %add3A_209 = arith.addi %scan3A_127, %convert_element_type3A_208 : vector<16xi32>
      %eq3A_210 = arith.constant 7 : i32
      %eq3A_211 = vector.broadcast %eq3A_210 : i32 to vector<16xi32>
      %eq3A_212 = arith.cmpi eq, %add3A_170, %eq3A_211 : vector<16xi32>
      %convert_element_type3A_213 = arith.extui %eq3A_212 : vector<16xi1> to vector<16xi32>
      %add3A_214 = arith.addi %scan3A_128, %convert_element_type3A_213 : vector<16xi32>
      scf.yield %add3A_179, %add3A_184, %add3A_189, %add3A_194, %add3A_199, %add3A_204, %add3A_209, %add3A_214 : vector<16xi32>, vector<16xi32>, vector<16xi32>, vector<16xi32>, vector<16xi32>, vector<16xi32>, vector<16xi32>, vector<16xi32>
    }
    %scan3A_10 = arith.constant 256 : i32
    %swap3A = arith.constant 0 : index
    %swap3A_11 = tpu.vector_load %arg8[%swap3A] {strides = array<i32>} : memref<128xi32, #tpu.memory_space<vmem>>, vector<16xi32>,
    tpu.vector_store %arg8[%swap3A], %scan3A_9#0 {strides = array<i32>} : memref<128xi32, #tpu.memory_space<vmem>>, vector<16xi32>,
    %eq3A = arith.constant 0 : i32
    %eq3A_12 = vector.broadcast %eq3A : i32 to vector<16xi32>
    %eq3A_13 = arith.cmpi eq, %iota3A, %eq3A_12 : vector<16xi32>
    %reduce_sum3A = arith.constant true
    %reduce_sum3A_14 = vector.broadcast %reduce_sum3A : i1 to vector<16xi1>
    %reduce_sum3A_15 = tpu.scan <sum>, %scan3A_9#0 masked %reduce_sum3A_14 : vector<16xi32>, vector<16xi1> -> vector<16xi32>
    %reduce_sum3A_16 = vector.extract %reduce_sum3A_15[15] : i32 from vector<16xi32>
    %jit3A = arith.constant 0 : i32
    %broadcast_in_dim3A_17 = vector.broadcast %reduce_sum3A_16 : i32 to vector<16xi32>
    %broadcast_in_dim3A_18 = vector.broadcast %jit3A : i32 to vector<16xi32>
    %select_n3A = arith.select %eq3A_13, %broadcast_in_dim3A_17, %broadcast_in_dim3A_18 : vector<16xi1>, vector<16xi32>
    %add3A_19 = arith.addi %broadcast_in_dim3A_5, %select_n3A : vector<16xi32>
    %swap3A_20 = arith.constant 16 : index
    %swap3A_21 = tpu.vector_load %arg8[%swap3A_20] {strides = array<i32>} : memref<128xi32, #tpu.memory_space<vmem>>, vector<16xi32>,
    tpu.vector_store %arg8[%swap3A_20], %scan3A_9#1 {strides = array<i32>} : memref<128xi32, #tpu.memory_space<vmem>>, vector<16xi32>,
    %eq3A_22 = arith.constant 1 : i32
    %eq3A_23 = vector.broadcast %eq3A_22 : i32 to vector<16xi32>
    %eq3A_24 = arith.cmpi eq, %iota3A, %eq3A_23 : vector<16xi32>
    %reduce_sum3A_25 = arith.constant true
    %reduce_sum3A_26 = vector.broadcast %reduce_sum3A_25 : i1 to vector<16xi1>
    %reduce_sum3A_27 = tpu.scan <sum>, %scan3A_9#1 masked %reduce_sum3A_26 : vector<16xi32>, vector<16xi1> -> vector<16xi32>
    %reduce_sum3A_28 = vector.extract %reduce_sum3A_27[15] : i32 from vector<16xi32>
    %jit3A_29 = arith.constant 0 : i32
    %broadcast_in_dim3A_30 = vector.broadcast %reduce_sum3A_28 : i32 to vector<16xi32>
    %broadcast_in_dim3A_31 = vector.broadcast %jit3A_29 : i32 to vector<16xi32>
    %select_n3A_32 = arith.select %eq3A_24, %broadcast_in_dim3A_30, %broadcast_in_dim3A_31 : vector<16xi1>, vector<16xi32>
    %add3A_33 = arith.addi %add3A_19, %select_n3A_32 : vector<16xi32>
    %swap3A_34 = arith.constant 32 : index
    %swap3A_35 = tpu.vector_load %arg8[%swap3A_34] {strides = array<i32>} : memref<128xi32, #tpu.memory_space<vmem>>, vector<16xi32>,
    tpu.vector_store %arg8[%swap3A_34], %scan3A_9#2 {strides = array<i32>} : memref<128xi32, #tpu.memory_space<vmem>>, vector<16xi32>,
    %eq3A_36 = arith.constant 2 : i32
    %eq3A_37 = vector.broadcast %eq3A_36 : i32 to vector<16xi32>
    %eq3A_38 = arith.cmpi eq, %iota3A, %eq3A_37 : vector<16xi32>
    %reduce_sum3A_39 = arith.constant true
    %reduce_sum3A_40 = vector.broadcast %reduce_sum3A_39 : i1 to vector<16xi1>
    %reduce_sum3A_41 = tpu.scan <sum>, %scan3A_9#2 masked %reduce_sum3A_40 : vector<16xi32>, vector<16xi1> -> vector<16xi32>
    %reduce_sum3A_42 = vector.extract %reduce_sum3A_41[15] : i32 from vector<16xi32>
    %jit3A_43 = arith.constant 0 : i32
    %broadcast_in_dim3A_44 = vector.broadcast %reduce_sum3A_42 : i32 to vector<16xi32>
    %broadcast_in_dim3A_45 = vector.broadcast %jit3A_43 : i32 to vector<16xi32>
    %select_n3A_46 = arith.select %eq3A_38, %broadcast_in_dim3A_44, %broadcast_in_dim3A_45 : vector<16xi1>, vector<16xi32>
    %add3A_47 = arith.addi %add3A_33, %select_n3A_46 : vector<16xi32>
    %swap3A_48 = arith.constant 48 : index
    %swap3A_49 = tpu.vector_load %arg8[%swap3A_48] {strides = array<i32>} : memref<128xi32, #tpu.memory_space<vmem>>, vector<16xi32>,
    tpu.vector_store %arg8[%swap3A_48], %scan3A_9#3 {strides = array<i32>} : memref<128xi32, #tpu.memory_space<vmem>>, vector<16xi32>,
    %eq3A_50 = arith.constant 3 : i32
    %eq3A_51 = vector.broadcast %eq3A_50 : i32 to vector<16xi32>
    %eq3A_52 = arith.cmpi eq, %iota3A, %eq3A_51 : vector<16xi32>
    %reduce_sum3A_53 = arith.constant true
    %reduce_sum3A_54 = vector.broadcast %reduce_sum3A_53 : i1 to vector<16xi1>
    %reduce_sum3A_55 = tpu.scan <sum>, %scan3A_9#3 masked %reduce_sum3A_54 : vector<16xi32>, vector<16xi1> -> vector<16xi32>
    %reduce_sum3A_56 = vector.extract %reduce_sum3A_55[15] : i32 from vector<16xi32>
    %jit3A_57 = arith.constant 0 : i32
    %broadcast_in_dim3A_58 = vector.broadcast %reduce_sum3A_56 : i32 to vector<16xi32>
    %broadcast_in_dim3A_59 = vector.broadcast %jit3A_57 : i32 to vector<16xi32>
    %select_n3A_60 = arith.select %eq3A_52, %broadcast_in_dim3A_58, %broadcast_in_dim3A_59 : vector<16xi1>, vector<16xi32>
    %add3A_61 = arith.addi %add3A_47, %select_n3A_60 : vector<16xi32>
    %swap3A_62 = arith.constant 64 : index
    %swap3A_63 = tpu.vector_load %arg8[%swap3A_62] {strides = array<i32>} : memref<128xi32, #tpu.memory_space<vmem>>, vector<16xi32>,
    tpu.vector_store %arg8[%swap3A_62], %scan3A_9#4 {strides = array<i32>} : memref<128xi32, #tpu.memory_space<vmem>>, vector<16xi32>,
    %eq3A_64 = arith.constant 4 : i32
    %eq3A_65 = vector.broadcast %eq3A_64 : i32 to vector<16xi32>
    %eq3A_66 = arith.cmpi eq, %iota3A, %eq3A_65 : vector<16xi32>
    %reduce_sum3A_67 = arith.constant true
    %reduce_sum3A_68 = vector.broadcast %reduce_sum3A_67 : i1 to vector<16xi1>
    %reduce_sum3A_69 = tpu.scan <sum>, %scan3A_9#4 masked %reduce_sum3A_68 : vector<16xi32>, vector<16xi1> -> vector<16xi32>
    %reduce_sum3A_70 = vector.extract %reduce_sum3A_69[15] : i32 from vector<16xi32>
    %jit3A_71 = arith.constant 0 : i32
    %broadcast_in_dim3A_72 = vector.broadcast %reduce_sum3A_70 : i32 to vector<16xi32>
    %broadcast_in_dim3A_73 = vector.broadcast %jit3A_71 : i32 to vector<16xi32>
    %select_n3A_74 = arith.select %eq3A_66, %broadcast_in_dim3A_72, %broadcast_in_dim3A_73 : vector<16xi1>, vector<16xi32>
    %add3A_75 = arith.addi %add3A_61, %select_n3A_74 : vector<16xi32>
    %swap3A_76 = arith.constant 80 : index
    %swap3A_77 = tpu.vector_load %arg8[%swap3A_76] {strides = array<i32>} : memref<128xi32, #tpu.memory_space<vmem>>, vector<16xi32>,
    tpu.vector_store %arg8[%swap3A_76], %scan3A_9#5 {strides = array<i32>} : memref<128xi32, #tpu.memory_space<vmem>>, vector<16xi32>,
    %eq3A_78 = arith.constant 5 : i32
    %eq3A_79 = vector.broadcast %eq3A_78 : i32 to vector<16xi32>
    %eq3A_80 = arith.cmpi eq, %iota3A, %eq3A_79 : vector<16xi32>
    %reduce_sum3A_81 = arith.constant true
    %reduce_sum3A_82 = vector.broadcast %reduce_sum3A_81 : i1 to vector<16xi1>
    %reduce_sum3A_83 = tpu.scan <sum>, %scan3A_9#5 masked %reduce_sum3A_82 : vector<16xi32>, vector<16xi1> -> vector<16xi32>
    %reduce_sum3A_84 = vector.extract %reduce_sum3A_83[15] : i32 from vector<16xi32>
    %jit3A_85 = arith.constant 0 : i32
    %broadcast_in_dim3A_86 = vector.broadcast %reduce_sum3A_84 : i32 to vector<16xi32>
    %broadcast_in_dim3A_87 = vector.broadcast %jit3A_85 : i32 to vector<16xi32>
    %select_n3A_88 = arith.select %eq3A_80, %broadcast_in_dim3A_86, %broadcast_in_dim3A_87 : vector<16xi1>, vector<16xi32>
    %add3A_89 = arith.addi %add3A_75, %select_n3A_88 : vector<16xi32>
    %swap3A_90 = arith.constant 96 : index
    %swap3A_91 = tpu.vector_load %arg8[%swap3A_90] {strides = array<i32>} : memref<128xi32, #tpu.memory_space<vmem>>, vector<16xi32>,
    tpu.vector_store %arg8[%swap3A_90], %scan3A_9#6 {strides = array<i32>} : memref<128xi32, #tpu.memory_space<vmem>>, vector<16xi32>,
    %eq3A_92 = arith.constant 6 : i32
    %eq3A_93 = vector.broadcast %eq3A_92 : i32 to vector<16xi32>
    %eq3A_94 = arith.cmpi eq, %iota3A, %eq3A_93 : vector<16xi32>
    %reduce_sum3A_95 = arith.constant true
    %reduce_sum3A_96 = vector.broadcast %reduce_sum3A_95 : i1 to vector<16xi1>
    %reduce_sum3A_97 = tpu.scan <sum>, %scan3A_9#6 masked %reduce_sum3A_96 : vector<16xi32>, vector<16xi1> -> vector<16xi32>
    %reduce_sum3A_98 = vector.extract %reduce_sum3A_97[15] : i32 from vector<16xi32>
    %jit3A_99 = arith.constant 0 : i32
    %broadcast_in_dim3A_100 = vector.broadcast %reduce_sum3A_98 : i32 to vector<16xi32>
    %broadcast_in_dim3A_101 = vector.broadcast %jit3A_99 : i32 to vector<16xi32>
    %select_n3A_102 = arith.select %eq3A_94, %broadcast_in_dim3A_100, %broadcast_in_dim3A_101 : vector<16xi1>, vector<16xi32>
    %add3A_103 = arith.addi %add3A_89, %select_n3A_102 : vector<16xi32>
    %swap3A_104 = arith.constant 112 : index
    %swap3A_105 = tpu.vector_load %arg8[%swap3A_104] {strides = array<i32>} : memref<128xi32, #tpu.memory_space<vmem>>, vector<16xi32>,
    tpu.vector_store %arg8[%swap3A_104], %scan3A_9#7 {strides = array<i32>} : memref<128xi32, #tpu.memory_space<vmem>>, vector<16xi32>,
    %eq3A_106 = arith.constant 7 : i32
    %eq3A_107 = vector.broadcast %eq3A_106 : i32 to vector<16xi32>
    %eq3A_108 = arith.cmpi eq, %iota3A, %eq3A_107 : vector<16xi32>
    %reduce_sum3A_109 = arith.constant true
    %reduce_sum3A_110 = vector.broadcast %reduce_sum3A_109 : i1 to vector<16xi1>
    %reduce_sum3A_111 = tpu.scan <sum>, %scan3A_9#7 masked %reduce_sum3A_110 : vector<16xi32>, vector<16xi1> -> vector<16xi32>
    %reduce_sum3A_112 = vector.extract %reduce_sum3A_111[15] : i32 from vector<16xi32>
    %jit3A_113 = arith.constant 0 : i32
    %broadcast_in_dim3A_114 = vector.broadcast %reduce_sum3A_112 : i32 to vector<16xi32>
    %broadcast_in_dim3A_115 = vector.broadcast %jit3A_113 : i32 to vector<16xi32>
    %select_n3A_116 = arith.select %eq3A_108, %broadcast_in_dim3A_114, %broadcast_in_dim3A_115 : vector<16xi1>, vector<16xi32>
    %add3A_117 = arith.addi %add3A_103, %select_n3A_116 : vector<16xi32>
    %swap3A_118 = arith.constant 0 : index
    %swap3A_119 = tpu.vector_load %arg9[%swap3A_118] {strides = array<i32>} : memref<16xi32, #tpu.memory_space<vmem>>, vector<16xi32>,
    tpu.vector_store %arg9[%swap3A_118], %add3A_117 {strides = array<i32>} : memref<16xi32, #tpu.memory_space<vmem>>, vector<16xi32>,
    "tpu.region"() ({
      %run_scoped3A = tpu.sem_alloc : memref<!tpu.dma_semaphore, #tpu.memory_space<semaphore_mem>>
      %dma_start3A = arith.constant 0 : i32
      %dma_start3A_120 = tpu.memref_slice %arg5[%add3A, %dma_start3A] : memref<32x4096xi32, #tpu.memory_space<hbm>> -> memref<1x4096xi32, #tpu.memory_space<hbm>>
      %dma_start3A_121 = tpu.memref_squeeze %dma_start3A_120 : memref<1x4096xi32, #tpu.memory_space<hbm>> -> memref<4096xi32, #tpu.memory_space<hbm>>
      %dma_start3A_122 = arith.constant 0 : i32
      %dma_start3A_123 = tpu.memref_slice %arg5[%add3A, %dma_start3A_122] : memref<32x4096xi32, #tpu.memory_space<hbm>> -> memref<1x4096xi32, #tpu.memory_space<hbm>>
      %dma_start3A_124 = tpu.memref_squeeze %dma_start3A_123 : memref<1x4096xi32, #tpu.memory_space<hbm>> -> memref<4096xi32, #tpu.memory_space<hbm>>
      tpu.enqueue_dma source(%arg7 : memref<4096xi32, #tpu.memory_space<vmem>>) target(%dma_start3A_124 : memref<4096xi32, #tpu.memory_space<hbm>>) target_semaphore(%run_scoped3A : memref<!tpu.dma_semaphore, #tpu.memory_space<semaphore_mem>>)
      %dma_wait3A = arith.constant 0 : i32
      %dma_wait3A_125 = tpu.memref_slice %arg5[%add3A, %dma_wait3A] : memref<32x4096xi32, #tpu.memory_space<hbm>> -> memref<1x4096xi32, #tpu.memory_space<hbm>>
      %dma_wait3A_126 = tpu.memref_squeeze %dma_wait3A_125 : memref<1x4096xi32, #tpu.memory_space<hbm>> -> memref<4096xi32, #tpu.memory_space<hbm>>
      %dma_wait3A_127 = arith.constant 0 : i32
      %dma_wait3A_128 = tpu.memref_slice %arg5[%add3A, %dma_wait3A_127] : memref<32x4096xi32, #tpu.memory_space<hbm>> -> memref<1x4096xi32, #tpu.memory_space<hbm>>
      %dma_wait3A_129 = tpu.memref_squeeze %dma_wait3A_128 : memref<1x4096xi32, #tpu.memory_space<hbm>> -> memref<4096xi32, #tpu.memory_space<hbm>>
      tpu.wait_dma2 semaphore(%run_scoped3A : memref<!tpu.dma_semaphore, #tpu.memory_space<semaphore_mem>>) src(%arg7 : memref<4096xi32, #tpu.memory_space<vmem>>) dst(%dma_wait3A_129 : memref<4096xi32, #tpu.memory_space<hbm>>)
      tpu.yield
    }) : () -> ()
    "tpu.region"() ({
      %run_scoped3A = tpu.sem_alloc : memref<!tpu.dma_semaphore, #tpu.memory_space<semaphore_mem>>
      %dma_start3A = arith.constant 0 : i32
      %dma_start3A_120 = tpu.memref_slice %arg3[%add3A, %dma_start3A] : memref<32x128xi32, #tpu.memory_space<hbm>> -> memref<1x128xi32, #tpu.memory_space<hbm>>
      %dma_start3A_121 = tpu.memref_squeeze %dma_start3A_120 : memref<1x128xi32, #tpu.memory_space<hbm>> -> memref<128xi32, #tpu.memory_space<hbm>>
      %dma_start3A_122 = arith.constant 0 : i32
      %dma_start3A_123 = tpu.memref_slice %arg3[%add3A, %dma_start3A_122] : memref<32x128xi32, #tpu.memory_space<hbm>> -> memref<1x128xi32, #tpu.memory_space<hbm>>
      %dma_start3A_124 = tpu.memref_squeeze %dma_start3A_123 : memref<1x128xi32, #tpu.memory_space<hbm>> -> memref<128xi32, #tpu.memory_space<hbm>>
      tpu.enqueue_dma source(%arg8 : memref<128xi32, #tpu.memory_space<vmem>>) target(%dma_start3A_124 : memref<128xi32, #tpu.memory_space<hbm>>) target_semaphore(%run_scoped3A : memref<!tpu.dma_semaphore, #tpu.memory_space<semaphore_mem>>)
      %dma_wait3A = arith.constant 0 : i32
      %dma_wait3A_125 = tpu.memref_slice %arg3[%add3A, %dma_wait3A] : memref<32x128xi32, #tpu.memory_space<hbm>> -> memref<1x128xi32, #tpu.memory_space<hbm>>
      %dma_wait3A_126 = tpu.memref_squeeze %dma_wait3A_125 : memref<1x128xi32, #tpu.memory_space<hbm>> -> memref<128xi32, #tpu.memory_space<hbm>>
      %dma_wait3A_127 = arith.constant 0 : i32
      %dma_wait3A_128 = tpu.memref_slice %arg3[%add3A, %dma_wait3A_127] : memref<32x128xi32, #tpu.memory_space<hbm>> -> memref<1x128xi32, #tpu.memory_space<hbm>>
      %dma_wait3A_129 = tpu.memref_squeeze %dma_wait3A_128 : memref<1x128xi32, #tpu.memory_space<hbm>> -> memref<128xi32, #tpu.memory_space<hbm>>
      tpu.wait_dma2 semaphore(%run_scoped3A : memref<!tpu.dma_semaphore, #tpu.memory_space<semaphore_mem>>) src(%arg8 : memref<128xi32, #tpu.memory_space<vmem>>) dst(%dma_wait3A_129 : memref<128xi32, #tpu.memory_space<hbm>>)
      tpu.yield
    }) : () -> ()
    "tpu.region"() ({
      %run_scoped3A = tpu.sem_alloc : memref<!tpu.dma_semaphore, #tpu.memory_space<semaphore_mem>>
      %dma_start3A = arith.constant 0 : i32
      %dma_start3A_120 = tpu.memref_slice %arg4[%add3A, %dma_start3A] : memref<32x16xi32, #tpu.memory_space<hbm>> -> memref<1x16xi32, #tpu.memory_space<hbm>>
      %dma_start3A_121 = tpu.memref_squeeze %dma_start3A_120 : memref<1x16xi32, #tpu.memory_space<hbm>> -> memref<16xi32, #tpu.memory_space<hbm>>
      %dma_start3A_122 = arith.constant 0 : i32
      %dma_start3A_123 = tpu.memref_slice %arg4[%add3A, %dma_start3A_122] : memref<32x16xi32, #tpu.memory_space<hbm>> -> memref<1x16xi32, #tpu.memory_space<hbm>>
      %dma_start3A_124 = tpu.memref_squeeze %dma_start3A_123 : memref<1x16xi32, #tpu.memory_space<hbm>> -> memref<16xi32, #tpu.memory_space<hbm>>
      tpu.enqueue_dma source(%arg9 : memref<16xi32, #tpu.memory_space<vmem>>) target(%dma_start3A_124 : memref<16xi32, #tpu.memory_space<hbm>>) target_semaphore(%run_scoped3A : memref<!tpu.dma_semaphore, #tpu.memory_space<semaphore_mem>>)
      %dma_wait3A = arith.constant 0 : i32
      %dma_wait3A_125 = tpu.memref_slice %arg4[%add3A, %dma_wait3A] : memref<32x16xi32, #tpu.memory_space<hbm>> -> memref<1x16xi32, #tpu.memory_space<hbm>>
      %dma_wait3A_126 = tpu.memref_squeeze %dma_wait3A_125 : memref<1x16xi32, #tpu.memory_space<hbm>> -> memref<16xi32, #tpu.memory_space<hbm>>
      %dma_wait3A_127 = arith.constant 0 : i32
      %dma_wait3A_128 = tpu.memref_slice %arg4[%add3A, %dma_wait3A_127] : memref<32x16xi32, #tpu.memory_space<hbm>> -> memref<1x16xi32, #tpu.memory_space<hbm>>
      %dma_wait3A_129 = tpu.memref_squeeze %dma_wait3A_128 : memref<1x16xi32, #tpu.memory_space<hbm>> -> memref<16xi32, #tpu.memory_space<hbm>>
      tpu.wait_dma2 semaphore(%run_scoped3A : memref<!tpu.dma_semaphore, #tpu.memory_space<semaphore_mem>>) src(%arg9 : memref<16xi32, #tpu.memory_space<vmem>>) dst(%dma_wait3A_129 : memref<16xi32, #tpu.memory_space<hbm>>)
      tpu.yield
    }) : () -> ()
    return
  }
}

#map = affine_map<(d0, d1) -> (0, 0)>
#map1 = affine_map<(d0, d1) -> (0)>
module attributes {stable_mosaic.version = 14 : i64} {
  func.func @_sc_gather_back(%arg0: i32, %arg1: i32, %arg2: memref<1024x128xi32, #tpu.memory_space<hbm>>, %arg3: memref<180224xf32, #tpu.memory_space<hbm>>, %arg4: memref<1024x128xf32, #tpu.memory_space<hbm>>, %arg5: memref<32x128xi32, #tpu.memory_space<vmem>>, %arg6: memref<32x128xf32, #tpu.memory_space<vmem>>, %arg7: memref<!tpu.dma_semaphore, #tpu.memory_space<semaphore_mem>>) attributes {dimension_semantics = [#tpu.dimension_semantics<core_parallel>, #tpu.dimension_semantics<subcore_parallel>], iteration_bounds = array<i64: 2, 16>, scalar_prefetch = 0 : i64, scratch_operands = 3 : i64, tpu.core_type = #tpu.core_type<sc_vector_subcore>, window_params = [{transform_indices = #map}, {transform_indices = #map1}, {transform_indices = #map}]} {
    %mul3A = arith.constant 2 : i32
    %mul3A_0 = arith.muli %arg1, %mul3A : i32
    %add3A = arith.addi %mul3A_0, %arg0 : i32
    %mul3A_1 = arith.constant 32 : i32
    %mul3A_2 = arith.muli %add3A, %mul3A_1 : i32
    "tpu.region"() ({
      %run_scoped3A = tpu.sem_alloc : memref<!tpu.dma_semaphore, #tpu.memory_space<semaphore_mem>>
      %dma_start3A = arith.constant 0 : i32
      %dma_start3A_18 = tpu.memref_slice %arg2[%mul3A_2, %dma_start3A] : memref<1024x128xi32, #tpu.memory_space<hbm>> -> memref<32x128xi32, #tpu.memory_space<hbm>>
      %dma_start3A_19 = arith.constant 0 : i32
      %dma_start3A_20 = tpu.memref_slice %arg2[%mul3A_2, %dma_start3A_19] : memref<1024x128xi32, #tpu.memory_space<hbm>> -> memref<32x128xi32, #tpu.memory_space<hbm>>
      tpu.enqueue_dma source(%dma_start3A_20 : memref<32x128xi32, #tpu.memory_space<hbm>>) target(%arg5 : memref<32x128xi32, #tpu.memory_space<vmem>>) target_semaphore(%run_scoped3A : memref<!tpu.dma_semaphore, #tpu.memory_space<semaphore_mem>>)
      %dma_wait3A = arith.constant 0 : i32
      %dma_wait3A_21 = tpu.memref_slice %arg2[%mul3A_2, %dma_wait3A] : memref<1024x128xi32, #tpu.memory_space<hbm>> -> memref<32x128xi32, #tpu.memory_space<hbm>>
      %dma_wait3A_22 = arith.constant 0 : i32
      %dma_wait3A_23 = tpu.memref_slice %arg2[%mul3A_2, %dma_wait3A_22] : memref<1024x128xi32, #tpu.memory_space<hbm>> -> memref<32x128xi32, #tpu.memory_space<hbm>>
      tpu.wait_dma2 semaphore(%run_scoped3A : memref<!tpu.dma_semaphore, #tpu.memory_space<semaphore_mem>>) src(%dma_wait3A_23 : memref<32x128xi32, #tpu.memory_space<hbm>>) dst(%arg5 : memref<32x128xi32, #tpu.memory_space<vmem>>)
      tpu.yield
    }) : () -> ()
    %scan3A = arith.constant 0 : i32
    %scan3A_3 = arith.constant 0 : i32
    %scan3A_4 = arith.constant 32 : i32
    %scan3A_5 = arith.addi %scan3A_3, %scan3A_4 : i32
    %scan3A_6 = arith.constant 1 : i32
    %scan3A_7 = scf.for %scan3A_18 = %scan3A_3 to %scan3A_5 step %scan3A_6 iter_args(%scan3A_19 = %scan3A) -> (i32)  : i32 {
      %dma_start3A = arith.constant 0 : i32
      %dma_start3A_20 = tpu.memref_slice %arg6[%scan3A_18, %dma_start3A] : memref<32x128xf32, #tpu.memory_space<vmem>> -> memref<1x128xf32, #tpu.memory_space<vmem>>
      %dma_start3A_21 = tpu.memref_squeeze %dma_start3A_20 : memref<1x128xf32, #tpu.memory_space<vmem>> -> memref<128xf32, #tpu.memory_space<vmem>>
      %dma_start3A_22 = arith.constant 0 : i32
      %dma_start3A_23 = tpu.memref_slice %arg5[%scan3A_18, %dma_start3A_22] : memref<32x128xi32, #tpu.memory_space<vmem>> -> memref<1x128xi32, #tpu.memory_space<vmem>>
      %dma_start3A_24 = tpu.memref_squeeze %dma_start3A_23 : memref<1x128xi32, #tpu.memory_space<vmem>> -> memref<128xi32, #tpu.memory_space<vmem>>
      %dma_start3A_25 = arith.constant 0 : i32
      %dma_start3A_26 = tpu.memref_slice %arg3[%dma_start3A_25] : memref<180224xf32, #tpu.memory_space<hbm>> -> memref<180224xf32, #tpu.memory_space<hbm>>
      tpu.enqueue_indirect_dma source(%dma_start3A_26 : memref<180224xf32, #tpu.memory_space<hbm>>) target(%dma_start3A_21 : memref<128xf32, #tpu.memory_space<vmem>>) offsets(%dma_start3A_24 : memref<128xi32, #tpu.memory_space<vmem>>) semaphore(%arg7 : memref<!tpu.dma_semaphore, #tpu.memory_space<semaphore_mem>>)
      %scan3A_27 = arith.constant 0 : i32
      scf.yield %scan3A_27 : i32
    }
    %scan3A_8 = arith.constant 32 : i32
    %scan3A_9 = arith.constant 0 : i32
    %scan3A_10 = arith.constant 0 : i32
    %scan3A_11 = arith.constant 32 : i32
    %scan3A_12 = arith.addi %scan3A_10, %scan3A_11 : i32
    %scan3A_13 = arith.constant 1 : i32
    %scan3A_14 = scf.for %scan3A_18 = %scan3A_10 to %scan3A_12 step %scan3A_13 iter_args(%scan3A_19 = %scan3A_9) -> (i32)  : i32 {
      %dma_wait3A = arith.constant 0 : i32
      %dma_wait3A_20 = tpu.memref_slice %arg6[%scan3A_18, %dma_wait3A] : memref<32x128xf32, #tpu.memory_space<vmem>> -> memref<1x128xf32, #tpu.memory_space<vmem>>
      %dma_wait3A_21 = tpu.memref_squeeze %dma_wait3A_20 : memref<1x128xf32, #tpu.memory_space<vmem>> -> memref<128xf32, #tpu.memory_space<vmem>>
      %dma_wait3A_22 = arith.constant 0 : i32
      %dma_wait3A_23 = tpu.memref_slice %arg5[%scan3A_18, %dma_wait3A_22] : memref<32x128xi32, #tpu.memory_space<vmem>> -> memref<1x128xi32, #tpu.memory_space<vmem>>
      %dma_wait3A_24 = tpu.memref_squeeze %dma_wait3A_23 : memref<1x128xi32, #tpu.memory_space<vmem>> -> memref<128xi32, #tpu.memory_space<vmem>>
      %dma_wait3A_25 = arith.constant 0 : i32
      %dma_wait3A_26 = tpu.memref_slice %arg3[%dma_wait3A_25] : memref<180224xf32, #tpu.memory_space<hbm>> -> memref<180224xf32, #tpu.memory_space<hbm>>
      tpu.wait_indirect_dma semaphore(%arg7 : memref<!tpu.dma_semaphore, #tpu.memory_space<semaphore_mem>>) src(%dma_wait3A_26 : memref<180224xf32, #tpu.memory_space<hbm>>) dst(%dma_wait3A_21 : memref<128xf32, #tpu.memory_space<vmem>>)
      %scan3A_27 = arith.constant 0 : i32
      scf.yield %scan3A_27 : i32
    }
    %scan3A_15 = arith.constant 32 : i32
    %mul3A_16 = arith.constant 32 : i32
    %mul3A_17 = arith.muli %add3A, %mul3A_16 : i32
    "tpu.region"() ({
      %run_scoped3A = tpu.sem_alloc : memref<!tpu.dma_semaphore, #tpu.memory_space<semaphore_mem>>
      %dma_start3A = arith.constant 0 : i32
      %dma_start3A_18 = tpu.memref_slice %arg4[%mul3A_17, %dma_start3A] : memref<1024x128xf32, #tpu.memory_space<hbm>> -> memref<32x128xf32, #tpu.memory_space<hbm>>
      %dma_start3A_19 = arith.constant 0 : i32
      %dma_start3A_20 = tpu.memref_slice %arg4[%mul3A_17, %dma_start3A_19] : memref<1024x128xf32, #tpu.memory_space<hbm>> -> memref<32x128xf32, #tpu.memory_space<hbm>>
      tpu.enqueue_dma source(%arg6 : memref<32x128xf32, #tpu.memory_space<vmem>>) target(%dma_start3A_20 : memref<32x128xf32, #tpu.memory_space<hbm>>) target_semaphore(%run_scoped3A : memref<!tpu.dma_semaphore, #tpu.memory_space<semaphore_mem>>)
      %dma_wait3A = arith.constant 0 : i32
      %dma_wait3A_21 = tpu.memref_slice %arg4[%mul3A_17, %dma_wait3A] : memref<1024x128xf32, #tpu.memory_space<hbm>> -> memref<32x128xf32, #tpu.memory_space<hbm>>
      %dma_wait3A_22 = arith.constant 0 : i32
      %dma_wait3A_23 = tpu.memref_slice %arg4[%mul3A_17, %dma_wait3A_22] : memref<1024x128xf32, #tpu.memory_space<hbm>> -> memref<32x128xf32, #tpu.memory_space<hbm>>
      tpu.wait_dma2 semaphore(%run_scoped3A : memref<!tpu.dma_semaphore, #tpu.memory_space<semaphore_mem>>) src(%arg6 : memref<32x128xf32, #tpu.memory_space<vmem>>) dst(%dma_wait3A_23 : memref<32x128xf32, #tpu.memory_space<hbm>>)
      tpu.yield
    }) : () -> ()
    return
  }
}

module attributes {stable_mosaic.version = 14 : i64} {
  func.func @_mlp_block(%arg0: i32, %arg1: memref<176xi32, #tpu.memory_space<smem>>, %arg2: memref<4x1024xf32, #tpu.memory_space<vmem>>, %arg3: memref<1x128x4xf32, #tpu.memory_space<vmem>>, %arg4: memref<1x128x128xf32, #tpu.memory_space<vmem>>, %arg5: memref<1x128x1xf32, #tpu.memory_space<vmem>>, %arg6: memref<1x1x128xf32, #tpu.memory_space<vmem>>, %arg7: memref<1x1x1xf32, #tpu.memory_space<vmem>>, %arg8: memref<1x1024xf32, #tpu.memory_space<vmem>>) attributes {dimension_semantics = [#tpu.dimension_semantics<arbitrary>], iteration_bounds = array<i64: 176>, scalar_prefetch = 1 : i64, scratch_operands = 0 : i64, tpu.core_type = #tpu.core_type<tc>, window_params = [{transform_indices = @transform_0, window_bounds = array<i64: 4, 1024>}, {transform_indices = @transform_1, window_bounds = array<i64: 1, 128, 4>}, {transform_indices = @transform_2, window_bounds = array<i64: 1, 128, 128>}, {transform_indices = @transform_3, window_bounds = array<i64: 1, 128, 1>}, {transform_indices = @transform_4, window_bounds = array<i64: 1, 1, 128>}, {transform_indices = @transform_5, window_bounds = array<i64: 1, 1, 1>}, {transform_indices = @transform_6, window_bounds = array<i64: 1, 1024>}]} {
    %get3A = arith.constant 0 : index
    %get3A_0 = arith.constant 0 : index
    %get3A_1 = vector.load %arg2[%get3A, %get3A_0] : memref<4x1024xf32, #tpu.memory_space<vmem>>, vector<4x1024xf32>
    %get3A_2 = arith.constant 0 : index
    %get3A_3 = arith.constant 0 : index
    %get3A_4 = arith.constant 0 : index
    %get3A_5 = vector.load %arg3[%get3A_2, %get3A_3, %get3A_4] : memref<1x128x4xf32, #tpu.memory_space<vmem>>, vector<1x128x4xf32>
    %get3A_6 = vector.shape_cast %get3A_5 : vector<1x128x4xf32> to vector<128x4xf32>
    %dot_general3A = arith.constant dense<0.000000e+00> : vector<128x1024xf32>
    %dot_general3A_7 = tpu.matmul %get3A_6, %get3A_1, %dot_general3A {dimension_numbers = #tpu.dot_dimension_numbers<[1], [0], [0], [1], [0, 0, 1, 1], [], []>, transpose_lhs_hint = false} : vector<128x4xf32>, vector<4x1024xf32>, vector<128x1024xf32> -> vector<128x1024xf32>
    %max3A = arith.constant 0.000000e+00 : f32
    %max3A_8 = vector.broadcast %max3A : f32 to vector<128x1024xf32>
    %max3A_9 = arith.maximumf %dot_general3A_7, %max3A_8 : vector<128x1024xf32>
    %get3A_10 = arith.constant 0 : index
    %get3A_11 = arith.constant 0 : index
    %get3A_12 = arith.constant 0 : index
    %get3A_13 = vector.load %arg4[%get3A_10, %get3A_11, %get3A_12] : memref<1x128x128xf32, #tpu.memory_space<vmem>>, vector<1x128x128xf32>
    %get3A_14 = vector.shape_cast %get3A_13 : vector<1x128x128xf32> to vector<128x128xf32>
    %dot_general3A_15 = arith.constant dense<0.000000e+00> : vector<128x1024xf32>
    %dot_general3A_16 = tpu.matmul %get3A_14, %max3A_9, %dot_general3A_15 {dimension_numbers = #tpu.dot_dimension_numbers<[1], [0], [0], [1], [0, 0, 1, 1], [], []>, transpose_lhs_hint = false} : vector<128x128xf32>, vector<128x1024xf32>, vector<128x1024xf32> -> vector<128x1024xf32>
    %get3A_17 = arith.constant 0 : index
    %get3A_18 = arith.constant 0 : index
    %get3A_19 = arith.constant 0 : index
    %get3A_20 = vector.load %arg5[%get3A_17, %get3A_18, %get3A_19] : memref<1x128x1xf32, #tpu.memory_space<vmem>>, vector<1x128x1xf32>
    %get3A_21 = vector.shape_cast %get3A_20 : vector<1x128x1xf32> to vector<128x1xf32>
    %add3A = vector.broadcast %get3A_21 : vector<128x1xf32> to vector<128x1024xf32>
    %add3A_22 = arith.addf %dot_general3A_16, %add3A : vector<128x1024xf32>
    %max3A_23 = arith.constant 0.000000e+00 : f32
    %max3A_24 = vector.broadcast %max3A_23 : f32 to vector<128x1024xf32>
    %max3A_25 = arith.maximumf %add3A_22, %max3A_24 : vector<128x1024xf32>
    %get3A_26 = arith.constant 0 : index
    %get3A_27 = arith.constant 0 : index
    %get3A_28 = arith.constant 0 : index
    %get3A_29 = vector.load %arg6[%get3A_26, %get3A_27, %get3A_28] : memref<1x1x128xf32, #tpu.memory_space<vmem>>, vector<1x1x128xf32>
    %get3A_30 = vector.shape_cast %get3A_29 : vector<1x1x128xf32> to vector<1x128xf32>
    %dot_general3A_31 = arith.constant dense<0.000000e+00> : vector<1x1024xf32>
    %dot_general3A_32 = tpu.matmul %get3A_30, %max3A_25, %dot_general3A_31 {dimension_numbers = #tpu.dot_dimension_numbers<[1], [0], [0], [1], [0, 0, 1, 1], [], []>, transpose_lhs_hint = false} : vector<1x128xf32>, vector<128x1024xf32>, vector<1x1024xf32> -> vector<1x1024xf32>
    %get3A_33 = arith.constant 0 : index
    %get3A_34 = arith.constant 0 : index
    %get3A_35 = arith.constant 0 : index
    %get3A_36 = vector.load %arg7[%get3A_33, %get3A_34, %get3A_35] : memref<1x1x1xf32, #tpu.memory_space<vmem>>, vector<1x1x1xf32>
    %get3A_37 = vector.shape_cast %get3A_36 : vector<1x1x1xf32> to vector<1x1xf32>
    %add3A_38 = vector.broadcast %get3A_37 : vector<1x1xf32> to vector<1x1024xf32>
    %add3A_39 = arith.addf %dot_general3A_32, %add3A_38 : vector<1x1024xf32>
    %swap3A = arith.constant 0 : index
    %swap3A_40 = arith.constant 0 : index
    %swap3A_41 = vector.load %arg8[%swap3A, %swap3A_40] : memref<1x1024xf32, #tpu.memory_space<vmem>>, vector<1x1024xf32>
    tpu.vector_store %arg8[%swap3A, %swap3A_40], %add3A_39 {strides = array<i32>} : memref<1x1024xf32, #tpu.memory_space<vmem>>, vector<1x1024xf32>,
    return
  }
  func.func @transform_0(%arg0: i32, %arg1: memref<176xi32, #tpu.memory_space<smem>>) -> (i32, i32) {
    %c0_i32 = arith.constant 0 : i32
    %c0_i32_0 = arith.constant 0 : i32
    return %c0_i32, %arg0 : i32, i32
  }
  func.func @transform_1(%arg0: i32, %arg1: memref<176xi32, #tpu.memory_space<smem>>) -> (i32, i32, i32) {
    %get3A = arith.index_cast %arg0 : i32 to index
    %get3A_0 = memref.load %arg1[%get3A] : memref<176xi32, #tpu.memory_space<smem>>
    %c0_i32 = arith.constant 0 : i32
    %c0_i32_1 = arith.constant 0 : i32
    %c0_i32_2 = arith.constant 0 : i32
    return %get3A_0, %c0_i32, %c0_i32_1 : i32, i32, i32
  }
  func.func @transform_2(%arg0: i32, %arg1: memref<176xi32, #tpu.memory_space<smem>>) -> (i32, i32, i32) {
    %get3A = arith.index_cast %arg0 : i32 to index
    %get3A_0 = memref.load %arg1[%get3A] : memref<176xi32, #tpu.memory_space<smem>>
    %c0_i32 = arith.constant 0 : i32
    %c0_i32_1 = arith.constant 0 : i32
    %c0_i32_2 = arith.constant 0 : i32
    return %get3A_0, %c0_i32, %c0_i32_1 : i32, i32, i32
  }
  func.func @transform_3(%arg0: i32, %arg1: memref<176xi32, #tpu.memory_space<smem>>) -> (i32, i32, i32) {
    %get3A = arith.index_cast %arg0 : i32 to index
    %get3A_0 = memref.load %arg1[%get3A] : memref<176xi32, #tpu.memory_space<smem>>
    %c0_i32 = arith.constant 0 : i32
    %c0_i32_1 = arith.constant 0 : i32
    %c0_i32_2 = arith.constant 0 : i32
    return %get3A_0, %c0_i32, %c0_i32_1 : i32, i32, i32
  }
  func.func @transform_4(%arg0: i32, %arg1: memref<176xi32, #tpu.memory_space<smem>>) -> (i32, i32, i32) {
    %get3A = arith.index_cast %arg0 : i32 to index
    %get3A_0 = memref.load %arg1[%get3A] : memref<176xi32, #tpu.memory_space<smem>>
    %c0_i32 = arith.constant 0 : i32
    %c0_i32_1 = arith.constant 0 : i32
    %c0_i32_2 = arith.constant 0 : i32
    return %get3A_0, %c0_i32, %c0_i32_1 : i32, i32, i32
  }
  func.func @transform_5(%arg0: i32, %arg1: memref<176xi32, #tpu.memory_space<smem>>) -> (i32, i32, i32) {
    %get3A = arith.index_cast %arg0 : i32 to index
    %get3A_0 = memref.load %arg1[%get3A] : memref<176xi32, #tpu.memory_space<smem>>
    %c0_i32 = arith.constant 0 : i32
    %c0_i32_1 = arith.constant 0 : i32
    %c0_i32_2 = arith.constant 0 : i32
    return %get3A_0, %c0_i32, %c0_i32_1 : i32, i32, i32
  }
  func.func @transform_6(%arg0: i32, %arg1: memref<176xi32, #tpu.memory_space<smem>>) -> (i32, i32) {
    %c0_i32 = arith.constant 0 : i32
    %c0_i32_0 = arith.constant 0 : i32
    return %c0_i32, %arg0 : i32, i32
  }
}

</mosaic_0001>

<sc_bundles>
// kernel: kernel.12.cloned.1.call-start
scs
__scs_entry_jumppad:
0x0: {  	(pc) =	sbr.rel $0x88, $3  }
0x1: {  	(tag) =	ssettag $0x0;
	lr =	simm.s32 $0x1  }
0x2: {  	[smem:$0x3F9A] =	sst lr;
	_ =	strace $0xD0000000  }
0x3: {  	_ = 	snop  }
0x4: {  	_ = 	snop  }
0x5: {  	_ = 	snop  }
0x6: {  	_ = 	snop  }
0x7: {  	_ = 	snop  }
__scs_overlays_trampoline_lowered:
0x8: {  	[smem:$0x3FA9] =	sst s0  }
0x9: {  	[smem:$0x3FAA] =	sst s1  }
0xa: {  	[smem:$0x3FAB] =	sst s2  }
0xb: {  	[smem:$0x3FAC] =	sst s3  }
0xc: {  	[smem:$0x3FAD] =	sst s4  }
0xd: {  	[smem:$0x3FAE] =	sst s5  }
0xe: {  	[smem:$0x3FAF] =	sst s6  }
0xf: {  	[smem:$0x3FB0] =	sst s7  }
0x10: {  	[smem:$0x3FB1] =	sst s8  }
0x11: {  	[smem:$0x3FB2] =	sst s9;
	s0 =	simm.s32 @!p0 $0x0  }
0x12: {  	s1 =	sld [smem:$0x3F98];
	s0 =	simm.s32 @p0 $0x1  }
0x13: {  	[smem:$0x3FB3] =	sst s0;
	s0 =	simm.s32 @!p1 $0x0  }
0x14: {  	s2 =	sld [smem:$0x3F97];
	s0 =	simm.s32 @p1 $0x1  }
0x15: {  	[smem:$0x3FB4] =	sst s0;
	s0 =	simm.s32 @!p2 $0x0  }
0x16: {  	s3 =	sld [smem:$0x3FDB];
	s0 =	simm.s32 @p2 $0x1  }
0x17: {  	s4 =	simm.s32 $0x1BF5;
	[smem:$0x3FB6] =	sst s0  }
0x18: {  	s0 =	sld [smem:$0x3F99];
	_ =	swait.ge [sflag:s4], $0x0  }
0x19: {  	s7 =	sld [smem:$0x3F9A]  }
0x1a: {  	s8 =	sadd.s32 $0xFFFFE003, lr  }
0x1b: {  	s9 =	sadd.s32 $0xFFFFFEF7, lr;
	s5 =	simm.s32 $0xFFFFFFFF;
	p2 =	slt.u32 s8, $0xFFFFF086  }
0x1c: {  	p1 =	slt.u32 s9, $0xF7A;
	s5 =	simm.s32 @!p2 $0x0  }
0x1d: {  	s5 =	simm.s32 @p1 $0x1;
	p0 =	seq.s32 s7, s2  }
0x1e: {  	s7 =	smul.u32 @!p0 $0xF7A, s2;
	p2 =	seq.s32 @!p0 s5, $0x0  }
0x1f: {  	s9 =	smul.u32 $0xF7A, s1;
	s8 =	simm.s32 @!p0 $0x1BF5;
	p2 =	por !p2, p0  }
0x20: {  	[sflag:s8] =	ssyncset.s32 @!p0 $0xFFFFF086;
	s6 =	sadd.s32 @!p0 s3, s7;
	s7 =	simm.s32 @!p0 $0x108  }
0x21: {  	s3 =	sadd.s32 s3, s9;
	s6 =	sadd.s32 @!p0 $0x88, s6;
	s7 =	simm.s32 @p2 $0x1082  }
0x22: {  	[simem:s7], [sflag:s8] =	dma.local @!p0 [hbm:s6], $0xF7A  }
0x23: {  	s9 =	sor.u32 $0xD0000000, s2;
	s6 =	simm.s32 $0x108;
	_ =	swait.ge @!p0 [sflag:s8], $0x0  }
0x24: {  	s3 =	sadd.s32 $0x88, s3;
	s6 =	simm.s32 @!p1 $0x1082;
	[sflag:s4] =	ssyncset.s32 $0xFFFFF086  }
0x25: {  	[simem:s6], [sflag:s4] =	dma.local [hbm:s3], $0xF7A  }
0x26: {  	[smem:$0x3F9A] =	sst s1;
	(tag) =	ssettag s2;
	_ =	strace s9  }
0x27: {  	s1 =	sld [smem:$0x3FAA]  }
0x28: {  	s2 =	sld [smem:$0x3FAB]  }
0x29: {  	s4 =	sld [smem:$0x3FAD]  }
0x2a: {  	p0 =	seq.s32 s5, $0x0;
	s5 =	sld [smem:$0x3FAE]  }
0x2b: {  	s6 =	sld [smem:$0x3FAF]  }
0x2c: {  	s7 =	sld [smem:$0x3FB0]  }
0x2d: {  	s3 =	simm.s32 $0x108;
	s8 =	sld [smem:$0x3FB1]  }
0x2e: {  	s3 =	simm.s32 @!p0 $0x1082;
	s9 =	sld [smem:$0x3FB2]  }
0x2f: {  	lr =	sadd.s32 s0, s3;
	s0 =	sld [smem:$0x3FA9]  }
0x30: {  	s3 =	sld [smem:$0x3FAC]  }
0x31: {  	[smem:$0x3FB5] =	sst s10  }
0x32: {  	s10 =	sld [smem:$0x3FB3];
	_ =	sdelay $0x3  }
0x33: {  	p0 =	seq.s32 s10, $0x1;
	s10 =	sld [smem:$0x3FB5];
	_ =	sdelay $0x3  }
0x34: {  	[smem:$0x3FB5] =	sst s10  }
0x35: {  	s10 =	sld [smem:$0x3FB4];
	_ =	sdelay $0x3  }
0x36: {  	p1 =	seq.s32 s10, $0x1;
	s10 =	sld [smem:$0x3FB5];
	_ =	sdelay $0x3  }
0x37: {  	[smem:$0x3FB5] =	sst s10  }
0x38: {  	s10 =	sld [smem:$0x3FB6]  }
0x39: {  	_ = 	snop;
	(pc) =	sbr.ind lr, $3  }
0x3a: {  	_ = 	snop  }
0x3b: {  	_ = 	snop  }
0x3c: {  	p2 =	seq.s32 s10, $0x1;
	s10 =	sld [smem:$0x3FB5]  }
0x3d: {  	_ =	shalt  }
0x3e: {  	_ =	shalt  }
0x3f: {  	_ =	shalt  }
0x40: {  	_ =	shalt  }
0x41: {  	_ =	shalt  }
0x42: {  	_ =	shalt  }
0x43: {  	_ =	shalt  }
0x44: {  	_ =	shalt  }
0x45: {  	_ =	shalt  }
0x46: {  	_ =	shalt  }
0x47: {  	_ =	shalt  }
0x48: {  	_ =	shalt  }
0x49: {  	_ =	shalt  }
0x4a: {  	_ =	shalt  }
0x4b: {  	_ =	shalt  }
0x4c: {  	_ =	shalt  }
0x4d: {  	_ =	shalt  }
0x4e: {  	_ =	shalt  }
0x4f: {  	_ =	shalt  }
0x50: {  	_ =	shalt  }
0x51: {  	_ =	shalt  }
0x52: {  	_ =	shalt  }
0x53: {  	_ =	shalt  }
0x54: {  	_ =	shalt  }
0x55: {  	_ =	shalt  }
0x56: {  	_ =	shalt  }
0x57: {  	_ =	shalt  }
0x58: {  	_ =	shalt  }
0x59: {  	_ =	shalt  }
0x5a: {  	_ =	shalt  }
0x5b: {  	_ =	shalt  }
0x5c: {  	_ =	shalt  }
0x5d: {  	_ =	shalt  }
0x5e: {  	_ =	shalt  }
0x5f: {  	_ =	shalt  }
0x60: {  	_ =	shalt  }
0x61: {  	_ =	shalt  }
0x62: {  	_ =	shalt  }
0x63: {  	_ =	shalt  }
0x64: {  	_ =	shalt  }
0x65: {  	_ =	shalt  }
0x66: {  	_ =	shalt  }
0x67: {  	_ =	shalt  }
0x68: {  	_ =	shalt  }
0x69: {  	_ =	shalt  }
0x6a: {  	_ =	shalt  }
0x6b: {  	_ =	shalt  }
0x6c: {  	_ =	shalt  }
0x6d: {  	_ =	shalt  }
0x6e: {  	_ =	shalt  }
0x6f: {  	_ =	shalt  }
0x70: {  	_ =	shalt  }
0x71: {  	_ =	shalt  }
0x72: {  	_ =	shalt  }
0x73: {  	_ =	shalt  }
0x74: {  	_ =	shalt  }
0x75: {  	_ =	shalt  }
0x76: {  	_ =	shalt  }
0x77: {  	_ =	shalt  }
0x78: {  	_ =	shalt  }
0x79: {  	_ =	shalt  }
0x7a: {  	_ =	shalt  }
0x7b: {  	_ =	shalt  }
0x7c: {  	_ =	shalt  }
0x7d: {  	_ =	shalt  }
0x7e: {  	_ =	shalt  }
0x7f: {  	_ =	shalt  }
0x80: {  	_ =	shalt  }
0x81: {  	_ =	shalt  }
0x82: {  	_ =	shalt  }
0x83: {  	_ =	shalt  }
0x84: {  	_ =	shalt  }
0x85: {  	_ =	shalt  }
0x86: {  	_ =	shalt  }
0x87: {  	_ =	shalt  }
.Lfunc_end0:
.L_simem_size_0:
called_computation.2_lowered:
.L_overlay_start_0:
0x88: {  	s2 =	sld [smem:$0x3FD9]  }
0x89: {  	s3 =	sld [smem:$0x3FFE];
	_ =	sdelay $0x1  }
0x8a: {  	s1 =	srdreg.scid  }
0x8b: {  	s0 =	sand.u32 $0x1, s1  }
0x8c: {  	s17 =	sshll.u32 s0, $0xA;
	s2 =	sadd.s32 s3, s2  }
0x8d: {  	s2 =	sadd.s32 s2, s17  }
0x8e: {  	[smem:$0x3FC1] =	sst s2  }
0x8f: {  	_ = 	snop  }
0x90: {  	s2 =	sld [smem:$0x3FD0];
	(tm) =	ssettm $0x1  }
0x91: {  	s18 =	sld [smem:$0x3FFB];
	_ =	sdelay $0x3  }
0x92: {  	_ =	strace s18  }
0x93: {  	s3 =	sld [smem:$0x3FFC];
	_ =	sdelay $0x3  }
0x94: {  	_ =	strace s3  }
0x95: {  	s3 =	sld [smem:$0x3FFD];
	_ =	sdelay $0x3  }
0x96: {  	_ =	strace s3  }
0x97: {  	_ =	strace $0x8FFFFFFF  }
0x98: {  	s19 =	sld [smem:$0x3FDB];
	_ =	sdelay $0x1  }
0x99: {  	s4 =	simm.s32 $_scs_section_size  }
0x9a: {  	s5 =	simm.s32 $_size__tile_overlayer_lowered;
	s6 =	simm.s32 $_tile_overlayer_lowered  }
0x9b: {  	s22 =	simm.s32 $0x1BFF;
	s21 =	sshll.u32 s6, $0x1;
	s3 =	sadd.s32 s4, s19  }
0x9c: {  	s7 =	simm.s32 $0x0;
	s20 =	sshll.u32 s5, $0x1;
	s5 =	sadd.s32 s21, s3  }
0x9d: {  	[timem:s7], [sflag:s22] =	dma.local [hbm:s5], s20  }
0x9e: {  	_ =	swait.ge [sflag:s22], s20  }
0x9f: {  	s4 =	ssub.s32 $0x0, s20;
	[sflag:s22] =	ssyncset.done $0x0  }
0xa0: {  	[sflag:s22] =	ssyncadd.s32 s4;
	_ =	sdelay $0x1  }
0xa1: {  	s23 =	simm.s32 $0x1B8B  }
0xa2: {  	_ =	swait.ge [sflag:s23], $0x1  }
0xa3: {  	[sflag:s23] =	ssyncset.done $0x0  }
0xa4: {  	s25 =	simm.s32 $0x1B8E;
	s24 =	sld [smem:$0x3FFE];
	[sflag:s23] =	ssyncadd.s32 $0xFFFFFFFF  }
0xa5: {  	s26 =	simm.s32 $execute0_lowered;
	[smem:$0x3FD2] =	sst s25  }
0xa6: {  	s5 =	sshll.u32 s26, $0x1;
	_ =	strace $0x8000004C;
	[dreg:$0x1] =	wrdreg $0xFFFFFFFF  }
0xa7: {  	s28 =	simm.s32 $_size_execute0_lowered;
	s3 =	sadd.s32 s3, s5;
	[dreg:$0x0] =	wrdreg $0x0  }
0xa8: {  	s5 =	sshll.u32 s28, $0x1;
	[dreg:$0x2] =	wrdreg s3  }
0xa9: {  	[dreg:$0x3] =	wrdreg s5  }
0xaa: {  	[dreg:$0x4] =	wrdreg $0xC0  }
0xab: {  	_ =	task [dreg:s7], $0x5FFFF  }
0xac: {  	[dreg:$0x1] =	wrdreg $0xFFFFFFFF  }
0xad: {  	[dreg:$0x0] =	wrdreg $0x60  }
0xae: {  	[dreg:$0x2] =	wrdreg s24  }
0xaf: {  	[dreg:$0x3] =	wrdreg s2  }
0xb0: {  	[dreg:$0x4] =	wrdreg $0x9  }
0xb1: {  	_ =	task.clear_ibuf [dreg:s7], $0x5FFFF;
	_ =	strace $0x9000004C  }
0xb2: {  	s29 =	simm.s32 $0x9;
	_ =	strace $0x8000004E  }
0xb3: {  	_ =	swait.ge [sflag:s29], $0x1  }
0xb4: {  	[sflag:s29] =	ssyncadd.s32 $0xFFFFFFFF  }
0xb5: {  	_ =	strace $0x9000004E  }
0xb6: {  	_ =	sfence  }
0xb7: {  	s30 =	sld [smem:$0x0];
	_ =	sdelay $0x2  }
0xb8: {  	s31 =	sshll.u32 s1, $0xD;
	s1 =	sshrl.u32 s1, $0x2  }
0xb9: {  	s3 =	sand.u32 $0x4000, s31;
	s1 =	sadd.s32 s1, s30  }
0xba: {  	s0 =	sor.u32 s3, s0;
	s1 =	sshll.u32 s1, $0x11  }
0xbb: {  	s0 =	sor.u32 s1, s0  }
0xbc: {  	s0 =	sadd.s32 $0x8F2B, s0  }
0xbd: {  	[sflag:s0] =	ssyncadd.remote.s32 $0x1  }
0xbe: {  	_ =	sfence.sel $0xFFFF  }
0xbf: {  	[dreg:$0x0] =	wrdreg $0xFFFFFFFF;
	(pc) =	sbr.abs _section_cstart, $3  }
0xc0: {  	[dreg:$0x1] =	wrdreg $0xFFFFFFFF  }
0xc1: {  	_ =	task.clear_ibuf [dreg:s7], $0x2FFFF;
	_ =	strace $0x9FFFFFFF  }
0xc2: {  	(tm) =	ssettm $0x7FFFFFFF  }
0xc3: {  	_ =	shalt  }
tec
execute0_lowered:
.L_overlay_start_1:
0x0: {  	(tag) =	ssettag $0x1  }
0x1: {  	s3 =	rddreg [dreg:$0x0]  }
0x2: {  	s5 =	rddreg [dreg:$0x1]  }
0x3: {  	s0 =	rddreg [dreg:$0x2];
	s4 =	srdreg.scid  }
0x4: {  	s2 =	simm.s32 $0x0;
	s1 =	stileid.u32;
	s9 =	simm.s32 $0x1  }
0x5: {  	s10 =	simm.s32 $0x1000;
	s11 =	simm.s32 $0x0;
	s4 =	sand.u32 $0x1, s4  }
0x6: {  	[smem:$0x7FF] =	sst s2;
	s6 =	sshll.u32 s1, $0xA;
	s7 =	sshll.u32 s4, $0x9  }
0x7: {  	_ =	strace $0x8000004D;
	s4 =	ssub.s32 $0x2, s4;
	s6 =	sor.u32 s7, s6  }
0x8: {  	s8 =	sshrl.u32 s4, $0x1;
	s7 =	sadd.s32 s6, s3;
	s3 =	sadd.s32 $0x2600, s3  }
0x9: {  	s8 =	ssub.s32 s4, s8;
	s5 =	sadd.s32 s5, s6;
	s4 =	sadd.s32 $0x18C00, s7  }
0xa: {  	s6 =	smax.u32 s8, $0x1;
	s7 =	simm.s32 $0x2;
	s8 =	simm.s32 $0x80  }
.LBB2_1:
0xb: {  	[tilespmem:s2], [sflag:$0x2] =	stream.linear.gather [hbm4b:s4+s2], $0x1000, $0x38;
	[tilespmem:$0x2000] =	vst v63  }
0xc: {  	_ =	swait.ge [sflag:s7], $0x1000  }
0xd: {  	s12 =	simm.s32 $0x200;
	[sflag:s7] =	ssyncset.done $0x0  }
0xe: {  	s13 =	simm.s32 $0x0;
	s14 =	simm.s32 $0x1000;
	[sflag:s7] =	ssyncadd.s32 $0xFFFFF000  }
.LBB2_2:
0xf: {  	[tilespmem:s14], [sflag:$0x1] =	stream.indirect.gather [hbm4b:s3+s8], $0x1, s13, s8, $0xb8;
	[tilespmem:$0x2000] =	vst v63  }
0x10: {  	s13 =	smov.u32 s12;
	p0 =	sne.s32 s12, $0x3E00  }
.Ltmp0:
0x11: {  	s12 =	sadd.s32 $0x200, s12;
	(pc) =	sbr.rel @p0 .LBB2_2-.Ltmp0, $3  }
0x12: {  	_ =	sdelay $0x1  }
0x13: {  	s13 =	sshra.s32 s13, $0x2  }
0x14: {  	s14 =	sadd.s32 $0x1000, s13  }
0x15: {  	[tilespmem:s14], [sflag:$0x1] =	stream.indirect.gather [hbm4b:s3+s8], $0x1, s13, s8, $0xb8;
	[tilespmem:$0x2000] =	vst v63  }
0x16: {  	_ =	swait.ge [sflag:s9], $0x80  }
0x17: {  	[sflag:s9] =	ssyncset.done $0x0  }
0x18: {  	[sflag:s9] =	ssyncadd.s32 $0xFFFFFF80  }
0x19: {  	_ =	swait.ge [sflag:s9], $0x80  }
0x1a: {  	[sflag:s9] =	ssyncset.done $0x0  }
0x1b: {  	[sflag:s9] =	ssyncadd.s32 $0xFFFFFF80  }
0x1c: {  	_ =	swait.ge [sflag:s9], $0x80  }
0x1d: {  	[sflag:s9] =	ssyncset.done $0x0  }
0x1e: {  	[sflag:s9] =	ssyncadd.s32 $0xFFFFFF80  }
0x1f: {  	_ =	swait.ge [sflag:s9], $0x80  }
0x20: {  	[sflag:s9] =	ssyncset.done $0x0  }
0x21: {  	[sflag:s9] =	ssyncadd.s32 $0xFFFFFF80  }
0x22: {  	_ =	swait.ge [sflag:s9], $0x80  }
0x23: {  	[sflag:s9] =	ssyncset.done $0x0  }
0x24: {  	[sflag:s9] =	ssyncadd.s32 $0xFFFFFF80  }
0x25: {  	_ =	swait.ge [sflag:s9], $0x80  }
0x26: {  	[sflag:s9] =	ssyncset.done $0x0  }
0x27: {  	[sflag:s9] =	ssyncadd.s32 $0xFFFFFF80  }
0x28: {  	_ =	swait.ge [sflag:s9], $0x80  }
0x29: {  	[sflag:s9] =	ssyncset.done $0x0  }
0x2a: {  	[sflag:s9] =	ssyncadd.s32 $0xFFFFFF80  }
0x2b: {  	_ =	swait.ge [sflag:s9], $0x80  }
0x2c: {  	[sflag:s9] =	ssyncset.done $0x0  }
0x2d: {  	[sflag:s9] =	ssyncadd.s32 $0xFFFFFF80  }
0x2e: {  	_ =	swait.ge [sflag:s9], $0x80  }
0x2f: {  	[sflag:s9] =	ssyncset.done $0x0  }
0x30: {  	[sflag:s9] =	ssyncadd.s32 $0xFFFFFF80  }
0x31: {  	_ =	swait.ge [sflag:s9], $0x80  }
0x32: {  	[sflag:s9] =	ssyncset.done $0x0  }
0x33: {  	[sflag:s9] =	ssyncadd.s32 $0xFFFFFF80  }
0x34: {  	_ =	swait.ge [sflag:s9], $0x80  }
0x35: {  	[sflag:s9] =	ssyncset.done $0x0  }
0x36: {  	[sflag:s9] =	ssyncadd.s32 $0xFFFFFF80  }
0x37: {  	_ =	swait.ge [sflag:s9], $0x80  }
0x38: {  	[sflag:s9] =	ssyncset.done $0x0  }
0x39: {  	[sflag:s9] =	ssyncadd.s32 $0xFFFFFF80  }
0x3a: {  	_ =	swait.ge [sflag:s9], $0x80  }
0x3b: {  	[sflag:s9] =	ssyncset.done $0x0  }
0x3c: {  	[sflag:s9] =	ssyncadd.s32 $0xFFFFFF80  }
0x3d: {  	_ =	swait.ge [sflag:s9], $0x80  }
0x3e: {  	[sflag:s9] =	ssyncset.done $0x0  }
0x3f: {  	[sflag:s9] =	ssyncadd.s32 $0xFFFFFF80  }
0x40: {  	_ =	swait.ge [sflag:s9], $0x80  }
0x41: {  	[sflag:s9] =	ssyncset.done $0x0  }
0x42: {  	[sflag:s9] =	ssyncadd.s32 $0xFFFFFF80  }
0x43: {  	_ =	swait.ge [sflag:s9], $0x80  }
0x44: {  	[sflag:s9] =	ssyncset.done $0x0  }
0x45: {  	[sflag:s9] =	ssyncadd.s32 $0xFFFFFF80  }
0x46: {  	_ =	swait.ge [sflag:s9], $0x80  }
0x47: {  	[sflag:s9] =	ssyncset.done $0x0  }
0x48: {  	[sflag:s9] =	ssyncadd.s32 $0xFFFFFF80  }
0x49: {  	_ =	swait.ge [sflag:s9], $0x80  }
0x4a: {  	[sflag:s9] =	ssyncset.done $0x0  }
0x4b: {  	[sflag:s9] =	ssyncadd.s32 $0xFFFFFF80  }
0x4c: {  	_ =	swait.ge [sflag:s9], $0x80  }
0x4d: {  	[sflag:s9] =	ssyncset.done $0x0  }
0x4e: {  	[sflag:s9] =	ssyncadd.s32 $0xFFFFFF80  }
0x4f: {  	_ =	swait.ge [sflag:s9], $0x80  }
0x50: {  	[sflag:s9] =	ssyncset.done $0x0  }
0x51: {  	[sflag:s9] =	ssyncadd.s32 $0xFFFFFF80  }
0x52: {  	_ =	swait.ge [sflag:s9], $0x80  }
0x53: {  	[sflag:s9] =	ssyncset.done $0x0  }
0x54: {  	[sflag:s9] =	ssyncadd.s32 $0xFFFFFF80  }
0x55: {  	_ =	swait.ge [sflag:s9], $0x80  }
0x56: {  	[sflag:s9] =	ssyncset.done $0x0  }
0x57: {  	[sflag:s9] =	ssyncadd.s32 $0xFFFFFF80  }
0x58: {  	_ =	swait.ge [sflag:s9], $0x80  }
0x59: {  	[sflag:s9] =	ssyncset.done $0x0  }
0x5a: {  	[sflag:s9] =	ssyncadd.s32 $0xFFFFFF80  }
0x5b: {  	_ =	swait.ge [sflag:s9], $0x80  }
0x5c: {  	[sflag:s9] =	ssyncset.done $0x0  }
0x5d: {  	[sflag:s9] =	ssyncadd.s32 $0xFFFFFF80  }
0x5e: {  	_ =	swait.ge [sflag:s9], $0x80  }
0x5f: {  	[sflag:s9] =	ssyncset.done $0x0  }
0x60: {  	[sflag:s9] =	ssyncadd.s32 $0xFFFFFF80  }
0x61: {  	_ =	swait.ge [sflag:s9], $0x80  }
0x62: {  	[sflag:s9] =	ssyncset.done $0x0  }
0x63: {  	[sflag:s9] =	ssyncadd.s32 $0xFFFFFF80  }
0x64: {  	_ =	swait.ge [sflag:s9], $0x80  }
0x65: {  	[sflag:s9] =	ssyncset.done $0x0  }
0x66: {  	[sflag:s9] =	ssyncadd.s32 $0xFFFFFF80  }
0x67: {  	_ =	swait.ge [sflag:s9], $0x80  }
0x68: {  	[sflag:s9] =	ssyncset.done $0x0  }
0x69: {  	[sflag:s9] =	ssyncadd.s32 $0xFFFFFF80  }
0x6a: {  	_ =	swait.ge [sflag:s9], $0x80  }
0x6b: {  	[sflag:s9] =	ssyncset.done $0x0  }
0x6c: {  	[sflag:s9] =	ssyncadd.s32 $0xFFFFFF80  }
0x6d: {  	_ =	swait.ge [sflag:s9], $0x80  }
0x6e: {  	[sflag:s9] =	ssyncset.done $0x0  }
0x6f: {  	[sflag:s9] =	ssyncadd.s32 $0xFFFFFF80  }
0x70: {  	_ =	swait.ge [sflag:s9], $0x80  }
0x71: {  	[sflag:s9] =	ssyncset.done $0x0  }
0x72: {  	[sflag:s9] =	ssyncadd.s32 $0xFFFFFF80  }
0x73: {  	s11 =	sadd.s32 $0x1, s11;
	_ =	swait.ge [sflag:s9], $0x80  }
0x74: {  	p0 =	sne.s32 s11, s6;
	[sflag:s9] =	ssyncset.done $0x0  }
.Ltmp1:
0x75: {  	[sflag:s9] =	ssyncadd.s32 $0xFFFFFF80;
	(pc) =	sbr.rel @p0 .LBB2_1-.Ltmp1, $4  }
0x76: {  	[hbm4b:s5+s2] =	stream.linear.scatter [tilespmem:s10], [sflag:$0x2], $0x1000, $0x38;
	[tilespmem:$0x2000] =	vst v63  }
0x77: {  	_ =	swait.ge [sflag:s7], $0x1000  }
0x78: {  	[sflag:s7] =	ssyncset.done $0x0  }
0x79: {  	[sflag:s7] =	ssyncadd.s32 $0xFFFFF000  }
0x7a: {  	_ =	sfence.sel $0x180000  }
0x7b: {  	[bflag:$0x0] =	sbarrier.arrive $0xFFFF  }
0x7c: {  	p0 =	sne.s32 s1, $0x0;
	_ =	strace $0x9000004D  }
0x7d: {  	s0 =	sadd.s32 @!p0 $0x100000, s0;
	[bflag:$0x2] =	sbarrier.arrive $0xFFFF  }
0x7e: {  	[sflag:s0] =	ssyncadd.tile.s32 @!p0 $0x1;
	_ =	shalt  }
.Lfunc_end2:
_tile_overlayer_lowered:
.L_overlay_start_2:
0x7f: {  	(tag) =	ssettag $0x2  }
0x80: {  	s0 =	rddreg [dreg:$0x0];
	s2 =	stileid.u32  }
0x81: {  	s1 =	rddreg [dreg:$0x1];
	p0 =	sne.s32 s2, $0x0  }
0x82: {  	s3 =	rddreg [dreg:$0x2];
	[bflag:$0x3] =	sbarrier.arrive $0xFFFF;
	s2 =	simm.s32 @!p0 $0x1C02  }
0x83: {  	[timem:s3], [sflag:s2] =	dma.local @!p0 [hbm:s0], s1  }
0x84: {  	s0 =	simm.s32 @!p0 $0x2  }
0x85: {  	_ =	swait.ge @!p0 [sflag:s0], s1  }
0x86: {  	s1 =	ssub.s32 @!p0 $0x0, s1;
	[sflag:s0] =	ssyncset.done @!p0 $0x0  }
0x87: {  	[sflag:s0] =	ssyncadd.s32 @!p0 s1  }
0x88: {  	[bflag:$0x3] =	sbarrier.arrive $0xFFFF  }
0x89: {  	_ =	shalt  }

// kernel: kernel.6.cloned.1.call-start
scs
__scs_entry_jumppad:
0x0: {  	(pc) =	sbr.rel $0x88, $3  }
0x1: {  	(tag) =	ssettag $0x0;
	lr =	simm.s32 $0x1  }
0x2: {  	[smem:$0x3F9A] =	sst lr;
	_ =	strace $0xD0000000  }
0x3: {  	_ = 	snop  }
0x4: {  	_ = 	snop  }
0x5: {  	_ = 	snop  }
0x6: {  	_ = 	snop  }
0x7: {  	_ = 	snop  }
__scs_overlays_trampoline_lowered:
0x8: {  	[smem:$0x3FA9] =	sst s0  }
0x9: {  	[smem:$0x3FAA] =	sst s1  }
0xa: {  	[smem:$0x3FAB] =	sst s2  }
0xb: {  	[smem:$0x3FAC] =	sst s3  }
0xc: {  	[smem:$0x3FAD] =	sst s4  }
0xd: {  	[smem:$0x3FAE] =	sst s5  }
0xe: {  	[smem:$0x3FAF] =	sst s6  }
0xf: {  	[smem:$0x3FB0] =	sst s7  }
0x10: {  	[smem:$0x3FB1] =	sst s8  }
0x11: {  	[smem:$0x3FB2] =	sst s9;
	s0 =	simm.s32 @!p0 $0x0  }
0x12: {  	s1 =	sld [smem:$0x3F98];
	s0 =	simm.s32 @p0 $0x1  }
0x13: {  	[smem:$0x3FB3] =	sst s0;
	s0 =	simm.s32 @!p1 $0x0  }
0x14: {  	s2 =	sld [smem:$0x3F97];
	s0 =	simm.s32 @p1 $0x1  }
0x15: {  	[smem:$0x3FB4] =	sst s0;
	s0 =	simm.s32 @!p2 $0x0  }
0x16: {  	s3 =	sld [smem:$0x3FDB];
	s0 =	simm.s32 @p2 $0x1  }
0x17: {  	s4 =	simm.s32 $0x1BF5;
	[smem:$0x3FB6] =	sst s0  }
0x18: {  	s0 =	sld [smem:$0x3F99];
	_ =	swait.ge [sflag:s4], $0x0  }
0x19: {  	s7 =	sld [smem:$0x3F9A]  }
0x1a: {  	s8 =	sadd.s32 $0xFFFFE003, lr  }
0x1b: {  	s9 =	sadd.s32 $0xFFFFFEF7, lr;
	s5 =	simm.s32 $0xFFFFFFFF;
	p2 =	slt.u32 s8, $0xFFFFF086  }
0x1c: {  	p1 =	slt.u32 s9, $0xF7A;
	s5 =	simm.s32 @!p2 $0x0  }
0x1d: {  	s5 =	simm.s32 @p1 $0x1;
	p0 =	seq.s32 s7, s2  }
0x1e: {  	s7 =	smul.u32 @!p0 $0xF7A, s2;
	p2 =	seq.s32 @!p0 s5, $0x0  }
0x1f: {  	s9 =	smul.u32 $0xF7A, s1;
	s8 =	simm.s32 @!p0 $0x1BF5;
	p2 =	por !p2, p0  }
0x20: {  	[sflag:s8] =	ssyncset.s32 @!p0 $0xFFFFF086;
	s6 =	sadd.s32 @!p0 s3, s7;
	s7 =	simm.s32 @!p0 $0x108  }
0x21: {  	s3 =	sadd.s32 s3, s9;
	s6 =	sadd.s32 @!p0 $0x88, s6;
	s7 =	simm.s32 @p2 $0x1082  }
0x22: {  	[simem:s7], [sflag:s8] =	dma.local @!p0 [hbm:s6], $0xF7A  }
0x23: {  	s9 =	sor.u32 $0xD0000000, s2;
	s6 =	simm.s32 $0x108;
	_ =	swait.ge @!p0 [sflag:s8], $0x0  }
0x24: {  	s3 =	sadd.s32 $0x88, s3;
	s6 =	simm.s32 @!p1 $0x1082;
	[sflag:s4] =	ssyncset.s32 $0xFFFFF086  }
0x25: {  	[simem:s6], [sflag:s4] =	dma.local [hbm:s3], $0xF7A  }
0x26: {  	[smem:$0x3F9A] =	sst s1;
	(tag) =	ssettag s2;
	_ =	strace s9  }
0x27: {  	s1 =	sld [smem:$0x3FAA]  }
0x28: {  	s2 =	sld [smem:$0x3FAB]  }
0x29: {  	s4 =	sld [smem:$0x3FAD]  }
0x2a: {  	p0 =	seq.s32 s5, $0x0;
	s5 =	sld [smem:$0x3FAE]  }
0x2b: {  	s6 =	sld [smem:$0x3FAF]  }
0x2c: {  	s7 =	sld [smem:$0x3FB0]  }
0x2d: {  	s3 =	simm.s32 $0x108;
	s8 =	sld [smem:$0x3FB1]  }
0x2e: {  	s3 =	simm.s32 @!p0 $0x1082;
	s9 =	sld [smem:$0x3FB2]  }
0x2f: {  	lr =	sadd.s32 s0, s3;
	s0 =	sld [smem:$0x3FA9]  }
0x30: {  	s3 =	sld [smem:$0x3FAC]  }
0x31: {  	[smem:$0x3FB5] =	sst s10  }
0x32: {  	s10 =	sld [smem:$0x3FB3];
	_ =	sdelay $0x3  }
0x33: {  	p0 =	seq.s32 s10, $0x1;
	s10 =	sld [smem:$0x3FB5];
	_ =	sdelay $0x3  }
0x34: {  	[smem:$0x3FB5] =	sst s10  }
0x35: {  	s10 =	sld [smem:$0x3FB4];
	_ =	sdelay $0x3  }
0x36: {  	p1 =	seq.s32 s10, $0x1;
	s10 =	sld [smem:$0x3FB5];
	_ =	sdelay $0x3  }
0x37: {  	[smem:$0x3FB5] =	sst s10  }
0x38: {  	s10 =	sld [smem:$0x3FB6]  }
0x39: {  	_ = 	snop;
	(pc) =	sbr.ind lr, $3  }
0x3a: {  	_ = 	snop  }
0x3b: {  	_ = 	snop  }
0x3c: {  	p2 =	seq.s32 s10, $0x1;
	s10 =	sld [smem:$0x3FB5]  }
0x3d: {  	_ =	shalt  }
0x3e: {  	_ =	shalt  }
0x3f: {  	_ =	shalt  }
0x40: {  	_ =	shalt  }
0x41: {  	_ =	shalt  }
0x42: {  	_ =	shalt  }
0x43: {  	_ =	shalt  }
0x44: {  	_ =	shalt  }
0x45: {  	_ =	shalt  }
0x46: {  	_ =	shalt  }
0x47: {  	_ =	shalt  }
0x48: {  	_ =	shalt  }
0x49: {  	_ =	shalt  }
0x4a: {  	_ =	shalt  }
0x4b: {  	_ =	shalt  }
0x4c: {  	_ =	shalt  }
0x4d: {  	_ =	shalt  }
0x4e: {  	_ =	shalt  }
0x4f: {  	_ =	shalt  }
0x50: {  	_ =	shalt  }
0x51: {  	_ =	shalt  }
0x52: {  	_ =	shalt  }
0x53: {  	_ =	shalt  }
0x54: {  	_ =	shalt  }
0x55: {  	_ =	shalt  }
0x56: {  	_ =	shalt  }
0x57: {  	_ =	shalt  }
0x58: {  	_ =	shalt  }
0x59: {  	_ =	shalt  }
0x5a: {  	_ =	shalt  }
0x5b: {  	_ =	shalt  }
0x5c: {  	_ =	shalt  }
0x5d: {  	_ =	shalt  }
0x5e: {  	_ =	shalt  }
0x5f: {  	_ =	shalt  }
0x60: {  	_ =	shalt  }
0x61: {  	_ =	shalt  }
0x62: {  	_ =	shalt  }
0x63: {  	_ =	shalt  }
0x64: {  	_ =	shalt  }
0x65: {  	_ =	shalt  }
0x66: {  	_ =	shalt  }
0x67: {  	_ =	shalt  }
0x68: {  	_ =	shalt  }
0x69: {  	_ =	shalt  }
0x6a: {  	_ =	shalt  }
0x6b: {  	_ =	shalt  }
0x6c: {  	_ =	shalt  }
0x6d: {  	_ =	shalt  }
0x6e: {  	_ =	shalt  }
0x6f: {  	_ =	shalt  }
0x70: {  	_ =	shalt  }
0x71: {  	_ =	shalt  }
0x72: {  	_ =	shalt  }
0x73: {  	_ =	shalt  }
0x74: {  	_ =	shalt  }
0x75: {  	_ =	shalt  }
0x76: {  	_ =	shalt  }
0x77: {  	_ =	shalt  }
0x78: {  	_ =	shalt  }
0x79: {  	_ =	shalt  }
0x7a: {  	_ =	shalt  }
0x7b: {  	_ =	shalt  }
0x7c: {  	_ =	shalt  }
0x7d: {  	_ =	shalt  }
0x7e: {  	_ =	shalt  }
0x7f: {  	_ =	shalt  }
0x80: {  	_ =	shalt  }
0x81: {  	_ =	shalt  }
0x82: {  	_ =	shalt  }
0x83: {  	_ =	shalt  }
0x84: {  	_ =	shalt  }
0x85: {  	_ =	shalt  }
0x86: {  	_ =	shalt  }
0x87: {  	_ =	shalt  }
.Lfunc_end0:
.L_simem_size_0:
called_computation_lowered:
.L_overlay_start_0:
0x88: {  	s2 =	sld [smem:$0x3FD9]  }
0x89: {  	s3 =	sld [smem:$0x3FFE];
	_ =	sdelay $0x1  }
0x8a: {  	s1 =	srdreg.scid  }
0x8b: {  	s0 =	sand.u32 $0x1, s1  }
0x8c: {  	s17 =	sshll.u32 s0, $0xA;
	s2 =	sadd.s32 s3, s2  }
0x8d: {  	s2 =	sadd.s32 s2, s17  }
0x8e: {  	[smem:$0x3FC1] =	sst s2  }
0x8f: {  	_ = 	snop  }
0x90: {  	s2 =	sld [smem:$0x3FD0];
	(tm) =	ssettm $0x1  }
0x91: {  	s18 =	sld [smem:$0x3FFB];
	_ =	sdelay $0x3  }
0x92: {  	_ =	strace s18  }
0x93: {  	s3 =	sld [smem:$0x3FFC];
	_ =	sdelay $0x3  }
0x94: {  	_ =	strace s3  }
0x95: {  	s3 =	sld [smem:$0x3FFD];
	_ =	sdelay $0x3  }
0x96: {  	_ =	strace s3  }
0x97: {  	_ =	strace $0x8FFFFFFF  }
0x98: {  	s19 =	sld [smem:$0x3FDB];
	_ =	sdelay $0x1  }
0x99: {  	s4 =	simm.s32 $_scs_section_size  }
0x9a: {  	s5 =	simm.s32 $_size__tile_overlayer_lowered;
	s6 =	simm.s32 $_tile_overlayer_lowered  }
0x9b: {  	s22 =	simm.s32 $0x1BFF;
	s21 =	sshll.u32 s6, $0x1;
	s3 =	sadd.s32 s4, s19  }
0x9c: {  	s7 =	simm.s32 $0x0;
	s20 =	sshll.u32 s5, $0x1;
	s5 =	sadd.s32 s21, s3  }
0x9d: {  	[timem:s7], [sflag:s22] =	dma.local [hbm:s5], s20  }
0x9e: {  	_ =	swait.ge [sflag:s22], s20  }
0x9f: {  	s4 =	ssub.s32 $0x0, s20;
	[sflag:s22] =	ssyncset.done $0x0  }
0xa0: {  	[sflag:s22] =	ssyncadd.s32 s4;
	_ =	sdelay $0x1  }
0xa1: {  	s23 =	simm.s32 $0x1B8B  }
0xa2: {  	_ =	swait.ge [sflag:s23], $0x1  }
0xa3: {  	[sflag:s23] =	ssyncset.done $0x0  }
0xa4: {  	s25 =	simm.s32 $0x1B8E;
	s24 =	sld [smem:$0x3FFE];
	[sflag:s23] =	ssyncadd.s32 $0xFFFFFFFF  }
0xa5: {  	s26 =	simm.s32 $execute0_lowered;
	[smem:$0x3FD2] =	sst s25  }
0xa6: {  	s5 =	sshll.u32 s26, $0x1;
	_ =	strace $0x80000046;
	[dreg:$0x1] =	wrdreg $0xFFFFFFFF  }
0xa7: {  	s28 =	simm.s32 $_size_execute0_lowered;
	s3 =	sadd.s32 s3, s5;
	[dreg:$0x0] =	wrdreg $0x0  }
0xa8: {  	s5 =	sshll.u32 s28, $0x1;
	[dreg:$0x2] =	wrdreg s3  }
0xa9: {  	[dreg:$0x3] =	wrdreg s5  }
0xaa: {  	[dreg:$0x4] =	wrdreg $0xC0  }
0xab: {  	_ =	task [dreg:s7], $0x5FFFF  }
0xac: {  	[dreg:$0x1] =	wrdreg $0xFFFFFFFF  }
0xad: {  	[dreg:$0x0] =	wrdreg $0x60  }
0xae: {  	[dreg:$0x2] =	wrdreg s24  }
0xaf: {  	[dreg:$0x3] =	wrdreg s2  }
0xb0: {  	[dreg:$0x4] =	wrdreg $0x9  }
0xb1: {  	_ =	task.clear_ibuf [dreg:s7], $0x5FFFF;
	_ =	strace $0x90000046  }
0xb2: {  	s29 =	simm.s32 $0x9;
	_ =	strace $0x80000048  }
0xb3: {  	_ =	swait.ge [sflag:s29], $0x1  }
0xb4: {  	[sflag:s29] =	ssyncadd.s32 $0xFFFFFFFF  }
0xb5: {  	_ =	strace $0x90000048  }
0xb6: {  	_ =	sfence  }
0xb7: {  	s30 =	sld [smem:$0x0];
	_ =	sdelay $0x2  }
0xb8: {  	s31 =	sshll.u32 s1, $0xD;
	s1 =	sshrl.u32 s1, $0x2  }
0xb9: {  	s3 =	sand.u32 $0x4000, s31;
	s1 =	sadd.s32 s1, s30  }
0xba: {  	s0 =	sor.u32 s3, s0;
	s1 =	sshll.u32 s1, $0x11  }
0xbb: {  	s0 =	sor.u32 s1, s0  }
0xbc: {  	s0 =	sadd.s32 $0x8F2B, s0  }
0xbd: {  	[sflag:s0] =	ssyncadd.remote.s32 $0x1  }
0xbe: {  	_ =	sfence.sel $0xFFFF  }
0xbf: {  	[dreg:$0x0] =	wrdreg $0xFFFFFFFF;
	(pc) =	sbr.abs _section_cstart, $3  }
0xc0: {  	[dreg:$0x1] =	wrdreg $0xFFFFFFFF  }
0xc1: {  	_ =	task.clear_ibuf [dreg:s7], $0x2FFFF;
	_ =	strace $0x9FFFFFFF  }
0xc2: {  	(tm) =	ssettm $0x7FFFFFFF  }
0xc3: {  	_ =	shalt  }
tec
execute0_lowered:
.L_overlay_start_1:
0x0: {  	(tag) =	ssettag $0x1  }
0x1: {  	s3 =	rddreg [dreg:$0x0];
	s1 =	srdreg.scid  }
0x2: {  	s0 =	stileid.u32;
	s4 =	rddreg [dreg:$0x1];
	s2 =	simm.s32 $0x0  }
0x3: {  	s11 =	simm.s32 $0x3000;
	s12 =	simm.s32 $0x4000;
	s13 =	simm.s32 $0x4080  }
0x4: {  	s14 =	simm.s32 $0x0;
	s5 =	sand.u32 $0x1, s1;
	s1 =	rddreg [dreg:$0x2]  }
0x5: {  	s6 =	sshll.u32 s0, $0x1;
	[smem:$0x7FF] =	sst s2;
	s8 =	sshrl.u32 s0, $0x2  }
0x6: {  	s6 =	sor.u32 s5, s6;
	_ =	strace $0x80000047;
	s9 =	sshll.u32 s8, $0xA  }
0x7: {  	s5 =	ssub.s32 $0x2, s5;
	s7 =	smul.u32 $0x600, s6;
	s6 =	sshll.u32 s6, $0x7  }
0x8: {  	s8 =	sshll.u32 s8, $0xF;
	s10 =	sshrl.u32 s5, $0x1;
	s6 =	sand.u32 $0x380, s6  }
0x9: {  	v0 =	vlaneseq.u32;
	s30 =	ssub.s32 s5, s10;
	s10 =	simm.s32 $0x400;
	s9 =	sor.u32 s9, s6  }
0xa: {  	v3 =	vimm.s32 $0x0;
	vm0 =	vmmov $0x1;
	vm1 =	vcmask $0x704;
	s7 =	sadd.s32 s7, s3;
	s6 =	sor.u32 s8, s6;
	s9 =	sshrl.u32 s9, $0x3  }
0xb: {  	vm2 =	vcmask $0xB08;
	vm3 =	vcmask $0xF0C;
	v0 =	vmul.u32 $0x3, v0;
	s8 =	simm.s32 $0x1;
	s31 =	sshrl.u32 s6, $0x3;
	s29 =	sadd.s32 s9, s3  }
0xc: {  	vm4 =	vcmask $0x1310;
	vm5 =	vcmask $0x1714;
	vm6 =	vcmask $0x1B18;
	s3 =	sadd.s32 $0x202600, s7;
	s4 =	sadd.s32 s4, s31;
	s7 =	smax.u32 s30, $0x1  }
0xd: {  	vm7 =	vcmask $0x1F1C;
	v1 =	vadd.s32 $0x1, v0;
	v2 =	vadd.s32 $0x2, v0;
	s9 =	simm.s32 $0x80;
	s5 =	sadd.s32 $0x2600, s29;
	s6 =	sadd.s32 $0x2800, s29  }
.LBB2_1:
0xe: {  	v4 =	vmov s2  }
0xf: {  	v4 =	vmul.u32 $0x3, v4;
	_ =	sdelay $0x1  }
0x10: {  	v4 =	vbroadcast v4, $0x0;
	_ =	sdelay $0x1  }
0x11: {  	v5 =	vadd.s32 v1, v4  }
0x12: {  	[tilespmem:s2], [sflag:$0x1] =	stream.linear.gather [hbm4b:s3+s2], $0x3000, $0x38;
	v6 =	vadd.s32 v0, v4;
	[tilespmem:$0x4100] =	vst v63  }
0x13: {  	_ =	swait.ge [sflag:s8], $0x3000;
	v4 =	vadd.s32 v2, v4  }
0x14: {  	[sflag:s8] =	ssyncset.done $0x0  }
0x15: {  	[sflag:s8] =	ssyncadd.s32 $0xFFFFD000  }
0x16: {  	v5 =	vld.idx.msk [tilespmem:v5+s2+$0x0], $0xffff  }
0x17: {  	s15 =	simm.s32 $0x10;
	v6 =	vld.idx.msk [tilespmem:v6+s2+$0x0], $0xffff  }
0x18: {  	v7 =	vmov s15;
	v4 =	vld.idx.msk [tilespmem:v4+s2+$0x0], $0xffff  }
0x19: {  	v7 =	vmul.u32 $0x3, v7;
	_ =	sdelay $0x1  }
0x1a: {  	v11 =	vimm.s32 $0x0;
	v7 =	vbroadcast v7, $0x0  }
0x1b: {  	s31 =	simm.s32 $0x20;
	v10 =	vimm.s32 $0x0;
	v6 =	vadd.f32 $1.000000000e+00, v6;
	v5 =	vadd.f32 $1.000000000e+00, v5  }
0x1c: {  	v21 =	vmov s31;
	v8 =	vadd.s32 v0, v7;
	v4 =	vadd.f32 $1.000000000e+00, v4  }
0x1d: {  	v9 =	vadd.s32 v2, v7;
	vm8 =	vge.f32 v6, $1.000000000e+00;
	vm9 =	vge.f32 v5, $1.000000000e+00  }
0x1e: {  	vm10 =	vge.f32 v4, $1.000000000e+00;
	v4 =	vsel vm9, $0x2, v3;
	v5 =	vsel vm8, $0x4, v3  }
0x1f: {  	v6 =	vsel vm10, $0x1, v3;
	v4 =	vor.u32 v5, v4;
	v5 =	vadd.s32 v1, v7  }
0x20: {  	v7 =	vimm.s32 $0x0;
	v4 =	vor.u32 v6, v4;
	v6 =	vimm.s32 $0x0  }
0x21: {  	vm8 =	veq.s32 v4, $0x0;
	vm10 =	veq.s32 v4, $0x1;
	vm11 =	veq.s32 v4, $0x2  }
0x22: {  	vm12 =	veq.s32 v4, $0x3;
	vm13 =	veq.s32 v4, $0x4;
	vm14 =	veq.s32 v4, $0x5  }
0x23: {  	vm9 =	veq.s32 v4, $0x7;
	[tilespmem:s11+$0x0] =	vst v4;
	v12 =	vsel vm8, $0x1, v3;
	vm8 =	veq.s32 v4, $0x6  }
0x24: {  	v14 =	vsel vm10, $0x1, v3;
	v15 =	vsel vm11, $0x1, v3;
	v13 =	vsel vm12, $0x1, v3;
	v19 =	vld.idx.msk [tilespmem:v8+s2+$0x0], $0xffff  }
0x25: {  	v17 =	vsel vm13, $0x1, v3;
	v16 =	vsel vm14, $0x1, v3;
	v4 =	vimm.s32 $0x0;
	v18 =	vld.idx.msk [tilespmem:v5+s2+$0x0], $0xffff  }
0x26: {  	s16 =	simm.s32 $0x30;
	s15 =	simm.s32 $0x3000;
	v8 =	vimm.s32 $0x0;
	v20 =	vld.idx.msk [tilespmem:v9+s2+$0x0], $0xffff;
	v9 =	vimm.s32 $0x0;
	v5 =	vimm.s32 $0x0  }
.LBB2_2:
0x27: {  	p0 =	sne.s32 s16, $0xFF0;
	v21 =	vmul.u32 $0x3, v21;
	v22 =	vsel vm8, $0x1, v3;
	v23 =	vsel vm9, $0x1, v3  }
0x28: {  	v4 =	vadd.s32 v12, v4;
	v5 =	vadd.s32 v14, v5;
	v8 =	vadd.s32 v15, v8  }
0x29: {  	v6 =	vadd.s32 v13, v6;
	v7 =	vadd.s32 v17, v7;
	v12 =	vbroadcast v21, $0x0  }
0x2a: {  	v11 =	vadd.s32 v16, v11;
	v14 =	vadd.f32 $1.000000000e+00, v18;
	v13 =	vadd.f32 $1.000000000e+00, v19  }
0x2b: {  	v9 =	vadd.s32 v22, v9;
	v16 =	vadd.f32 $1.000000000e+00, v20;
	v15 =	vadd.s32 v0, v12  }
0x2c: {  	vm9 =	vge.f32 v14, $1.000000000e+00;
	v17 =	vadd.s32 v1, v12;
	vm8 =	vge.f32 v13, $1.000000000e+00  }
0x2d: {  	v13 =	vsel vm9, $0x2, v3;
	vm10 =	vge.f32 v16, $1.000000000e+00;
	v14 =	vsel vm8, $0x4, v3  }
0x2e: {  	v16 =	vadd.s32 v2, v12;
	v12 =	vsel vm10, $0x1, v3;
	v13 =	vor.u32 v14, v13  }
0x2f: {  	s15 =	sadd.s32 $0x10, s15;
	v10 =	vadd.s32 v23, v10;
	v13 =	vor.u32 v12, v13  }
.Ltmp0:
0x30: {  	vm8 =	veq.s32 v13, $0x0;
	vm10 =	veq.s32 v13, $0x1;
	vm11 =	veq.s32 v13, $0x2;
	[tilespmem:s15+$0x0] =	vst v13;
	(pc) =	sbr.rel @p0 .LBB2_2-.Ltmp0, $4  }
0x31: {  	vm12 =	veq.s32 v13, $0x3;
	vm13 =	veq.s32 v13, $0x4;
	vm14 =	veq.s32 v13, $0x5;
	v18 =	vld.idx.msk [tilespmem:v17+s2+$0x0], $0xffff  }
0x32: {  	vm9 =	veq.s32 v13, $0x7;
	v12 =	vsel vm8, $0x1, v3;
	vm8 =	veq.s32 v13, $0x6;
	v19 =	vld.idx.msk [tilespmem:v15+s2+$0x0], $0xffff  }
0x33: {  	v14 =	vsel vm10, $0x1, v3;
	v13 =	vsel vm12, $0x1, v3;
	v15 =	vsel vm11, $0x1, v3;
	v20 =	vld.idx.msk [tilespmem:v16+s2+$0x0], $0xffff  }
0x34: {  	v21 =	vmov s16;
	s16 =	sadd.s32 $0x10, s16;
	v17 =	vsel vm13, $0x1, v3;
	v16 =	vsel vm14, $0x1, v3  }
0x35: {  	v21 =	vmul.u32 $0x3, v21  }
0x36: {  	v18 =	vadd.f32 $1.000000000e+00, v18  }
0x37: {  	v21 =	vbroadcast v21, $0x0;
	v19 =	vadd.f32 $1.000000000e+00, v19  }
0x38: {  	v20 =	vadd.f32 $1.000000000e+00, v20;
	vm11 =	vge.f32 v18, $1.000000000e+00  }
0x39: {  	v22 =	vadd.s32 v0, v21;
	v23 =	vadd.s32 v1, v21;
	vm10 =	vge.f32 v19, $1.000000000e+00  }
0x3a: {  	v18 =	vsel vm11, $0x2, v3;
	vm12 =	vge.f32 v20, $1.000000000e+00;
	v19 =	vsel vm10, $0x4, v3  }
0x3b: {  	v27 =	vadd.s32 v2, v21;
	v18 =	vor.u32 v19, v18;
	v20 =	vsel vm12, $0x1, v3  }
0x3c: {  	v28 =	vsel vm8, $0x1, v3;
	v29 =	vsel vm9, $0x1, v3;
	s15 =	sadd.s32 $0x10, s15;
	v18 =	vor.u32 v20, v18  }
0x3d: {  	v4 =	vadd.s32 v12, v4;
	v5 =	vadd.s32 v14, v5;
	v8 =	vadd.s32 v15, v8;
	[tilespmem:s15+$0x0] =	vst v18  }
0x3e: {  	v6 =	vadd.s32 v13, v6;
	v7 =	vadd.s32 v17, v7;
	v11 =	vadd.s32 v16, v11;
	v30 =	vld.idx.msk [tilespmem:v23+s2+$0x0], $0xffff  }
0x3f: {  	v9 =	vadd.s32 v28, v9;
	v10 =	vadd.s32 v29, v10;
	vm8 =	veq.s32 v18, $0x0;
	v31 =	vld.idx.msk [tilespmem:v22+s2+$0x0], $0xffff  }
0x40: {  	vm9 =	veq.s32 v18, $0x1;
	vm10 =	veq.s32 v18, $0x2;
	vm11 =	veq.s32 v18, $0x3;
	v32 =	vld.idx.msk [tilespmem:v27+s2+$0x0], $0xffff  }
0x41: {  	vm12 =	veq.s32 v18, $0x4;
	vm13 =	veq.s32 v18, $0x5;
	vm14 =	veq.s32 v18, $0x7  }
0x42: {  	v33 =	vsel vm8, $0x1, v3;
	vm8 =	veq.s32 v18, $0x6;
	v34 =	vsel vm9, $0x1, v3  }
0x43: {  	v35 =	vsel vm10, $0x1, v3;
	v36 =	vsel vm11, $0x1, v3;
	v37 =	vsel vm12, $0x1, v3  }
0x44: {  	v38 =	vsel vm13, $0x1, v3;
	v13 =	vadd.f32 $1.000000000e+00, v31;
	v12 =	vadd.f32 $1.000000000e+00, v30  }
0x45: {  	v40 =	vsel vm14, $0x1, v3;
	v39 =	vsel vm8, $0x1, v3;
	v14 =	vadd.f32 $1.000000000e+00, v32  }
0x46: {  	v4 =	vadd.s32 v33, v4;
	vm8 =	vge.f32 v13, $1.000000000e+00;
	vm14 =	vge.f32 v12, $1.000000000e+00  }
0x47: {  	vm15 =	vge.f32 v14, $1.000000000e+00;
	v12 =	vsel vm14, $0x2, v3;
	v13 =	vsel vm8, $0x4, v3  }
0x48: {  	v5 =	vadd.s32 v34, v5;
	v14 =	vsel vm15, $0x1, v3;
	v12 =	vor.u32 v13, v12  }
0x49: {  	v8 =	vadd.s32 v35, v8;
	v6 =	vadd.s32 v36, v6;
	v12 =	vor.u32 v14, v12  }
0x4a: {  	v7 =	vadd.s32 v37, v7;
	v11 =	vadd.s32 v38, v11;
	vm8 =	veq.s32 v12, $0x0  }
0x4b: {  	v9 =	vadd.s32 v39, v9;
	vm12 =	veq.s32 v12, $0x1;
	v41 =	vsel vm8, $0x1, v3  }
0x4c: {  	vm8 =	veq.s32 v12, $0x2;
	v42 =	vsel vm12, $0x1, v3;
	v4 =	vadd.s32 v41, v4  }
0x4d: {  	vm13 =	veq.s32 v12, $0x3;
	v43 =	vsel vm8, $0x1, v3;
	v5 =	vadd.s32 v42, v5;
	(xrf0) =	vadd.scan.msk.s32 $0xffff, v4  }
0x4e: {  	v44 =	vsel vm13, $0x1, v3;
	vm8 =	veq.s32 v12, $0x4;
	v8 =	vadd.s32 v43, v8;
	(xrf0) =	vadd.scan.msk.s32 $0xffff, v5  }
0x4f: {  	vm14 =	veq.s32 v12, $0x5;
	v6 =	vadd.s32 v44, v6;
	v45 =	vsel vm8, $0x1, v3;
	(xrf0) =	vadd.scan.msk.s32 $0xffff, v8  }
0x50: {  	v46 =	vsel vm14, $0x1, v3;
	vm8 =	veq.s32 v12, $0x6;
	v7 =	vadd.s32 v45, v7;
	(xrf0) =	vadd.scan.msk.s32 $0xffff, v6  }
0x51: {  	vm15 =	veq.s32 v12, $0x7;
	v11 =	vadd.s32 v46, v11;
	v47 =	vsel vm8, $0x1, v3;
	(xrf0) =	vadd.scan.msk.s32 $0xffff, v7  }
0x52: {  	v10 =	vadd.s32 v40, v10;
	v48 =	vsel vm15, $0x1, v3;
	v9 =	vadd.s32 v47, v9;
	(xrf0) =	vadd.scan.msk.s32 $0xffff, v11  }
0x53: {  	v10 =	vadd.s32 v48, v10;
	v49, _, _ =	vpop (xrf0);
	(xrf0) =	vadd.scan.msk.s32 $0xffff, v9  }
0x54: {  	v50, _, _ =	vpop (xrf0);
	(xrf0) =	vadd.scan.msk.s32 $0xffff, v10  }
0x55: {  	s15 =	sadd.s32 $0x10, s15;
	v13 =	vbroadcast v49, $0xF;
	v51, _, _ =	vpop (xrf0);
	v14 =	vbroadcast v50, $0xF  }
0x56: {  	[tilespmem:s15+$0x0] =	vst v12;
	v52, _, _ =	vpop (xrf0);
	v53 =	vbroadcast v51, $0xF  }
0x57: {  	[tilespmem:$0x4000] =	vst v4;
	v4 =	vnsel vm0, $0x0, v13;
	v54, _, _ =	vpop (xrf0);
	v55 =	vnsel vm1, $0x0, v14;
	v56 =	vbroadcast v52, $0xF  }
0x58: {  	[tilespmem:$0x4010] =	vst v5;
	v57, _, _ =	vpop (xrf0);
	v4 =	vadd.s32 v4, v55;
	v5 =	vnsel vm2, $0x0, v53;
	v58 =	vbroadcast v54, $0xF  }
0x59: {  	[tilespmem:$0x4030] =	vst v6;
	v59, _, _ =	vpop (xrf0);
	v4 =	vadd.s32 v5, v4;
	v5 =	vnsel vm3, $0x0, v56;
	v60 =	vbroadcast v57, $0xF  }
0x5a: {  	[tilespmem:$0x4050] =	vst v11;
	v4 =	vadd.s32 v5, v4;
	v5 =	vnsel vm4, $0x0, v58;
	v61 =	vbroadcast v59, $0xF;
	v62, _, _ =	vpop (xrf0)  }
0x5b: {  	[tilespmem:$0x4070] =	vst v10;
	v4 =	vadd.s32 v5, v4;
	v5 =	vnsel vm5, $0x0, v60;
	v63 =	vbroadcast v62, $0xF  }
0x5c: {  	[tilespmem:$0x4020] =	vst v8;
	v4 =	vadd.s32 v5, v4;
	v5 =	vnsel vm6, $0x0, v61  }
0x5d: {  	[tilespmem:$0x4040] =	vst v7;
	v4 =	vadd.s32 v5, v4;
	v5 =	vnsel vm7, $0x0, v63  }
0x5e: {  	[tilespmem:$0x4060] =	vst v9;
	v4 =	vadd.s32 v5, v4  }
0x5f: {  	[tilespmem:$0x4080] =	vst v4  }
0x60: {  	[hbm4b:s4+s9] =	stream.strided.scatter [tilespmem:s11], [sflag:$0x1], $0x1000, s10, s9, $0x38;
	[tilespmem:$0x4100] =	vst v63  }
0x61: {  	_ =	swait.ge [sflag:s8], $0x1000  }
0x62: {  	[sflag:s8] =	ssyncset.done $0x0  }
0x63: {  	[sflag:s8] =	ssyncadd.s32 $0xFFFFF000  }
0x64: {  	[hbm4b:s5+s2] =	stream.linear.scatter [tilespmem:s12], [sflag:$0x1], $0x80, $0x38;
	[tilespmem:$0x4100] =	vst v63  }
0x65: {  	s14 =	sadd.s32 $0x1, s14;
	_ =	swait.ge [sflag:s8], $0x80  }
0x66: {  	p0 =	sne.s32 s14, s7;
	[sflag:s8] =	ssyncset.done $0x0  }
.Ltmp1:
0x67: {  	[sflag:s8] =	ssyncadd.s32 $0xFFFFFF80;
	(pc) =	sbr.rel @p0 .LBB2_1-.Ltmp1, $4  }
0x68: {  	[hbm4b:s6+s2] =	stream.linear.scatter [tilespmem:s13], [sflag:$0x1], $0x80, $0x38;
	[tilespmem:$0x4100] =	vst v63  }
0x69: {  	_ =	swait.ge [sflag:s8], $0x80  }
0x6a: {  	[sflag:s8] =	ssyncset.done $0x0  }
0x6b: {  	[sflag:s8] =	ssyncadd.s32 $0xFFFFFF80  }
0x6c: {  	_ =	sfence.sel $0x180000  }
0x6d: {  	[bflag:$0x0] =	sbarrier.arrive $0xFFFF  }
0x6e: {  	p0 =	sne.s32 s0, $0x0;
	_ =	strace $0x90000047  }
0x6f: {  	s0 =	sadd.s32 @!p0 $0x100000, s1;
	[bflag:$0x2] =	sbarrier.arrive $0xFFFF  }
0x70: {  	[sflag:s0] =	ssyncadd.tile.s32 @!p0 $0x1;
	_ =	shalt  }
.Lfunc_end2:
_tile_overlayer_lowered:
.L_overlay_start_2:
0x71: {  	(tag) =	ssettag $0x2  }
0x72: {  	s0 =	rddreg [dreg:$0x0];
	s2 =	stileid.u32  }
0x73: {  	s1 =	rddreg [dreg:$0x1];
	p0 =	sne.s32 s2, $0x0  }
0x74: {  	s3 =	rddreg [dreg:$0x2];
	[bflag:$0x3] =	sbarrier.arrive $0xFFFF;
	s2 =	simm.s32 @!p0 $0x1C01  }
0x75: {  	[timem:s3], [sflag:s2] =	dma.local @!p0 [hbm:s0], s1  }
0x76: {  	s0 =	simm.s32 @!p0 $0x1  }
0x77: {  	_ =	swait.ge @!p0 [sflag:s0], s1  }
0x78: {  	s1 =	ssub.s32 @!p0 $0x0, s1;
	[sflag:s0] =	ssyncset.done @!p0 $0x0  }
0x79: {  	[sflag:s0] =	ssyncadd.s32 @!p0 s1  }
0x7a: {  	[bflag:$0x3] =	sbarrier.arrive $0xFFFF  }
0x7b: {  	_ =	shalt  }

// kernel: kernel.9.cloned.1.call-start
scs
__scs_entry_jumppad:
0x0: {  	(pc) =	sbr.rel $0x88, $3  }
0x1: {  	(tag) =	ssettag $0x0;
	lr =	simm.s32 $0x1  }
0x2: {  	[smem:$0x3F9A] =	sst lr;
	_ =	strace $0xD0000000  }
0x3: {  	_ = 	snop  }
0x4: {  	_ = 	snop  }
0x5: {  	_ = 	snop  }
0x6: {  	_ = 	snop  }
0x7: {  	_ = 	snop  }
__scs_overlays_trampoline_lowered:
0x8: {  	[smem:$0x3FA9] =	sst s0  }
0x9: {  	[smem:$0x3FAA] =	sst s1  }
0xa: {  	[smem:$0x3FAB] =	sst s2  }
0xb: {  	[smem:$0x3FAC] =	sst s3  }
0xc: {  	[smem:$0x3FAD] =	sst s4  }
0xd: {  	[smem:$0x3FAE] =	sst s5  }
0xe: {  	[smem:$0x3FAF] =	sst s6  }
0xf: {  	[smem:$0x3FB0] =	sst s7  }
0x10: {  	[smem:$0x3FB1] =	sst s8  }
0x11: {  	[smem:$0x3FB2] =	sst s9;
	s0 =	simm.s32 @!p0 $0x0  }
0x12: {  	s1 =	sld [smem:$0x3F98];
	s0 =	simm.s32 @p0 $0x1  }
0x13: {  	[smem:$0x3FB3] =	sst s0;
	s0 =	simm.s32 @!p1 $0x0  }
0x14: {  	s2 =	sld [smem:$0x3F97];
	s0 =	simm.s32 @p1 $0x1  }
0x15: {  	[smem:$0x3FB4] =	sst s0;
	s0 =	simm.s32 @!p2 $0x0  }
0x16: {  	s3 =	sld [smem:$0x3FDB];
	s0 =	simm.s32 @p2 $0x1  }
0x17: {  	s4 =	simm.s32 $0x1BF5;
	[smem:$0x3FB6] =	sst s0  }
0x18: {  	s0 =	sld [smem:$0x3F99];
	_ =	swait.ge [sflag:s4], $0x0  }
0x19: {  	s7 =	sld [smem:$0x3F9A]  }
0x1a: {  	s8 =	sadd.s32 $0xFFFFE003, lr  }
0x1b: {  	s9 =	sadd.s32 $0xFFFFFEF7, lr;
	s5 =	simm.s32 $0xFFFFFFFF;
	p2 =	slt.u32 s8, $0xFFFFF086  }
0x1c: {  	p1 =	slt.u32 s9, $0xF7A;
	s5 =	simm.s32 @!p2 $0x0  }
0x1d: {  	s5 =	simm.s32 @p1 $0x1;
	p0 =	seq.s32 s7, s2  }
0x1e: {  	s7 =	smul.u32 @!p0 $0xF7A, s2;
	p2 =	seq.s32 @!p0 s5, $0x0  }
0x1f: {  	s9 =	smul.u32 $0xF7A, s1;
	s8 =	simm.s32 @!p0 $0x1BF5;
	p2 =	por !p2, p0  }
0x20: {  	[sflag:s8] =	ssyncset.s32 @!p0 $0xFFFFF086;
	s6 =	sadd.s32 @!p0 s3, s7;
	s7 =	simm.s32 @!p0 $0x108  }
0x21: {  	s3 =	sadd.s32 s3, s9;
	s6 =	sadd.s32 @!p0 $0x88, s6;
	s7 =	simm.s32 @p2 $0x1082  }
0x22: {  	[simem:s7], [sflag:s8] =	dma.local @!p0 [hbm:s6], $0xF7A  }
0x23: {  	s9 =	sor.u32 $0xD0000000, s2;
	s6 =	simm.s32 $0x108;
	_ =	swait.ge @!p0 [sflag:s8], $0x0  }
0x24: {  	s3 =	sadd.s32 $0x88, s3;
	s6 =	simm.s32 @!p1 $0x1082;
	[sflag:s4] =	ssyncset.s32 $0xFFFFF086  }
0x25: {  	[simem:s6], [sflag:s4] =	dma.local [hbm:s3], $0xF7A  }
0x26: {  	[smem:$0x3F9A] =	sst s1;
	(tag) =	ssettag s2;
	_ =	strace s9  }
0x27: {  	s1 =	sld [smem:$0x3FAA]  }
0x28: {  	s2 =	sld [smem:$0x3FAB]  }
0x29: {  	s4 =	sld [smem:$0x3FAD]  }
0x2a: {  	p0 =	seq.s32 s5, $0x0;
	s5 =	sld [smem:$0x3FAE]  }
0x2b: {  	s6 =	sld [smem:$0x3FAF]  }
0x2c: {  	s7 =	sld [smem:$0x3FB0]  }
0x2d: {  	s3 =	simm.s32 $0x108;
	s8 =	sld [smem:$0x3FB1]  }
0x2e: {  	s3 =	simm.s32 @!p0 $0x1082;
	s9 =	sld [smem:$0x3FB2]  }
0x2f: {  	lr =	sadd.s32 s0, s3;
	s0 =	sld [smem:$0x3FA9]  }
0x30: {  	s3 =	sld [smem:$0x3FAC]  }
0x31: {  	[smem:$0x3FB5] =	sst s10  }
0x32: {  	s10 =	sld [smem:$0x3FB3];
	_ =	sdelay $0x3  }
0x33: {  	p0 =	seq.s32 s10, $0x1;
	s10 =	sld [smem:$0x3FB5];
	_ =	sdelay $0x3  }
0x34: {  	[smem:$0x3FB5] =	sst s10  }
0x35: {  	s10 =	sld [smem:$0x3FB4];
	_ =	sdelay $0x3  }
0x36: {  	p1 =	seq.s32 s10, $0x1;
	s10 =	sld [smem:$0x3FB5];
	_ =	sdelay $0x3  }
0x37: {  	[smem:$0x3FB5] =	sst s10  }
0x38: {  	s10 =	sld [smem:$0x3FB6]  }
0x39: {  	_ = 	snop;
	(pc) =	sbr.ind lr, $3  }
0x3a: {  	_ = 	snop  }
0x3b: {  	_ = 	snop  }
0x3c: {  	p2 =	seq.s32 s10, $0x1;
	s10 =	sld [smem:$0x3FB5]  }
0x3d: {  	_ =	shalt  }
0x3e: {  	_ =	shalt  }
0x3f: {  	_ =	shalt  }
0x40: {  	_ =	shalt  }
0x41: {  	_ =	shalt  }
0x42: {  	_ =	shalt  }
0x43: {  	_ =	shalt  }
0x44: {  	_ =	shalt  }
0x45: {  	_ =	shalt  }
0x46: {  	_ =	shalt  }
0x47: {  	_ =	shalt  }
0x48: {  	_ =	shalt  }
0x49: {  	_ =	shalt  }
0x4a: {  	_ =	shalt  }
0x4b: {  	_ =	shalt  }
0x4c: {  	_ =	shalt  }
0x4d: {  	_ =	shalt  }
0x4e: {  	_ =	shalt  }
0x4f: {  	_ =	shalt  }
0x50: {  	_ =	shalt  }
0x51: {  	_ =	shalt  }
0x52: {  	_ =	shalt  }
0x53: {  	_ =	shalt  }
0x54: {  	_ =	shalt  }
0x55: {  	_ =	shalt  }
0x56: {  	_ =	shalt  }
0x57: {  	_ =	shalt  }
0x58: {  	_ =	shalt  }
0x59: {  	_ =	shalt  }
0x5a: {  	_ =	shalt  }
0x5b: {  	_ =	shalt  }
0x5c: {  	_ =	shalt  }
0x5d: {  	_ =	shalt  }
0x5e: {  	_ =	shalt  }
0x5f: {  	_ =	shalt  }
0x60: {  	_ =	shalt  }
0x61: {  	_ =	shalt  }
0x62: {  	_ =	shalt  }
0x63: {  	_ =	shalt  }
0x64: {  	_ =	shalt  }
0x65: {  	_ =	shalt  }
0x66: {  	_ =	shalt  }
0x67: {  	_ =	shalt  }
0x68: {  	_ =	shalt  }
0x69: {  	_ =	shalt  }
0x6a: {  	_ =	shalt  }
0x6b: {  	_ =	shalt  }
0x6c: {  	_ =	shalt  }
0x6d: {  	_ =	shalt  }
0x6e: {  	_ =	shalt  }
0x6f: {  	_ =	shalt  }
0x70: {  	_ =	shalt  }
0x71: {  	_ =	shalt  }
0x72: {  	_ =	shalt  }
0x73: {  	_ =	shalt  }
0x74: {  	_ =	shalt  }
0x75: {  	_ =	shalt  }
0x76: {  	_ =	shalt  }
0x77: {  	_ =	shalt  }
0x78: {  	_ =	shalt  }
0x79: {  	_ =	shalt  }
0x7a: {  	_ =	shalt  }
0x7b: {  	_ =	shalt  }
0x7c: {  	_ =	shalt  }
0x7d: {  	_ =	shalt  }
0x7e: {  	_ =	shalt  }
0x7f: {  	_ =	shalt  }
0x80: {  	_ =	shalt  }
0x81: {  	_ =	shalt  }
0x82: {  	_ =	shalt  }
0x83: {  	_ =	shalt  }
0x84: {  	_ =	shalt  }
0x85: {  	_ =	shalt  }
0x86: {  	_ =	shalt  }
0x87: {  	_ =	shalt  }
.Lfunc_end0:
.L_simem_size_0:
called_computation.1_lowered:
.L_overlay_start_0:
0x88: {  	s2 =	sld [smem:$0x3FD9]  }
0x89: {  	s3 =	sld [smem:$0x3FFE];
	_ =	sdelay $0x1  }
0x8a: {  	s1 =	srdreg.scid  }
0x8b: {  	s0 =	sand.u32 $0x1, s1  }
0x8c: {  	s17 =	sshll.u32 s0, $0xA;
	s2 =	sadd.s32 s3, s2  }
0x8d: {  	s2 =	sadd.s32 s2, s17  }
0x8e: {  	[smem:$0x3FC1] =	sst s2  }
0x8f: {  	_ = 	snop  }
0x90: {  	s2 =	sld [smem:$0x3FD0];
	(tm) =	ssettm $0x1  }
0x91: {  	s18 =	sld [smem:$0x3FFB];
	_ =	sdelay $0x3  }
0x92: {  	_ =	strace s18  }
0x93: {  	s3 =	sld [smem:$0x3FFC];
	_ =	sdelay $0x3  }
0x94: {  	_ =	strace s3  }
0x95: {  	s3 =	sld [smem:$0x3FFD];
	_ =	sdelay $0x3  }
0x96: {  	_ =	strace s3  }
0x97: {  	_ =	strace $0x8FFFFFFF  }
0x98: {  	s19 =	sld [smem:$0x3FDB];
	_ =	sdelay $0x1  }
0x99: {  	s4 =	simm.s32 $_scs_section_size  }
0x9a: {  	s5 =	simm.s32 $_size__tile_overlayer_lowered;
	s6 =	simm.s32 $_tile_overlayer_lowered  }
0x9b: {  	s22 =	simm.s32 $0x1BFF;
	s21 =	sshll.u32 s6, $0x1;
	s3 =	sadd.s32 s4, s19  }
0x9c: {  	s7 =	simm.s32 $0x0;
	s20 =	sshll.u32 s5, $0x1;
	s5 =	sadd.s32 s21, s3  }
0x9d: {  	[timem:s7], [sflag:s22] =	dma.local [hbm:s5], s20  }
0x9e: {  	_ =	swait.ge [sflag:s22], s20  }
0x9f: {  	s4 =	ssub.s32 $0x0, s20;
	[sflag:s22] =	ssyncset.done $0x0  }
0xa0: {  	[sflag:s22] =	ssyncadd.s32 s4;
	_ =	sdelay $0x1  }
0xa1: {  	s23 =	simm.s32 $0x1B8B  }
0xa2: {  	_ =	swait.ge [sflag:s23], $0x1  }
0xa3: {  	[sflag:s23] =	ssyncset.done $0x0  }
0xa4: {  	s25 =	simm.s32 $0x1B8E;
	s24 =	sld [smem:$0x3FFE];
	[sflag:s23] =	ssyncadd.s32 $0xFFFFFFFF  }
0xa5: {  	s26 =	simm.s32 $execute0_lowered;
	[smem:$0x3FD2] =	sst s25  }
0xa6: {  	s5 =	sshll.u32 s26, $0x1;
	_ =	strace $0x80000049;
	[dreg:$0x1] =	wrdreg $0xFFFFFFFF  }
0xa7: {  	s28 =	simm.s32 $_size_execute0_lowered;
	s3 =	sadd.s32 s3, s5;
	[dreg:$0x0] =	wrdreg $0x0  }
0xa8: {  	s5 =	sshll.u32 s28, $0x1;
	[dreg:$0x2] =	wrdreg s3  }
0xa9: {  	[dreg:$0x3] =	wrdreg s5  }
0xaa: {  	[dreg:$0x4] =	wrdreg $0xC0  }
0xab: {  	_ =	task [dreg:s7], $0x5FFFF  }
0xac: {  	[dreg:$0x1] =	wrdreg $0xFFFFFFFF  }
0xad: {  	[dreg:$0x0] =	wrdreg $0x60  }
0xae: {  	[dreg:$0x2] =	wrdreg s24  }
0xaf: {  	[dreg:$0x3] =	wrdreg s2  }
0xb0: {  	[dreg:$0x4] =	wrdreg $0x9  }
0xb1: {  	_ =	task.clear_ibuf [dreg:s7], $0x5FFFF;
	_ =	strace $0x90000049  }
0xb2: {  	s29 =	simm.s32 $0x9;
	_ =	strace $0x8000004B  }
0xb3: {  	_ =	swait.ge [sflag:s29], $0x1  }
0xb4: {  	[sflag:s29] =	ssyncadd.s32 $0xFFFFFFFF  }
0xb5: {  	_ =	strace $0x9000004B  }
0xb6: {  	_ =	sfence  }
0xb7: {  	s30 =	sld [smem:$0x0];
	_ =	sdelay $0x2  }
0xb8: {  	s31 =	sshll.u32 s1, $0xD;
	s1 =	sshrl.u32 s1, $0x2  }
0xb9: {  	s3 =	sand.u32 $0x4000, s31;
	s1 =	sadd.s32 s1, s30  }
0xba: {  	s0 =	sor.u32 s3, s0;
	s1 =	sshll.u32 s1, $0x11  }
0xbb: {  	s0 =	sor.u32 s1, s0  }
0xbc: {  	s0 =	sadd.s32 $0x8F2B, s0  }
0xbd: {  	[sflag:s0] =	ssyncadd.remote.s32 $0x1  }
0xbe: {  	_ =	sfence.sel $0xFFFF  }
0xbf: {  	[dreg:$0x0] =	wrdreg $0xFFFFFFFF;
	(pc) =	sbr.abs _section_cstart, $3  }
0xc0: {  	[dreg:$0x1] =	wrdreg $0xFFFFFFFF  }
0xc1: {  	_ =	task.clear_ibuf [dreg:s7], $0x2FFFF;
	_ =	strace $0x9FFFFFFF  }
0xc2: {  	(tm) =	ssettm $0x7FFFFFFF  }
0xc3: {  	_ =	shalt  }
tec
execute0_lowered:
.L_overlay_start_1:
0x0: {  	(tag) =	ssettag $0x1  }
0x1: {  	s0 =	srdreg.scid  }
0x2: {  	s4 =	stileid.u32;
	s1 =	rddreg [dreg:$0x0]  }
0x3: {  	s3 =	rddreg [dreg:$0x1];
	s9 =	simm.s32 $0x0;
	s12 =	simm.s32 $0x2  }
0x4: {  	s10 =	simm.s32 $0x6000;
	s11 =	simm.s32 $0x6400;
	s14 =	simm.s32 $0x6480  }
0x5: {  	s15 =	simm.s32 $0x7600;
	s0 =	sand.u32 $0x1, s0;
	s2 =	sshll.u32 s4, $0x1  }
0x6: {  	[smem:$0x7FF] =	sst s9;
	s5 =	sadd.s32 $0x2600, s1;
	s24 =	sadd.s32 $0x2800, s1  }
0x7: {  	v0 =	vimm.s32 $0x0;
	vm0 =	vmmov $0x1;
	s4 =	sshll.u32 s4, $0xD;
	_ =	strace $0x8000004A;
	[smem:$0x7F5] =	sst s5  }
0x8: {  	vm1 =	vcmask $0x308;
	vm2 =	vcmask $0x70C;
	vm3 =	vcmask $0xB10;
	s19 =	sadd.s32 $0x2A00, s1;
	s26 =	sadd.s32 $0x18A00, s1;
	[smem:$0x7F6] =	sst s24  }
0x9: {  	vm4 =	vcmask $0xF14;
	vm5 =	vcmask $0x1318;
	vm6 =	vcmask $0x171C;
	s31 =	sadd.s32 $0x2A20, s1;
	s13 =	sadd.s32 $0x2A30, s1;
	[smem:$0x7F8] =	sst s26  }
0xa: {  	vm8 =	vcmask $0x704;
	v1 =	vlaneseq.u32;
	vm9 =	vcmask $0xB08;
	s7 =	sor.u32 s0, s2;
	s0 =	ssub.s32 $0x2, s0;
	[dreg:$0x19] =	wrdreg s31  }
0xb: {  	vm10 =	vcmask $0xF0C;
	vm11 =	vcmask $0x1310;
	vm12 =	vcmask $0x1714;
	[dreg:$0x14] =	wrdreg s13;
	s2 =	smul.u32 $0x600, s7;
	s6 =	sshll.u32 s7, $0x7  }
0xc: {  	vm13 =	vcmask $0x1B18;
	vm14 =	vcmask $0x1F1C;
	v13 =	vmul.u32 $0x400, v1;
	s25 =	sshll.u32 s7, $0x9;
	s28 =	sshrl.u32 s0, $0x1;
	[smem:$0x7FD] =	sst s7  }
0xd: {  	v14 =	vimm.s32 $0x1;
	v17 =	vimm.f32 $1.000000000e+00;
	v18 =	vimm.s32 $0x0;
	[smem:$0x7F7] =	sst s6;
	s4 =	sor.u32 s4, s6;
	s5 =	sadd.s32 s25, s1  }
0xe: {  	v11 =	vmul.u32 $0x3, v1;
	v18 =	vsel vm0, $0xFFFFFFFF, v18;
	v2 =	vor.u32 $0x1, v13;
	s0 =	ssub.s32 s0, s28;
	s2 =	sadd.s32 s2, s1;
	s30 =	sadd.s32 $0x18C00, s5  }
0xf: {  	v3 =	vor.u32 $0x4001, v13;
	v4 =	vor.u32 $0x8001, v13;
	v5 =	vor.u32 $0xC001, v13;
	s4 =	sand.u32 $0x18380, s4;
	s0 =	smax.u32 s0, $0x1;
	[smem:$0x7FB] =	sst s30  }
0x10: {  	v6 =	vor.u32 $0x10001, v13;
	v7 =	vor.u32 $0x14001, v13;
	v8 =	vor.u32 $0x18001, v13;
	s4 =	sshrl.u32 s4, $0x3;
	s2 =	sadd.s32 $0x202600, s2;
	[smem:$0x7FC] =	sst s0  }
0x11: {  	s20 =	sadd.s32 $0x2A10, s1;
	v9 =	vor.u32 $0x1C001, v13;
	v10 =	vor.u32 $0x20001, v13;
	v12 =	vor.u32 $0x24001, v13;
	[smem:$0x7F9] =	sst s2;
	s29 =	sadd.s32 s3, s4  }
0x12: {  	[tilespmem:$0x1FFF0] =	vst v18;
	p0 =	sne.s32 s7, $0x0;
	v13 =	vor.u32 $0x28001, v13;
	v15 =	vadd.s32 $0x1, v11;
	v16 =	vadd.s32 $0x2, v11;
	s2 =	simm.s32 $0x0;
	[smem:$0x7FA] =	sst s29  }
.LBB2_1:
0x13: {  	s0 =	sld [smem:$0x7F9];
	_ =	sdelay $0x1  }
0x14: {  	[smem:$0x7F4] =	sst s2  }
0x15: {  	[tilespmem:s9], [sflag:$0x2] =	stream.linear.gather [hbm4b:s0+s9], $0x3000, $0x38;
	[tilespmem:$0xC600] =	vst v63  }
0x16: {  	_ =	swait.ge [sflag:s12], $0x3000  }
0x17: {  	s24 =	sld [smem:$0x7FA]  }
0x18: {  	s1 =	simm.s32 $0x80;
	[sflag:s12] =	ssyncset.done $0x0  }
0x19: {  	s25 =	simm.s32 $0x400;
	s3 =	simm.s32 $0x3000;
	[sflag:s12] =	ssyncadd.s32 $0xFFFFD000  }
0x1a: {  	[tilespmem:s3], [sflag:$0x2] =	stream.strided.gather [hbm4b:s24+s1], $0x1000, s25, s1, $0x38;
	[tilespmem:$0xC600] =	vst v63  }
0x1b: {  	_ =	swait.ge [sflag:s12], $0x1000  }
0x1c: {  	s26 =	sld [smem:$0x7F5]  }
0x1d: {  	[sflag:s12] =	ssyncset.done $0x0  }
0x1e: {  	s28 =	simm.s32 $0x4000;
	[sflag:s12] =	ssyncadd.s32 $0xFFFFF000  }
0x1f: {  	[tilespmem:s28], [sflag:$0x2] =	stream.linear.gather [hbm4b:s26+s9], $0x1000, $0x38;
	[tilespmem:$0xC600] =	vst v63  }
0x20: {  	_ =	swait.ge [sflag:s12], $0x1000  }
0x21: {  	s30 =	sld [smem:$0x7F6]  }
0x22: {  	[sflag:s12] =	ssyncset.done $0x0  }
0x23: {  	s29 =	simm.s32 $0x5000;
	[sflag:s12] =	ssyncadd.s32 $0xFFFFF000  }
0x24: {  	[tilespmem:s29], [sflag:$0x2] =	stream.linear.gather [hbm4b:s30+s9], $0x1000, $0x38;
	[tilespmem:$0xC600] =	vst v63  }
0x25: {  	_ =	swait.ge [sflag:s12], $0x1000  }
0x26: {  	[sflag:s12] =	ssyncset.done $0x0  }
0x27: {  	[sflag:s12] =	ssyncadd.s32 $0xFFFFF000  }
0x28: {  	v18 =	vld [tilespmem:s29+$0x0];
	_ =	sdelay $0x2  }
0x29: {  	s31 =	simm.s32 $0x5080  }
0x2a: {  	v19 =	vld [tilespmem:s31+$0x0]  }
0x2b: {  	v18 =	vadd.s32 $0x7F, v18  }
0x2c: {  	v20 =	vshra.s32 v18, $0x1F;
	v21 =	vand.u32 $0x7F, v18  }
0x2d: {  	vm15 =	vlt.s32 v18, $0x1;
	v20 =	vshrl.u32 v20, $0x19;
	vm7 =	vne.s32 v21, $0x0  }
0x2e: {  	v18 =	vadd.s32 v20, v18;
	vm7 =	vmand vm15, vm7  }
0x2f: {  	s2 =	simm.s32 $0x2;
	v20 =	vadd.s32 $0x7F, v19;
	v18 =	vshrl.u32 v18, $0x7;
	v21 =	vsel vm7, $0xFFFFFFFF, v0  }
0x30: {  	s0 =	simm.s32 $0x1;
	s3 =	simm.s32 $0x5100;
	s1 =	simm.s32 $0x0;
	v19 =	vimm.s32 $0x0;
	v21 =	vadd.s32 v21, v18;
	v18 =	vimm.s32 $0x0  }
.LBB2_2:
0x31: {  	p2 =	slt.u32 s1, s7  }
0x32: {  	v22 =	vld [tilespmem:s3+$0x0];
	vm7 =	vlt.s32 v20, $0x1;
	v21 =	vshll.u32 v21, $0x7;
	s1 =	smov.u32 s0;
	s0 =	smov.u32 s2;
	p1 =	sne.s32 s2, $0x1F  }
.Ltmp0:
0x33: {  	s2 =	sadd.s32 $0x1, s2;
	v23 =	vshra.s32 v20, $0x1F;
	v24 =	vand.u32 $0x7F, v20;
	v25 =	vpsel !p2, $0x0, v21;
	(pc) =	sbr.rel @p1 .LBB2_2-.Ltmp0, $4  }
0x34: {  	v23 =	vshrl.u32 v23, $0x19;
	vm15 =	vne.s32 v24, $0x0;
	v18 =	vadd.s32 v18, v25  }
0x35: {  	v19 =	vadd.s32 v19, v21;
	v20 =	vadd.s32 v23, v20;
	vm7 =	vmand vm7, vm15  }
0x36: {  	v21 =	vshrl.u32 v20, $0x7;
	v23 =	vsel vm7, $0xFFFFFFFF, v0  }
0x37: {  	s3 =	sadd.s32 $0x80, s3;
	v21 =	vadd.s32 v23, v21;
	v20 =	vadd.s32 $0x7F, v22  }
0x38: {  	v22 =	vshra.s32 v20, $0x1F;
	v23 =	vand.u32 $0x7F, v20  }
0x39: {  	vm7 =	vlt.s32 v20, $0x1;
	v22 =	vshrl.u32 v22, $0x19;
	vm15 =	vne.s32 v23, $0x0  }
0x3a: {  	v20 =	vadd.s32 v22, v20;
	vm7 =	vmand vm7, vm15  }
0x3b: {  	v20 =	vshrl.u32 v20, $0x7;
	v22 =	vsel vm7, $0xFFFFFFFF, v0  }
0x3c: {  	v21 =	vshll.u32 v21, $0x7;
	v20 =	vadd.s32 v22, v20  }
0x3d: {  	v22 =	vadd.s32 v19, v21;
	v19 =	vshll.u32 v20, $0x7  }
0x3e: {  	v28 =	vadd.s32 v22, v19  }
0x3f: {  	v20 =	vnsel vm0, $0x0, v28  }
0x40: {  	(xrf0) =	vadd.scan.msk.s32 $0xffff, v20;
	v20 =	vsel vm1, $0x0, v28  }
0x41: {  	(xrf0) =	vadd.scan.msk.s32 $0xffff, v20;
	v20 =	vsel vm2, $0x0, v28  }
0x42: {  	(xrf0) =	vadd.scan.msk.s32 $0xffff, v20;
	v20 =	vsel vm3, $0x0, v28  }
0x43: {  	(xrf0) =	vadd.scan.msk.s32 $0xffff, v20;
	v20 =	vsel vm4, $0x0, v28;
	_ =	sdelay $0x1  }
0x44: {  	v22 =	vsel vm5, $0x0, v28  }
0x45: {  	(xrf0) =	vadd.scan.msk.s32 $0xffff, v20;
	v20, _, _ =	vpop (xrf0)  }
0x46: {  	(v2sf) =	vpush v20, $0xF;
	v20, _, _ =	vpop (xrf0)  }
0x47: {  	(xrf0) =	vadd.scan.msk.s32 $0xffff, v22;
	v22, _, _ =	vpop (xrf0);
	(v2sf) =	vpush v20, $0xF  }
0x48: {  	v20, _, _ =	vpop (xrf0);
	(v2sf) =	vpush v22, $0xF  }
0x49: {  	(v2sf) =	vpush v20, $0xF;
	_ =	sdelay $0x1  }
0x4a: {  	v22, _, _ =	vpop (xrf0)  }
0x4b: {  	(v2sf) =	vpush v22, $0xF;
	_ =	sdelay $0x4  }
0x4c: {  	v20, _, _ =	vpop (xrf0)  }
0x4d: {  	(v2sf) =	vpush v20, $0xF;
	_ =	sdelay $0x2  }
0x4e: {  	p2 =	slt.u32 s1, s7;
	s2 =	spop (v2sf)  }
0x4f: {  	p1 =	slt.u32 s0, s7;
	s3 =	spop (v2sf);
	s2 =	sadd.s32 $0x3FF, s2  }
0x50: {  	s4 =	spop (v2sf);
	s17 =	sshra.s32 s2, $0x1F;
	s21 =	sand.u32 $0x3FF, s2  }
0x51: {  	p3 =	slt.s32 s2, $0x1;
	s3 =	sadd.s32 $0x3FF, s3;
	s5 =	spop (v2sf)  }
0x52: {  	s18 =	sshrl.u32 s17, $0x16;
	p4 =	sne.s32 s21, $0x0;
	s23 =	sshra.s32 s3, $0x1F  }
0x53: {  	s8 =	sand.u32 $0x3FF, s3;
	p5 =	slt.s32 s3, $0x1;
	s4 =	sadd.s32 $0x3FF, s4  }
0x54: {  	v20 =	vsel vm6, $0x0, v28;
	s6 =	spop (v2sf);
	s0 =	sadd.s32 s18, s2;
	p3 =	por !p3, !p4  }
0x55: {  	(xrf0) =	vadd.scan.msk.s32 $0xffff, v20;
	s2 =	simm.s32 $0x1;
	s7 =	sshrl.u32 s23, $0x16;
	p6 =	sne.s32 s8, $0x0  }
0x56: {  	s25 =	sand.u32 $0x3FF, s4;
	s26 =	sshra.s32 s4, $0x1F;
	s5 =	sadd.s32 $0x3FF, s5  }
0x57: {  	s0 =	sshra.s32 s0, $0xA;
	p3 =	por !p3, !p3;
	s24 =	sadd.s32 s7, s3  }
0x58: {  	s3 =	simm.s32 $0x1;
	s28 =	sshrl.u32 s26, $0x16;
	s29 =	sshra.s32 s5, $0x1F  }
0x59: {  	s30 =	sand.u32 $0x3FF, s5;
	s31 =	sadd.s32 $0x3FF, s6;
	s6 =	simm.s32 $0x1  }
0x5a: {  	s22 =	spop (v2sf);
	s2 =	simm.s32 @!p3 $0x0;
	p3 =	por !p5, !p6  }
0x5b: {  	v20, _, _ =	vpop (xrf0);
	p5 =	slt.s32 s4, $0x1;
	p6 =	sne.s32 s25, $0x0;
	s8 =	sand.u32 $0x3FF, s31  }
0x5c: {  	(v2sf) =	vpush v20, $0xF;
	p4 =	slt.s32 s31, $0x1;
	s16 =	sshra.s32 s31, $0x1F;
	s0 =	ssub.s32 s0, s2  }
0x5d: {  	p3 =	por !p3, !p3;
	s2 =	sshra.s32 s24, $0xA;
	s1 =	sadd.s32 $0x3FF, s22  }
0x5e: {  	s7 =	sshrl.u32 s16, $0x16;
	s3 =	simm.s32 @!p3 $0x0;
	p3 =	por !p5, !p6  }
0x5f: {  	p5 =	slt.s32 s5, $0x1;
	p6 =	sne.s32 s30, $0x0;
	s17 =	sand.u32 $0x3FF, s1  }
0x60: {  	s23 =	sshra.s32 s1, $0x1F;
	s2 =	ssub.s32 s2, s3;
	s3 =	sadd.s32 s28, s4  }
0x61: {  	p3 =	por !p3, !p3;
	s4 =	simm.s32 $0x1;
	s25 =	sshrl.u32 s23, $0x16  }
0x62: {  	s3 =	sshra.s32 s3, $0xA;
	s4 =	simm.s32 @!p3 $0x0;
	p3 =	por !p5, !p6  }
0x63: {  	p5 =	sne.s32 s8, $0x0;
	p6 =	sne.s32 s17, $0x0;
	s8 =	simm.s32 $0x1  }
0x64: {  	s2 =	sadd.s32 s0, s2;
	s3 =	ssub.s32 s3, s4;
	s4 =	sshrl.u32 s29, $0x16  }
0x65: {  	s0 =	sshll.u32 s0, $0xA;
	p3 =	por !p3, !p3;
	s4 =	sadd.s32 s4, s5  }
0x66: {  	s6 =	simm.s32 @!p3 $0x0;
	p3 =	por !p4, !p5;
	p5 =	slt.s32 s1, $0x1  }
0x67: {  	s5 =	sadd.s32 s7, s31;
	s3 =	sadd.s32 s2, s3;
	s2 =	sshll.u32 s2, $0xA  }
0x68: {  	s1 =	sadd.s32 s25, s1;
	p3 =	por !p3, !p3;
	p6 =	por !p5, !p6  }
0x69: {  	s4 =	sshra.s32 s4, $0xA;
	s21 =	sshll.u32 s3, $0xA;
	s5 =	sshra.s32 s5, $0xA  }
0x6a: {  	s1 =	sshra.s32 s1, $0xA;
	s8 =	simm.s32 @!p3 $0x0;
	s4 =	ssub.s32 s4, s6  }
0x6b: {  	p3 =	por !p6, !p6;
	s18 =	spop (v2sf);
	s3 =	sadd.s32 s3, s4  }
0x6c: {  	s22 =	ssub.s32 s5, s8;
	s5 =	simm.s32 $0x1;
	s7 =	sadd.s32 $0x3FF, s18  }
0x6d: {  	s24 =	sshll.u32 s3, $0xA;
	s3 =	sadd.s32 s3, s22;
	s26 =	sand.u32 $0x3FF, s7  }
0x6e: {  	v20 =	vpsel !p2, $0x0, v21;
	s28 =	sshra.s32 s7, $0x1F;
	p5 =	slt.s32 s7, $0x1;
	p4 =	sne.s32 s26, $0x0  }
0x6f: {  	v19 =	vpsel !p1, $0x0, v19;
	v18 =	vadd.s32 v18, v20;
	v22 =	vmov s0;
	s5 =	simm.s32 @!p3 $0x0;
	s4 =	sshrl.u32 s28, $0x16;
	p6 =	por !p5, !p4  }
0x70: {  	v18 =	vadd.s32 v18, v19;
	v19 =	vnsel vm8, $0x0, v22;
	v25 =	vmov s2;
	s29 =	sadd.s32 s4, s7;
	s4 =	simm.s32 $0x1;
	p1 =	por !p6, !p6  }
0x71: {  	v18 =	vadd.s32 v18, v19;
	v20 =	vnsel vm9, $0x0, v25;
	v27 =	vmov s21;
	s1 =	ssub.s32 s1, s5;
	s0 =	sshra.s32 s29, $0xA;
	s4 =	simm.s32 @!p1 $0x0  }
0x72: {  	v19 =	vnsel vm10, $0x0, v27;
	v18 =	vadd.s32 v20, v18;
	s30 =	sshll.u32 s3, $0xA;
	v24 =	vmov s24;
	s1 =	sadd.s32 s3, s1;
	s0 =	ssub.s32 s0, s4  }
0x73: {  	v18 =	vadd.s32 v19, v18;
	v20 =	vnsel vm11, $0x0, v24;
	v26 =	vmov s30;
	s3 =	sshll.u32 s1, $0xA;
	s0 =	sadd.s32 s1, s0  }
0x74: {  	v19 =	vnsel vm12, $0x0, v26;
	v18 =	vadd.s32 v20, v18;
	v23 =	vmov s3;
	s1 =	sshll.u32 s0, $0xA  }
0x75: {  	v18 =	vadd.s32 v19, v18;
	v20 =	vnsel vm13, $0x0, v23;
	v21 =	vmov s1  }
0x76: {  	s31 =	sld [smem:$0x7F7];
	v18 =	vadd.s32 v20, v18;
	v19 =	vnsel vm14, $0x0, v21  }
0x77: {  	v19 =	vadd.s32 v19, v18  }
0x78: {  	[tilespmem:$0x6480] =	vst v19  }
0x79: {  	v18 =	vld [tilespmem:s31+$0x5000];
	_ =	sdelay $0x4  }
0x7a: {  	v18 =	vadd.s32 $0x7F, v18  }
0x7b: {  	v20 =	vshra.s32 v18, $0x1F;
	v29 =	vand.u32 $0x7F, v18  }
0x7c: {  	vm7 =	vlt.s32 v18, $0x1;
	v20 =	vshrl.u32 v20, $0x19;
	vm15 =	vne.s32 v29, $0x0  }
0x7d: {  	v18 =	vadd.s32 v20, v18;
	vm7 =	vmand vm7, vm15  }
0x7e: {  	v18 =	vshra.s32 v18, $0x7;
	v20 =	vsel vm7, $0xFFFFFFFF, v0  }
0x7f: {  	v18 =	vadd.s32 v20, v18  }
0x80: {  	v20 =	vshll.u32 v18, $0x7  }
0x81: {  	(xrf0) =	vadd.scan.msk.s32 $0xffff, v20;
	_ =	sdelay $0x5  }
0x82: {  	v29, _, _ =	vpop (xrf0)  }
0x83: {  	v20 =	vsub.s32 v29, v20  }
0x84: {  	[tilespmem:$0x6400] =	vst v20  }
0x85: {  	v29 =	vld [tilespmem:s31+$0x4000];
	_ =	sdelay $0x4  }
0x86: {  	(xrf0) =	vadd.scan.msk.s32 $0xffff, v29;
	_ =	sdelay $0x5  }
0x87: {  	v30, _, _ =	vpop (xrf0)  }
0x88: {  	v29 =	vsub.s32 v30, v29  }
0x89: {  	[tilespmem:$0x6000] =	vst v29  }
0x8a: {  	v29 =	vld [tilespmem:s31+$0x4010];
	_ =	sdelay $0x4  }
0x8b: {  	(xrf0) =	vadd.scan.msk.s32 $0xffff, v29;
	_ =	sdelay $0x5  }
0x8c: {  	v30, _, _ =	vpop (xrf0)  }
0x8d: {  	v29 =	vsub.s32 v30, v29  }
0x8e: {  	[tilespmem:$0x6080] =	vst v29  }
0x8f: {  	v29 =	vld [tilespmem:s31+$0x4020];
	_ =	sdelay $0x4  }
0x90: {  	(xrf0) =	vadd.scan.msk.s32 $0xffff, v29;
	_ =	sdelay $0x5  }
0x91: {  	v30, _, _ =	vpop (xrf0)  }
0x92: {  	v29 =	vsub.s32 v30, v29  }
0x93: {  	[tilespmem:$0x6100] =	vst v29  }
0x94: {  	v29 =	vld [tilespmem:s31+$0x4030];
	_ =	sdelay $0x4  }
0x95: {  	(xrf0) =	vadd.scan.msk.s32 $0xffff, v29;
	_ =	sdelay $0x5  }
0x96: {  	v30, _, _ =	vpop (xrf0)  }
0x97: {  	v29 =	vsub.s32 v30, v29  }
0x98: {  	[tilespmem:$0x6180] =	vst v29  }
0x99: {  	v29 =	vld [tilespmem:s31+$0x4040];
	_ =	sdelay $0x4  }
0x9a: {  	(xrf0) =	vadd.scan.msk.s32 $0xffff, v29;
	_ =	sdelay $0x5  }
0x9b: {  	v30, _, _ =	vpop (xrf0)  }
0x9c: {  	v29 =	vsub.s32 v30, v29  }
0x9d: {  	[tilespmem:$0x6200] =	vst v29  }
0x9e: {  	v29 =	vld [tilespmem:s31+$0x4050];
	_ =	sdelay $0x4  }
0x9f: {  	(xrf0) =	vadd.scan.msk.s32 $0xffff, v29;
	_ =	sdelay $0x5  }
0xa0: {  	v30, _, _ =	vpop (xrf0)  }
0xa1: {  	v29 =	vsub.s32 v30, v29  }
0xa2: {  	[tilespmem:$0x6280] =	vst v29  }
0xa3: {  	v29 =	vld [tilespmem:s31+$0x4060];
	_ =	sdelay $0x4  }
0xa4: {  	(xrf0) =	vadd.scan.msk.s32 $0xffff, v29;
	_ =	sdelay $0x5  }
0xa5: {  	v30, _, _ =	vpop (xrf0)  }
0xa6: {  	v29 =	vsub.s32 v30, v29  }
0xa7: {  	[tilespmem:$0x6300] =	vst v29  }
0xa8: {  	v29 =	vld [tilespmem:s31+$0x4070];
	_ =	sdelay $0x4  }
0xa9: {  	(xrf0) =	vadd.scan.msk.s32 $0xffff, v29;
	_ =	sdelay $0x3  }
.Ltmp1:
0xaa: {  	_ = 	snop;
	(pc) =	sbr.rel @p0 .LBB2_5-.Ltmp1, $4  }
0xab: {  	_ = 	snop  }
0xac: {  	v30, _, _ =	vpop (xrf0)  }
0xad: {  	v29 =	vsub.s32 v30, v29  }
0xae: {  	[tilespmem:$0x6380] =	vst v29  }
0xaf: {  	vm7 =	vcmask $0x1B20  }
0xb0: {  	v28 =	vsel vm7, $0x0, v28  }
0xb1: {  	(xrf0) =	vadd.scan.msk.s32 $0xffff, v28;
	_ =	sdelay $0x5  }
0xb2: {  	v28, _, _ =	vpop (xrf0)  }
0xb3: {  	(v2sf) =	vpush v28, $0xF;
	_ =	sdelay $0xe  }
0xb4: {  	s1 =	spop (v2sf)  }
0xb5: {  	vm15 =	vlt.s32 v25, v2;
	vm0 =	vmmov vm6;
	s1 =	sadd.s32 $0x3FF, s1  }
0xb6: {  	vm6 =	vmmov vm5;
	vm5 =	vmmov vm4;
	vm4 =	vmmov vm3;
	s2 =	sand.u32 $0x3FF, s1  }
0xb7: {  	vm3 =	vmmov vm2;
	vm2 =	vmmov vm1;
	vm1 =	vmmov vm14;
	s29 =	sshra.s32 s1, $0x1F;
	p2 =	slt.s32 s1, $0x1;
	p1 =	sne.s32 s2, $0x0  }
0xb8: {  	vm14 =	vmmov vm13;
	vm13 =	vmmov vm12;
	vm12 =	vmmov vm11;
	s2 =	sshrl.u32 s29, $0x16;
	p1 =	por !p2, !p1  }
0xb9: {  	vm11 =	vmmov vm10;
	vm10 =	vmmov vm9;
	vm9 =	vmmov vm8;
	s1 =	sadd.s32 s2, s1;
	s2 =	simm.s32 $0x1;
	p1 =	por !p1, !p1  }
0xba: {  	vm8 =	vlt.s32 v26, v2;
	vm7 =	vlt.s32 v22, v2;
	v30 =	vsel vm15, $0x1, v0;
	s1 =	sshrl.u32 s1, $0xA;
	s2 =	simm.s32 @!p1 $0x0  }
0xbb: {  	vm15 =	vlt.s32 v24, v2;
	v33 =	vsel vm8, $0x1, v0;
	vm8 =	vlt.s32 v21, v2;
	s1 =	ssub.s32 s1, s2  }
0xbc: {  	v29 =	vsel vm7, $0x1, v0;
	vm7 =	vlt.s32 v27, v2;
	v32 =	vsel vm15, $0x1, v0;
	s0 =	sadd.s32 s0, s1  }
0xbd: {  	v35 =	vsel vm8, $0x1, v0;
	vm8 =	vlt.s32 v25, v3;
	v31 =	vsel vm7, $0x1, v0;
	s0 =	sshll.u32 s0, $0xA  }
0xbe: {  	vm7 =	vlt.s32 v23, v2;
	v38 =	vsel vm8, $0x1, v0;
	v28 =	vmov s0  }
0xbf: {  	vm8 =	vlt.s32 v26, v3;
	v34 =	vsel vm7, $0x1, v0;
	vm7 =	vlt.s32 v28, v2  }
0xc0: {  	v29 =	vadd.s32 v29, v30;
	v36 =	vsel vm7, $0x1, v0;
	vm7 =	vlt.s32 v22, v3  }
0xc1: {  	v41 =	vsel vm8, $0x1, v0;
	v37 =	vsel vm7, $0x1, v0;
	vm7 =	vlt.s32 v27, v3  }
0xc2: {  	v29 =	vadd.s32 v31, v29;
	v39 =	vsel vm7, $0x1, v0;
	vm7 =	vlt.s32 v24, v3  }
0xc3: {  	v29 =	vadd.s32 v32, v29;
	v40 =	vsel vm7, $0x1, v0;
	vm7 =	vlt.s32 v23, v3  }
0xc4: {  	v29 =	vadd.s32 v33, v29;
	v45 =	vsel vm7, $0x1, v0;
	vm7 =	vlt.s32 v21, v3  }
0xc5: {  	v29 =	vadd.s32 v34, v29;
	v46 =	vsel vm7, $0x1, v0;
	vm7 =	vlt.s32 v28, v3  }
0xc6: {  	v29 =	vadd.s32 v35, v29;
	v47 =	vsel vm7, $0x1, v0;
	vm7 =	vlt.s32 v22, v4  }
0xc7: {  	v29 =	vadd.s32 v36, v29;
	v48 =	vsel vm7, $0x1, v0;
	vm7 =	vlt.s32 v25, v4  }
0xc8: {  	v37 =	vadd.s32 v37, v38;
	v49 =	vsel vm7, $0x1, v0;
	vm7 =	vlt.s32 v27, v4  }
0xc9: {  	v37 =	vadd.s32 v39, v37;
	v50 =	vsel vm7, $0x1, v0;
	vm7 =	vlt.s32 v24, v4  }
0xca: {  	v37 =	vadd.s32 v40, v37;
	v51 =	vsel vm7, $0x1, v0;
	vm7 =	vlt.s32 v26, v4  }
0xcb: {  	v37 =	vadd.s32 v41, v37;
	v52 =	vsel vm7, $0x1, v0;
	vm7 =	vlt.s32 v23, v4  }
0xcc: {  	v30 =	vadd.s32 v45, v37;
	v53 =	vsel vm7, $0x1, v0;
	vm7 =	vlt.s32 v21, v4  }
0xcd: {  	v30 =	vadd.s32 v46, v30;
	v54 =	vsel vm7, $0x1, v0;
	vm7 =	vlt.s32 v28, v4  }
0xce: {  	v30 =	vadd.s32 v47, v30;
	v55 =	vsel vm7, $0x1, v0;
	vm7 =	vlt.s32 v22, v5  }
0xcf: {  	v59 =	vadd.s32 v48, v49;
	v56 =	vsel vm7, $0x1, v0;
	vm7 =	vlt.s32 v25, v5  }
0xd0: {  	v31 =	vadd.s32 v50, v59;
	v57 =	vsel vm7, $0x1, v0;
	vm7 =	vlt.s32 v27, v5  }
0xd1: {  	v31 =	vadd.s32 v51, v31;
	v58 =	vsel vm7, $0x1, v0;
	vm7 =	vlt.s32 v24, v5  }
0xd2: {  	v31 =	vadd.s32 v52, v31;
	v60 =	vsel vm7, $0x1, v0;
	vm7 =	vlt.s32 v26, v5  }
0xd3: {  	v31 =	vadd.s32 v53, v31;
	v61 =	vsel vm7, $0x1, v0;
	vm7 =	vlt.s32 v23, v5  }
0xd4: {  	v31 =	vadd.s32 v54, v31;
	v62 =	vsel vm7, $0x1, v0;
	vm7 =	vlt.s32 v21, v5  }
0xd5: {  	v31 =	vadd.s32 v55, v31;
	v63 =	vsel vm7, $0x1, v0;
	vm7 =	vlt.s32 v28, v5  }
0xd6: {  	v37 =	vadd.s32 v56, v57;
	v44 =	vsel vm7, $0x1, v0;
	vm7 =	vlt.s32 v22, v6  }
0xd7: {  	v32 =	vadd.s32 v58, v37;
	v45 =	vsel vm7, $0x1, v0;
	vm7 =	vlt.s32 v25, v6  }
0xd8: {  	v32 =	vadd.s32 v60, v32;
	v46 =	vsel vm7, $0x1, v0;
	vm7 =	vlt.s32 v27, v6  }
0xd9: {  	v32 =	vadd.s32 v61, v32;
	v47 =	vsel vm7, $0x1, v0;
	vm7 =	vlt.s32 v24, v6  }
0xda: {  	v32 =	vadd.s32 v62, v32;
	v48 =	vsel vm7, $0x1, v0;
	vm7 =	vlt.s32 v26, v6  }
0xdb: {  	v32 =	vadd.s32 v63, v32;
	v49 =	vsel vm7, $0x1, v0;
	vm7 =	vlt.s32 v23, v6  }
0xdc: {  	v32 =	vadd.s32 v44, v32;
	v50 =	vsel vm7, $0x1, v0;
	vm7 =	vlt.s32 v21, v6  }
0xdd: {  	v39 =	vadd.s32 v45, v46;
	v51 =	vsel vm7, $0x1, v0;
	vm7 =	vlt.s32 v28, v6  }
0xde: {  	v39 =	vadd.s32 v47, v39;
	v52 =	vsel vm7, $0x1, v0;
	vm7 =	vlt.s32 v22, v7  }
0xdf: {  	v37 =	vadd.s32 v48, v39;
	v53 =	vsel vm7, $0x1, v0;
	vm7 =	vlt.s32 v25, v7  }
0xe0: {  	v33 =	vadd.s32 v49, v37;
	v54 =	vsel vm7, $0x1, v0;
	vm7 =	vlt.s32 v27, v7  }
0xe1: {  	v33 =	vadd.s32 v50, v33;
	v55 =	vsel vm7, $0x1, v0;
	vm7 =	vlt.s32 v24, v7  }
0xe2: {  	v33 =	vadd.s32 v51, v33;
	v56 =	vsel vm7, $0x1, v0;
	vm7 =	vlt.s32 v26, v7  }
0xe3: {  	v33 =	vadd.s32 v52, v33;
	v57 =	vsel vm7, $0x1, v0;
	vm7 =	vlt.s32 v23, v7  }
0xe4: {  	v38 =	vadd.s32 v53, v54;
	v58 =	vsel vm7, $0x1, v0;
	vm7 =	vlt.s32 v21, v7  }
0xe5: {  	v38 =	vadd.s32 v55, v38;
	v59 =	vsel vm7, $0x1, v0;
	vm7 =	vlt.s32 v28, v7  }
0xe6: {  	v38 =	vadd.s32 v56, v38;
	v60 =	vsel vm7, $0x1, v0;
	vm7 =	vlt.s32 v22, v8  }
0xe7: {  	v37 =	vadd.s32 v57, v38;
	v61 =	vsel vm7, $0x1, v0;
	vm7 =	vlt.s32 v25, v8  }
0xe8: {  	v34 =	vadd.s32 v58, v37;
	v62 =	vsel vm7, $0x1, v0;
	vm7 =	vlt.s32 v27, v8  }
0xe9: {  	v34 =	vadd.s32 v59, v34;
	v63 =	vsel vm7, $0x1, v0;
	vm7 =	vlt.s32 v24, v8  }
0xea: {  	v34 =	vadd.s32 v60, v34;
	v44 =	vsel vm7, $0x1, v0;
	vm7 =	vlt.s32 v26, v8  }
0xeb: {  	v40 =	vadd.s32 v61, v62;
	v45 =	vsel vm7, $0x1, v0;
	vm7 =	vlt.s32 v23, v8  }
0xec: {  	v39 =	vadd.s32 v63, v40;
	v46 =	vsel vm7, $0x1, v0;
	vm7 =	vlt.s32 v21, v8  }
0xed: {  	v38 =	vadd.s32 v44, v39;
	v47 =	vsel vm7, $0x1, v0;
	vm7 =	vlt.s32 v28, v8  }
0xee: {  	v37 =	vadd.s32 v45, v38;
	v48 =	vsel vm7, $0x1, v0;
	vm7 =	vlt.s32 v22, v9  }
0xef: {  	v35 =	vadd.s32 v46, v37;
	v49 =	vsel vm7, $0x1, v0;
	vm7 =	vlt.s32 v25, v9  }
0xf0: {  	v35 =	vadd.s32 v47, v35;
	v50 =	vsel vm7, $0x1, v0;
	vm7 =	vlt.s32 v27, v9  }
0xf1: {  	v35 =	vadd.s32 v48, v35;
	v51 =	vsel vm7, $0x1, v0;
	vm7 =	vlt.s32 v24, v9  }
0xf2: {  	v39 =	vadd.s32 v49, v50;
	v52 =	vsel vm7, $0x1, v0;
	vm7 =	vlt.s32 v26, v9  }
0xf3: {  	v38 =	vadd.s32 v51, v39;
	v53 =	vsel vm7, $0x1, v0;
	vm7 =	vlt.s32 v23, v9  }
0xf4: {  	v37 =	vadd.s32 v52, v38;
	v54 =	vsel vm7, $0x1, v0;
	vm7 =	vlt.s32 v21, v9  }
0xf5: {  	v36 =	vadd.s32 v53, v37;
	v55 =	vsel vm7, $0x1, v0;
	vm7 =	vlt.s32 v28, v9  }
0xf6: {  	v53 =	vmin.u32 v29, $0x7;
	v56 =	vsel vm7, $0x1, v0;
	vm7 =	vlt.s32 v22, v10  }
0xf7: {  	v36 =	vadd.s32 v54, v36;
	v57 =	vsel vm7, $0x1, v0;
	vm7 =	vlt.s32 v25, v10  }
0xf8: {  	v36 =	vadd.s32 v55, v36;
	v58 =	vsel vm7, $0x1, v0;
	vm7 =	vlt.s32 v27, v10  }
0xf9: {  	v55 =	vmin.u32 v30, $0x7;
	v36 =	vadd.s32 v56, v36;
	v59 =	vsel vm7, $0x1, v0  }
0xfa: {  	vm7 =	vlt.s32 v24, v10;
	v37 =	vadd.s32 v57, v58;
	v57 =	vmin.u32 v31, $0x7  }
0xfb: {  	v58 =	vmin.u32 v32, $0x7;
	v60 =	vsel vm7, $0x1, v0;
	vm7 =	vlt.s32 v26, v10  }
0xfc: {  	v37 =	vadd.s32 v59, v37;
	v61 =	vsel vm7, $0x1, v0;
	vm7 =	vlt.s32 v23, v10  }
0xfd: {  	v37 =	vadd.s32 v60, v37;
	v62 =	vsel vm7, $0x1, v0;
	vm7 =	vlt.s32 v21, v10  }
0xfe: {  	v60 =	vmin.u32 v34, $0x7;
	v63 =	vsel vm7, $0x1, v0;
	vm7 =	vlt.s32 v28, v10  }
0xff: {  	v37 =	vadd.s32 v61, v37;
	v44 =	vsel vm7, $0x1, v0;
	vm7 =	vlt.s32 v22, v12  }
0x100: {  	v61 =	vmin.u32 v36, $0x7;
	v45 =	vsel vm7, $0x1, v0;
	vm7 =	vlt.s32 v25, v12  }
0x101: {  	v37 =	vadd.s32 v62, v37;
	v46 =	vsel vm7, $0x1, v0;
	vm7 =	vlt.s32 v27, v12  }
0x102: {  	v37 =	vadd.s32 v63, v37;
	v47 =	vsel vm7, $0x1, v0;
	vm7 =	vlt.s32 v24, v12  }
0x103: {  	v37 =	vadd.s32 v44, v37;
	v48 =	vsel vm7, $0x1, v0;
	vm7 =	vlt.s32 v26, v12  }
0x104: {  	v62 =	vmin.u32 v37, $0x7;
	v49 =	vsel vm7, $0x1, v0;
	vm7 =	vlt.s32 v23, v12  }
0x105: {  	v38 =	vadd.s32 v45, v46;
	v50 =	vsel vm7, $0x1, v0;
	vm7 =	vlt.s32 v21, v12  }
0x106: {  	v38 =	vadd.s32 v47, v38;
	v51 =	vsel vm7, $0x1, v0;
	vm7 =	vlt.s32 v22, v13  }
0x107: {  	v38 =	vadd.s32 v48, v38;
	v52 =	vsel vm7, $0x1, v0;
	vm7 =	vlt.s32 v25, v13  }
0x108: {  	v22 =	vadd.s32 v49, v38;
	v25 =	vsel vm7, $0x1, v0;
	vm7 =	vlt.s32 v27, v13  }
0x109: {  	[tilespmem:$0x6500] =	vst v53;
	v22 =	vadd.s32 v50, v22;
	v27 =	vsel vm7, $0x1, v0;
	vm7 =	vlt.s32 v28, v12  }
0x10a: {  	[tilespmem:$0x6510] =	vst v55;
	v25 =	vadd.s32 v52, v25;
	v54 =	vsel vm7, $0x1, v0;
	vm7 =	vlt.s32 v24, v13  }
0x10b: {  	[tilespmem:$0x6520] =	vst v57;
	v25 =	vadd.s32 v27, v25;
	v56 =	vsel vm7, $0x1, v0;
	vm7 =	vlt.s32 v26, v13  }
0x10c: {  	[tilespmem:$0x6530] =	vst v58;
	v59 =	vsel vm7, $0x1, v0;
	vm7 =	vlt.s32 v23, v13;
	v23 =	vmin.u32 v33, $0x7  }
0x10d: {  	v22 =	vadd.s32 v51, v22;
	v24 =	vadd.s32 v56, v25;
	[tilespmem:$0x6540] =	vst v23;
	v23 =	vmin.u32 v35, $0x7  }
0x10e: {  	[tilespmem:$0x6550] =	vst v60;
	v24 =	vadd.s32 v59, v24;
	v63 =	vsel vm7, $0x1, v0;
	vm7 =	vlt.s32 v21, v13  }
0x10f: {  	[tilespmem:$0x6560] =	vst v23;
	v21 =	vadd.s32 v63, v24;
	v23 =	vsel vm7, $0x1, v0;
	vm7 =	vlt.s32 v28, v13  }
0x110: {  	[tilespmem:$0x6570] =	vst v61;
	v22 =	vadd.s32 v54, v22;
	v21 =	vadd.s32 v23, v21;
	v23 =	vsel vm7, $0x1, v0  }
0x111: {  	s30 =	sld [smem:$0x7F8];
	[tilespmem:$0x6580] =	vst v62;
	v22 =	vmin.u32 v22, $0x7;
	v21 =	vadd.s32 v23, v21  }
0x112: {  	v42 =	vld [tilespmem:$0x1FFF0];
	[tilespmem:$0x6590] =	vst v22;
	v21 =	vmin.u32 v21, $0x7  }
0x113: {  	s31 =	simm.s32 $0x6500;
	vm8 =	vmmov vm9;
	vm9 =	vmmov vm10;
	[tilespmem:$0x65A0] =	vst v21  }
0x114: {  	vm10 =	vmmov vm11;
	vm11 =	vmmov vm12;
	vm12 =	vmmov vm13;
	[hbm4b:s30+s9] =	stream.linear.scatter [tilespmem:s31], [sflag:$0x2], $0x100, $0x38;
	[tilespmem:$0xC600] =	vst v63  }
0x115: {  	vm13 =	vmmov vm14;
	vm14 =	vmmov vm1;
	vm1 =	vmmov vm2;
	_ =	swait.ge [sflag:s12], $0x100  }
0x116: {  	vm2 =	vmmov vm3;
	vm3 =	vmmov vm4;
	vm4 =	vmmov vm5;
	[sflag:s12] =	ssyncset.done $0x0  }
0x117: {  	vm5 =	vmmov vm6;
	vm6 =	vmmov vm0;
	vm0 =	vnez.u8 v42;
	[sflag:s12] =	ssyncadd.s32 $0xFFFFFF00  }
.LBB2_5:
0x118: {  	s0 =	simm.s32 $0x70;
	s1 =	simm.s32 $0x3040;
	s4 =	simm.s32 $0x6640  }
.LBB2_6:
0x119: {  	v21 =	vld [tilespmem:s1+$0xFFFFFFC0];
	_ =	sdelay $0x4  }
0x11a: {  	v22 =	vshll.u32 v21, $0x7  }
0x11b: {  	v22 =	vor.u32 v1, v22;
	_ =	sdelay $0x3  }
0x11c: {  	s2 =	sadd.s32 $0xFFFFFF90, s0  }
0x11d: {  	v24 =	vmov s2;
	v23 =	vld.idx.msk [tilespmem:v22+s10+$0x0], $0xffff  }
0x11e: {  	[tilespmem:v22+s10+$0x0] =	vst.idx.add.s32.msk $0xffff, v14;
	v22 =	vmul.u32 $0x3, v24  }
0x11f: {  	v62 =	vld.idx.msk [tilespmem:v21+s11+$0x0], $0xffff  }
0x120: {  	v21 =	vld.idx.msk [tilespmem:v21+s14+$0x0], $0xffff;
	v22 =	vbroadcast v22, $0x0;
	_ =	sdelay $0x1  }
0x121: {  	v25 =	vor.u32 v11, v22;
	_ =	sdelay $0x1  }
0x122: {  	v24 =	vadd.s32 v23, v62  }
0x123: {  	v21 =	vadd.s32 v23, v21;
	v23 =	vshll.u32 v24, $0x2  }
0x124: {  	[tilespmem:s4+$0xFFFFFFC0] =	vst v21;
	v21 =	vand.u32 $0x7F, v24;
	v23 =	vand.u32 $0xFFFFFE00, v23  }
0x125: {  	v63 =	vld.idx.msk [tilespmem:v25+s9+$0x0], $0xffff;
	v21 =	vor.u32 v21, v23  }
0x126: {  	v23 =	vor.u32 v15, v22;
	_ =	sdelay $0x3  }
0x127: {  	[tilespmem:v21+s15+$0x0] =	vst.idx.msk $0xffff, v63  }
0x128: {  	v28 =	vor.u32 $0x80, v21;
	v23 =	vld.idx.msk [tilespmem:v23+s9+$0x0], $0xffff  }
0x129: {  	v22 =	vor.u32 v16, v22;
	_ =	sdelay $0x3  }
0x12a: {  	[tilespmem:v28+s15+$0x0] =	vst.idx.msk $0xffff, v23  }
0x12b: {  	v23 =	vor.u32 $0x100, v21;
	v22 =	vld.idx.msk [tilespmem:v22+s9+$0x0], $0xffff  }
0x12c: {  	v21 =	vor.u32 $0x180, v21;
	_ =	sdelay $0x3  }
0x12d: {  	[tilespmem:v23+s15+$0x0] =	vst.idx.msk $0xffff, v22  }
0x12e: {  	[tilespmem:v21+s15+$0x0] =	vst.idx.msk $0xffff, v17  }
0x12f: {  	v21 =	vld [tilespmem:s1+$0xFFFFFFD0];
	_ =	sdelay $0x4  }
0x130: {  	v22 =	vshll.u32 v21, $0x7  }
0x131: {  	v22 =	vor.u32 v1, v22;
	_ =	sdelay $0x3  }
0x132: {  	s25 =	sadd.s32 $0xFFFFFFA0, s0  }
0x133: {  	v29 =	vmov s25;
	v23 =	vld.idx.msk [tilespmem:v22+s10+$0x0], $0xffff  }
0x134: {  	[tilespmem:v22+s10+$0x0] =	vst.idx.add.s32.msk $0xffff, v14;
	v22 =	vmul.u32 $0x3, v29  }
0x135: {  	v30 =	vld.idx.msk [tilespmem:v21+s11+$0x0], $0xffff  }
0x136: {  	v21 =	vld.idx.msk [tilespmem:v21+s14+$0x0], $0xffff;
	v22 =	vbroadcast v22, $0x0;
	_ =	sdelay $0x1  }
0x137: {  	v31 =	vadd.s32 v11, v22;
	_ =	sdelay $0x1  }
0x138: {  	v24 =	vadd.s32 v23, v30  }
0x139: {  	v21 =	vadd.s32 v23, v21;
	v23 =	vshll.u32 v24, $0x2  }
0x13a: {  	[tilespmem:s4+$0xFFFFFFD0] =	vst v21;
	v21 =	vand.u32 $0x7F, v24;
	v23 =	vand.u32 $0xFFFFFE00, v23  }
0x13b: {  	v32 =	vld.idx.msk [tilespmem:v31+s9+$0x0], $0xffff;
	v21 =	vor.u32 v21, v23  }
0x13c: {  	v23 =	vadd.s32 v15, v22;
	_ =	sdelay $0x3  }
0x13d: {  	[tilespmem:v21+s15+$0x0] =	vst.idx.msk $0xffff, v32  }
0x13e: {  	v33 =	vor.u32 $0x80, v21;
	v23 =	vld.idx.msk [tilespmem:v23+s9+$0x0], $0xffff  }
0x13f: {  	v22 =	vadd.s32 v16, v22;
	_ =	sdelay $0x3  }
0x140: {  	[tilespmem:v33+s15+$0x0] =	vst.idx.msk $0xffff, v23  }
0x141: {  	v23 =	vor.u32 $0x100, v21;
	v22 =	vld.idx.msk [tilespmem:v22+s9+$0x0], $0xffff  }
0x142: {  	v21 =	vor.u32 $0x180, v21;
	_ =	sdelay $0x3  }
0x143: {  	[tilespmem:v23+s15+$0x0] =	vst.idx.msk $0xffff, v22  }
0x144: {  	[tilespmem:v21+s15+$0x0] =	vst.idx.msk $0xffff, v17  }
0x145: {  	v21 =	vld [tilespmem:s1+$0xFFFFFFE0];
	_ =	sdelay $0x4  }
0x146: {  	v22 =	vshll.u32 v21, $0x7  }
0x147: {  	v22 =	vor.u32 v1, v22;
	_ =	sdelay $0x3  }
0x148: {  	s26 =	sadd.s32 $0xFFFFFFB0, s0  }
0x149: {  	v34 =	vmov s26;
	v23 =	vld.idx.msk [tilespmem:v22+s10+$0x0], $0xffff  }
0x14a: {  	[tilespmem:v22+s10+$0x0] =	vst.idx.add.s32.msk $0xffff, v14;
	v22 =	vmul.u32 $0x3, v34  }
0x14b: {  	v35 =	vld.idx.msk [tilespmem:v21+s11+$0x0], $0xffff  }
0x14c: {  	v21 =	vld.idx.msk [tilespmem:v21+s14+$0x0], $0xffff;
	v22 =	vbroadcast v22, $0x0;
	_ =	sdelay $0x1  }
0x14d: {  	v36 =	vadd.s32 v11, v22;
	_ =	sdelay $0x1  }
0x14e: {  	v24 =	vadd.s32 v23, v35  }
0x14f: {  	v21 =	vadd.s32 v23, v21;
	v23 =	vshll.u32 v24, $0x2  }
0x150: {  	[tilespmem:s4+$0xFFFFFFE0] =	vst v21;
	v21 =	vand.u32 $0x7F, v24;
	v23 =	vand.u32 $0xFFFFFE00, v23  }
0x151: {  	v37 =	vld.idx.msk [tilespmem:v36+s9+$0x0], $0xffff;
	v21 =	vor.u32 v21, v23  }
0x152: {  	v23 =	vadd.s32 v15, v22;
	_ =	sdelay $0x3  }
0x153: {  	[tilespmem:v21+s15+$0x0] =	vst.idx.msk $0xffff, v37  }
0x154: {  	v38 =	vor.u32 $0x80, v21;
	v23 =	vld.idx.msk [tilespmem:v23+s9+$0x0], $0xffff  }
0x155: {  	v22 =	vadd.s32 v16, v22;
	_ =	sdelay $0x3  }
0x156: {  	[tilespmem:v38+s15+$0x0] =	vst.idx.msk $0xffff, v23  }
0x157: {  	v23 =	vor.u32 $0x100, v21;
	v22 =	vld.idx.msk [tilespmem:v22+s9+$0x0], $0xffff  }
0x158: {  	v21 =	vor.u32 $0x180, v21;
	_ =	sdelay $0x3  }
0x159: {  	[tilespmem:v23+s15+$0x0] =	vst.idx.msk $0xffff, v22  }
0x15a: {  	[tilespmem:v21+s15+$0x0] =	vst.idx.msk $0xffff, v17  }
0x15b: {  	v21 =	vld [tilespmem:s1+$0xFFFFFFF0];
	_ =	sdelay $0x4  }
0x15c: {  	v22 =	vshll.u32 v21, $0x7  }
0x15d: {  	v22 =	vor.u32 v1, v22;
	_ =	sdelay $0x3  }
0x15e: {  	s28 =	sadd.s32 $0xFFFFFFC0, s0  }
0x15f: {  	v39 =	vmov s28;
	v23 =	vld.idx.msk [tilespmem:v22+s10+$0x0], $0xffff  }
0x160: {  	[tilespmem:v22+s10+$0x0] =	vst.idx.add.s32.msk $0xffff, v14;
	v22 =	vmul.u32 $0x3, v39  }
0x161: {  	v40 =	vld.idx.msk [tilespmem:v21+s11+$0x0], $0xffff  }
0x162: {  	v21 =	vld.idx.msk [tilespmem:v21+s14+$0x0], $0xffff;
	v22 =	vbroadcast v22, $0x0;
	_ =	sdelay $0x1  }
0x163: {  	v41 =	vadd.s32 v11, v22;
	_ =	sdelay $0x1  }
0x164: {  	v24 =	vadd.s32 v23, v40  }
0x165: {  	v21 =	vadd.s32 v23, v21;
	v23 =	vshll.u32 v24, $0x2  }
0x166: {  	[tilespmem:s4+$0xFFFFFFF0] =	vst v21;
	v21 =	vand.u32 $0x7F, v24;
	v23 =	vand.u32 $0xFFFFFE00, v23  }
0x167: {  	v42 =	vld.idx.msk [tilespmem:v41+s9+$0x0], $0xffff;
	v21 =	vor.u32 v21, v23  }
0x168: {  	v23 =	vadd.s32 v15, v22;
	_ =	sdelay $0x3  }
0x169: {  	[tilespmem:v21+s15+$0x0] =	vst.idx.msk $0xffff, v42  }
0x16a: {  	v43 =	vor.u32 $0x80, v21;
	v23 =	vld.idx.msk [tilespmem:v23+s9+$0x0], $0xffff  }
0x16b: {  	v22 =	vadd.s32 v16, v22;
	_ =	sdelay $0x3  }
0x16c: {  	[tilespmem:v43+s15+$0x0] =	vst.idx.msk $0xffff, v23  }
0x16d: {  	v23 =	vor.u32 $0x100, v21;
	v22 =	vld.idx.msk [tilespmem:v22+s9+$0x0], $0xffff  }
0x16e: {  	v21 =	vor.u32 $0x180, v21;
	_ =	sdelay $0x3  }
0x16f: {  	[tilespmem:v23+s15+$0x0] =	vst.idx.msk $0xffff, v22  }
0x170: {  	[tilespmem:v21+s15+$0x0] =	vst.idx.msk $0xffff, v17  }
0x171: {  	v21 =	vld [tilespmem:s1+$0x0];
	_ =	sdelay $0x4  }
0x172: {  	v22 =	vshll.u32 v21, $0x7  }
0x173: {  	v22 =	vor.u32 v1, v22;
	_ =	sdelay $0x3  }
0x174: {  	s29 =	sadd.s32 $0xFFFFFFD0, s0  }
0x175: {  	v44 =	vmov s29;
	v23 =	vld.idx.msk [tilespmem:v22+s10+$0x0], $0xffff  }
0x176: {  	[tilespmem:v22+s10+$0x0] =	vst.idx.add.s32.msk $0xffff, v14;
	v22 =	vmul.u32 $0x3, v44  }
0x177: {  	v45 =	vld.idx.msk [tilespmem:v21+s11+$0x0], $0xffff  }
0x178: {  	v21 =	vld.idx.msk [tilespmem:v21+s14+$0x0], $0xffff;
	v22 =	vbroadcast v22, $0x0;
	_ =	sdelay $0x1  }
0x179: {  	v46 =	vor.u32 v11, v22;
	_ =	sdelay $0x1  }
0x17a: {  	v24 =	vadd.s32 v23, v45  }
0x17b: {  	v21 =	vadd.s32 v23, v21;
	v23 =	vshll.u32 v24, $0x2  }
0x17c: {  	[tilespmem:s4+$0x0] =	vst v21;
	v21 =	vand.u32 $0x7F, v24;
	v23 =	vand.u32 $0xFFFFFE00, v23  }
0x17d: {  	v47 =	vld.idx.msk [tilespmem:v46+s9+$0x0], $0xffff;
	v21 =	vor.u32 v21, v23  }
0x17e: {  	v23 =	vor.u32 v15, v22;
	_ =	sdelay $0x3  }
0x17f: {  	[tilespmem:v21+s15+$0x0] =	vst.idx.msk $0xffff, v47  }
0x180: {  	v48 =	vor.u32 $0x80, v21;
	v23 =	vld.idx.msk [tilespmem:v23+s9+$0x0], $0xffff  }
0x181: {  	v22 =	vor.u32 v16, v22;
	_ =	sdelay $0x3  }
0x182: {  	[tilespmem:v48+s15+$0x0] =	vst.idx.msk $0xffff, v23  }
0x183: {  	v23 =	vor.u32 $0x100, v21;
	v22 =	vld.idx.msk [tilespmem:v22+s9+$0x0], $0xffff  }
0x184: {  	v21 =	vor.u32 $0x180, v21;
	_ =	sdelay $0x3  }
0x185: {  	[tilespmem:v23+s15+$0x0] =	vst.idx.msk $0xffff, v22  }
0x186: {  	[tilespmem:v21+s15+$0x0] =	vst.idx.msk $0xffff, v17  }
0x187: {  	v21 =	vld [tilespmem:s1+$0x10];
	_ =	sdelay $0x4  }
0x188: {  	v22 =	vshll.u32 v21, $0x7  }
0x189: {  	v22 =	vor.u32 v1, v22;
	_ =	sdelay $0x3  }
0x18a: {  	s30 =	sadd.s32 $0xFFFFFFE0, s0  }
0x18b: {  	v49 =	vmov s30;
	v23 =	vld.idx.msk [tilespmem:v22+s10+$0x0], $0xffff  }
0x18c: {  	[tilespmem:v22+s10+$0x0] =	vst.idx.add.s32.msk $0xffff, v14;
	v22 =	vmul.u32 $0x3, v49  }
0x18d: {  	v50 =	vld.idx.msk [tilespmem:v21+s11+$0x0], $0xffff  }
0x18e: {  	v21 =	vld.idx.msk [tilespmem:v21+s14+$0x0], $0xffff;
	v22 =	vbroadcast v22, $0x0;
	_ =	sdelay $0x1  }
0x18f: {  	v51 =	vadd.s32 v11, v22;
	_ =	sdelay $0x1  }
0x190: {  	v24 =	vadd.s32 v23, v50  }
0x191: {  	v21 =	vadd.s32 v23, v21;
	v23 =	vshll.u32 v24, $0x2  }
0x192: {  	[tilespmem:s4+$0x10] =	vst v21;
	v21 =	vand.u32 $0x7F, v24;
	v23 =	vand.u32 $0xFFFFFE00, v23  }
0x193: {  	v52 =	vld.idx.msk [tilespmem:v51+s9+$0x0], $0xffff;
	v21 =	vor.u32 v21, v23  }
0x194: {  	v23 =	vadd.s32 v15, v22;
	_ =	sdelay $0x3  }
0x195: {  	[tilespmem:v21+s15+$0x0] =	vst.idx.msk $0xffff, v52  }
0x196: {  	v53 =	vor.u32 $0x80, v21;
	v23 =	vld.idx.msk [tilespmem:v23+s9+$0x0], $0xffff  }
0x197: {  	v22 =	vadd.s32 v16, v22;
	_ =	sdelay $0x3  }
0x198: {  	[tilespmem:v53+s15+$0x0] =	vst.idx.msk $0xffff, v23  }
0x199: {  	v23 =	vor.u32 $0x100, v21;
	v22 =	vld.idx.msk [tilespmem:v22+s9+$0x0], $0xffff  }
0x19a: {  	v21 =	vor.u32 $0x180, v21;
	_ =	sdelay $0x3  }
0x19b: {  	[tilespmem:v23+s15+$0x0] =	vst.idx.msk $0xffff, v22  }
0x19c: {  	[tilespmem:v21+s15+$0x0] =	vst.idx.msk $0xffff, v17  }
0x19d: {  	v21 =	vld [tilespmem:s1+$0x20];
	_ =	sdelay $0x4  }
0x19e: {  	v22 =	vshll.u32 v21, $0x7  }
0x19f: {  	v22 =	vor.u32 v1, v22;
	_ =	sdelay $0x3  }
0x1a0: {  	s31 =	sadd.s32 $0xFFFFFFF0, s0  }
0x1a1: {  	v54 =	vmov s31;
	v23 =	vld.idx.msk [tilespmem:v22+s10+$0x0], $0xffff  }
0x1a2: {  	[tilespmem:v22+s10+$0x0] =	vst.idx.add.s32.msk $0xffff, v14;
	v22 =	vmul.u32 $0x3, v54  }
0x1a3: {  	v55 =	vld.idx.msk [tilespmem:v21+s11+$0x0], $0xffff  }
0x1a4: {  	v21 =	vld.idx.msk [tilespmem:v21+s14+$0x0], $0xffff;
	v22 =	vbroadcast v22, $0x0;
	_ =	sdelay $0x1  }
0x1a5: {  	v56 =	vadd.s32 v11, v22;
	_ =	sdelay $0x1  }
0x1a6: {  	v24 =	vadd.s32 v23, v55  }
0x1a7: {  	v21 =	vadd.s32 v23, v21;
	v23 =	vshll.u32 v24, $0x2  }
0x1a8: {  	[tilespmem:s4+$0x20] =	vst v21;
	v21 =	vand.u32 $0x7F, v24;
	v23 =	vand.u32 $0xFFFFFE00, v23  }
0x1a9: {  	v57 =	vld.idx.msk [tilespmem:v56+s9+$0x0], $0xffff;
	v21 =	vor.u32 v21, v23  }
0x1aa: {  	v23 =	vadd.s32 v15, v22;
	_ =	sdelay $0x3  }
0x1ab: {  	[tilespmem:v21+s15+$0x0] =	vst.idx.msk $0xffff, v57  }
0x1ac: {  	v58 =	vor.u32 $0x80, v21;
	v23 =	vld.idx.msk [tilespmem:v23+s9+$0x0], $0xffff  }
0x1ad: {  	v22 =	vadd.s32 v16, v22;
	_ =	sdelay $0x3  }
0x1ae: {  	[tilespmem:v58+s15+$0x0] =	vst.idx.msk $0xffff, v23  }
0x1af: {  	v23 =	vor.u32 $0x100, v21;
	v22 =	vld.idx.msk [tilespmem:v22+s9+$0x0], $0xffff  }
0x1b0: {  	v21 =	vor.u32 $0x180, v21;
	_ =	sdelay $0x3  }
0x1b1: {  	[tilespmem:v23+s15+$0x0] =	vst.idx.msk $0xffff, v22  }
0x1b2: {  	[tilespmem:v21+s15+$0x0] =	vst.idx.msk $0xffff, v17  }
0x1b3: {  	v21 =	vld [tilespmem:s1+$0x30];
	_ =	sdelay $0x4  }
0x1b4: {  	v22 =	vshll.u32 v21, $0x7  }
0x1b5: {  	v22 =	vor.u32 v1, v22;
	_ =	sdelay $0x4  }
0x1b6: {  	v59 =	vmov s0;
	v23 =	vld.idx.msk [tilespmem:v22+s10+$0x0], $0xffff  }
0x1b7: {  	[tilespmem:v22+s10+$0x0] =	vst.idx.add.s32.msk $0xffff, v14;
	v22 =	vmul.u32 $0x3, v59  }
0x1b8: {  	v60 =	vld.idx.msk [tilespmem:v21+s11+$0x0], $0xffff  }
0x1b9: {  	v21 =	vld.idx.msk [tilespmem:v21+s14+$0x0], $0xffff;
	v22 =	vbroadcast v22, $0x0;
	_ =	sdelay $0x1  }
0x1ba: {  	v61 =	vadd.s32 v11, v22;
	_ =	sdelay $0x1  }
0x1bb: {  	v24 =	vadd.s32 v23, v60  }
0x1bc: {  	v21 =	vadd.s32 v23, v21;
	v23 =	vshll.u32 v24, $0x2  }
0x1bd: {  	[tilespmem:s4+$0x30] =	vst v21;
	v21 =	vand.u32 $0x7F, v24;
	v23 =	vand.u32 $0xFFFFFE00, v23  }
0x1be: {  	v62 =	vld.idx.msk [tilespmem:v61+s9+$0x0], $0xffff;
	v21 =	vor.u32 v21, v23  }
0x1bf: {  	v23 =	vadd.s32 v15, v22;
	_ =	sdelay $0x3  }
0x1c0: {  	[tilespmem:v21+s15+$0x0] =	vst.idx.msk $0xffff, v62  }
0x1c1: {  	v63 =	vor.u32 $0x80, v21;
	v23 =	vld.idx.msk [tilespmem:v23+s9+$0x0], $0xffff  }
0x1c2: {  	v22 =	vadd.s32 v16, v22;
	_ =	sdelay $0x3  }
0x1c3: {  	[tilespmem:v63+s15+$0x0] =	vst.idx.msk $0xffff, v23  }
0x1c4: {  	v23 =	vor.u32 $0x100, v21;
	v22 =	vld.idx.msk [tilespmem:v22+s9+$0x0], $0xffff  }
0x1c5: {  	p1 =	sne.s32 s0, $0xFF0;
	v21 =	vor.u32 $0x180, v21  }
.Ltmp2:
0x1c6: {  	_ = 	snop;
	(pc) =	sbr.rel @p1 .LBB2_6-.Ltmp2, $3  }
0x1c7: {  	_ =	sdelay $0x1  }
0x1c8: {  	[tilespmem:v23+s15+$0x0] =	vst.idx.msk $0xffff, v22  }
0x1c9: {  	s0 =	sadd.s32 $0x80, s0;
	s1 =	sadd.s32 $0x80, s1;
	s4 =	sadd.s32 $0x80, s4;
	[tilespmem:v21+s15+$0x0] =	vst.idx.msk $0xffff, v17  }
0x1ca: {  	s0 =	sld [smem:$0x7FB];
	_ =	sdelay $0x1  }
0x1cb: {  	s2 =	simm.s32 $0x0;
	s1 =	simm.s32 $0x6600  }
0x1cc: {  	[hbm4b:s0+s2] =	stream.linear.scatter [tilespmem:s1], [sflag:$0x2], $0x1000, $0x38;
	[tilespmem:$0xC600] =	vst v63  }
0x1cd: {  	v21 =	vnsel vm0, $0x0, v20;
	_ =	swait.ge [sflag:s12], $0x1000  }
0x1ce: {  	v34 =	vsel vm1, $0x0, v20;
	(xrf0) =	vadd.scan.msk.s32 $0xffff, v21  }
0x1cf: {  	v35 =	vsel vm2, $0x0, v20;
	(xrf0) =	vadd.scan.msk.s32 $0xffff, v34  }
0x1d0: {  	v36 =	vsel vm3, $0x0, v20;
	(xrf0) =	vadd.scan.msk.s32 $0xffff, v35  }
0x1d1: {  	v37 =	vsel vm4, $0x0, v20;
	(xrf0) =	vadd.scan.msk.s32 $0xffff, v36  }
0x1d2: {  	v38 =	vsel vm5, $0x0, v20;
	(xrf0) =	vadd.scan.msk.s32 $0xffff, v37  }
0x1d3: {  	v39 =	vsel vm6, $0x0, v20;
	vm7 =	vcmask $0x1B20;
	(xrf0) =	vadd.scan.msk.s32 $0xffff, v38  }
0x1d4: {  	v40 =	vsel vm7, $0x0, v20;
	v22, _, _ =	vpop (xrf0);
	(xrf0) =	vadd.scan.msk.s32 $0xffff, v39  }
0x1d5: {  	v42 =	vnsel vm0, $0x0, v19;
	(v2sf) =	vpush v22, $0xF;
	v41, _, _ =	vpop (xrf0);
	(xrf0) =	vadd.scan.msk.s32 $0xffff, v40  }
0x1d6: {  	v44 =	vsel vm1, $0x0, v19;
	(v2sf) =	vpush v41, $0xF;
	v43, _, _ =	vpop (xrf0);
	(xrf0) =	vadd.scan.msk.s32 $0xffff, v42  }
0x1d7: {  	v46 =	vsel vm2, $0x0, v19;
	(v2sf) =	vpush v43, $0xF;
	v45, _, _ =	vpop (xrf0);
	(xrf0) =	vadd.scan.msk.s32 $0xffff, v44  }
0x1d8: {  	v48 =	vsel vm3, $0x0, v19;
	(v2sf) =	vpush v45, $0xF;
	v47, _, _ =	vpop (xrf0);
	(xrf0) =	vadd.scan.msk.s32 $0xffff, v46  }
0x1d9: {  	v50 =	vsel vm4, $0x0, v19;
	(v2sf) =	vpush v47, $0xF;
	v49, _, _ =	vpop (xrf0);
	(xrf0) =	vadd.scan.msk.s32 $0xffff, v48  }
0x1da: {  	v52 =	vsel vm5, $0x0, v19;
	(v2sf) =	vpush v49, $0xF;
	v51, _, _ =	vpop (xrf0);
	(xrf0) =	vadd.scan.msk.s32 $0xffff, v50  }
0x1db: {  	v54 =	vsel vm6, $0x0, v19;
	(v2sf) =	vpush v51, $0xF;
	v53, _, _ =	vpop (xrf0);
	(xrf0) =	vadd.scan.msk.s32 $0xffff, v52  }
0x1dc: {  	v19 =	vsel vm7, $0x0, v19;
	(v2sf) =	vpush v53, $0xF;
	v55, _, _ =	vpop (xrf0);
	(xrf0) =	vadd.scan.msk.s32 $0xffff, v54  }
0x1dd: {  	(v2sf) =	vpush v55, $0xF;
	v56, _, _ =	vpop (xrf0);
	(xrf0) =	vadd.scan.msk.s32 $0xffff, v19;
	v19 =	vnsel vm0, $0x0, v18  }
0x1de: {  	(v2sf) =	vpush v56, $0xF;
	v57, _, _ =	vpop (xrf0);
	(xrf0) =	vadd.scan.msk.s32 $0xffff, v19;
	v19 =	vsel vm1, $0x0, v18  }
0x1df: {  	(v2sf) =	vpush v57, $0xF;
	v58, _, _ =	vpop (xrf0);
	(xrf0) =	vadd.scan.msk.s32 $0xffff, v19;
	v19 =	vsel vm2, $0x0, v18  }
0x1e0: {  	(v2sf) =	vpush v58, $0xF;
	v59, _, _ =	vpop (xrf0);
	(xrf0) =	vadd.scan.msk.s32 $0xffff, v19;
	v19 =	vsel vm3, $0x0, v18  }
0x1e1: {  	(v2sf) =	vpush v59, $0xF;
	v60, _, _ =	vpop (xrf0);
	(xrf0) =	vadd.scan.msk.s32 $0xffff, v19;
	v19 =	vsel vm4, $0x0, v18  }
0x1e2: {  	(v2sf) =	vpush v60, $0xF;
	v61, _, _ =	vpop (xrf0);
	(xrf0) =	vadd.scan.msk.s32 $0xffff, v19;
	v19 =	vsel vm5, $0x0, v18  }
0x1e3: {  	(v2sf) =	vpush v61, $0xF;
	v62, _, _ =	vpop (xrf0);
	(xrf0) =	vadd.scan.msk.s32 $0xffff, v19;
	v19 =	vsel vm6, $0x0, v18  }
0x1e4: {  	v18 =	vsel vm7, $0x0, v18;
	s22 =	spop (v2sf);
	(v2sf) =	vpush v62, $0xF;
	v63, _, _ =	vpop (xrf0)  }
0x1e5: {  	s23 =	spop (v2sf);
	(v2sf) =	vpush v63, $0xF  }
0x1e6: {  	(xrf0) =	vadd.scan.msk.s32 $0xffff, v19;
	v19, _, _ =	vpop (xrf0);
	s26 =	spop (v2sf)  }
0x1e7: {  	s0 =	sshll.u32 s22, $0x2;
	(xrf0) =	vadd.scan.msk.s32 $0xffff, v18;
	v18, _, _ =	vpop (xrf0);
	(v2sf) =	vpush v19, $0xF;
	s3 =	spop (v2sf)  }
0x1e8: {  	s1 =	sshll.u32 s23, $0x2;
	[dreg:$0xa] =	wrdreg s0;
	(v2sf) =	vpush v18, $0xF;
	s7 =	spop (v2sf)  }
0x1e9: {  	[dreg:$0x9] =	wrdreg s1;
	v19, _, _ =	vpop (xrf0);
	s8 =	spop (v2sf)  }
0x1ea: {  	s2 =	sshll.u32 s26, $0x2;
	s0 =	rddreg [dreg:$0xa];
	(v2sf) =	vpush v19, $0xF;
	s14 =	spop (v2sf)  }
0x1eb: {  	[dreg:$0x8] =	wrdreg s2;
	s11 =	spop (v2sf)  }
0x1ec: {  	s3 =	sshll.u32 s3, $0x2;
	s2 =	rddreg [dreg:$0x9];
	s9 =	spop (v2sf)  }
0x1ed: {  	v18, _, _ =	vpop (xrf0);
	s7 =	sshll.u32 s7, $0x2;
	[dreg:$0x7] =	wrdreg s3;
	s4 =	spop (v2sf)  }
0x1ee: {  	(v2sf) =	vpush v18, $0xF;
	[dreg:$0x6] =	wrdreg s7;
	s5 =	spop (v2sf)  }
0x1ef: {  	s8 =	sshll.u32 s8, $0x2;
	s1 =	rddreg [dreg:$0x7];
	s6 =	spop (v2sf)  }
0x1f0: {  	v19, _, _ =	vpop (xrf0);
	s14 =	sshll.u32 s14, $0x2;
	[dreg:$0x5] =	wrdreg s8;
	s24 =	spop (v2sf)  }
0x1f1: {  	(v2sf) =	vpush v19, $0xF;
	s11 =	sshll.u32 s11, $0x2;
	[dreg:$0x4] =	wrdreg s14;
	s25 =	spop (v2sf)  }
0x1f2: {  	v18, _, _ =	vpop (xrf0);
	[dreg:$0x3] =	wrdreg s11;
	s18 =	spop (v2sf)  }
0x1f3: {  	s10 =	simm.s32 $0x0;
	(v2sf) =	vpush v18, $0xF;
	s11 =	rddreg [dreg:$0x5];
	s28 =	spop (v2sf)  }
0x1f4: {  	[sflag:s12] =	ssyncset.done $0x0;
	[dreg:$0x13] =	wrdreg s24;
	s15 =	spop (v2sf)  }
0x1f5: {  	[sflag:s12] =	ssyncadd.s32 $0xFFFFF000;
	v18, _, _ =	vpop (xrf0);
	[dreg:$0x1b] =	wrdreg s25;
	p3 =	sle.s32 s15, $0x0  }
0x1f6: {  	(v2sf) =	vpush v18, $0xF;
	[dreg:$0x12] =	wrdreg s15;
	s16 =	spop (v2sf);
	s3 =	sshrl.u32 @!p3 s9, $0x1  }
0x1f7: {  	s0 =	sadd.s32 @!p3 $0x0, s0;
	s7 =	simm.s32 @!p3 $0x0;
	s23 =	spop (v2sf)  }
0x1f8: {  	[dreg:$0x11] =	wrdreg s16;
	p2 =	sle.s32 s16, $0x0;
	s3 =	sand.u32 @!p3 $0x1FFFFFC0, s3  }
0x1f9: {  	s0 =	sand.u32 @!p3 $0xFFFFFE00, s0;
	s16 =	rddreg [dreg:$0x19];
	s26 =	spop (v2sf)  }
0x1fa: {  	s2 =	sadd.s32 @!p2 $0x0, s2;
	s8 =	sadd.s32 @!p3 s19, s3;
	s12 =	sadd.s32 @!p3 $0x7600, s0  }
0x1fb: {  	[dreg:$0x10] =	wrdreg s23;
	p1 =	sle.s32 s23, $0x0;
	s23 =	sadd.s32 $0x80, s9  }
0x1fc: {  	[hbm4b:s8+s7] =	stream.linear.scatter @!p3 [tilespmem:s12], [sflag:$0x1], $0x80, $0x38;
	[tilespmem:$0xC600] =	vst v63  }
0x1fd: {  	s15 =	sadd.s32 @!p3 $0x7680, s0;
	s22 =	spop (v2sf);
	[dreg:$0x15] =	wrdreg s23  }
0x1fe: {  	s8 =	sshrl.u32 @!p2 s4, $0x1;
	s12 =	sadd.s32 @!p3 s3, s20;
	[dreg:$0xf] =	wrdreg s26  }
0x1ff: {  	s2 =	sand.u32 @!p2 $0xFFFFFE00, s2;
	s4 =	sadd.s32 $0x80, s4;
	[dreg:$0xe] =	wrdreg s22  }
0x200: {  	s21 =	spop (v2sf);
	s8 =	sand.u32 @!p2 $0x1FFFFFC0, s8;
	[dreg:$0x16] =	wrdreg s4  }
0x201: {  	[hbm4b:s12+s7] =	stream.linear.scatter @!p3 [tilespmem:s15], [sflag:$0x1], $0x80, $0x38;
	[tilespmem:$0xC600] =	vst v63  }
0x202: {  	s17 =	spop (v2sf);
	s12 =	sadd.s32 @!p3 s3, s16;
	[dreg:$0xd] =	wrdreg s21  }
0x203: {  	s15 =	sadd.s32 @!p3 $0x7700, s0;
	s3 =	sadd.s32 @!p3 s3, s13;
	[dreg:$0xc] =	wrdreg s17  }
0x204: {  	[hbm4b:s12+s7] =	stream.linear.scatter @!p3 [tilespmem:s15], [sflag:$0x1], $0x80, $0x38;
	[tilespmem:$0xC600] =	vst v63  }
0x205: {  	s0 =	sadd.s32 @!p3 $0x7780, s0;
	s14 =	spop (v2sf);
	s15 =	rddreg [dreg:$0x8]  }
0x206: {  	s12 =	sadd.s32 @!p2 $0x7600, s2;
	[dreg:$0xb] =	wrdreg s14;
	s15 =	sadd.s32 @!p1 $0x0, s15  }
0x207: {  	[hbm4b:s3+s7] =	stream.linear.scatter @!p3 [tilespmem:s0], [sflag:$0x1], $0x80, $0x38;
	[tilespmem:$0xC600] =	vst v63  }
0x208: {  	s0 =	simm.s32 @!p2 $0x0;
	p3 =	sle.s32 s22, $0x0;
	s22 =	sadd.s32 $0x80, s6  }
0x209: {  	s3 =	sadd.s32 @!p2 s19, s8;
	s7 =	sadd.s32 @!p2 s8, s20;
	[dreg:$0x18] =	wrdreg s22  }
0x20a: {  	[hbm4b:s3+s0] =	stream.linear.scatter @!p2 [tilespmem:s12], [sflag:$0x1], $0x80, $0x38;
	[tilespmem:$0xC600] =	vst v63  }
0x20b: {  	s22 =	simm.s32 $0x0;
	s3 =	sadd.s32 @!p2 $0x7680, s2;
	s12 =	sshrl.u32 @!p1 s5, $0x1  }
0x20c: {  	[hbm4b:s7+s0] =	stream.linear.scatter @!p2 [tilespmem:s3], [sflag:$0x1], $0x80, $0x38;
	[tilespmem:$0xC600] =	vst v63  }
0x20d: {  	s3 =	sand.u32 @!p1 $0x1FFFFFC0, s12;
	s7 =	sadd.s32 @!p2 s8, s16;
	s12 =	sadd.s32 @!p2 $0x7700, s2  }
0x20e: {  	[hbm4b:s7+s0] =	stream.linear.scatter @!p2 [tilespmem:s12], [sflag:$0x1], $0x80, $0x38;
	[tilespmem:$0xC600] =	vst v63  }
0x20f: {  	s8 =	sadd.s32 @!p2 s8, s13;
	s2 =	sadd.s32 @!p2 $0x7780, s2;
	s7 =	sand.u32 @!p1 $0xFFFFFE00, s15  }
0x210: {  	[hbm4b:s8+s0] =	stream.linear.scatter @!p2 [tilespmem:s2], [sflag:$0x1], $0x80, $0x38;
	[tilespmem:$0xC600] =	vst v63  }
0x211: {  	s12 =	sadd.s32 @!p1 $0x7700, s7;
	s0 =	simm.s32 @!p1 $0x0;
	p2 =	sle.s32 s26, $0x0  }
0x212: {  	s2 =	sadd.s32 @!p1 s19, s3;
	s8 =	sadd.s32 @!p1 $0x7600, s7;
	s15 =	sshrl.u32 @!p2 s6, $0x1  }
0x213: {  	[hbm4b:s2+s0] =	stream.linear.scatter @!p1 [tilespmem:s8], [sflag:$0x1], $0x80, $0x38;
	[tilespmem:$0xC600] =	vst v63  }
0x214: {  	s1 =	sadd.s32 @!p2 $0x0, s1;
	s2 =	sadd.s32 @!p1 $0x7680, s7;
	s8 =	sadd.s32 @!p1 s3, s20  }
0x215: {  	[hbm4b:s8+s0] =	stream.linear.scatter @!p1 [tilespmem:s2], [sflag:$0x1], $0x80, $0x38;
	[tilespmem:$0xC600] =	vst v63  }
0x216: {  	s1 =	sand.u32 @!p2 $0xFFFFFE00, s1;
	s2 =	sadd.s32 @!p1 s3, s16;
	s8 =	simm.s32 @!p2 $0x0  }
0x217: {  	[hbm4b:s2+s0] =	stream.linear.scatter @!p1 [tilespmem:s12], [sflag:$0x1], $0x80, $0x38;
	[tilespmem:$0xC600] =	vst v63  }
0x218: {  	s3 =	sadd.s32 @!p1 s3, s13;
	s2 =	sadd.s32 @!p1 $0x7780, s7;
	s7 =	sand.u32 @!p2 $0x1FFFFFC0, s15  }
0x219: {  	[hbm4b:s3+s0] =	stream.linear.scatter @!p1 [tilespmem:s2], [sflag:$0x1], $0x80, $0x38;
	[tilespmem:$0xC600] =	vst v63  }
0x21a: {  	s15 =	rddreg [dreg:$0x6];
	s12 =	sadd.s32 @!p2 s7, s16;
	s0 =	sadd.s32 @!p2 $0x7600, s1  }
0x21b: {  	s2 =	sadd.s32 @!p2 $0x7680, s1;
	s3 =	sadd.s32 @!p2 s19, s7;
	p1 =	sle.s32 s21, $0x0  }
0x21c: {  	[hbm4b:s3+s8] =	stream.linear.scatter @!p2 [tilespmem:s0], [sflag:$0x1], $0x80, $0x38;
	[tilespmem:$0xC600] =	vst v63  }
0x21d: {  	s0 =	sadd.s32 @!p2 s7, s20;
	s3 =	sadd.s32 @!p2 $0x7700, s1;
	s1 =	sadd.s32 @!p2 $0x7780, s1  }
0x21e: {  	[hbm4b:s0+s8] =	stream.linear.scatter @!p2 [tilespmem:s2], [sflag:$0x1], $0x80, $0x38;
	[tilespmem:$0xC600] =	vst v63  }
0x21f: {  	s0 =	sadd.s32 @!p2 s7, s13;
	s2 =	sshrl.u32 @!p3 s24, $0x1;
	s7 =	sadd.s32 @!p3 $0x0, s15  }
0x220: {  	s15 =	sadd.s32 $0x80, s5;
	s24 =	simm.s32 @!p1 $0x0;
	s5 =	sadd.s32 $0x80, s18  }
0x221: {  	s2 =	sand.u32 @!p3 $0x1FFFFFC0, s2;
	[dreg:$0x17] =	wrdreg s15;
	s15 =	simm.s32 $0x200  }
0x222: {  	[hbm4b:s12+s8] =	stream.linear.scatter @!p2 [tilespmem:s3], [sflag:$0x1], $0x80, $0x38;
	[tilespmem:$0xC600] =	vst v63  }
0x223: {  	s3 =	sand.u32 @!p3 $0xFFFFFE00, s7;
	s7 =	sadd.s32 @!p3 s19, s2;
	s9 =	sadd.s32 @!p3 s2, s16  }
0x224: {  	[hbm4b:s0+s8] =	stream.linear.scatter @!p2 [tilespmem:s1], [sflag:$0x1], $0x80, $0x38;
	[tilespmem:$0xC600] =	vst v63  }
0x225: {  	s12 =	simm.s32 @!p3 $0x0;
	s0 =	sadd.s32 @!p3 $0x7600, s3;
	s1 =	sadd.s32 @!p3 s2, s20  }
0x226: {  	s8 =	sadd.s32 @!p3 $0x7680, s3;
	s2 =	sadd.s32 @!p3 s2, s13;
	p2 =	sle.s32 s17, $0x0  }
0x227: {  	[hbm4b:s7+s12] =	stream.linear.scatter @!p3 [tilespmem:s0], [sflag:$0x1], $0x80, $0x38;
	[tilespmem:$0xC600] =	vst v63  }
0x228: {  	s0 =	sadd.s32 @!p3 $0x7700, s3;
	s7 =	sshrl.u32 @!p1 s25, $0x1;
	s25 =	sadd.s32 $0x80, s28  }
0x229: {  	[hbm4b:s1+s12] =	stream.linear.scatter @!p3 [tilespmem:s8], [sflag:$0x1], $0x80, $0x38;
	[tilespmem:$0xC600] =	vst v63  }
0x22a: {  	s7 =	sand.u32 @!p1 $0x1FFFFFC0, s7;
	s1 =	sadd.s32 @!p3 $0x7780, s3;
	s3 =	sadd.s32 @!p1 $0x0, s11  }
0x22b: {  	[hbm4b:s9+s12] =	stream.linear.scatter @!p3 [tilespmem:s0], [sflag:$0x1], $0x80, $0x38;
	[tilespmem:$0xC600] =	vst v63  }
0x22c: {  	[dreg:$0x1c] =	wrdreg s25;
	s25 =	simm.s32 @!p2 $0x0;
	s0 =	sand.u32 @!p1 $0xFFFFFE00, s3  }
0x22d: {  	s30 =	sadd.s32 @!p1 s7, s16;
	s3 =	sadd.s32 @!p1 s19, s7;
	s23 =	sadd.s32 @!p1 $0x7680, s0  }
0x22e: {  	[hbm4b:s2+s12] =	stream.linear.scatter @!p3 [tilespmem:s1], [sflag:$0x1], $0x80, $0x38;
	[tilespmem:$0xC600] =	vst v63  }
0x22f: {  	s31 =	sadd.s32 @!p1 $0x7700, s0;
	s29 =	sadd.s32 @!p1 $0x7780, s0;
	s2 =	rddreg [dreg:$0x4]  }
0x230: {  	s1 =	sadd.s32 @!p1 $0x7600, s0;
	s0 =	sadd.s32 @!p1 s7, s13;
	s2 =	sadd.s32 @!p2 $0x0, s2  }
0x231: {  	[hbm4b:s3+s24] =	stream.linear.scatter @!p1 [tilespmem:s1], [sflag:$0x1], $0x80, $0x38;
	[tilespmem:$0xC600] =	vst v63  }
0x232: {  	s1 =	sadd.s32 @!p1 s7, s20;
	s3 =	sshrl.u32 @!p2 s18, $0x1;
	s21 =	sand.u32 @!p2 $0xFFFFFE00, s2  }
0x233: {  	s2 =	rddreg [dreg:$0x3];
	s8 =	sand.u32 @!p2 $0x1FFFFFC0, s3;
	s12 =	sadd.s32 @!p2 $0x7600, s21  }
0x234: {  	s3 =	simm.s32 $0x0;
	s7 =	sadd.s32 @!p2 s19, s8;
	s17 =	sadd.s32 @!p2 s8, s20  }
.LBB2_8:
0x235: {  	[dreg:$0x1a] =	wrdreg s5  }
0x236: {  	s11 =	rddreg [dreg:$0x14]  }
0x237: {  	[hbm4b:s1+s24] =	stream.linear.scatter @!p1 [tilespmem:s23], [sflag:$0x1], $0x80, $0x38;
	[tilespmem:$0xC600] =	vst v63  }
0x238: {  	s23 =	rddreg [dreg:$0x5]  }
0x239: {  	s4 =	smov.u32 s5;
	s5 =	rddreg [dreg:$0x19]  }
0x23a: {  	s16 =	sadd.s32 $0x200, s15;
	s6 =	rddreg [dreg:$0x12]  }
0x23b: {  	[dreg:$0x1f] =	wrdreg s16  }
0x23c: {  	s18 =	sadd.s32 $0x1, s10;
	s10 =	smov.u32 s15;
	[dreg:$0x1d] =	wrdreg s4  }
0x23d: {  	s1 =	sadd.s32 @!p2 $0x7680, s21;
	p3 =	sge.s32 s3, s14;
	[dreg:$0x1e] =	wrdreg s23  }
0x23e: {  	s13 =	sadd.s32 @!p2 s8, s11;
	s8 =	sadd.s32 @!p2 s8, s5;
	s4 =	rddreg [dreg:$0x13]  }
0x23f: {  	[hbm4b:s30+s24] =	stream.linear.scatter @!p1 [tilespmem:s31], [sflag:$0x1], $0x80, $0x38;
	[tilespmem:$0xC600] =	vst v63  }
0x240: {  	s2 =	sadd.s32 @!p3 s22, s2;
	p4 =	sge.s32 s18, s6;
	s6 =	rddreg [dreg:$0x16]  }
0x241: {  	[hbm4b:s0+s24] =	stream.linear.scatter @!p1 [tilespmem:s29], [sflag:$0x1], $0x80, $0x38;
	[tilespmem:$0xC600] =	vst v63  }
0x242: {  	s30 =	sadd.s32 @!p2 $0x7700, s21;
	s15 =	sadd.s32 $0x80, s4;
	s4 =	rddreg [dreg:$0x17]  }
0x243: {  	[hbm4b:s7+s25] =	stream.linear.scatter @!p2 [tilespmem:s12], [sflag:$0x1], $0x80, $0x38;
	[tilespmem:$0xC600] =	vst v63  }
0x244: {  	s21 =	sadd.s32 @!p2 $0x7780, s21;
	s2 =	sand.u32 @!p3 $0xFFFFFE00, s2;
	[dreg:$0x13] =	wrdreg s15  }
0x245: {  	[hbm4b:s17+s25] =	stream.linear.scatter @!p2 [tilespmem:s1], [sflag:$0x1], $0x80, $0x38;
	[tilespmem:$0xC600] =	vst v63  }
0x246: {  	s9 =	sadd.s32 @!p3 $0x7780, s2;
	s24 =	rddreg [dreg:$0x7];
	s7 =	sadd.s32 @!p3 $0x7600, s2  }
0x247: {  	[hbm4b:s8+s25] =	stream.linear.scatter @!p2 [tilespmem:s30], [sflag:$0x1], $0x80, $0x38;
	[tilespmem:$0xC600] =	vst v63  }
0x248: {  	s17 =	sadd.s32 @!p3 $0x7700, s2;
	s8 =	sadd.s32 @!p3 $0x7680, s2;
	s2 =	rddreg [dreg:$0x1b]  }
0x249: {  	s0 =	sshrl.u32 @!p3 s28, $0x1;
	s23 =	sadd.s32 $0x80, s2;
	s2 =	rddreg [dreg:$0x15]  }
0x24a: {  	[hbm4b:s13+s25] =	stream.linear.scatter @!p2 [tilespmem:s21], [sflag:$0x1], $0x80, $0x38;
	[tilespmem:$0xC600] =	vst v63  }
0x24b: {  	s3 =	simm.s32 @!p3 $0x0;
	s0 =	sand.u32 @!p3 $0x1FFFFFC0, s0;
	s13 =	rddreg [dreg:$0x9]  }
0x24c: {  	s28 =	smov.u32 s5;
	s1 =	sadd.s32 @!p3 s19, s0;
	[dreg:$0x1b] =	wrdreg s23  }
0x24d: {  	[hbm4b:s1+s3] =	stream.linear.scatter @!p3 [tilespmem:s7], [sflag:$0x1], $0x80, $0x38;
	[tilespmem:$0xC600] =	vst v63  }
0x24e: {  	s12 =	sadd.s32 @!p3 s0, s20;
	s16 =	sadd.s32 @!p3 s0, s5;
	s7 =	rddreg [dreg:$0x11]  }
0x24f: {  	s0 =	sadd.s32 @!p3 s0, s11;
	s1 =	rddreg [dreg:$0xa];
	p2 =	sge.s32 s18, s7  }
0x250: {  	s7 =	sshrl.u32 @!p4 s2, $0x1;
	s1 =	sadd.s32 @!p4 s10, s1;
	s2 =	sadd.s32 $0x80, s2  }
0x251: {  	[hbm4b:s12+s3] =	stream.linear.scatter @!p3 [tilespmem:s8], [sflag:$0x1], $0x80, $0x38;
	[tilespmem:$0xC600] =	vst v63  }
0x252: {  	s8 =	rddreg [dreg:$0x10];
	s12 =	sadd.s32 @!p2 s10, s13;
	s13 =	sshrl.u32 @!p2 s6, $0x1  }
0x253: {  	s7 =	sand.u32 @!p4 $0x1FFFFFC0, s7;
	s1 =	sand.u32 @!p4 $0xFFFFFE00, s1;
	[dreg:$0x15] =	wrdreg s2  }
0x254: {  	s6 =	sadd.s32 $0x80, s6;
	p1 =	sge.s32 s18, s8;
	s8 =	simm.s32 @!p4 $0x0  }
0x255: {  	s12 =	sand.u32 @!p2 $0xFFFFFE00, s12;
	s21 =	sadd.s32 @!p4 s7, s20;
	[dreg:$0x16] =	wrdreg s6  }
0x256: {  	[hbm4b:s16+s3] =	stream.linear.scatter @!p3 [tilespmem:s17], [sflag:$0x1], $0x80, $0x38;
	[tilespmem:$0xC600] =	vst v63  }
0x257: {  	s22 =	sadd.s32 @!p4 s7, s5;
	s31 =	sadd.s32 @!p4 $0x7600, s1;
	s16 =	rddreg [dreg:$0x8]  }
0x258: {  	s17 =	sadd.s32 @!p4 s19, s7;
	s7 =	sadd.s32 @!p4 s7, s11;
	s29 =	sadd.s32 @!p2 $0x7680, s12  }
0x259: {  	s30 =	sshrl.u32 @!p1 s4, $0x1;
	s4 =	sadd.s32 $0x80, s4;
	s16 =	sadd.s32 @!p1 s10, s16  }
0x25a: {  	[hbm4b:s0+s3] =	stream.linear.scatter @!p3 [tilespmem:s9], [sflag:$0x1], $0x80, $0x38;
	[tilespmem:$0xC600] =	vst v63  }
0x25b: {  	s30 =	sand.u32 @!p1 $0x1FFFFFC0, s30;
	[dreg:$0x17] =	wrdreg s4;
	s0 =	sand.u32 @!p2 $0x1FFFFFC0, s13  }
0x25c: {  	s3 =	sadd.s32 @!p2 $0x7600, s12;
	s14 =	sand.u32 @!p1 $0xFFFFFE00, s16;
	s16 =	sadd.s32 @!p4 $0x7680, s1  }
0x25d: {  	s9 =	smov.u32 s19;
	p3 =	sge.s32 s18, s26;
	[smem:$0x7F1] =	sst s3  }
0x25e: {  	s13 =	sadd.s32 @!p2 s19, s0;
	s25 =	sadd.s32 @!p2 s0, s20;
	s19 =	sadd.s32 @!p4 $0x7700, s1  }
0x25f: {  	s1 =	sadd.s32 @!p4 $0x7780, s1;
	s3 =	sadd.s32 @!p2 s0, s11;
	s26 =	sadd.s32 @!p1 $0x7780, s14  }
0x260: {  	[hbm4b:s17+s8] =	stream.linear.scatter @!p4 [tilespmem:s31], [sflag:$0x1], $0x80, $0x38;
	[tilespmem:$0xC600] =	vst v63  }
0x261: {  	s24 =	sadd.s32 @!p3 s10, s24;
	s6 =	simm.s32 @!p3 $0x0;
	s17 =	sadd.s32 @!p2 s0, s5  }
0x262: {  	s31 =	sadd.s32 @!p2 $0x7700, s12;
	s0 =	sadd.s32 @!p1 s30, s5;
	s5 =	rddreg [dreg:$0x18]  }
0x263: {  	[hbm4b:s21+s8] =	stream.linear.scatter @!p4 [tilespmem:s16], [sflag:$0x1], $0x80, $0x38;
	[tilespmem:$0xC600] =	vst v63  }
0x264: {  	s12 =	sadd.s32 @!p2 $0x7780, s12;
	[smem:$0x7F2] =	sst s0;
	s0 =	sadd.s32 @!p1 s30, s11  }
0x265: {  	[hbm4b:s22+s8] =	stream.linear.scatter @!p4 [tilespmem:s19], [sflag:$0x1], $0x80, $0x38;
	[tilespmem:$0xC600] =	vst v63  }
0x266: {  	s16 =	simm.s32 @!p1 $0x0;
	s21 =	sadd.s32 @!p1 $0x7680, s14;
	[smem:$0x7F3] =	sst s0  }
0x267: {  	[hbm4b:s7+s8] =	stream.linear.scatter @!p4 [tilespmem:s1], [sflag:$0x1], $0x80, $0x38;
	[tilespmem:$0xC600] =	vst v63  }
0x268: {  	s8 =	sshrl.u32 @!p3 s5, $0x1;
	s1 =	sld [smem:$0x7F1];
	s5 =	sadd.s32 $0x80, s5  }
0x269: {  	s0 =	simm.s32 @!p2 $0x0;
	s19 =	sadd.s32 @!p1 $0x7700, s14;
	[dreg:$0x18] =	wrdreg s5  }
0x26a: {  	s7 =	sadd.s32 @!p1 s30, s20;
	s8 =	sand.u32 @!p3 $0x1FFFFFC0, s8;
	s5 =	rddreg [dreg:$0x1a]  }
0x26b: {  	[hbm4b:s13+s0] =	stream.linear.scatter @!p2 [tilespmem:s1], [sflag:$0x1], $0x80, $0x38;
	[tilespmem:$0xC600] =	vst v63  }
0x26c: {  	s5 =	sadd.s32 $0x80, s5;
	s13 =	sadd.s32 @!p1 $0x7600, s14;
	s14 =	sand.u32 @!p3 $0xFFFFFE00, s24  }
0x26d: {  	[hbm4b:s25+s0] =	stream.linear.scatter @!p2 [tilespmem:s29], [sflag:$0x1], $0x80, $0x38;
	[tilespmem:$0xC600] =	vst v63  }
0x26e: {  	s1 =	sadd.s32 @!p1 s9, s30;
	s24 =	sadd.s32 @!p3 $0x7600, s14;
	s22 =	sadd.s32 @!p3 $0x7680, s14  }
0x26f: {  	[hbm4b:s17+s0] =	stream.linear.scatter @!p2 [tilespmem:s31], [sflag:$0x1], $0x80, $0x38;
	[tilespmem:$0xC600] =	vst v63  }
0x270: {  	s30 =	sadd.s32 @!p3 $0x7700, s14;
	s14 =	sadd.s32 @!p3 $0x7780, s14;
	s0 =	simm.s32 @!p2 $0x0  }
0x271: {  	[hbm4b:s3+s0] =	stream.linear.scatter @!p2 [tilespmem:s12], [sflag:$0x1], $0x80, $0x38;
	[tilespmem:$0xC600] =	vst v63  }
0x272: {  	s25 =	sadd.s32 @!p3 s9, s8;
	s29 =	sadd.s32 @!p3 s8, s20;
	s12 =	rddreg [dreg:$0xe]  }
0x273: {  	s17 =	sadd.s32 @!p3 s8, s28;
	s31 =	rddreg [dreg:$0x6];
	p4 =	sge.s32 s18, s12  }
0x274: {  	[hbm4b:s1+s16] =	stream.linear.scatter @!p1 [tilespmem:s13], [sflag:$0x1], $0x80, $0x38;
	[tilespmem:$0xC600] =	vst v63  }
0x275: {  	s2 =	sshrl.u32 @!p4 s15, $0x1;
	s3 =	sadd.s32 @!p4 s10, s31;
	s1 =	sld [smem:$0x7F2]  }
0x276: {  	[hbm4b:s7+s16] =	stream.linear.scatter @!p1 [tilespmem:s21], [sflag:$0x1], $0x80, $0x38;
	[tilespmem:$0xC600] =	vst v63  }
0x277: {  	s0 =	sadd.s32 @!p3 s8, s11;
	s2 =	sand.u32 @!p4 $0x1FFFFFC0, s2;
	s3 =	sand.u32 @!p4 $0xFFFFFE00, s3  }
0x278: {  	[hbm4b:s1+s16] =	stream.linear.scatter @!p1 [tilespmem:s19], [sflag:$0x1], $0x80, $0x38;
	[tilespmem:$0xC600] =	vst v63  }
0x279: {  	s7 =	sadd.s32 @!p4 s9, s2;
	s8 =	sadd.s32 @!p4 $0x7600, s3;
	s1 =	sld [smem:$0x7F3]  }
0x27a: {  	s12 =	sadd.s32 @!p4 s2, s20;
	s13 =	sadd.s32 @!p4 $0x7680, s3;
	s21 =	sadd.s32 @!p4 $0x7700, s3  }
0x27b: {  	s4 =	sadd.s32 @!p4 s2, s11;
	s19 =	sadd.s32 @!p4 s2, s28;
	s2 =	rddreg [dreg:$0xd]  }
0x27c: {  	[hbm4b:s1+s16] =	stream.linear.scatter @!p1 [tilespmem:s26], [sflag:$0x1], $0x80, $0x38;
	[tilespmem:$0xC600] =	vst v63  }
0x27d: {  	s26 =	simm.s32 @!p4 $0x0;
	s16 =	sadd.s32 @!p4 $0x7780, s3;
	s3 =	rddreg [dreg:$0x1f]  }
0x27e: {  	[hbm4b:s25+s6] =	stream.linear.scatter @!p3 [tilespmem:s24], [sflag:$0x1], $0x80, $0x38;
	[tilespmem:$0xC600] =	vst v63  }
0x27f: {  	p1 =	sge.s32 s18, s2;
	s2 =	rddreg [dreg:$0x1e];
	s15 =	smov.u32 s3  }
0x280: {  	[hbm4b:s29+s6] =	stream.linear.scatter @!p3 [tilespmem:s22], [sflag:$0x1], $0x80, $0x38;
	[tilespmem:$0xC600] =	vst v63  }
0x281: {  	p5 =	sne.s32 s3, $0x4000;
	s1 =	sshrl.u32 @!p1 s23, $0x1;
	s22 =	smov.u32 s10  }
0x282: {  	s3 =	smov.u32 s18;
	s24 =	simm.s32 @!p1 $0x0;
	s2 =	sadd.s32 @!p1 s22, s2  }
0x283: {  	[hbm4b:s17+s6] =	stream.linear.scatter @!p3 [tilespmem:s30], [sflag:$0x1], $0x80, $0x38;
	[tilespmem:$0xC600] =	vst v63  }
0x284: {  	s25 =	rddreg [dreg:$0x1c];
	s6 =	simm.s32 @!p3 $0x0;
	s2 =	sand.u32 @!p1 $0xFFFFFE00, s2  }
0x285: {  	s17 =	rddreg [dreg:$0x4];
	s23 =	sadd.s32 @!p1 $0x7680, s2;
	s31 =	sadd.s32 @!p1 $0x7700, s2  }
0x286: {  	[hbm4b:s0+s6] =	stream.linear.scatter @!p3 [tilespmem:s14], [sflag:$0x1], $0x80, $0x38;
	[tilespmem:$0xC600] =	vst v63  }
0x287: {  	s29 =	sadd.s32 @!p1 $0x7780, s2;
	s0 =	sand.u32 @!p1 $0x1FFFFFC0, s1;
	s14 =	sadd.s32 @!p1 $0x7600, s2  }
0x288: {  	s2 =	rddreg [dreg:$0x3];
	s6 =	sadd.s32 @!p1 s9, s0;
	s1 =	sadd.s32 @!p1 s0, s20  }
0x289: {  	s30 =	sadd.s32 @!p1 s0, s28;
	s0 =	sadd.s32 @!p1 s0, s11;
	s11 =	rddreg [dreg:$0xc]  }
0x28a: {  	[hbm4b:s7+s26] =	stream.linear.scatter @!p4 [tilespmem:s8], [sflag:$0x1], $0x80, $0x38;
	[tilespmem:$0xC600] =	vst v63  }
0x28b: {  	s10 =	smov.u32 s18;
	p2 =	sge.s32 s18, s11;
	s7 =	rddreg [dreg:$0x1d]  }
0x28c: {  	s28 =	smov.u32 s25;
	s25 =	sadd.s32 $0x80, s25;
	s7 =	sshrl.u32 @!p2 s7, $0x1  }
0x28d: {  	[hbm4b:s12+s26] =	stream.linear.scatter @!p4 [tilespmem:s13], [sflag:$0x1], $0x80, $0x38;
	[tilespmem:$0xC600] =	vst v63  }
0x28e: {  	[dreg:$0x1c] =	wrdreg s25;
	s25 =	simm.s32 @!p2 $0x0;
	s8 =	sand.u32 @!p2 $0x1FFFFFC0, s7  }
0x28f: {  	[hbm4b:s19+s26] =	stream.linear.scatter @!p4 [tilespmem:s21], [sflag:$0x1], $0x80, $0x38;
	[tilespmem:$0xC600] =	vst v63  }
.Ltmp3:
0x290: {  	s12 =	sadd.s32 @!p2 s22, s17;
	s7 =	sadd.s32 @!p2 s9, s8;
	(pc) =	sbr.rel @p5 .LBB2_8-.Ltmp3, $4  }
0x291: {  	[hbm4b:s4+s26] =	stream.linear.scatter @!p4 [tilespmem:s16], [sflag:$0x1], $0x80, $0x38;
	[tilespmem:$0xC600] =	vst v63  }
0x292: {  	s17 =	sadd.s32 @!p2 s8, s20;
	s21 =	sand.u32 @!p2 $0xFFFFFE00, s12;
	s26 =	rddreg [dreg:$0xf]  }
0x293: {  	[hbm4b:s6+s24] =	stream.linear.scatter @!p1 [tilespmem:s14], [sflag:$0x1], $0x80, $0x38;
	[tilespmem:$0xC600] =	vst v63  }
0x294: {  	s19 =	smov.u32 s9;
	s12 =	sadd.s32 @!p2 $0x7600, s21;
	s14 =	rddreg [dreg:$0xb]  }
0x295: {  	[hbm4b:s1+s24] =	stream.linear.scatter @!p1 [tilespmem:s23], [sflag:$0x1], $0x80, $0x38;
	[tilespmem:$0xC600] =	vst v63  }
0x296: {  	_ = 	snop  }
0x297: {  	[hbm4b:s30+s24] =	stream.linear.scatter @!p1 [tilespmem:s31], [sflag:$0x1], $0x80, $0x38;
	[tilespmem:$0xC600] =	vst v63  }
0x298: {  	_ = 	snop  }
0x299: {  	[hbm4b:s0+s24] =	stream.linear.scatter @!p1 [tilespmem:s29], [sflag:$0x1], $0x80, $0x38;
	[tilespmem:$0xC600] =	vst v63  }
0x29a: {  	_ = 	snop  }
0x29b: {  	[hbm4b:s7+s25] =	stream.linear.scatter @!p2 [tilespmem:s12], [sflag:$0x1], $0x80, $0x38;
	[tilespmem:$0xC600] =	vst v63  }
0x29c: {  	s5 =	rddreg [dreg:$0x19];
	s1 =	sadd.s32 @!p2 $0x7700, s21;
	s0 =	sadd.s32 @!p2 $0x7680, s21  }
0x29d: {  	[hbm4b:s17+s25] =	stream.linear.scatter @!p2 [tilespmem:s0], [sflag:$0x1], $0x80, $0x38;
	[tilespmem:$0xC600] =	vst v63  }
0x29e: {  	s13 =	rddreg [dreg:$0x14];
	p1 =	sge.s32 s3, s14;
	s0 =	sadd.s32 @!p2 s8, s5  }
0x29f: {  	[hbm4b:s0+s25] =	stream.linear.scatter @!p2 [tilespmem:s1], [sflag:$0x1], $0x80, $0x38;
	[tilespmem:$0xC600] =	vst v63  }
0x2a0: {  	s3 =	sadd.s32 @!p2 $0x7780, s21;
	s0 =	sadd.s32 @!p1 s22, s2;
	s2 =	sshrl.u32 @!p1 s28, $0x1  }
0x2a1: {  	s1 =	sadd.s32 @!p2 s8, s13;
	s2 =	sand.u32 @!p1 $0x1FFFFFC0, s2;
	s0 =	sand.u32 @!p1 $0xFFFFFE00, s0  }
0x2a2: {  	[hbm4b:s1+s25] =	stream.linear.scatter @!p2 [tilespmem:s3], [sflag:$0x1], $0x80, $0x38;
	[tilespmem:$0xC600] =	vst v63  }
0x2a3: {  	s1 =	simm.s32 @!p1 $0x0;
	s3 =	sadd.s32 @!p1 s19, s2;
	s4 =	sadd.s32 @!p1 $0x7600, s0  }
0x2a4: {  	[hbm4b:s3+s1] =	stream.linear.scatter @!p1 [tilespmem:s4], [sflag:$0x1], $0x80, $0x38;
	[tilespmem:$0xC600] =	vst v63  }
0x2a5: {  	s3 =	sadd.s32 @!p1 s2, s20;
	s4 =	sadd.s32 @!p1 $0x7680, s0  }
0x2a6: {  	[hbm4b:s3+s1] =	stream.linear.scatter @!p1 [tilespmem:s4], [sflag:$0x1], $0x80, $0x38;
	[tilespmem:$0xC600] =	vst v63  }
0x2a7: {  	s31 =	rddreg [dreg:$0x12];
	s3 =	sadd.s32 @!p1 s2, s5;
	s4 =	sadd.s32 @!p1 $0x7700, s0  }
0x2a8: {  	[hbm4b:s3+s1] =	stream.linear.scatter @!p1 [tilespmem:s4], [sflag:$0x1], $0x80, $0x38;
	[tilespmem:$0xC600] =	vst v63  }
0x2a9: {  	p2 =	sle.s32 s31, $0x0;
	s2 =	sadd.s32 @!p1 s2, s13;
	s0 =	sadd.s32 @!p1 $0x7780, s0  }
0x2aa: {  	[hbm4b:s2+s1] =	stream.linear.scatter @!p1 [tilespmem:s0], [sflag:$0x1], $0x80, $0x38;
	[tilespmem:$0xC600] =	vst v63  }
0x2ab: {  	s0 =	simm.s32 @!p2 $0x1  }
0x2ac: {  	_ =	swait.ge @!p2 [sflag:s0], $0x80  }
0x2ad: {  	[sflag:s0] =	ssyncset.done @!p2 $0x0  }
0x2ae: {  	[sflag:s0] =	ssyncadd.s32 @!p2 $0xFFFFFF80  }
0x2af: {  	_ =	swait.ge @!p2 [sflag:s0], $0x80  }
0x2b0: {  	[sflag:s0] =	ssyncset.done @!p2 $0x0  }
0x2b1: {  	[sflag:s0] =	ssyncadd.s32 @!p2 $0xFFFFFF80  }
0x2b2: {  	_ =	swait.ge @!p2 [sflag:s0], $0x80  }
0x2b3: {  	[sflag:s0] =	ssyncset.done @!p2 $0x0  }
0x2b4: {  	[sflag:s0] =	ssyncadd.s32 @!p2 $0xFFFFFF80  }
0x2b5: {  	_ =	swait.ge @!p2 [sflag:s0], $0x80  }
0x2b6: {  	s8 =	rddreg [dreg:$0x11]  }
0x2b7: {  	[sflag:s0] =	ssyncset.done @!p2 $0x0;
	p1 =	sle.s32 s8, $0x0  }
0x2b8: {  	[sflag:s0] =	ssyncadd.s32 @!p2 $0xFFFFFF80;
	s0 =	simm.s32 @!p1 $0x1  }
0x2b9: {  	_ =	swait.ge @!p1 [sflag:s0], $0x80  }
0x2ba: {  	[sflag:s0] =	ssyncset.done @!p1 $0x0  }
0x2bb: {  	[sflag:s0] =	ssyncadd.s32 @!p1 $0xFFFFFF80  }
0x2bc: {  	_ =	swait.ge @!p1 [sflag:s0], $0x80  }
0x2bd: {  	[sflag:s0] =	ssyncset.done @!p1 $0x0  }
0x2be: {  	[sflag:s0] =	ssyncadd.s32 @!p1 $0xFFFFFF80  }
0x2bf: {  	_ =	swait.ge @!p1 [sflag:s0], $0x80  }
0x2c0: {  	[sflag:s0] =	ssyncset.done @!p1 $0x0  }
0x2c1: {  	[sflag:s0] =	ssyncadd.s32 @!p1 $0xFFFFFF80  }
0x2c2: {  	_ =	swait.ge @!p1 [sflag:s0], $0x80  }
0x2c3: {  	s7 =	rddreg [dreg:$0x10]  }
0x2c4: {  	[sflag:s0] =	ssyncset.done @!p1 $0x0;
	p2 =	sle.s32 s7, $0x0  }
0x2c5: {  	[sflag:s0] =	ssyncadd.s32 @!p1 $0xFFFFFF80;
	s0 =	simm.s32 @!p2 $0x1  }
0x2c6: {  	_ =	swait.ge @!p2 [sflag:s0], $0x80  }
0x2c7: {  	[sflag:s0] =	ssyncset.done @!p2 $0x0  }
0x2c8: {  	[sflag:s0] =	ssyncadd.s32 @!p2 $0xFFFFFF80  }
0x2c9: {  	_ =	swait.ge @!p2 [sflag:s0], $0x80  }
0x2ca: {  	[sflag:s0] =	ssyncset.done @!p2 $0x0  }
0x2cb: {  	[sflag:s0] =	ssyncadd.s32 @!p2 $0xFFFFFF80  }
0x2cc: {  	_ =	swait.ge @!p2 [sflag:s0], $0x80  }
0x2cd: {  	[sflag:s0] =	ssyncset.done @!p2 $0x0  }
0x2ce: {  	[sflag:s0] =	ssyncadd.s32 @!p2 $0xFFFFFF80  }
0x2cf: {  	_ =	swait.ge @!p2 [sflag:s0], $0x80  }
0x2d0: {  	p1 =	sle.s32 s26, $0x0;
	[sflag:s0] =	ssyncset.done @!p2 $0x0  }
0x2d1: {  	[sflag:s0] =	ssyncadd.s32 @!p2 $0xFFFFFF80;
	s0 =	simm.s32 @!p1 $0x1  }
0x2d2: {  	_ =	swait.ge @!p1 [sflag:s0], $0x80  }
0x2d3: {  	[sflag:s0] =	ssyncset.done @!p1 $0x0  }
0x2d4: {  	[sflag:s0] =	ssyncadd.s32 @!p1 $0xFFFFFF80  }
0x2d5: {  	_ =	swait.ge @!p1 [sflag:s0], $0x80  }
0x2d6: {  	[sflag:s0] =	ssyncset.done @!p1 $0x0  }
0x2d7: {  	[sflag:s0] =	ssyncadd.s32 @!p1 $0xFFFFFF80  }
0x2d8: {  	_ =	swait.ge @!p1 [sflag:s0], $0x80  }
0x2d9: {  	[sflag:s0] =	ssyncset.done @!p1 $0x0  }
0x2da: {  	[sflag:s0] =	ssyncadd.s32 @!p1 $0xFFFFFF80  }
0x2db: {  	_ =	swait.ge @!p1 [sflag:s0], $0x80  }
0x2dc: {  	s6 =	rddreg [dreg:$0xe]  }
0x2dd: {  	[sflag:s0] =	ssyncset.done @!p1 $0x0;
	p2 =	sle.s32 s6, $0x0  }
0x2de: {  	[sflag:s0] =	ssyncadd.s32 @!p1 $0xFFFFFF80;
	s0 =	simm.s32 @!p2 $0x1  }
0x2df: {  	_ =	swait.ge @!p2 [sflag:s0], $0x80  }
0x2e0: {  	[sflag:s0] =	ssyncset.done @!p2 $0x0  }
0x2e1: {  	[sflag:s0] =	ssyncadd.s32 @!p2 $0xFFFFFF80  }
0x2e2: {  	_ =	swait.ge @!p2 [sflag:s0], $0x80  }
0x2e3: {  	[sflag:s0] =	ssyncset.done @!p2 $0x0  }
0x2e4: {  	[sflag:s0] =	ssyncadd.s32 @!p2 $0xFFFFFF80  }
0x2e5: {  	_ =	swait.ge @!p2 [sflag:s0], $0x80  }
0x2e6: {  	[sflag:s0] =	ssyncset.done @!p2 $0x0  }
0x2e7: {  	[sflag:s0] =	ssyncadd.s32 @!p2 $0xFFFFFF80  }
0x2e8: {  	_ =	swait.ge @!p2 [sflag:s0], $0x80  }
0x2e9: {  	s3 =	rddreg [dreg:$0xd]  }
0x2ea: {  	[sflag:s0] =	ssyncset.done @!p2 $0x0;
	p1 =	sle.s32 s3, $0x0  }
0x2eb: {  	[sflag:s0] =	ssyncadd.s32 @!p2 $0xFFFFFF80;
	s0 =	simm.s32 @!p1 $0x1  }
0x2ec: {  	_ =	swait.ge @!p1 [sflag:s0], $0x80  }
0x2ed: {  	[sflag:s0] =	ssyncset.done @!p1 $0x0  }
0x2ee: {  	[sflag:s0] =	ssyncadd.s32 @!p1 $0xFFFFFF80  }
0x2ef: {  	_ =	swait.ge @!p1 [sflag:s0], $0x80  }
0x2f0: {  	[sflag:s0] =	ssyncset.done @!p1 $0x0  }
0x2f1: {  	[sflag:s0] =	ssyncadd.s32 @!p1 $0xFFFFFF80  }
0x2f2: {  	_ =	swait.ge @!p1 [sflag:s0], $0x80  }
0x2f3: {  	[sflag:s0] =	ssyncset.done @!p1 $0x0  }
0x2f4: {  	[sflag:s0] =	ssyncadd.s32 @!p1 $0xFFFFFF80  }
0x2f5: {  	_ =	swait.ge @!p1 [sflag:s0], $0x80  }
0x2f6: {  	s2 =	rddreg [dreg:$0xc]  }
0x2f7: {  	[sflag:s0] =	ssyncset.done @!p1 $0x0;
	p2 =	sle.s32 s2, $0x0  }
0x2f8: {  	[sflag:s0] =	ssyncadd.s32 @!p1 $0xFFFFFF80;
	s0 =	simm.s32 @!p2 $0x1  }
0x2f9: {  	_ =	swait.ge @!p2 [sflag:s0], $0x80  }
0x2fa: {  	[sflag:s0] =	ssyncset.done @!p2 $0x0  }
0x2fb: {  	[sflag:s0] =	ssyncadd.s32 @!p2 $0xFFFFFF80  }
0x2fc: {  	_ =	swait.ge @!p2 [sflag:s0], $0x80  }
0x2fd: {  	[sflag:s0] =	ssyncset.done @!p2 $0x0  }
0x2fe: {  	[sflag:s0] =	ssyncadd.s32 @!p2 $0xFFFFFF80  }
0x2ff: {  	_ =	swait.ge @!p2 [sflag:s0], $0x80  }
0x300: {  	[sflag:s0] =	ssyncset.done @!p2 $0x0  }
0x301: {  	[sflag:s0] =	ssyncadd.s32 @!p2 $0xFFFFFF80  }
0x302: {  	_ =	swait.ge @!p2 [sflag:s0], $0x80  }
0x303: {  	p3 =	sle.s32 s14, $0x0;
	[sflag:s0] =	ssyncset.done @!p2 $0x0  }
0x304: {  	[sflag:s0] =	ssyncadd.s32 @!p2 $0xFFFFFF80;
	s0 =	simm.s32 @!p3 $0x1  }
0x305: {  	_ =	swait.ge @!p3 [sflag:s0], $0x80  }
0x306: {  	[sflag:s0] =	ssyncset.done @!p3 $0x0  }
0x307: {  	[sflag:s0] =	ssyncadd.s32 @!p3 $0xFFFFFF80  }
0x308: {  	_ =	swait.ge @!p3 [sflag:s0], $0x80  }
0x309: {  	[sflag:s0] =	ssyncset.done @!p3 $0x0  }
0x30a: {  	[sflag:s0] =	ssyncadd.s32 @!p3 $0xFFFFFF80  }
0x30b: {  	_ =	swait.ge @!p3 [sflag:s0], $0x80  }
0x30c: {  	[sflag:s0] =	ssyncset.done @!p3 $0x0  }
0x30d: {  	[sflag:s0] =	ssyncadd.s32 @!p3 $0xFFFFFF80  }
0x30e: {  	s18 =	simm.s32 $0x1;
	_ =	swait.ge @!p3 [sflag:s0], $0x80  }
0x30f: {  	s4 =	simm.s32 $0x2;
	p2 =	sle.s32 s31, $0x1;
	[sflag:s0] =	ssyncset.done @!p3 $0x0  }
.LBB2_10:
0x310: {  	s1 =	simm.s32 @!p2 $0x1;
	[sflag:s0] =	ssyncadd.s32 @!p3 $0xFFFFFF80  }
0x311: {  	_ =	swait.ge @!p2 [sflag:s1], $0x80  }
0x312: {  	[sflag:s1] =	ssyncset.done @!p2 $0x0  }
0x313: {  	[sflag:s1] =	ssyncadd.s32 @!p2 $0xFFFFFF80  }
0x314: {  	_ =	swait.ge @!p2 [sflag:s1], $0x80  }
0x315: {  	[sflag:s1] =	ssyncset.done @!p2 $0x0  }
0x316: {  	[sflag:s1] =	ssyncadd.s32 @!p2 $0xFFFFFF80  }
0x317: {  	_ =	swait.ge @!p2 [sflag:s1], $0x80  }
0x318: {  	[sflag:s1] =	ssyncset.done @!p2 $0x0  }
0x319: {  	[sflag:s1] =	ssyncadd.s32 @!p2 $0xFFFFFF80  }
0x31a: {  	_ =	swait.ge @!p2 [sflag:s1], $0x80  }
0x31b: {  	p3 =	sge.s32 s18, s8;
	[sflag:s1] =	ssyncset.done @!p2 $0x0  }
0x31c: {  	s0 =	simm.s32 @!p3 $0x1;
	[sflag:s1] =	ssyncadd.s32 @!p2 $0xFFFFFF80  }
0x31d: {  	_ =	swait.ge @!p3 [sflag:s0], $0x80  }
0x31e: {  	[sflag:s0] =	ssyncset.done @!p3 $0x0  }
0x31f: {  	[sflag:s0] =	ssyncadd.s32 @!p3 $0xFFFFFF80  }
0x320: {  	_ =	swait.ge @!p3 [sflag:s0], $0x80  }
0x321: {  	[sflag:s0] =	ssyncset.done @!p3 $0x0  }
0x322: {  	[sflag:s0] =	ssyncadd.s32 @!p3 $0xFFFFFF80  }
0x323: {  	_ =	swait.ge @!p3 [sflag:s0], $0x80  }
0x324: {  	[sflag:s0] =	ssyncset.done @!p3 $0x0  }
0x325: {  	[sflag:s0] =	ssyncadd.s32 @!p3 $0xFFFFFF80  }
0x326: {  	_ =	swait.ge @!p3 [sflag:s0], $0x80  }
0x327: {  	p2 =	sge.s32 s18, s7;
	[sflag:s0] =	ssyncset.done @!p3 $0x0  }
0x328: {  	[sflag:s0] =	ssyncadd.s32 @!p3 $0xFFFFFF80;
	s0 =	simm.s32 @!p2 $0x1  }
0x329: {  	_ =	swait.ge @!p2 [sflag:s0], $0x80  }
0x32a: {  	[sflag:s0] =	ssyncset.done @!p2 $0x0  }
0x32b: {  	[sflag:s0] =	ssyncadd.s32 @!p2 $0xFFFFFF80  }
0x32c: {  	_ =	swait.ge @!p2 [sflag:s0], $0x80  }
0x32d: {  	[sflag:s0] =	ssyncset.done @!p2 $0x0  }
0x32e: {  	[sflag:s0] =	ssyncadd.s32 @!p2 $0xFFFFFF80  }
0x32f: {  	_ =	swait.ge @!p2 [sflag:s0], $0x80  }
0x330: {  	[sflag:s0] =	ssyncset.done @!p2 $0x0  }
0x331: {  	[sflag:s0] =	ssyncadd.s32 @!p2 $0xFFFFFF80  }
0x332: {  	_ =	swait.ge @!p2 [sflag:s0], $0x80  }
0x333: {  	p3 =	sge.s32 s18, s26;
	[sflag:s0] =	ssyncset.done @!p2 $0x0  }
0x334: {  	[sflag:s0] =	ssyncadd.s32 @!p2 $0xFFFFFF80;
	s0 =	simm.s32 @!p3 $0x1  }
0x335: {  	_ =	swait.ge @!p3 [sflag:s0], $0x80  }
0x336: {  	[sflag:s0] =	ssyncset.done @!p3 $0x0  }
0x337: {  	[sflag:s0] =	ssyncadd.s32 @!p3 $0xFFFFFF80  }
0x338: {  	_ =	swait.ge @!p3 [sflag:s0], $0x80  }
0x339: {  	[sflag:s0] =	ssyncset.done @!p3 $0x0  }
0x33a: {  	[sflag:s0] =	ssyncadd.s32 @!p3 $0xFFFFFF80  }
0x33b: {  	_ =	swait.ge @!p3 [sflag:s0], $0x80  }
0x33c: {  	[sflag:s0] =	ssyncset.done @!p3 $0x0  }
0x33d: {  	[sflag:s0] =	ssyncadd.s32 @!p3 $0xFFFFFF80  }
0x33e: {  	_ =	swait.ge @!p3 [sflag:s0], $0x80  }
0x33f: {  	p2 =	sge.s32 s18, s6;
	[sflag:s0] =	ssyncset.done @!p3 $0x0  }
0x340: {  	[sflag:s0] =	ssyncadd.s32 @!p3 $0xFFFFFF80;
	s0 =	simm.s32 @!p2 $0x1  }
0x341: {  	_ =	swait.ge @!p2 [sflag:s0], $0x80  }
0x342: {  	[sflag:s0] =	ssyncset.done @!p2 $0x0  }
0x343: {  	[sflag:s0] =	ssyncadd.s32 @!p2 $0xFFFFFF80  }
0x344: {  	_ =	swait.ge @!p2 [sflag:s0], $0x80  }
0x345: {  	[sflag:s0] =	ssyncset.done @!p2 $0x0  }
0x346: {  	[sflag:s0] =	ssyncadd.s32 @!p2 $0xFFFFFF80  }
0x347: {  	_ =	swait.ge @!p2 [sflag:s0], $0x80  }
0x348: {  	[sflag:s0] =	ssyncset.done @!p2 $0x0  }
0x349: {  	[sflag:s0] =	ssyncadd.s32 @!p2 $0xFFFFFF80  }
0x34a: {  	_ =	swait.ge @!p2 [sflag:s0], $0x80  }
0x34b: {  	p3 =	sge.s32 s18, s3;
	[sflag:s0] =	ssyncset.done @!p2 $0x0  }
0x34c: {  	[sflag:s0] =	ssyncadd.s32 @!p2 $0xFFFFFF80;
	s0 =	simm.s32 @!p3 $0x1  }
0x34d: {  	_ =	swait.ge @!p3 [sflag:s0], $0x80  }
0x34e: {  	[sflag:s0] =	ssyncset.done @!p3 $0x0  }
0x34f: {  	[sflag:s0] =	ssyncadd.s32 @!p3 $0xFFFFFF80  }
0x350: {  	_ =	swait.ge @!p3 [sflag:s0], $0x80  }
0x351: {  	[sflag:s0] =	ssyncset.done @!p3 $0x0  }
0x352: {  	[sflag:s0] =	ssyncadd.s32 @!p3 $0xFFFFFF80  }
0x353: {  	_ =	swait.ge @!p3 [sflag:s0], $0x80  }
0x354: {  	[sflag:s0] =	ssyncset.done @!p3 $0x0  }
0x355: {  	[sflag:s0] =	ssyncadd.s32 @!p3 $0xFFFFFF80  }
0x356: {  	_ =	swait.ge @!p3 [sflag:s0], $0x80  }
0x357: {  	p2 =	sge.s32 s18, s2;
	[sflag:s0] =	ssyncset.done @!p3 $0x0  }
0x358: {  	[sflag:s0] =	ssyncadd.s32 @!p3 $0xFFFFFF80;
	s0 =	simm.s32 @!p2 $0x1  }
0x359: {  	_ =	swait.ge @!p2 [sflag:s0], $0x80  }
0x35a: {  	[sflag:s0] =	ssyncset.done @!p2 $0x0  }
0x35b: {  	[sflag:s0] =	ssyncadd.s32 @!p2 $0xFFFFFF80  }
0x35c: {  	_ =	swait.ge @!p2 [sflag:s0], $0x80  }
0x35d: {  	[sflag:s0] =	ssyncset.done @!p2 $0x0  }
0x35e: {  	[sflag:s0] =	ssyncadd.s32 @!p2 $0xFFFFFF80  }
0x35f: {  	_ =	swait.ge @!p2 [sflag:s0], $0x80  }
0x360: {  	[sflag:s0] =	ssyncset.done @!p2 $0x0  }
0x361: {  	[sflag:s0] =	ssyncadd.s32 @!p2 $0xFFFFFF80  }
0x362: {  	_ =	swait.ge @!p2 [sflag:s0], $0x80  }
0x363: {  	p3 =	sge.s32 s18, s14;
	[sflag:s0] =	ssyncset.done @!p2 $0x0  }
0x364: {  	[sflag:s0] =	ssyncadd.s32 @!p2 $0xFFFFFF80;
	s0 =	simm.s32 @!p3 $0x1  }
0x365: {  	_ =	swait.ge @!p3 [sflag:s0], $0x80  }
0x366: {  	[sflag:s0] =	ssyncset.done @!p3 $0x0  }
0x367: {  	[sflag:s0] =	ssyncadd.s32 @!p3 $0xFFFFFF80  }
0x368: {  	_ =	swait.ge @!p3 [sflag:s0], $0x80  }
0x369: {  	[sflag:s0] =	ssyncset.done @!p3 $0x0  }
0x36a: {  	s5 =	smov.u32 s4;
	s4 =	sadd.s32 $0x1, s4;
	[sflag:s0] =	ssyncadd.s32 @!p3 $0xFFFFFF80  }
0x36b: {  	p1 =	sne.s32 s4, $0x20;
	_ =	swait.ge @!p3 [sflag:s0], $0x80  }
.Ltmp4:
0x36c: {  	[sflag:s0] =	ssyncset.done @!p3 $0x0;
	(pc) =	sbr.rel @p1 .LBB2_10-.Ltmp4, $4  }
0x36d: {  	[sflag:s0] =	ssyncadd.s32 @!p3 $0xFFFFFF80  }
0x36e: {  	_ =	swait.ge @!p3 [sflag:s0], $0x80  }
0x36f: {  	s18 =	smov.u32 s5;
	s31 =	rddreg [dreg:$0x12]  }
0x370: {  	[sflag:s0] =	ssyncset.done @!p3 $0x0;
	p2 =	sge.s32 s18, s31  }
0x371: {  	s1 =	simm.s32 @!p2 $0x1;
	[sflag:s0] =	ssyncadd.s32 @!p3 $0xFFFFFF80  }
0x372: {  	_ =	swait.ge @!p2 [sflag:s1], $0x80  }
0x373: {  	[sflag:s1] =	ssyncset.done @!p2 $0x0  }
0x374: {  	[sflag:s1] =	ssyncadd.s32 @!p2 $0xFFFFFF80  }
0x375: {  	_ =	swait.ge @!p2 [sflag:s1], $0x80  }
0x376: {  	[sflag:s1] =	ssyncset.done @!p2 $0x0  }
0x377: {  	[sflag:s1] =	ssyncadd.s32 @!p2 $0xFFFFFF80  }
0x378: {  	_ =	swait.ge @!p2 [sflag:s1], $0x80  }
0x379: {  	[sflag:s1] =	ssyncset.done @!p2 $0x0  }
0x37a: {  	[sflag:s1] =	ssyncadd.s32 @!p2 $0xFFFFFF80  }
0x37b: {  	_ =	swait.ge @!p2 [sflag:s1], $0x80  }
0x37c: {  	p1 =	sge.s32 s18, s8;
	[sflag:s1] =	ssyncset.done @!p2 $0x0  }
0x37d: {  	s0 =	simm.s32 @!p1 $0x1;
	[sflag:s1] =	ssyncadd.s32 @!p2 $0xFFFFFF80  }
0x37e: {  	_ =	swait.ge @!p1 [sflag:s0], $0x80  }
0x37f: {  	[sflag:s0] =	ssyncset.done @!p1 $0x0  }
0x380: {  	[sflag:s0] =	ssyncadd.s32 @!p1 $0xFFFFFF80  }
0x381: {  	_ =	swait.ge @!p1 [sflag:s0], $0x80  }
0x382: {  	[sflag:s0] =	ssyncset.done @!p1 $0x0  }
0x383: {  	[sflag:s0] =	ssyncadd.s32 @!p1 $0xFFFFFF80  }
0x384: {  	_ =	swait.ge @!p1 [sflag:s0], $0x80  }
0x385: {  	[sflag:s0] =	ssyncset.done @!p1 $0x0  }
0x386: {  	[sflag:s0] =	ssyncadd.s32 @!p1 $0xFFFFFF80  }
0x387: {  	_ =	swait.ge @!p1 [sflag:s0], $0x80  }
0x388: {  	p2 =	sge.s32 s18, s7;
	[sflag:s0] =	ssyncset.done @!p1 $0x0  }
0x389: {  	[sflag:s0] =	ssyncadd.s32 @!p1 $0xFFFFFF80;
	s0 =	simm.s32 @!p2 $0x1  }
0x38a: {  	_ =	swait.ge @!p2 [sflag:s0], $0x80  }
0x38b: {  	[sflag:s0] =	ssyncset.done @!p2 $0x0  }
0x38c: {  	[sflag:s0] =	ssyncadd.s32 @!p2 $0xFFFFFF80  }
0x38d: {  	_ =	swait.ge @!p2 [sflag:s0], $0x80  }
0x38e: {  	[sflag:s0] =	ssyncset.done @!p2 $0x0  }
0x38f: {  	[sflag:s0] =	ssyncadd.s32 @!p2 $0xFFFFFF80  }
0x390: {  	_ =	swait.ge @!p2 [sflag:s0], $0x80  }
0x391: {  	[sflag:s0] =	ssyncset.done @!p2 $0x0  }
0x392: {  	[sflag:s0] =	ssyncadd.s32 @!p2 $0xFFFFFF80  }
0x393: {  	_ =	swait.ge @!p2 [sflag:s0], $0x80  }
0x394: {  	p1 =	sge.s32 s18, s26;
	[sflag:s0] =	ssyncset.done @!p2 $0x0  }
0x395: {  	[sflag:s0] =	ssyncadd.s32 @!p2 $0xFFFFFF80;
	s0 =	simm.s32 @!p1 $0x1  }
0x396: {  	_ =	swait.ge @!p1 [sflag:s0], $0x80  }
0x397: {  	[sflag:s0] =	ssyncset.done @!p1 $0x0  }
0x398: {  	[sflag:s0] =	ssyncadd.s32 @!p1 $0xFFFFFF80  }
0x399: {  	_ =	swait.ge @!p1 [sflag:s0], $0x80  }
0x39a: {  	[sflag:s0] =	ssyncset.done @!p1 $0x0  }
0x39b: {  	[sflag:s0] =	ssyncadd.s32 @!p1 $0xFFFFFF80  }
0x39c: {  	_ =	swait.ge @!p1 [sflag:s0], $0x80  }
0x39d: {  	[sflag:s0] =	ssyncset.done @!p1 $0x0  }
0x39e: {  	[sflag:s0] =	ssyncadd.s32 @!p1 $0xFFFFFF80  }
0x39f: {  	_ =	swait.ge @!p1 [sflag:s0], $0x80  }
0x3a0: {  	p2 =	sge.s32 s18, s6;
	[sflag:s0] =	ssyncset.done @!p1 $0x0  }
0x3a1: {  	[sflag:s0] =	ssyncadd.s32 @!p1 $0xFFFFFF80;
	s0 =	simm.s32 @!p2 $0x1  }
0x3a2: {  	_ =	swait.ge @!p2 [sflag:s0], $0x80  }
0x3a3: {  	[sflag:s0] =	ssyncset.done @!p2 $0x0  }
0x3a4: {  	[sflag:s0] =	ssyncadd.s32 @!p2 $0xFFFFFF80  }
0x3a5: {  	_ =	swait.ge @!p2 [sflag:s0], $0x80  }
0x3a6: {  	[sflag:s0] =	ssyncset.done @!p2 $0x0  }
0x3a7: {  	[sflag:s0] =	ssyncadd.s32 @!p2 $0xFFFFFF80  }
0x3a8: {  	_ =	swait.ge @!p2 [sflag:s0], $0x80  }
0x3a9: {  	[sflag:s0] =	ssyncset.done @!p2 $0x0  }
0x3aa: {  	[sflag:s0] =	ssyncadd.s32 @!p2 $0xFFFFFF80  }
0x3ab: {  	_ =	swait.ge @!p2 [sflag:s0], $0x80  }
0x3ac: {  	p1 =	sge.s32 s18, s3;
	[sflag:s0] =	ssyncset.done @!p2 $0x0  }
0x3ad: {  	[sflag:s0] =	ssyncadd.s32 @!p2 $0xFFFFFF80;
	s0 =	simm.s32 @!p1 $0x1  }
0x3ae: {  	_ =	swait.ge @!p1 [sflag:s0], $0x80  }
0x3af: {  	[sflag:s0] =	ssyncset.done @!p1 $0x0  }
0x3b0: {  	[sflag:s0] =	ssyncadd.s32 @!p1 $0xFFFFFF80  }
0x3b1: {  	_ =	swait.ge @!p1 [sflag:s0], $0x80  }
0x3b2: {  	[sflag:s0] =	ssyncset.done @!p1 $0x0  }
0x3b3: {  	[sflag:s0] =	ssyncadd.s32 @!p1 $0xFFFFFF80  }
0x3b4: {  	_ =	swait.ge @!p1 [sflag:s0], $0x80  }
0x3b5: {  	[sflag:s0] =	ssyncset.done @!p1 $0x0  }
0x3b6: {  	[sflag:s0] =	ssyncadd.s32 @!p1 $0xFFFFFF80  }
0x3b7: {  	_ =	swait.ge @!p1 [sflag:s0], $0x80  }
0x3b8: {  	p2 =	sge.s32 s18, s2;
	[sflag:s0] =	ssyncset.done @!p1 $0x0  }
0x3b9: {  	[sflag:s0] =	ssyncadd.s32 @!p1 $0xFFFFFF80;
	s0 =	simm.s32 @!p2 $0x1  }
0x3ba: {  	_ =	swait.ge @!p2 [sflag:s0], $0x80  }
0x3bb: {  	[sflag:s0] =	ssyncset.done @!p2 $0x0  }
0x3bc: {  	[sflag:s0] =	ssyncadd.s32 @!p2 $0xFFFFFF80  }
0x3bd: {  	_ =	swait.ge @!p2 [sflag:s0], $0x80  }
0x3be: {  	[sflag:s0] =	ssyncset.done @!p2 $0x0  }
0x3bf: {  	[sflag:s0] =	ssyncadd.s32 @!p2 $0xFFFFFF80  }
0x3c0: {  	_ =	swait.ge @!p2 [sflag:s0], $0x80  }
0x3c1: {  	[sflag:s0] =	ssyncset.done @!p2 $0x0  }
0x3c2: {  	[sflag:s0] =	ssyncadd.s32 @!p2 $0xFFFFFF80  }
0x3c3: {  	_ =	swait.ge @!p2 [sflag:s0], $0x80  }
0x3c4: {  	p1 =	sge.s32 s18, s14;
	[sflag:s0] =	ssyncset.done @!p2 $0x0  }
0x3c5: {  	[sflag:s0] =	ssyncadd.s32 @!p2 $0xFFFFFF80;
	s0 =	simm.s32 @!p1 $0x1  }
0x3c6: {  	_ =	swait.ge @!p1 [sflag:s0], $0x80  }
0x3c7: {  	[sflag:s0] =	ssyncset.done @!p1 $0x0  }
0x3c8: {  	[sflag:s0] =	ssyncadd.s32 @!p1 $0xFFFFFF80  }
0x3c9: {  	_ =	swait.ge @!p1 [sflag:s0], $0x80  }
0x3ca: {  	[sflag:s0] =	ssyncset.done @!p1 $0x0  }
0x3cb: {  	[sflag:s0] =	ssyncadd.s32 @!p1 $0xFFFFFF80  }
0x3cc: {  	_ =	swait.ge @!p1 [sflag:s0], $0x80  }
0x3cd: {  	[sflag:s0] =	ssyncset.done @!p1 $0x0  }
0x3ce: {  	[sflag:s0] =	ssyncadd.s32 @!p1 $0xFFFFFF80  }
0x3cf: {  	_ =	swait.ge @!p1 [sflag:s0], $0x80  }
0x3d0: {  	s30 =	sld [smem:$0x7F4]  }
0x3d1: {  	s31 =	sld [smem:$0x7FC];
	_ =	sdelay $0x1  }
0x3d2: {  	s2 =	sadd.s32 $0x1, s30  }
0x3d3: {  	p2 =	sne.s32 s2, s31  }
.Ltmp5:
0x3d4: {  	_ = 	snop;
	(pc) =	sbr.rel @p2 .LBB2_1-.Ltmp5, $4  }
0x3d5: {  	_ = 	snop  }
0x3d6: {  	s9 =	simm.s32 $0x0;
	s12 =	simm.s32 $0x2;
	s7 =	sld [smem:$0x7FD]  }
0x3d7: {  	s10 =	simm.s32 $0x6000;
	s11 =	simm.s32 $0x6400;
	[sflag:s0] =	ssyncset.done @!p1 $0x0  }
0x3d8: {  	s15 =	simm.s32 $0x7600;
	s14 =	simm.s32 $0x6480;
	[sflag:s0] =	ssyncadd.s32 @!p1 $0xFFFFFF80  }
0x3d9: {  	_ =	sfence.sel $0x180000  }
0x3da: {  	[bflag:$0x0] =	sbarrier.arrive $0xFFFF  }
0x3db: {  	_ =	strace $0x9000004A  }
0x3dc: {  	s0 =	stileid.u32;
	[bflag:$0x2] =	sbarrier.arrive $0xFFFF  }
0x3dd: {  	p0 =	sne.s32 s0, $0x0;
	s0 =	rddreg [dreg:$0x2]  }
0x3de: {  	s0 =	sadd.s32 @!p0 $0x100000, s0  }
0x3df: {  	[sflag:s0] =	ssyncadd.tile.s32 @!p0 $0x1;
	_ =	shalt  }
.Lfunc_end2:
_tile_overlayer_lowered:
.L_overlay_start_2:
0x3e0: {  	(tag) =	ssettag $0x2  }
0x3e1: {  	s0 =	rddreg [dreg:$0x0];
	s2 =	stileid.u32  }
0x3e2: {  	s1 =	rddreg [dreg:$0x1];
	p0 =	sne.s32 s2, $0x0  }
0x3e3: {  	s3 =	rddreg [dreg:$0x2];
	[bflag:$0x3] =	sbarrier.arrive $0xFFFF;
	s2 =	simm.s32 @!p0 $0x1C02  }
0x3e4: {  	[timem:s3], [sflag:s2] =	dma.local @!p0 [hbm:s0], s1  }
0x3e5: {  	s0 =	simm.s32 @!p0 $0x2  }
0x3e6: {  	_ =	swait.ge @!p0 [sflag:s0], s1  }
0x3e7: {  	s1 =	ssub.s32 @!p0 $0x0, s1;
	[sflag:s0] =	ssyncset.done @!p0 $0x0  }
0x3e8: {  	[sflag:s0] =	ssyncadd.s32 @!p0 s1  }
0x3e9: {  	[bflag:$0x3] =	sbarrier.arrive $0xFFFF  }
0x3ea: {  	_ =	shalt  }

</sc_bundles>
